<compile_context>
chip_gen: v7x
topology: tpu7x:2x2x1
jax: 0.10.2.dev20260603
libtpu: 0.0.44.dev20260713+nightly
codegen_flags: <defaults>
</compile_context>

<pallas_src>
import functools
import math

import jax
import jax.numpy as jnp
from jax import lax
from jax.experimental import pallas as pl
from jax.experimental.pallas import tpu as pltpu
from jax.experimental.pallas import tpu_sc as plsc

N = 10000
E = 320000
D = 128
NF = 128
NRBF = 50
NI = 3
CUT = 5.0
ZMAX = 400

T = 16384
DD = CUT / (T - 1)

NC = 2
NS = 16
NW = NC * NS
N_PAD = 10240
RPT = N_PAD // NS
C = 80
CPW = E // (NW * C)

EPW = E // NW
GCH = 2000
NG = EPW // GCH

NB = 2000
NGRID = N // NB

_mesh = plsc.VectorSubcoreMesh(core_axis_name="c", subcore_axis_name="s")


def _ssp(x):
    return jax.nn.softplus(x) - math.log(2.0)


def _geom_body(rx_h, ry_h, rz_h, ii_h, ij_h, lo_h,
               rx_v, ry_v, rz_v, ii_v, ij_v, lo_v):
    c = lax.axis_index("c")
    s = lax.axis_index("s")
    wid = s * NC + c
    pltpu.sync_copy(rx_h, rx_v)
    pltpu.sync_copy(ry_h, ry_v)
    pltpu.sync_copy(rz_h, rz_v)
    base0 = wid * EPW

    @pl.loop(0, NG)
    def _chunk(ch):
        base = base0 + ch * GCH
        pltpu.sync_copy(ii_h.at[pl.ds(base, GCH)], ii_v)
        pltpu.sync_copy(ij_h.at[pl.ds(base, GCH)], ij_v)

        @pl.loop(0, GCH // 16)
        def _grp(g):
            o = g * 16
            i16 = ii_v[pl.ds(o, 16)]
            j16 = ij_v[pl.ds(o, 16)]
            dx = plsc.load_gather(rx_v, [j16]) - plsc.load_gather(rx_v, [i16])
            dy = plsc.load_gather(ry_v, [j16]) - plsc.load_gather(ry_v, [i16])
            dz = plsc.load_gather(rz_v, [j16]) - plsc.load_gather(rz_v, [i16])
            ssq = dx * dx + dy * dy + dz * dz + 1e-12
            ib = plsc.bitcast(ssq, jnp.int32)
            y = plsc.bitcast(jnp.int32(0x5F3759DF) - (ib >> 1), jnp.float32)
            h = 0.5 * ssq
            y = y * (1.5 - h * y * y)
            y = y * (1.5 - h * y * y)
            y = y * (1.5 - h * y * y)
            dist = ssq * y
            u = dist * (1.0 / DD) + 0.5
            u = jnp.minimum(u, float(T - 1))
            lo_v[pl.ds(o, 16)] = u.astype(jnp.int32)

        pltpu.sync_copy(lo_v, lo_h.at[pl.ds(base, GCH)])


_SC_PARAMS = pltpu.CompilerParams(needs_layout_passes=False)

_geom = pl.kernel(
    _geom_body,
    out_type=jax.ShapeDtypeStruct((E,), jnp.int32),
    mesh=_mesh,
    compiler_params=_SC_PARAMS,
    scratch_types=[
        pltpu.VMEM((N,), jnp.float32),
        pltpu.VMEM((N,), jnp.float32),
        pltpu.VMEM((N,), jnp.float32),
        pltpu.VMEM((GCH,), jnp.int32),
        pltpu.VMEM((GCH,), jnp.int32),
        pltpu.VMEM((GCH,), jnp.int32),
    ],
)


def _msg_body(xf_h, wt_h, ii_h, ij_h, lo_h, zz_h, out_h,
              ij0, ij1, lo0, lo1, ii0, ii1, xj0, xj1, w0, w1,
              agg_sh, gsem0, gsem1, ssem0, ssem1):
    c = lax.axis_index("c")
    s = lax.axis_index("s")
    wid = s * NC + c
    ijv, lov, iiv = (ij0, ij1), (lo0, lo1), (ii0, ii1)
    xjv, wv = (xj0, xj1), (w0, w1)
    gsem, ssem = (gsem0, gsem1), (ssem0, ssem1)

    st = xj0.at[pl.ds(0, 64)]
    pltpu.sync_copy(zz_h, st)

    @pl.loop(0, RPT // 64)
    def _zero(k):
        pltpu.sync_copy(st, agg_sh.at[pl.ds(s * RPT + k * 64, 64)])
    plsc.subcore_barrier()

    base0 = wid * CPW * C

    def _issue(k, b):
        base = base0 + k * C
        pltpu.sync_copy(ij_h.at[pl.ds(base, C)], ijv[b])
        pltpu.sync_copy(lo_h.at[pl.ds(base, C)], lov[b])
        pltpu.sync_copy(ii_h.at[pl.ds(base, C)], iiv[b])
        d1 = pltpu.async_copy(xf_h.at[ijv[b]], xjv[b], gsem[b])
        d2 = pltpu.async_copy(wt_h.at[lov[b]], wv[b], gsem[b])
        return d1, d2

    def _mul(b):
        xb, wb = xjv[b], wv[b]

        @pl.loop(0, C)
        def _row(r):
            for kk in range(D // 16):
                sl = pl.ds(kk * 16, 16)
                xb[r, sl] = xb[r, sl] * wb[r, sl]

    def _scatter(b):
        return pltpu.async_copy(xjv[b], agg_sh.at[iiv[b]], ssem[b],
                                add=True)

    @pl.loop(0, CPW // 2)
    def _pair(t):
        g0 = _issue(2 * t, 0)
        g1 = _issue(2 * t + 1, 1)
        g0[0].wait()
        g0[1].wait()
        _mul(0)
        s0 = _scatter(0)
        g1[0].wait()
        g1[1].wait()
        _mul(1)
        s1 = _scatter(1)
        s0.wait()
        s1.wait()

    g0 = _issue(CPW - 1, 0)
    g0[0].wait()
    g0[1].wait()
    _mul(0)
    s0 = _scatter(0)
    s0.wait()
    plsc.subcore_barrier()

    @pl.loop(0, RPT // 64)
    def _writeback(k):
        row = s * RPT + k * 64
        pltpu.sync_copy(agg_sh.at[pl.ds(row, 64)], st)
        pltpu.sync_copy(st, out_h.at[c, pl.ds(row, 64)])


_msg = pl.kernel(
    _msg_body,
    out_type=jax.ShapeDtypeStruct((NC, N_PAD, D), jnp.float32),
    mesh=_mesh,
    compiler_params=_SC_PARAMS,
    scratch_types=(
        [pltpu.VMEM((C,), jnp.int32)] * 6
        + [pltpu.VMEM((C, D), jnp.float32)] * 4
        + [pltpu.VMEM_SHARED((N_PAD, D), jnp.float32)]
        + [pltpu.SemaphoreType.DMA] * 4
    ),
)


def _tab_body(w1_ref, b1_ref, w2_ref, b2_ref, out_ref):
    t = pl.program_id(0)
    tb = out_ref.shape[1]
    d = (lax.broadcasted_iota(jnp.int32, (tb, 1), 0).astype(jnp.float32)
         + t * tb) * DD
    width = CUT / (NRBF - 1)
    offs = (lax.broadcasted_iota(jnp.int32, (1, NRBF), 1).astype(jnp.float32)
            * width)
    coeff = -0.5 / (width * width)
    fr = jnp.exp(coeff * (d - offs) ** 2)
    rc = 0.5 * (jnp.cos(d * (math.pi / CUT)) + 1.0)
    rc = rc * (d < CUT).astype(jnp.float32)
    for i in range(NI):
        h = _ssp(jnp.dot(fr, w1_ref[i], preferred_element_type=jnp.float32)
                 + b1_ref[i])
        w = jnp.dot(h, w2_ref[i], preferred_element_type=jnp.float32) + b2_ref[i]
        out_ref[i] = w * rc


TB = 2048


def _tables(fn_W1, fn_b1, fn_W2, fn_b2):
    return pl.pallas_call(
        _tab_body,
        out_shape=jax.ShapeDtypeStruct((NI, T, D), jnp.float32),
        grid=(T // TB,),
        in_specs=[
            pl.BlockSpec((NI, NRBF, NF), lambda t: (0, 0, 0)),
            pl.BlockSpec((NI, NF), lambda t: (0, 0)),
            pl.BlockSpec((NI, NF, NF), lambda t: (0, 0, 0)),
            pl.BlockSpec((NI, NF), lambda t: (0, 0)),
        ],
        out_specs=pl.BlockSpec((NI, TB, D), lambda t: (0, t, 0)),
    )(fn_W1, fn_b1, fn_W2, fn_b2)


def _emb_body(z_ref, emb_ref, w0_ref, x_ref, xf_ref):
    z = z_ref[0]
    onehot = (lax.broadcasted_iota(jnp.int32, (NB, ZMAX), 1)
              == z[:, None]).astype(jnp.float32)
    x = jnp.dot(onehot, emb_ref[...], preferred_element_type=jnp.float32)
    x_ref[...] = x
    xf_ref[...] = jnp.dot(x, w0_ref[...], preferred_element_type=jnp.float32)


def _embed(Z, emb, w0):
    return pl.pallas_call(
        _emb_body,
        out_shape=(jax.ShapeDtypeStruct((N, D), jnp.float32),
                   jax.ShapeDtypeStruct((N, NF), jnp.float32)),
        grid=(NGRID,),
        in_specs=[
            pl.BlockSpec((None, 1, NB), lambda n: (n, 0, 0)),
            pl.BlockSpec((ZMAX, D), lambda n: (0, 0)),
            pl.BlockSpec((D, NF), lambda n: (0, 0)),
        ],
        out_specs=(pl.BlockSpec((NB, D), lambda n: (n, 0)),
                   pl.BlockSpec((NB, NF), lambda n: (n, 0))),
    )(Z.reshape(NGRID, 1, NB), emb, w0)


def _upd_body(x_ref, ap_ref, w1_ref, b1_ref, w2_ref, b2_ref, wn_ref,
              xn_ref, xfn_ref):
    agg = ap_ref[0] + ap_ref[1]
    v = _ssp(jnp.dot(agg, w1_ref[...], preferred_element_type=jnp.float32)
             + b1_ref[...])
    v = jnp.dot(v, w2_ref[...], preferred_element_type=jnp.float32) + b2_ref[...]
    xn = x_ref[...] + v
    xn_ref[...] = xn
    if xfn_ref is not None:
        xfn_ref[...] = jnp.dot(xn, wn_ref[...],
                               preferred_element_type=jnp.float32)


def _update(x, aggp, w1, b1, w2, b2, wn):
    last = wn is None
    body = (functools.partial(_upd_body, xfn_ref=None) if last
            else _upd_body)
    out_shape = (jax.ShapeDtypeStruct((N, D), jnp.float32),)
    out_specs = (pl.BlockSpec((NB, D), lambda n: (n, 0)),)
    if not last:
        out_shape += (jax.ShapeDtypeStruct((N, NF), jnp.float32),)
        out_specs += (pl.BlockSpec((NB, NF), lambda n: (n, 0)),)
    res = pl.pallas_call(
        body,
        out_shape=out_shape,
        grid=(NGRID,),
        in_specs=[
            pl.BlockSpec((NB, D), lambda n: (n, 0)),
            pl.BlockSpec((NC, NB, D), lambda n: (0, n, 0)),
            pl.BlockSpec((NF, D), lambda n: (0, 0)),
            pl.BlockSpec((D,), lambda n: (0,)),
            pl.BlockSpec((D, D), lambda n: (0, 0)),
            pl.BlockSpec((D,), lambda n: (0,)),
            pl.BlockSpec((D, NF), lambda n: (0, 0)),
        ],
        out_specs=out_specs,
    )(x, aggp, w1, b1, w2, b2, wn if wn is not None else w2)
    return res if not last else (res[0], None)


def kernel(R, Z, idx_i, idx_j, emb, in2f_W, fn_W1, fn_b1, fn_W2, fn_b2,
           f2_W1, f2_b1, f2_W2, f2_b2):
    Rx = jnp.asarray(R[:, 0], jnp.float32)
    Ry = jnp.asarray(R[:, 1], jnp.float32)
    Rz = jnp.asarray(R[:, 2], jnp.float32)
    lo = _geom(Rx, Ry, Rz, idx_i, idx_j)
    wtab = _tables(fn_W1, fn_b1, fn_W2, fn_b2)
    x, xf = _embed(Z, emb, in2f_W[0])
    zz = jnp.zeros((64, D), jnp.float32)
    for i in range(NI):
        aggp = _msg(xf, wtab[i], idx_i, idx_j, lo, zz)
        wn = in2f_W[i + 1] if i + 1 < NI else None
        x, xf = _update(x, aggp, f2_W1[i], f2_b1[i], f2_W2[i], f2_b2[i], wn)
    return x

# --- scband reference (transcript-rebuilt; emitter-appended) ---
"""Pipeline reference for scband-cfconv-46746424050014 (READ-ONLY COPY).

The authoritative reference and input builder live on the scoring server;
editing this copy changes nothing except your own understanding.
"""

import math
import jax, jax.numpy as jnp
import numpy as np

N = 10000
E = 320000
D = 128
NF = 128
NRBF = 50
NI = 3
CUT = 5.0
ZMAX = 400


def ssp(x):
    return jax.nn.softplus(x) - math.log(2.0)


def setup_inputs(seed: int = 0) -> dict:
    key = jax.random.key(seed)
    ks = jax.random.split(key, 14)
    R = jax.random.normal(ks[0], (N, 3), dtype=jnp.float32)
    idx_i = jax.random.randint(ks[1], (E,), 0, N, dtype=jnp.int64 if jax.config.jax_enable_x64 else jnp.int32).astype(jnp.int32)
    idx_j = jax.random.randint(ks[2], (E,), 0, N).astype(jnp.int32)
    Z = jax.random.randint(ks[3], (N,), 0, 100).astype(jnp.int32)
    emb = jax.random.normal(ks[4], (ZMAX, D), dtype=jnp.float32) * 0.1
    in2f_W = jax.random.normal(ks[5], (NI, D, NF), dtype=jnp.float32) / np.sqrt(D)
    fn_W1 = jax.random.normal(ks[6], (NI, NRBF, NF), dtype=jnp.float32) / np.sqrt(NRBF)
    fn_b1 = jnp.zeros((NI, NF), dtype=jnp.float32)
    fn_W2 = jax.random.normal(ks[7], (NI, NF, NF), dtype=jnp.float32) / np.sqrt(NF)
    fn_b2 = jnp.zeros((NI, NF), dtype=jnp.float32)
    f2_W1 = jax.random.normal(ks[8], (NI, NF, D), dtype=jnp.float32) / np.sqrt(NF)
    f2_b1 = jnp.zeros((NI, D), dtype=jnp.float32)
    f2_W2 = jax.random.normal(ks[9], (NI, D, D), dtype=jnp.float32) / np.sqrt(D)
    f2_b2 = jnp.zeros((NI, D), dtype=jnp.float32)
    return {"R": R, "Z": Z, "idx_i": idx_i, "idx_j": idx_j, "emb": emb,
            "in2f_W": in2f_W, "fn_W1": fn_W1, "fn_b1": fn_b1, "fn_W2": fn_W2, "fn_b2": fn_b2,
            "f2_W1": f2_W1, "f2_b1": f2_b1, "f2_W2": f2_W2, "f2_b2": f2_b2}


def reference(R, Z, idx_i, idx_j, emb, in2f_W, fn_W1, fn_b1, fn_W2, fn_b2, f2_W1, f2_b1, f2_W2, f2_b2):
    offsets = jnp.linspace(0.0, CUT, NRBF)
    widths = jnp.abs(offsets[1] - offsets[0]) * jnp.ones_like(offsets)
    Rij = R[idx_j] - R[idx_i]
    d_ij = jnp.sqrt(jnp.sum(Rij * Rij, axis=1) + 1e-12)
    coeff = -0.5 / (widths ** 2)
    diff = d_ij[:, None] - offsets
    f_ij = jnp.exp(coeff * diff ** 2)
    rcut_ij = 0.5 * (jnp.cos(d_ij * math.pi / CUT) + 1.0)
    rcut_ij = rcut_ij * (d_ij < CUT).astype(jnp.float32)
    x = jnp.take(emb, Z, axis=0)
    for i in range(NI):
        x_f = x @ in2f_W[i]
        Wij = ssp(f_ij @ fn_W1[i] + fn_b1[i]) @ fn_W2[i] + fn_b2[i]
        Wij = Wij * rcut_ij[:, None]
        x_j = jnp.take(x_f, idx_j, axis=0)
        x_ij = x_j * Wij
        agg = jax.ops.segment_sum(x_ij, idx_i, num_segments=N)
        x = x + (ssp(agg @ f2_W1[i] + f2_b1[i]) @ f2_W2[i] + f2_b2[i])
    return x

if __name__ == "__main__":
    import jax
    _d = setup_inputs()
    print(jax.jit(kernel)(*tuple(_d.values())))

</pallas_src>

<mosaic_0001>
#map = affine_map<(d0, d1) -> (0)>
module attributes {stable_mosaic.version = 14 : i64} {
  func.func @_geom_body(%arg0: i32, %arg1: i32, %arg2: memref<10000xf32, #tpu.memory_space<hbm>>, %arg3: memref<10000xf32, #tpu.memory_space<hbm>>, %arg4: memref<10000xf32, #tpu.memory_space<hbm>>, %arg5: memref<320000xi32, #tpu.memory_space<hbm>>, %arg6: memref<320000xi32, #tpu.memory_space<hbm>>, %arg7: memref<320000xi32, #tpu.memory_space<hbm>>, %arg8: memref<10000xf32, #tpu.memory_space<vmem>>, %arg9: memref<10000xf32, #tpu.memory_space<vmem>>, %arg10: memref<10000xf32, #tpu.memory_space<vmem>>, %arg11: memref<2000xi32, #tpu.memory_space<vmem>>, %arg12: memref<2000xi32, #tpu.memory_space<vmem>>, %arg13: memref<2000xi32, #tpu.memory_space<vmem>>) attributes {dimension_semantics = [#tpu.dimension_semantics<core_parallel>, #tpu.dimension_semantics<subcore_parallel>], iteration_bounds = array<i64: 2, 16>, scalar_prefetch = 0 : i64, scratch_operands = 6 : i64, tpu.core_type = #tpu.core_type<sc_vector_subcore>, window_params = [{transform_indices = #map}, {transform_indices = #map}, {transform_indices = #map}, {transform_indices = #map}, {transform_indices = #map}, {transform_indices = #map}]} {
    %mul3A = arith.constant 2 : i32
    %mul3A_0 = arith.muli %arg1, %mul3A : i32
    %add3A = arith.addi %mul3A_0, %arg0 : i32
    "tpu.region"() ({
      %run_scoped3A = tpu.sem_alloc : memref<!tpu.dma_semaphore, #tpu.memory_space<semaphore_mem>>
      tpu.enqueue_dma source(%arg2 : memref<10000xf32, #tpu.memory_space<hbm>>) target(%arg8 : memref<10000xf32, #tpu.memory_space<vmem>>) target_semaphore(%run_scoped3A : memref<!tpu.dma_semaphore, #tpu.memory_space<semaphore_mem>>)
      tpu.wait_dma2 semaphore(%run_scoped3A : memref<!tpu.dma_semaphore, #tpu.memory_space<semaphore_mem>>) src(%arg2 : memref<10000xf32, #tpu.memory_space<hbm>>) dst(%arg8 : memref<10000xf32, #tpu.memory_space<vmem>>)
      tpu.yield
    }) : () -> ()
    "tpu.region"() ({
      %run_scoped3A = tpu.sem_alloc : memref<!tpu.dma_semaphore, #tpu.memory_space<semaphore_mem>>
      tpu.enqueue_dma source(%arg3 : memref<10000xf32, #tpu.memory_space<hbm>>) target(%arg9 : memref<10000xf32, #tpu.memory_space<vmem>>) target_semaphore(%run_scoped3A : memref<!tpu.dma_semaphore, #tpu.memory_space<semaphore_mem>>)
      tpu.wait_dma2 semaphore(%run_scoped3A : memref<!tpu.dma_semaphore, #tpu.memory_space<semaphore_mem>>) src(%arg3 : memref<10000xf32, #tpu.memory_space<hbm>>) dst(%arg9 : memref<10000xf32, #tpu.memory_space<vmem>>)
      tpu.yield
    }) : () -> ()
    "tpu.region"() ({
      %run_scoped3A = tpu.sem_alloc : memref<!tpu.dma_semaphore, #tpu.memory_space<semaphore_mem>>
      tpu.enqueue_dma source(%arg4 : memref<10000xf32, #tpu.memory_space<hbm>>) target(%arg10 : memref<10000xf32, #tpu.memory_space<vmem>>) target_semaphore(%run_scoped3A : memref<!tpu.dma_semaphore, #tpu.memory_space<semaphore_mem>>)
      tpu.wait_dma2 semaphore(%run_scoped3A : memref<!tpu.dma_semaphore, #tpu.memory_space<semaphore_mem>>) src(%arg4 : memref<10000xf32, #tpu.memory_space<hbm>>) dst(%arg10 : memref<10000xf32, #tpu.memory_space<vmem>>)
      tpu.yield
    }) : () -> ()
    %mul3A_1 = arith.constant 10000 : i32
    %mul3A_2 = arith.muli %add3A, %mul3A_1 : i32
    %scan3A = arith.constant 0 : i32
    %scan3A_3 = arith.constant 5 : i32
    %scan3A_4 = arith.addi %scan3A, %scan3A_3 : i32
    %scan3A_5 = arith.constant 1 : i32
    scf.for %scan3A_7 = %scan3A to %scan3A_4 step %scan3A_5  : i32 {
      %mul3A_8 = arith.constant 1 : i32
      %mul3A_9 = arith.muli %scan3A_7, %mul3A_8 : i32
      %add3A_10 = arith.constant 0 : i32
      %add3A_11 = arith.addi %add3A_10, %mul3A_9 : i32
      %mul3A_12 = arith.constant 2000 : i32
      %mul3A_13 = arith.muli %add3A_11, %mul3A_12 : i32
      %add3A_14 = arith.addi %mul3A_2, %mul3A_13 : i32
      "tpu.region"() ({
        %run_scoped3A = tpu.sem_alloc : memref<!tpu.dma_semaphore, #tpu.memory_space<semaphore_mem>>
        %dma_start3A = tpu.memref_slice %arg5[%add3A_14] : memref<320000xi32, #tpu.memory_space<hbm>> -> memref<2000xi32, #tpu.memory_space<hbm>>
        %dma_start3A_20 = tpu.memref_slice %arg5[%add3A_14] : memref<320000xi32, #tpu.memory_space<hbm>> -> memref<2000xi32, #tpu.memory_space<hbm>>
        tpu.enqueue_dma source(%dma_start3A_20 : memref<2000xi32, #tpu.memory_space<hbm>>) target(%arg11 : memref<2000xi32, #tpu.memory_space<vmem>>) target_semaphore(%run_scoped3A : memref<!tpu.dma_semaphore, #tpu.memory_space<semaphore_mem>>)
        %dma_wait3A = tpu.memref_slice %arg5[%add3A_14] : memref<320000xi32, #tpu.memory_space<hbm>> -> memref<2000xi32, #tpu.memory_space<hbm>>
        %dma_wait3A_21 = tpu.memref_slice %arg5[%add3A_14] : memref<320000xi32, #tpu.memory_space<hbm>> -> memref<2000xi32, #tpu.memory_space<hbm>>
        tpu.wait_dma2 semaphore(%run_scoped3A : memref<!tpu.dma_semaphore, #tpu.memory_space<semaphore_mem>>) src(%dma_wait3A_21 : memref<2000xi32, #tpu.memory_space<hbm>>) dst(%arg11 : memref<2000xi32, #tpu.memory_space<vmem>>)
        tpu.yield
      }) : () -> ()
      "tpu.region"() ({
        %run_scoped3A = tpu.sem_alloc : memref<!tpu.dma_semaphore, #tpu.memory_space<semaphore_mem>>
        %dma_start3A = tpu.memref_slice %arg6[%add3A_14] : memref<320000xi32, #tpu.memory_space<hbm>> -> memref<2000xi32, #tpu.memory_space<hbm>>
        %dma_start3A_20 = tpu.memref_slice %arg6[%add3A_14] : memref<320000xi32, #tpu.memory_space<hbm>> -> memref<2000xi32, #tpu.memory_space<hbm>>
        tpu.enqueue_dma source(%dma_start3A_20 : memref<2000xi32, #tpu.memory_space<hbm>>) target(%arg12 : memref<2000xi32, #tpu.memory_space<vmem>>) target_semaphore(%run_scoped3A : memref<!tpu.dma_semaphore, #tpu.memory_space<semaphore_mem>>)
        %dma_wait3A = tpu.memref_slice %arg6[%add3A_14] : memref<320000xi32, #tpu.memory_space<hbm>> -> memref<2000xi32, #tpu.memory_space<hbm>>
        %dma_wait3A_21 = tpu.memref_slice %arg6[%add3A_14] : memref<320000xi32, #tpu.memory_space<hbm>> -> memref<2000xi32, #tpu.memory_space<hbm>>
        tpu.wait_dma2 semaphore(%run_scoped3A : memref<!tpu.dma_semaphore, #tpu.memory_space<semaphore_mem>>) src(%dma_wait3A_21 : memref<2000xi32, #tpu.memory_space<hbm>>) dst(%arg12 : memref<2000xi32, #tpu.memory_space<vmem>>)
        tpu.yield
      }) : () -> ()
      %scan3A_15 = arith.constant 0 : i32
      %scan3A_16 = arith.constant 125 : i32
      %scan3A_17 = arith.addi %scan3A_15, %scan3A_16 : i32
      %scan3A_18 = arith.constant 1 : i32
      scf.for %scan3A_20 = %scan3A_15 to %scan3A_17 step %scan3A_18  : i32 {
        %mul3A_21 = arith.constant 1 : i32
        %mul3A_22 = arith.muli %scan3A_20, %mul3A_21 : i32
        %add3A_23 = arith.constant 0 : i32
        %add3A_24 = arith.addi %add3A_23, %mul3A_22 : i32
        %mul3A_25 = arith.constant 16 : i32
        %mul3A_26 = arith.muli %add3A_24, %mul3A_25 : i32
        %get3A = arith.index_cast %mul3A_26 : i32 to index
        %get3A_27 = tpu.vector_load %arg11[%get3A] {strides = array<i32>} : memref<2000xi32, #tpu.memory_space<vmem>>, vector<16xi32>,
        %get3A_28 = arith.index_cast %mul3A_26 : i32 to index
        %get3A_29 = tpu.vector_load %arg12[%get3A_28] {strides = array<i32>} : memref<2000xi32, #tpu.memory_space<vmem>>, vector<16xi32>,
        %gather3A = tpu.vector_load_idx %arg8[%get3A_29] : memref<10000xf32, #tpu.memory_space<vmem>>[vector<16xi32>], vector<16xf32>,
        %gather3A_30 = tpu.vector_load_idx %arg8[%get3A_27] : memref<10000xf32, #tpu.memory_space<vmem>>[vector<16xi32>], vector<16xf32>,
        %sub3A = arith.subf %gather3A, %gather3A_30 : vector<16xf32>
        %gather3A_31 = tpu.vector_load_idx %arg9[%get3A_29] : memref<10000xf32, #tpu.memory_space<vmem>>[vector<16xi32>], vector<16xf32>,
        %gather3A_32 = tpu.vector_load_idx %arg9[%get3A_27] : memref<10000xf32, #tpu.memory_space<vmem>>[vector<16xi32>], vector<16xf32>,
        %sub3A_33 = arith.subf %gather3A_31, %gather3A_32 : vector<16xf32>
        %gather3A_34 = tpu.vector_load_idx %arg10[%get3A_29] : memref<10000xf32, #tpu.memory_space<vmem>>[vector<16xi32>], vector<16xf32>,
        %gather3A_35 = tpu.vector_load_idx %arg10[%get3A_27] : memref<10000xf32, #tpu.memory_space<vmem>>[vector<16xi32>], vector<16xf32>,
        %sub3A_36 = arith.subf %gather3A_34, %gather3A_35 : vector<16xf32>
        %mul3A_37 = arith.mulf %sub3A, %sub3A : vector<16xf32>
        %mul3A_38 = arith.mulf %sub3A_33, %sub3A_33 : vector<16xf32>
        %add3A_39 = arith.addf %mul3A_37, %mul3A_38 : vector<16xf32>
        %mul3A_40 = arith.mulf %sub3A_36, %sub3A_36 : vector<16xf32>
        %add3A_41 = arith.addf %add3A_39, %mul3A_40 : vector<16xf32>
        %add3A_42 = arith.constant 9.99999996E-13 : f32
        %add3A_43 = vector.broadcast %add3A_42 : f32 to vector<16xf32>
        %add3A_44 = arith.addf %add3A_41, %add3A_43 : vector<16xf32>
        %bitcast3A = vector.bitcast %add3A_44 : vector<16xf32> to vector<16xi32>
        %shift_right_arithmetic3A = arith.constant 1 : i32
        %shift_right_arithmetic3A_45 = vector.broadcast %shift_right_arithmetic3A : i32 to vector<16xi32>
        %shift_right_arithmetic3A_46 = arith.shrsi %bitcast3A, %shift_right_arithmetic3A_45 : vector<16xi32>
        %sub3A_47 = arith.constant 1597463007 : i32
        %sub3A_48 = vector.broadcast %sub3A_47 : i32 to vector<16xi32>
        %sub3A_49 = arith.subi %sub3A_48, %shift_right_arithmetic3A_46 : vector<16xi32>
        %bitcast3A_50 = vector.bitcast %sub3A_49 : vector<16xi32> to vector<16xf32>
        %mul3A_51 = arith.constant 5.000000e-01 : f32
        %mul3A_52 = vector.broadcast %mul3A_51 : f32 to vector<16xf32>
        %mul3A_53 = arith.mulf %mul3A_52, %add3A_44 : vector<16xf32>
        %mul3A_54 = arith.mulf %mul3A_53, %bitcast3A_50 : vector<16xf32>
        %mul3A_55 = arith.mulf %mul3A_54, %bitcast3A_50 : vector<16xf32>
        %sub3A_56 = arith.constant 1.500000e+00 : f32
        %sub3A_57 = vector.broadcast %sub3A_56 : f32 to vector<16xf32>
        %sub3A_58 = arith.subf %sub3A_57, %mul3A_55 : vector<16xf32>
        %mul3A_59 = arith.mulf %bitcast3A_50, %sub3A_58 : vector<16xf32>
        %mul3A_60 = arith.mulf %mul3A_53, %mul3A_59 : vector<16xf32>
        %mul3A_61 = arith.mulf %mul3A_60, %mul3A_59 : vector<16xf32>
        %sub3A_62 = arith.constant 1.500000e+00 : f32
        %sub3A_63 = vector.broadcast %sub3A_62 : f32 to vector<16xf32>
        %sub3A_64 = arith.subf %sub3A_63, %mul3A_61 : vector<16xf32>
        %mul3A_65 = arith.mulf %mul3A_59, %sub3A_64 : vector<16xf32>
        %mul3A_66 = arith.mulf %mul3A_53, %mul3A_65 : vector<16xf32>
        %mul3A_67 = arith.mulf %mul3A_66, %mul3A_65 : vector<16xf32>
        %sub3A_68 = arith.constant 1.500000e+00 : f32
        %sub3A_69 = vector.broadcast %sub3A_68 : f32 to vector<16xf32>
        %sub3A_70 = arith.subf %sub3A_69, %mul3A_67 : vector<16xf32>
        %mul3A_71 = arith.mulf %mul3A_65, %sub3A_70 : vector<16xf32>
        %mul3A_72 = arith.mulf %add3A_44, %mul3A_71 : vector<16xf32>
        %mul3A_73 = arith.constant 3.276600e+03 : f32
        %mul3A_74 = vector.broadcast %mul3A_73 : f32 to vector<16xf32>
        %mul3A_75 = arith.mulf %mul3A_72, %mul3A_74 : vector<16xf32>
        %add3A_76 = arith.constant 5.000000e-01 : f32
        %add3A_77 = vector.broadcast %add3A_76 : f32 to vector<16xf32>
        %add3A_78 = arith.addf %mul3A_75, %add3A_77 : vector<16xf32>
        %min3A = arith.constant 1.638300e+04 : f32
        %min3A_79 = vector.broadcast %min3A : f32 to vector<16xf32>
        %min3A_80 = arith.minimumf %add3A_78, %min3A_79 : vector<16xf32>
        %convert_element_type3A = arith.fptosi %min3A_80 : vector<16xf32> to vector<16xi32>
        %swap3A = arith.index_cast %mul3A_26 : i32 to index
        %swap3A_81 = tpu.vector_load %arg13[%swap3A] {strides = array<i32>} : memref<2000xi32, #tpu.memory_space<vmem>>, vector<16xi32>,
        tpu.vector_store %arg13[%swap3A], %convert_element_type3A {strides = array<i32>} : memref<2000xi32, #tpu.memory_space<vmem>>, vector<16xi32>,
      }
      %scan3A_19 = arith.constant 125 : i32
      "tpu.region"() ({
        %run_scoped3A = tpu.sem_alloc : memref<!tpu.dma_semaphore, #tpu.memory_space<semaphore_mem>>
        %dma_start3A = tpu.memref_slice %arg7[%add3A_14] : memref<320000xi32, #tpu.memory_space<hbm>> -> memref<2000xi32, #tpu.memory_space<hbm>>
        %dma_start3A_20 = tpu.memref_slice %arg7[%add3A_14] : memref<320000xi32, #tpu.memory_space<hbm>> -> memref<2000xi32, #tpu.memory_space<hbm>>
        tpu.enqueue_dma source(%arg13 : memref<2000xi32, #tpu.memory_space<vmem>>) target(%dma_start3A_20 : memref<2000xi32, #tpu.memory_space<hbm>>) target_semaphore(%run_scoped3A : memref<!tpu.dma_semaphore, #tpu.memory_space<semaphore_mem>>)
        %dma_wait3A = tpu.memref_slice %arg7[%add3A_14] : memref<320000xi32, #tpu.memory_space<hbm>> -> memref<2000xi32, #tpu.memory_space<hbm>>
        %dma_wait3A_21 = tpu.memref_slice %arg7[%add3A_14] : memref<320000xi32, #tpu.memory_space<hbm>> -> memref<2000xi32, #tpu.memory_space<hbm>>
        tpu.wait_dma2 semaphore(%run_scoped3A : memref<!tpu.dma_semaphore, #tpu.memory_space<semaphore_mem>>) src(%arg13 : memref<2000xi32, #tpu.memory_space<vmem>>) dst(%dma_wait3A_21 : memref<2000xi32, #tpu.memory_space<hbm>>)
        tpu.yield
      }) : () -> ()
    }
    %scan3A_6 = arith.constant 5 : i32
    return
  }
}

#map = affine_map<(d0, d1) -> (0, 0)>
#map1 = affine_map<(d0, d1) -> (0)>
#map2 = affine_map<(d0, d1) -> (0, 0, 0)>
module attributes {stable_mosaic.version = 14 : i64} {
  func.func @_msg_body(%arg0: i32, %arg1: i32, %arg2: memref<10000x128xf32, #tpu.memory_space<hbm>>, %arg3: memref<16384x128xf32, #tpu.memory_space<hbm>>, %arg4: memref<320000xi32, #tpu.memory_space<hbm>>, %arg5: memref<320000xi32, #tpu.memory_space<hbm>>, %arg6: memref<320000xi32, #tpu.memory_space<hbm>>, %arg7: memref<64x128xf32, #tpu.memory_space<hbm>>, %arg8: memref<2x10240x128xf32, #tpu.memory_space<hbm>>, %arg9: memref<80xi32, #tpu.memory_space<vmem>>, %arg10: memref<80xi32, #tpu.memory_space<vmem>>, %arg11: memref<80xi32, #tpu.memory_space<vmem>>, %arg12: memref<80xi32, #tpu.memory_space<vmem>>, %arg13: memref<80xi32, #tpu.memory_space<vmem>>, %arg14: memref<80xi32, #tpu.memory_space<vmem>>, %arg15: memref<80x128xf32, #tpu.memory_space<vmem>>, %arg16: memref<80x128xf32, #tpu.memory_space<vmem>>, %arg17: memref<80x128xf32, #tpu.memory_space<vmem>>, %arg18: memref<80x128xf32, #tpu.memory_space<vmem>>, %arg19: memref<10240x128xf32, #tpu.memory_space<vmem_shared>>, %arg20: memref<!tpu.dma_semaphore, #tpu.memory_space<semaphore_mem>>, %arg21: memref<!tpu.dma_semaphore, #tpu.memory_space<semaphore_mem>>, %arg22: memref<!tpu.dma_semaphore, #tpu.memory_space<semaphore_mem>>, %arg23: memref<!tpu.dma_semaphore, #tpu.memory_space<semaphore_mem>>) attributes {dimension_semantics = [#tpu.dimension_semantics<core_parallel>, #tpu.dimension_semantics<subcore_parallel>], iteration_bounds = array<i64: 2, 16>, scalar_prefetch = 0 : i64, scratch_operands = 15 : i64, tpu.core_type = #tpu.core_type<sc_vector_subcore>, window_params = [{transform_indices = #map}, {transform_indices = #map}, {transform_indices = #map1}, {transform_indices = #map1}, {transform_indices = #map1}, {transform_indices = #map}, {transform_indices = #map2}]} {
    %mul3A = arith.constant 2 : i32
    %mul3A_0 = arith.muli %arg1, %mul3A : i32
    %add3A = arith.addi %mul3A_0, %arg0 : i32
    "tpu.region"() ({
      %run_scoped3A = tpu.sem_alloc : memref<!tpu.dma_semaphore, #tpu.memory_space<semaphore_mem>>
      %dma_start3A_43 = arith.constant 0 : i32
      %dma_start3A_44 = arith.constant 0 : i32
      %dma_start3A_45 = tpu.memref_slice %arg15[%dma_start3A_43, %dma_start3A_44] : memref<80x128xf32, #tpu.memory_space<vmem>> -> memref<64x128xf32, #tpu.memory_space<vmem>>
      %dma_start3A_46 = arith.constant 0 : i32
      %dma_start3A_47 = arith.constant 0 : i32
      %dma_start3A_48 = tpu.memref_slice %arg15[%dma_start3A_46, %dma_start3A_47] : memref<80x128xf32, #tpu.memory_space<vmem>> -> memref<64x128xf32, #tpu.memory_space<vmem>>
      tpu.enqueue_dma source(%arg7 : memref<64x128xf32, #tpu.memory_space<hbm>>) target(%dma_start3A_48 : memref<64x128xf32, #tpu.memory_space<vmem>>) target_semaphore(%run_scoped3A : memref<!tpu.dma_semaphore, #tpu.memory_space<semaphore_mem>>)
      %dma_wait3A_49 = arith.constant 0 : i32
      %dma_wait3A_50 = arith.constant 0 : i32
      %dma_wait3A_51 = tpu.memref_slice %arg15[%dma_wait3A_49, %dma_wait3A_50] : memref<80x128xf32, #tpu.memory_space<vmem>> -> memref<64x128xf32, #tpu.memory_space<vmem>>
      %dma_wait3A_52 = arith.constant 0 : i32
      %dma_wait3A_53 = arith.constant 0 : i32
      %dma_wait3A_54 = tpu.memref_slice %arg15[%dma_wait3A_52, %dma_wait3A_53] : memref<80x128xf32, #tpu.memory_space<vmem>> -> memref<64x128xf32, #tpu.memory_space<vmem>>
      tpu.wait_dma2 semaphore(%run_scoped3A : memref<!tpu.dma_semaphore, #tpu.memory_space<semaphore_mem>>) src(%arg7 : memref<64x128xf32, #tpu.memory_space<hbm>>) dst(%dma_wait3A_54 : memref<64x128xf32, #tpu.memory_space<vmem>>)
      tpu.yield
    }) : () -> ()
    %scan3A = arith.constant 0 : i32
    %scan3A_1 = arith.constant 10 : i32
    %scan3A_2 = arith.addi %scan3A, %scan3A_1 : i32
    %scan3A_3 = arith.constant 1 : i32
    scf.for %scan3A_43 = %scan3A to %scan3A_2 step %scan3A_3  : i32 {
      %mul3A_44 = arith.constant 1 : i32
      %mul3A_45 = arith.muli %scan3A_43, %mul3A_44 : i32
      %add3A_46 = arith.constant 0 : i32
      %add3A_47 = arith.addi %add3A_46, %mul3A_45 : i32
      %mul3A_48 = arith.constant 640 : i32
      %mul3A_49 = arith.muli %arg1, %mul3A_48 : i32
      %mul3A_50 = arith.constant 64 : i32
      %mul3A_51 = arith.muli %add3A_47, %mul3A_50 : i32
      %add3A_52 = arith.addi %mul3A_49, %mul3A_51 : i32
      "tpu.region"() ({
        %run_scoped3A = tpu.sem_alloc : memref<!tpu.dma_semaphore, #tpu.memory_space<semaphore_mem>>
        %dma_start3A_53 = arith.constant 0 : i32
        %dma_start3A_54 = arith.constant 0 : i32
        %dma_start3A_55 = tpu.memref_slice %arg15[%dma_start3A_53, %dma_start3A_54] : memref<80x128xf32, #tpu.memory_space<vmem>> -> memref<64x128xf32, #tpu.memory_space<vmem>>
        %dma_start3A_56 = arith.constant 0 : i32
        %dma_start3A_57 = tpu.memref_slice %arg19[%add3A_52, %dma_start3A_56] : memref<10240x128xf32, #tpu.memory_space<vmem_shared>> -> memref<64x128xf32, #tpu.memory_space<vmem_shared>>
        %dma_start3A_58 = arith.constant 0 : i32
        %dma_start3A_59 = tpu.memref_slice %arg19[%add3A_52, %dma_start3A_58] : memref<10240x128xf32, #tpu.memory_space<vmem_shared>> -> memref<64x128xf32, #tpu.memory_space<vmem_shared>>
        %dma_start3A_60 = arith.constant 0 : i32
        %dma_start3A_61 = arith.constant 0 : i32
        %dma_start3A_62 = tpu.memref_slice %arg15[%dma_start3A_60, %dma_start3A_61] : memref<80x128xf32, #tpu.memory_space<vmem>> -> memref<64x128xf32, #tpu.memory_space<vmem>>
        tpu.enqueue_dma source(%dma_start3A_62 : memref<64x128xf32, #tpu.memory_space<vmem>>) target(%dma_start3A_59 : memref<64x128xf32, #tpu.memory_space<vmem_shared>>) target_semaphore(%run_scoped3A : memref<!tpu.dma_semaphore, #tpu.memory_space<semaphore_mem>>)
        %dma_wait3A_63 = arith.constant 0 : i32
        %dma_wait3A_64 = arith.constant 0 : i32
        %dma_wait3A_65 = tpu.memref_slice %arg15[%dma_wait3A_63, %dma_wait3A_64] : memref<80x128xf32, #tpu.memory_space<vmem>> -> memref<64x128xf32, #tpu.memory_space<vmem>>
        %dma_wait3A_66 = arith.constant 0 : i32
        %dma_wait3A_67 = tpu.memref_slice %arg19[%add3A_52, %dma_wait3A_66] : memref<10240x128xf32, #tpu.memory_space<vmem_shared>> -> memref<64x128xf32, #tpu.memory_space<vmem_shared>>
        %dma_wait3A_68 = arith.constant 0 : i32
        %dma_wait3A_69 = tpu.memref_slice %arg19[%add3A_52, %dma_wait3A_68] : memref<10240x128xf32, #tpu.memory_space<vmem_shared>> -> memref<64x128xf32, #tpu.memory_space<vmem_shared>>
        %dma_wait3A_70 = arith.constant 0 : i32
        %dma_wait3A_71 = arith.constant 0 : i32
        %dma_wait3A_72 = tpu.memref_slice %arg15[%dma_wait3A_70, %dma_wait3A_71] : memref<80x128xf32, #tpu.memory_space<vmem>> -> memref<64x128xf32, #tpu.memory_space<vmem>>
        tpu.wait_dma2 semaphore(%run_scoped3A : memref<!tpu.dma_semaphore, #tpu.memory_space<semaphore_mem>>) src(%dma_wait3A_72 : memref<64x128xf32, #tpu.memory_space<vmem>>) dst(%dma_wait3A_69 : memref<64x128xf32, #tpu.memory_space<vmem_shared>>)
        tpu.yield
      }) : () -> ()
    }
    %scan3A_4 = arith.constant 10 : i32
    %barrier3A = arith.constant 0 : index
    tpu.barrier barrier_id(%barrier3A)
    %mul3A_5 = arith.constant 125 : i32
    %mul3A_6 = arith.muli %add3A, %mul3A_5 : i32
    %mul3A_7 = arith.constant 80 : i32
    %mul3A_8 = arith.muli %mul3A_6, %mul3A_7 : i32
    %scan3A_9 = arith.constant 0 : i32
    %scan3A_10 = arith.constant 62 : i32
    %scan3A_11 = arith.addi %scan3A_9, %scan3A_10 : i32
    %scan3A_12 = arith.constant 1 : i32
    scf.for %scan3A_43 = %scan3A_9 to %scan3A_11 step %scan3A_12  : i32 {
      %mul3A_44 = arith.constant 1 : i32
      %mul3A_45 = arith.muli %scan3A_43, %mul3A_44 : i32
      %add3A_46 = arith.constant 0 : i32
      %add3A_47 = arith.addi %add3A_46, %mul3A_45 : i32
      %mul3A_48 = arith.constant 2 : i32
      %mul3A_49 = arith.muli %mul3A_48, %add3A_47 : i32
      %mul3A_50 = arith.constant 80 : i32
      %mul3A_51 = arith.muli %mul3A_49, %mul3A_50 : i32
      %add3A_52 = arith.addi %mul3A_8, %mul3A_51 : i32
      "tpu.region"() ({
        %run_scoped3A = tpu.sem_alloc : memref<!tpu.dma_semaphore, #tpu.memory_space<semaphore_mem>>
        %dma_start3A_106 = tpu.memref_slice %arg5[%add3A_52] : memref<320000xi32, #tpu.memory_space<hbm>> -> memref<80xi32, #tpu.memory_space<hbm>>
        %dma_start3A_107 = tpu.memref_slice %arg5[%add3A_52] : memref<320000xi32, #tpu.memory_space<hbm>> -> memref<80xi32, #tpu.memory_space<hbm>>
        tpu.enqueue_dma source(%dma_start3A_107 : memref<80xi32, #tpu.memory_space<hbm>>) target(%arg9 : memref<80xi32, #tpu.memory_space<vmem>>) target_semaphore(%run_scoped3A : memref<!tpu.dma_semaphore, #tpu.memory_space<semaphore_mem>>)
        %dma_wait3A_108 = tpu.memref_slice %arg5[%add3A_52] : memref<320000xi32, #tpu.memory_space<hbm>> -> memref<80xi32, #tpu.memory_space<hbm>>
        %dma_wait3A_109 = tpu.memref_slice %arg5[%add3A_52] : memref<320000xi32, #tpu.memory_space<hbm>> -> memref<80xi32, #tpu.memory_space<hbm>>
        tpu.wait_dma2 semaphore(%run_scoped3A : memref<!tpu.dma_semaphore, #tpu.memory_space<semaphore_mem>>) src(%dma_wait3A_109 : memref<80xi32, #tpu.memory_space<hbm>>) dst(%arg9 : memref<80xi32, #tpu.memory_space<vmem>>)
        tpu.yield
      }) : () -> ()
      "tpu.region"() ({
        %run_scoped3A = tpu.sem_alloc : memref<!tpu.dma_semaphore, #tpu.memory_space<semaphore_mem>>
        %dma_start3A_106 = tpu.memref_slice %arg6[%add3A_52] : memref<320000xi32, #tpu.memory_space<hbm>> -> memref<80xi32, #tpu.memory_space<hbm>>
        %dma_start3A_107 = tpu.memref_slice %arg6[%add3A_52] : memref<320000xi32, #tpu.memory_space<hbm>> -> memref<80xi32, #tpu.memory_space<hbm>>
        tpu.enqueue_dma source(%dma_start3A_107 : memref<80xi32, #tpu.memory_space<hbm>>) target(%arg11 : memref<80xi32, #tpu.memory_space<vmem>>) target_semaphore(%run_scoped3A : memref<!tpu.dma_semaphore, #tpu.memory_space<semaphore_mem>>)
        %dma_wait3A_108 = tpu.memref_slice %arg6[%add3A_52] : memref<320000xi32, #tpu.memory_space<hbm>> -> memref<80xi32, #tpu.memory_space<hbm>>
        %dma_wait3A_109 = tpu.memref_slice %arg6[%add3A_52] : memref<320000xi32, #tpu.memory_space<hbm>> -> memref<80xi32, #tpu.memory_space<hbm>>
        tpu.wait_dma2 semaphore(%run_scoped3A : memref<!tpu.dma_semaphore, #tpu.memory_space<semaphore_mem>>) src(%dma_wait3A_109 : memref<80xi32, #tpu.memory_space<hbm>>) dst(%arg11 : memref<80xi32, #tpu.memory_space<vmem>>)
        tpu.yield
      }) : () -> ()
      "tpu.region"() ({
        %run_scoped3A = tpu.sem_alloc : memref<!tpu.dma_semaphore, #tpu.memory_space<semaphore_mem>>
        %dma_start3A_106 = tpu.memref_slice %arg4[%add3A_52] : memref<320000xi32, #tpu.memory_space<hbm>> -> memref<80xi32, #tpu.memory_space<hbm>>
        %dma_start3A_107 = tpu.memref_slice %arg4[%add3A_52] : memref<320000xi32, #tpu.memory_space<hbm>> -> memref<80xi32, #tpu.memory_space<hbm>>
        tpu.enqueue_dma source(%dma_start3A_107 : memref<80xi32, #tpu.memory_space<hbm>>) target(%arg13 : memref<80xi32, #tpu.memory_space<vmem>>) target_semaphore(%run_scoped3A : memref<!tpu.dma_semaphore, #tpu.memory_space<semaphore_mem>>)
        %dma_wait3A_108 = tpu.memref_slice %arg4[%add3A_52] : memref<320000xi32, #tpu.memory_space<hbm>> -> memref<80xi32, #tpu.memory_space<hbm>>
        %dma_wait3A_109 = tpu.memref_slice %arg4[%add3A_52] : memref<320000xi32, #tpu.memory_space<hbm>> -> memref<80xi32, #tpu.memory_space<hbm>>
        tpu.wait_dma2 semaphore(%run_scoped3A : memref<!tpu.dma_semaphore, #tpu.memory_space<semaphore_mem>>) src(%dma_wait3A_109 : memref<80xi32, #tpu.memory_space<hbm>>) dst(%arg13 : memref<80xi32, #tpu.memory_space<vmem>>)
        tpu.yield
      }) : () -> ()
      %dma_start3A_53 = arith.constant 0 : i32
      %dma_start3A_54 = arith.constant 0 : i32
      %dma_start3A_55 = tpu.memref_slice %arg2[%dma_start3A_53, %dma_start3A_54] : memref<10000x128xf32, #tpu.memory_space<hbm>> -> memref<10000x128xf32, #tpu.memory_space<hbm>>
      tpu.enqueue_indirect_dma source(%dma_start3A_55 : memref<10000x128xf32, #tpu.memory_space<hbm>>) target(%arg15 : memref<80x128xf32, #tpu.memory_space<vmem>>) offsets(%arg9 : memref<80xi32, #tpu.memory_space<vmem>>) semaphore(%arg20 : memref<!tpu.dma_semaphore, #tpu.memory_space<semaphore_mem>>)
      %dma_start3A_56 = arith.constant 0 : i32
      %dma_start3A_57 = arith.constant 0 : i32
      %dma_start3A_58 = tpu.memref_slice %arg3[%dma_start3A_56, %dma_start3A_57] : memref<16384x128xf32, #tpu.memory_space<hbm>> -> memref<16384x128xf32, #tpu.memory_space<hbm>>
      tpu.enqueue_indirect_dma source(%dma_start3A_58 : memref<16384x128xf32, #tpu.memory_space<hbm>>) target(%arg17 : memref<80x128xf32, #tpu.memory_space<vmem>>) offsets(%arg11 : memref<80xi32, #tpu.memory_space<vmem>>) semaphore(%arg20 : memref<!tpu.dma_semaphore, #tpu.memory_space<semaphore_mem>>)
      %mul3A_59 = arith.constant 2 : i32
      %mul3A_60 = arith.muli %mul3A_59, %add3A_47 : i32
      %add3A_61 = arith.constant 1 : i32
      %add3A_62 = arith.addi %mul3A_60, %add3A_61 : i32
      %mul3A_63 = arith.constant 80 : i32
      %mul3A_64 = arith.muli %add3A_62, %mul3A_63 : i32
      %add3A_65 = arith.addi %mul3A_8, %mul3A_64 : i32
      "tpu.region"() ({
        %run_scoped3A = tpu.sem_alloc : memref<!tpu.dma_semaphore, #tpu.memory_space<semaphore_mem>>
        %dma_start3A_106 = tpu.memref_slice %arg5[%add3A_65] : memref<320000xi32, #tpu.memory_space<hbm>> -> memref<80xi32, #tpu.memory_space<hbm>>
        %dma_start3A_107 = tpu.memref_slice %arg5[%add3A_65] : memref<320000xi32, #tpu.memory_space<hbm>> -> memref<80xi32, #tpu.memory_space<hbm>>
        tpu.enqueue_dma source(%dma_start3A_107 : memref<80xi32, #tpu.memory_space<hbm>>) target(%arg10 : memref<80xi32, #tpu.memory_space<vmem>>) target_semaphore(%run_scoped3A : memref<!tpu.dma_semaphore, #tpu.memory_space<semaphore_mem>>)
        %dma_wait3A_108 = tpu.memref_slice %arg5[%add3A_65] : memref<320000xi32, #tpu.memory_space<hbm>> -> memref<80xi32, #tpu.memory_space<hbm>>
        %dma_wait3A_109 = tpu.memref_slice %arg5[%add3A_65] : memref<320000xi32, #tpu.memory_space<hbm>> -> memref<80xi32, #tpu.memory_space<hbm>>
        tpu.wait_dma2 semaphore(%run_scoped3A : memref<!tpu.dma_semaphore, #tpu.memory_space<semaphore_mem>>) src(%dma_wait3A_109 : memref<80xi32, #tpu.memory_space<hbm>>) dst(%arg10 : memref<80xi32, #tpu.memory_space<vmem>>)
        tpu.yield
      }) : () -> ()
      "tpu.region"() ({
        %run_scoped3A = tpu.sem_alloc : memref<!tpu.dma_semaphore, #tpu.memory_space<semaphore_mem>>
        %dma_start3A_106 = tpu.memref_slice %arg6[%add3A_65] : memref<320000xi32, #tpu.memory_space<hbm>> -> memref<80xi32, #tpu.memory_space<hbm>>
        %dma_start3A_107 = tpu.memref_slice %arg6[%add3A_65] : memref<320000xi32, #tpu.memory_space<hbm>> -> memref<80xi32, #tpu.memory_space<hbm>>
        tpu.enqueue_dma source(%dma_start3A_107 : memref<80xi32, #tpu.memory_space<hbm>>) target(%arg12 : memref<80xi32, #tpu.memory_space<vmem>>) target_semaphore(%run_scoped3A : memref<!tpu.dma_semaphore, #tpu.memory_space<semaphore_mem>>)
        %dma_wait3A_108 = tpu.memref_slice %arg6[%add3A_65] : memref<320000xi32, #tpu.memory_space<hbm>> -> memref<80xi32, #tpu.memory_space<hbm>>
        %dma_wait3A_109 = tpu.memref_slice %arg6[%add3A_65] : memref<320000xi32, #tpu.memory_space<hbm>> -> memref<80xi32, #tpu.memory_space<hbm>>
        tpu.wait_dma2 semaphore(%run_scoped3A : memref<!tpu.dma_semaphore, #tpu.memory_space<semaphore_mem>>) src(%dma_wait3A_109 : memref<80xi32, #tpu.memory_space<hbm>>) dst(%arg12 : memref<80xi32, #tpu.memory_space<vmem>>)
        tpu.yield
      }) : () -> ()
      "tpu.region"() ({
        %run_scoped3A = tpu.sem_alloc : memref<!tpu.dma_semaphore, #tpu.memory_space<semaphore_mem>>
        %dma_start3A_106 = tpu.memref_slice %arg4[%add3A_65] : memref<320000xi32, #tpu.memory_space<hbm>> -> memref<80xi32, #tpu.memory_space<hbm>>
        %dma_start3A_107 = tpu.memref_slice %arg4[%add3A_65] : memref<320000xi32, #tpu.memory_space<hbm>> -> memref<80xi32, #tpu.memory_space<hbm>>
        tpu.enqueue_dma source(%dma_start3A_107 : memref<80xi32, #tpu.memory_space<hbm>>) target(%arg14 : memref<80xi32, #tpu.memory_space<vmem>>) target_semaphore(%run_scoped3A : memref<!tpu.dma_semaphore, #tpu.memory_space<semaphore_mem>>)
        %dma_wait3A_108 = tpu.memref_slice %arg4[%add3A_65] : memref<320000xi32, #tpu.memory_space<hbm>> -> memref<80xi32, #tpu.memory_space<hbm>>
        %dma_wait3A_109 = tpu.memref_slice %arg4[%add3A_65] : memref<320000xi32, #tpu.memory_space<hbm>> -> memref<80xi32, #tpu.memory_space<hbm>>
        tpu.wait_dma2 semaphore(%run_scoped3A : memref<!tpu.dma_semaphore, #tpu.memory_space<semaphore_mem>>) src(%dma_wait3A_109 : memref<80xi32, #tpu.memory_space<hbm>>) dst(%arg14 : memref<80xi32, #tpu.memory_space<vmem>>)
        tpu.yield
      }) : () -> ()
      %dma_start3A_66 = arith.constant 0 : i32
      %dma_start3A_67 = arith.constant 0 : i32
      %dma_start3A_68 = tpu.memref_slice %arg2[%dma_start3A_66, %dma_start3A_67] : memref<10000x128xf32, #tpu.memory_space<hbm>> -> memref<10000x128xf32, #tpu.memory_space<hbm>>
      tpu.enqueue_indirect_dma source(%dma_start3A_68 : memref<10000x128xf32, #tpu.memory_space<hbm>>) target(%arg16 : memref<80x128xf32, #tpu.memory_space<vmem>>) offsets(%arg10 : memref<80xi32, #tpu.memory_space<vmem>>) semaphore(%arg21 : memref<!tpu.dma_semaphore, #tpu.memory_space<semaphore_mem>>)
      %dma_start3A_69 = arith.constant 0 : i32
      %dma_start3A_70 = arith.constant 0 : i32
      %dma_start3A_71 = tpu.memref_slice %arg3[%dma_start3A_69, %dma_start3A_70] : memref<16384x128xf32, #tpu.memory_space<hbm>> -> memref<16384x128xf32, #tpu.memory_space<hbm>>
      tpu.enqueue_indirect_dma source(%dma_start3A_71 : memref<16384x128xf32, #tpu.memory_space<hbm>>) target(%arg18 : memref<80x128xf32, #tpu.memory_space<vmem>>) offsets(%arg12 : memref<80xi32, #tpu.memory_space<vmem>>) semaphore(%arg21 : memref<!tpu.dma_semaphore, #tpu.memory_space<semaphore_mem>>)
      %dma_wait3A_72 = arith.constant 0 : i32
      %dma_wait3A_73 = arith.constant 0 : i32
      %dma_wait3A_74 = tpu.memref_slice %arg2[%dma_wait3A_72, %dma_wait3A_73] : memref<10000x128xf32, #tpu.memory_space<hbm>> -> memref<10000x128xf32, #tpu.memory_space<hbm>>
      tpu.wait_indirect_dma semaphore(%arg20 : memref<!tpu.dma_semaphore, #tpu.memory_space<semaphore_mem>>) src(%dma_wait3A_74 : memref<10000x128xf32, #tpu.memory_space<hbm>>) dst(%arg15 : memref<80x128xf32, #tpu.memory_space<vmem>>)
      %dma_wait3A_75 = arith.constant 0 : i32
      %dma_wait3A_76 = arith.constant 0 : i32
      %dma_wait3A_77 = tpu.memref_slice %arg3[%dma_wait3A_75, %dma_wait3A_76] : memref<16384x128xf32, #tpu.memory_space<hbm>> -> memref<16384x128xf32, #tpu.memory_space<hbm>>
      tpu.wait_indirect_dma semaphore(%arg20 : memref<!tpu.dma_semaphore, #tpu.memory_space<semaphore_mem>>) src(%dma_wait3A_77 : memref<16384x128xf32, #tpu.memory_space<hbm>>) dst(%arg17 : memref<80x128xf32, #tpu.memory_space<vmem>>)
      %scan3A_78 = arith.constant 0 : i32
      %scan3A_79 = arith.constant 80 : i32
      %scan3A_80 = arith.addi %scan3A_78, %scan3A_79 : i32
      %scan3A_81 = arith.constant 1 : i32
      scf.for %scan3A_106 = %scan3A_78 to %scan3A_80 step %scan3A_81  : i32 {
        %mul3A_107 = arith.constant 1 : i32
        %mul3A_108 = arith.muli %scan3A_106, %mul3A_107 : i32
        %add3A_109 = arith.constant 0 : i32
        %add3A_110 = arith.addi %add3A_109, %mul3A_108 : i32
        %get3A = arith.index_cast %add3A_110 : i32 to index
        %get3A_111 = arith.constant 0 : index
        %get3A_112 = tpu.vector_load %arg15[%get3A, %get3A_111] {strides = array<i32>} : memref<80x128xf32, #tpu.memory_space<vmem>>, vector<16xf32>,
        %get3A_113 = arith.index_cast %add3A_110 : i32 to index
        %get3A_114 = arith.constant 0 : index
        %get3A_115 = tpu.vector_load %arg17[%get3A_113, %get3A_114] {strides = array<i32>} : memref<80x128xf32, #tpu.memory_space<vmem>>, vector<16xf32>,
        %mul3A_116 = arith.mulf %get3A_112, %get3A_115 : vector<16xf32>
        %swap3A = arith.index_cast %add3A_110 : i32 to index
        %swap3A_117 = arith.constant 0 : index
        %swap3A_118 = tpu.vector_load %arg15[%swap3A, %swap3A_117] {strides = array<i32>} : memref<80x128xf32, #tpu.memory_space<vmem>>, vector<16xf32>,
        tpu.vector_store %arg15[%swap3A, %swap3A_117], %mul3A_116 {strides = array<i32>} : memref<80x128xf32, #tpu.memory_space<vmem>>, vector<16xf32>,
        %get3A_119 = arith.index_cast %add3A_110 : i32 to index
        %get3A_120 = arith.constant 16 : index
        %get3A_121 = tpu.vector_load %arg15[%get3A_119, %get3A_120] {strides = array<i32>} : memref<80x128xf32, #tpu.memory_space<vmem>>, vector<16xf32>,
        %get3A_122 = arith.index_cast %add3A_110 : i32 to index
        %get3A_123 = arith.constant 16 : index
        %get3A_124 = tpu.vector_load %arg17[%get3A_122, %get3A_123] {strides = array<i32>} : memref<80x128xf32, #tpu.memory_space<vmem>>, vector<16xf32>,
        %mul3A_125 = arith.mulf %get3A_121, %get3A_124 : vector<16xf32>
        %swap3A_126 = arith.index_cast %add3A_110 : i32 to index
        %swap3A_127 = arith.constant 16 : index
        %swap3A_128 = tpu.vector_load %arg15[%swap3A_126, %swap3A_127] {strides = array<i32>} : memref<80x128xf32, #tpu.memory_space<vmem>>, vector<16xf32>,
        tpu.vector_store %arg15[%swap3A_126, %swap3A_127], %mul3A_125 {strides = array<i32>} : memref<80x128xf32, #tpu.memory_space<vmem>>, vector<16xf32>,
        %get3A_129 = arith.index_cast %add3A_110 : i32 to index
        %get3A_130 = arith.constant 32 : index
        %get3A_131 = tpu.vector_load %arg15[%get3A_129, %get3A_130] {strides = array<i32>} : memref<80x128xf32, #tpu.memory_space<vmem>>, vector<16xf32>,
        %get3A_132 = arith.index_cast %add3A_110 : i32 to index
        %get3A_133 = arith.constant 32 : index
        %get3A_134 = tpu.vector_load %arg17[%get3A_132, %get3A_133] {strides = array<i32>} : memref<80x128xf32, #tpu.memory_space<vmem>>, vector<16xf32>,
        %mul3A_135 = arith.mulf %get3A_131, %get3A_134 : vector<16xf32>
        %swap3A_136 = arith.index_cast %add3A_110 : i32 to index
        %swap3A_137 = arith.constant 32 : index
        %swap3A_138 = tpu.vector_load %arg15[%swap3A_136, %swap3A_137] {strides = array<i32>} : memref<80x128xf32, #tpu.memory_space<vmem>>, vector<16xf32>,
        tpu.vector_store %arg15[%swap3A_136, %swap3A_137], %mul3A_135 {strides = array<i32>} : memref<80x128xf32, #tpu.memory_space<vmem>>, vector<16xf32>,
        %get3A_139 = arith.index_cast %add3A_110 : i32 to index
        %get3A_140 = arith.constant 48 : index
        %get3A_141 = tpu.vector_load %arg15[%get3A_139, %get3A_140] {strides = array<i32>} : memref<80x128xf32, #tpu.memory_space<vmem>>, vector<16xf32>,
        %get3A_142 = arith.index_cast %add3A_110 : i32 to index
        %get3A_143 = arith.constant 48 : index
        %get3A_144 = tpu.vector_load %arg17[%get3A_142, %get3A_143] {strides = array<i32>} : memref<80x128xf32, #tpu.memory_space<vmem>>, vector<16xf32>,
        %mul3A_145 = arith.mulf %get3A_141, %get3A_144 : vector<16xf32>
        %swap3A_146 = arith.index_cast %add3A_110 : i32 to index
        %swap3A_147 = arith.constant 48 : index
        %swap3A_148 = tpu.vector_load %arg15[%swap3A_146, %swap3A_147] {strides = array<i32>} : memref<80x128xf32, #tpu.memory_space<vmem>>, vector<16xf32>,
        tpu.vector_store %arg15[%swap3A_146, %swap3A_147], %mul3A_145 {strides = array<i32>} : memref<80x128xf32, #tpu.memory_space<vmem>>, vector<16xf32>,
        %get3A_149 = arith.index_cast %add3A_110 : i32 to index
        %get3A_150 = arith.constant 64 : index
        %get3A_151 = tpu.vector_load %arg15[%get3A_149, %get3A_150] {strides = array<i32>} : memref<80x128xf32, #tpu.memory_space<vmem>>, vector<16xf32>,
        %get3A_152 = arith.index_cast %add3A_110 : i32 to index
        %get3A_153 = arith.constant 64 : index
        %get3A_154 = tpu.vector_load %arg17[%get3A_152, %get3A_153] {strides = array<i32>} : memref<80x128xf32, #tpu.memory_space<vmem>>, vector<16xf32>,
        %mul3A_155 = arith.mulf %get3A_151, %get3A_154 : vector<16xf32>
        %swap3A_156 = arith.index_cast %add3A_110 : i32 to index
        %swap3A_157 = arith.constant 64 : index
        %swap3A_158 = tpu.vector_load %arg15[%swap3A_156, %swap3A_157] {strides = array<i32>} : memref<80x128xf32, #tpu.memory_space<vmem>>, vector<16xf32>,
        tpu.vector_store %arg15[%swap3A_156, %swap3A_157], %mul3A_155 {strides = array<i32>} : memref<80x128xf32, #tpu.memory_space<vmem>>, vector<16xf32>,
        %get3A_159 = arith.index_cast %add3A_110 : i32 to index
        %get3A_160 = arith.constant 80 : index
        %get3A_161 = tpu.vector_load %arg15[%get3A_159, %get3A_160] {strides = array<i32>} : memref<80x128xf32, #tpu.memory_space<vmem>>, vector<16xf32>,
        %get3A_162 = arith.index_cast %add3A_110 : i32 to index
        %get3A_163 = arith.constant 80 : index
        %get3A_164 = tpu.vector_load %arg17[%get3A_162, %get3A_163] {strides = array<i32>} : memref<80x128xf32, #tpu.memory_space<vmem>>, vector<16xf32>,
        %mul3A_165 = arith.mulf %get3A_161, %get3A_164 : vector<16xf32>
        %swap3A_166 = arith.index_cast %add3A_110 : i32 to index
        %swap3A_167 = arith.constant 80 : index
        %swap3A_168 = tpu.vector_load %arg15[%swap3A_166, %swap3A_167] {strides = array<i32>} : memref<80x128xf32, #tpu.memory_space<vmem>>, vector<16xf32>,
        tpu.vector_store %arg15[%swap3A_166, %swap3A_167], %mul3A_165 {strides = array<i32>} : memref<80x128xf32, #tpu.memory_space<vmem>>, vector<16xf32>,
        %get3A_169 = arith.index_cast %add3A_110 : i32 to index
        %get3A_170 = arith.constant 96 : index
        %get3A_171 = tpu.vector_load %arg15[%get3A_169, %get3A_170] {strides = array<i32>} : memref<80x128xf32, #tpu.memory_space<vmem>>, vector<16xf32>,
        %get3A_172 = arith.index_cast %add3A_110 : i32 to index
        %get3A_173 = arith.constant 96 : index
        %get3A_174 = tpu.vector_load %arg17[%get3A_172, %get3A_173] {strides = array<i32>} : memref<80x128xf32, #tpu.memory_space<vmem>>, vector<16xf32>,
        %mul3A_175 = arith.mulf %get3A_171, %get3A_174 : vector<16xf32>
        %swap3A_176 = arith.index_cast %add3A_110 : i32 to index
        %swap3A_177 = arith.constant 96 : index
        %swap3A_178 = tpu.vector_load %arg15[%swap3A_176, %swap3A_177] {strides = array<i32>} : memref<80x128xf32, #tpu.memory_space<vmem>>, vector<16xf32>,
        tpu.vector_store %arg15[%swap3A_176, %swap3A_177], %mul3A_175 {strides = array<i32>} : memref<80x128xf32, #tpu.memory_space<vmem>>, vector<16xf32>,
        %get3A_179 = arith.index_cast %add3A_110 : i32 to index
        %get3A_180 = arith.constant 112 : index
        %get3A_181 = tpu.vector_load %arg15[%get3A_179, %get3A_180] {strides = array<i32>} : memref<80x128xf32, #tpu.memory_space<vmem>>, vector<16xf32>,
        %get3A_182 = arith.index_cast %add3A_110 : i32 to index
        %get3A_183 = arith.constant 112 : index
        %get3A_184 = tpu.vector_load %arg17[%get3A_182, %get3A_183] {strides = array<i32>} : memref<80x128xf32, #tpu.memory_space<vmem>>, vector<16xf32>,
        %mul3A_185 = arith.mulf %get3A_181, %get3A_184 : vector<16xf32>
        %swap3A_186 = arith.index_cast %add3A_110 : i32 to index
        %swap3A_187 = arith.constant 112 : index
        %swap3A_188 = tpu.vector_load %arg15[%swap3A_186, %swap3A_187] {strides = array<i32>} : memref<80x128xf32, #tpu.memory_space<vmem>>, vector<16xf32>,
        tpu.vector_store %arg15[%swap3A_186, %swap3A_187], %mul3A_185 {strides = array<i32>} : memref<80x128xf32, #tpu.memory_space<vmem>>, vector<16xf32>,
      }
      %scan3A_82 = arith.constant 80 : i32
      %dma_start3A_83 = arith.constant 0 : i32
      %dma_start3A_84 = arith.constant 0 : i32
      %dma_start3A_85 = tpu.memref_slice %arg19[%dma_start3A_83, %dma_start3A_84] : memref<10240x128xf32, #tpu.memory_space<vmem_shared>> -> memref<10240x128xf32, #tpu.memory_space<vmem_shared>>
      tpu.enqueue_indirect_dma source(%arg15 : memref<80x128xf32, #tpu.memory_space<vmem>>) target(%dma_start3A_85 : memref<10240x128xf32, #tpu.memory_space<vmem_shared>>) offsets(%arg13 : memref<80xi32, #tpu.memory_space<vmem>>) semaphore(%arg22 : memref<!tpu.dma_semaphore, #tpu.memory_space<semaphore_mem>>) {add = true}
      %dma_wait3A_86 = arith.constant 0 : i32
      %dma_wait3A_87 = arith.constant 0 : i32
      %dma_wait3A_88 = tpu.memref_slice %arg2[%dma_wait3A_86, %dma_wait3A_87] : memref<10000x128xf32, #tpu.memory_space<hbm>> -> memref<10000x128xf32, #tpu.memory_space<hbm>>
      tpu.wait_indirect_dma semaphore(%arg21 : memref<!tpu.dma_semaphore, #tpu.memory_space<semaphore_mem>>) src(%dma_wait3A_88 : memref<10000x128xf32, #tpu.memory_space<hbm>>) dst(%arg16 : memref<80x128xf32, #tpu.memory_space<vmem>>)
      %dma_wait3A_89 = arith.constant 0 : i32
      %dma_wait3A_90 = arith.constant 0 : i32
      %dma_wait3A_91 = tpu.memref_slice %arg3[%dma_wait3A_89, %dma_wait3A_90] : memref<16384x128xf32, #tpu.memory_space<hbm>> -> memref<16384x128xf32, #tpu.memory_space<hbm>>
      tpu.wait_indirect_dma semaphore(%arg21 : memref<!tpu.dma_semaphore, #tpu.memory_space<semaphore_mem>>) src(%dma_wait3A_91 : memref<16384x128xf32, #tpu.memory_space<hbm>>) dst(%arg18 : memref<80x128xf32, #tpu.memory_space<vmem>>)
      %scan3A_92 = arith.constant 0 : i32
      %scan3A_93 = arith.constant 80 : i32
      %scan3A_94 = arith.addi %scan3A_92, %scan3A_93 : i32
      %scan3A_95 = arith.constant 1 : i32
      scf.for %scan3A_106 = %scan3A_92 to %scan3A_94 step %scan3A_95  : i32 {
        %mul3A_107 = arith.constant 1 : i32
        %mul3A_108 = arith.muli %scan3A_106, %mul3A_107 : i32
        %add3A_109 = arith.constant 0 : i32
        %add3A_110 = arith.addi %add3A_109, %mul3A_108 : i32
        %get3A = arith.index_cast %add3A_110 : i32 to index
        %get3A_111 = arith.constant 0 : index
        %get3A_112 = tpu.vector_load %arg16[%get3A, %get3A_111] {strides = array<i32>} : memref<80x128xf32, #tpu.memory_space<vmem>>, vector<16xf32>,
        %get3A_113 = arith.index_cast %add3A_110 : i32 to index
        %get3A_114 = arith.constant 0 : index
        %get3A_115 = tpu.vector_load %arg18[%get3A_113, %get3A_114] {strides = array<i32>} : memref<80x128xf32, #tpu.memory_space<vmem>>, vector<16xf32>,
        %mul3A_116 = arith.mulf %get3A_112, %get3A_115 : vector<16xf32>
        %swap3A = arith.index_cast %add3A_110 : i32 to index
        %swap3A_117 = arith.constant 0 : index
        %swap3A_118 = tpu.vector_load %arg16[%swap3A, %swap3A_117] {strides = array<i32>} : memref<80x128xf32, #tpu.memory_space<vmem>>, vector<16xf32>,
        tpu.vector_store %arg16[%swap3A, %swap3A_117], %mul3A_116 {strides = array<i32>} : memref<80x128xf32, #tpu.memory_space<vmem>>, vector<16xf32>,
        %get3A_119 = arith.index_cast %add3A_110 : i32 to index
        %get3A_120 = arith.constant 16 : index
        %get3A_121 = tpu.vector_load %arg16[%get3A_119, %get3A_120] {strides = array<i32>} : memref<80x128xf32, #tpu.memory_space<vmem>>, vector<16xf32>,
        %get3A_122 = arith.index_cast %add3A_110 : i32 to index
        %get3A_123 = arith.constant 16 : index
        %get3A_124 = tpu.vector_load %arg18[%get3A_122, %get3A_123] {strides = array<i32>} : memref<80x128xf32, #tpu.memory_space<vmem>>, vector<16xf32>,
        %mul3A_125 = arith.mulf %get3A_121, %get3A_124 : vector<16xf32>
        %swap3A_126 = arith.index_cast %add3A_110 : i32 to index
        %swap3A_127 = arith.constant 16 : index
        %swap3A_128 = tpu.vector_load %arg16[%swap3A_126, %swap3A_127] {strides = array<i32>} : memref<80x128xf32, #tpu.memory_space<vmem>>, vector<16xf32>,
        tpu.vector_store %arg16[%swap3A_126, %swap3A_127], %mul3A_125 {strides = array<i32>} : memref<80x128xf32, #tpu.memory_space<vmem>>, vector<16xf32>,
        %get3A_129 = arith.index_cast %add3A_110 : i32 to index
        %get3A_130 = arith.constant 32 : index
        %get3A_131 = tpu.vector_load %arg16[%get3A_129, %get3A_130] {strides = array<i32>} : memref<80x128xf32, #tpu.memory_space<vmem>>, vector<16xf32>,
        %get3A_132 = arith.index_cast %add3A_110 : i32 to index
        %get3A_133 = arith.constant 32 : index
        %get3A_134 = tpu.vector_load %arg18[%get3A_132, %get3A_133] {strides = array<i32>} : memref<80x128xf32, #tpu.memory_space<vmem>>, vector<16xf32>,
        %mul3A_135 = arith.mulf %get3A_131, %get3A_134 : vector<16xf32>
        %swap3A_136 = arith.index_cast %add3A_110 : i32 to index
        %swap3A_137 = arith.constant 32 : index
        %swap3A_138 = tpu.vector_load %arg16[%swap3A_136, %swap3A_137] {strides = array<i32>} : memref<80x128xf32, #tpu.memory_space<vmem>>, vector<16xf32>,
        tpu.vector_store %arg16[%swap3A_136, %swap3A_137], %mul3A_135 {strides = array<i32>} : memref<80x128xf32, #tpu.memory_space<vmem>>, vector<16xf32>,
        %get3A_139 = arith.index_cast %add3A_110 : i32 to index
        %get3A_140 = arith.constant 48 : index
        %get3A_141 = tpu.vector_load %arg16[%get3A_139, %get3A_140] {strides = array<i32>} : memref<80x128xf32, #tpu.memory_space<vmem>>, vector<16xf32>,
        %get3A_142 = arith.index_cast %add3A_110 : i32 to index
        %get3A_143 = arith.constant 48 : index
        %get3A_144 = tpu.vector_load %arg18[%get3A_142, %get3A_143] {strides = array<i32>} : memref<80x128xf32, #tpu.memory_space<vmem>>, vector<16xf32>,
        %mul3A_145 = arith.mulf %get3A_141, %get3A_144 : vector<16xf32>
        %swap3A_146 = arith.index_cast %add3A_110 : i32 to index
        %swap3A_147 = arith.constant 48 : index
        %swap3A_148 = tpu.vector_load %arg16[%swap3A_146, %swap3A_147] {strides = array<i32>} : memref<80x128xf32, #tpu.memory_space<vmem>>, vector<16xf32>,
        tpu.vector_store %arg16[%swap3A_146, %swap3A_147], %mul3A_145 {strides = array<i32>} : memref<80x128xf32, #tpu.memory_space<vmem>>, vector<16xf32>,
        %get3A_149 = arith.index_cast %add3A_110 : i32 to index
        %get3A_150 = arith.constant 64 : index
        %get3A_151 = tpu.vector_load %arg16[%get3A_149, %get3A_150] {strides = array<i32>} : memref<80x128xf32, #tpu.memory_space<vmem>>, vector<16xf32>,
        %get3A_152 = arith.index_cast %add3A_110 : i32 to index
        %get3A_153 = arith.constant 64 : index
        %get3A_154 = tpu.vector_load %arg18[%get3A_152, %get3A_153] {strides = array<i32>} : memref<80x128xf32, #tpu.memory_space<vmem>>, vector<16xf32>,
        %mul3A_155 = arith.mulf %get3A_151, %get3A_154 : vector<16xf32>
        %swap3A_156 = arith.index_cast %add3A_110 : i32 to index
        %swap3A_157 = arith.constant 64 : index
        %swap3A_158 = tpu.vector_load %arg16[%swap3A_156, %swap3A_157] {strides = array<i32>} : memref<80x128xf32, #tpu.memory_space<vmem>>, vector<16xf32>,
        tpu.vector_store %arg16[%swap3A_156, %swap3A_157], %mul3A_155 {strides = array<i32>} : memref<80x128xf32, #tpu.memory_space<vmem>>, vector<16xf32>,
        %get3A_159 = arith.index_cast %add3A_110 : i32 to index
        %get3A_160 = arith.constant 80 : index
        %get3A_161 = tpu.vector_load %arg16[%get3A_159, %get3A_160] {strides = array<i32>} : memref<80x128xf32, #tpu.memory_space<vmem>>, vector<16xf32>,
        %get3A_162 = arith.index_cast %add3A_110 : i32 to index
        %get3A_163 = arith.constant 80 : index
        %get3A_164 = tpu.vector_load %arg18[%get3A_162, %get3A_163] {strides = array<i32>} : memref<80x128xf32, #tpu.memory_space<vmem>>, vector<16xf32>,
        %mul3A_165 = arith.mulf %get3A_161, %get3A_164 : vector<16xf32>
        %swap3A_166 = arith.index_cast %add3A_110 : i32 to index
        %swap3A_167 = arith.constant 80 : index
        %swap3A_168 = tpu.vector_load %arg16[%swap3A_166, %swap3A_167] {strides = array<i32>} : memref<80x128xf32, #tpu.memory_space<vmem>>, vector<16xf32>,
        tpu.vector_store %arg16[%swap3A_166, %swap3A_167], %mul3A_165 {strides = array<i32>} : memref<80x128xf32, #tpu.memory_space<vmem>>, vector<16xf32>,
        %get3A_169 = arith.index_cast %add3A_110 : i32 to index
        %get3A_170 = arith.constant 96 : index
        %get3A_171 = tpu.vector_load %arg16[%get3A_169, %get3A_170] {strides = array<i32>} : memref<80x128xf32, #tpu.memory_space<vmem>>, vector<16xf32>,
        %get3A_172 = arith.index_cast %add3A_110 : i32 to index
        %get3A_173 = arith.constant 96 : index
        %get3A_174 = tpu.vector_load %arg18[%get3A_172, %get3A_173] {strides = array<i32>} : memref<80x128xf32, #tpu.memory_space<vmem>>, vector<16xf32>,
        %mul3A_175 = arith.mulf %get3A_171, %get3A_174 : vector<16xf32>
        %swap3A_176 = arith.index_cast %add3A_110 : i32 to index
        %swap3A_177 = arith.constant 96 : index
        %swap3A_178 = tpu.vector_load %arg16[%swap3A_176, %swap3A_177] {strides = array<i32>} : memref<80x128xf32, #tpu.memory_space<vmem>>, vector<16xf32>,
        tpu.vector_store %arg16[%swap3A_176, %swap3A_177], %mul3A_175 {strides = array<i32>} : memref<80x128xf32, #tpu.memory_space<vmem>>, vector<16xf32>,
        %get3A_179 = arith.index_cast %add3A_110 : i32 to index
        %get3A_180 = arith.constant 112 : index
        %get3A_181 = tpu.vector_load %arg16[%get3A_179, %get3A_180] {strides = array<i32>} : memref<80x128xf32, #tpu.memory_space<vmem>>, vector<16xf32>,
        %get3A_182 = arith.index_cast %add3A_110 : i32 to index
        %get3A_183 = arith.constant 112 : index
        %get3A_184 = tpu.vector_load %arg18[%get3A_182, %get3A_183] {strides = array<i32>} : memref<80x128xf32, #tpu.memory_space<vmem>>, vector<16xf32>,
        %mul3A_185 = arith.mulf %get3A_181, %get3A_184 : vector<16xf32>
        %swap3A_186 = arith.index_cast %add3A_110 : i32 to index
        %swap3A_187 = arith.constant 112 : index
        %swap3A_188 = tpu.vector_load %arg16[%swap3A_186, %swap3A_187] {strides = array<i32>} : memref<80x128xf32, #tpu.memory_space<vmem>>, vector<16xf32>,
        tpu.vector_store %arg16[%swap3A_186, %swap3A_187], %mul3A_185 {strides = array<i32>} : memref<80x128xf32, #tpu.memory_space<vmem>>, vector<16xf32>,
      }
      %scan3A_96 = arith.constant 80 : i32
      %dma_start3A_97 = arith.constant 0 : i32
      %dma_start3A_98 = arith.constant 0 : i32
      %dma_start3A_99 = tpu.memref_slice %arg19[%dma_start3A_97, %dma_start3A_98] : memref<10240x128xf32, #tpu.memory_space<vmem_shared>> -> memref<10240x128xf32, #tpu.memory_space<vmem_shared>>
      tpu.enqueue_indirect_dma source(%arg16 : memref<80x128xf32, #tpu.memory_space<vmem>>) target(%dma_start3A_99 : memref<10240x128xf32, #tpu.memory_space<vmem_shared>>) offsets(%arg14 : memref<80xi32, #tpu.memory_space<vmem>>) semaphore(%arg23 : memref<!tpu.dma_semaphore, #tpu.memory_space<semaphore_mem>>) {add = true}
      %dma_wait3A_100 = arith.constant 0 : i32
      %dma_wait3A_101 = arith.constant 0 : i32
      %dma_wait3A_102 = tpu.memref_slice %arg19[%dma_wait3A_100, %dma_wait3A_101] : memref<10240x128xf32, #tpu.memory_space<vmem_shared>> -> memref<10240x128xf32, #tpu.memory_space<vmem_shared>>
      tpu.wait_indirect_dma semaphore(%arg22 : memref<!tpu.dma_semaphore, #tpu.memory_space<semaphore_mem>>) src(%arg15 : memref<80x128xf32, #tpu.memory_space<vmem>>) dst(%dma_wait3A_102 : memref<10240x128xf32, #tpu.memory_space<vmem_shared>>)
      %dma_wait3A_103 = arith.constant 0 : i32
      %dma_wait3A_104 = arith.constant 0 : i32
      %dma_wait3A_105 = tpu.memref_slice %arg19[%dma_wait3A_103, %dma_wait3A_104] : memref<10240x128xf32, #tpu.memory_space<vmem_shared>> -> memref<10240x128xf32, #tpu.memory_space<vmem_shared>>
      tpu.wait_indirect_dma semaphore(%arg23 : memref<!tpu.dma_semaphore, #tpu.memory_space<semaphore_mem>>) src(%arg16 : memref<80x128xf32, #tpu.memory_space<vmem>>) dst(%dma_wait3A_105 : memref<10240x128xf32, #tpu.memory_space<vmem_shared>>)
    }
    %scan3A_13 = arith.constant 62 : i32
    %add3A_14 = arith.constant 9920 : i32
    %add3A_15 = arith.addi %mul3A_8, %add3A_14 : i32
    "tpu.region"() ({
      %run_scoped3A = tpu.sem_alloc : memref<!tpu.dma_semaphore, #tpu.memory_space<semaphore_mem>>
      %dma_start3A_43 = tpu.memref_slice %arg5[%add3A_15] : memref<320000xi32, #tpu.memory_space<hbm>> -> memref<80xi32, #tpu.memory_space<hbm>>
      %dma_start3A_44 = tpu.memref_slice %arg5[%add3A_15] : memref<320000xi32, #tpu.memory_space<hbm>> -> memref<80xi32, #tpu.memory_space<hbm>>
      tpu.enqueue_dma source(%dma_start3A_44 : memref<80xi32, #tpu.memory_space<hbm>>) target(%arg9 : memref<80xi32, #tpu.memory_space<vmem>>) target_semaphore(%run_scoped3A : memref<!tpu.dma_semaphore, #tpu.memory_space<semaphore_mem>>)
      %dma_wait3A_45 = tpu.memref_slice %arg5[%add3A_15] : memref<320000xi32, #tpu.memory_space<hbm>> -> memref<80xi32, #tpu.memory_space<hbm>>
      %dma_wait3A_46 = tpu.memref_slice %arg5[%add3A_15] : memref<320000xi32, #tpu.memory_space<hbm>> -> memref<80xi32, #tpu.memory_space<hbm>>
      tpu.wait_dma2 semaphore(%run_scoped3A : memref<!tpu.dma_semaphore, #tpu.memory_space<semaphore_mem>>) src(%dma_wait3A_46 : memref<80xi32, #tpu.memory_space<hbm>>) dst(%arg9 : memref<80xi32, #tpu.memory_space<vmem>>)
      tpu.yield
    }) : () -> ()
    "tpu.region"() ({
      %run_scoped3A = tpu.sem_alloc : memref<!tpu.dma_semaphore, #tpu.memory_space<semaphore_mem>>
      %dma_start3A_43 = tpu.memref_slice %arg6[%add3A_15] : memref<320000xi32, #tpu.memory_space<hbm>> -> memref<80xi32, #tpu.memory_space<hbm>>
      %dma_start3A_44 = tpu.memref_slice %arg6[%add3A_15] : memref<320000xi32, #tpu.memory_space<hbm>> -> memref<80xi32, #tpu.memory_space<hbm>>
      tpu.enqueue_dma source(%dma_start3A_44 : memref<80xi32, #tpu.memory_space<hbm>>) target(%arg11 : memref<80xi32, #tpu.memory_space<vmem>>) target_semaphore(%run_scoped3A : memref<!tpu.dma_semaphore, #tpu.memory_space<semaphore_mem>>)
      %dma_wait3A_45 = tpu.memref_slice %arg6[%add3A_15] : memref<320000xi32, #tpu.memory_space<hbm>> -> memref<80xi32, #tpu.memory_space<hbm>>
      %dma_wait3A_46 = tpu.memref_slice %arg6[%add3A_15] : memref<320000xi32, #tpu.memory_space<hbm>> -> memref<80xi32, #tpu.memory_space<hbm>>
      tpu.wait_dma2 semaphore(%run_scoped3A : memref<!tpu.dma_semaphore, #tpu.memory_space<semaphore_mem>>) src(%dma_wait3A_46 : memref<80xi32, #tpu.memory_space<hbm>>) dst(%arg11 : memref<80xi32, #tpu.memory_space<vmem>>)
      tpu.yield
    }) : () -> ()
    "tpu.region"() ({
      %run_scoped3A = tpu.sem_alloc : memref<!tpu.dma_semaphore, #tpu.memory_space<semaphore_mem>>
      %dma_start3A_43 = tpu.memref_slice %arg4[%add3A_15] : memref<320000xi32, #tpu.memory_space<hbm>> -> memref<80xi32, #tpu.memory_space<hbm>>
      %dma_start3A_44 = tpu.memref_slice %arg4[%add3A_15] : memref<320000xi32, #tpu.memory_space<hbm>> -> memref<80xi32, #tpu.memory_space<hbm>>
      tpu.enqueue_dma source(%dma_start3A_44 : memref<80xi32, #tpu.memory_space<hbm>>) target(%arg13 : memref<80xi32, #tpu.memory_space<vmem>>) target_semaphore(%run_scoped3A : memref<!tpu.dma_semaphore, #tpu.memory_space<semaphore_mem>>)
      %dma_wait3A_45 = tpu.memref_slice %arg4[%add3A_15] : memref<320000xi32, #tpu.memory_space<hbm>> -> memref<80xi32, #tpu.memory_space<hbm>>
      %dma_wait3A_46 = tpu.memref_slice %arg4[%add3A_15] : memref<320000xi32, #tpu.memory_space<hbm>> -> memref<80xi32, #tpu.memory_space<hbm>>
      tpu.wait_dma2 semaphore(%run_scoped3A : memref<!tpu.dma_semaphore, #tpu.memory_space<semaphore_mem>>) src(%dma_wait3A_46 : memref<80xi32, #tpu.memory_space<hbm>>) dst(%arg13 : memref<80xi32, #tpu.memory_space<vmem>>)
      tpu.yield
    }) : () -> ()
    %dma_start3A = arith.constant 0 : i32
    %dma_start3A_16 = arith.constant 0 : i32
    %dma_start3A_17 = tpu.memref_slice %arg2[%dma_start3A, %dma_start3A_16] : memref<10000x128xf32, #tpu.memory_space<hbm>> -> memref<10000x128xf32, #tpu.memory_space<hbm>>
    tpu.enqueue_indirect_dma source(%dma_start3A_17 : memref<10000x128xf32, #tpu.memory_space<hbm>>) target(%arg15 : memref<80x128xf32, #tpu.memory_space<vmem>>) offsets(%arg9 : memref<80xi32, #tpu.memory_space<vmem>>) semaphore(%arg20 : memref<!tpu.dma_semaphore, #tpu.memory_space<semaphore_mem>>)
    %dma_start3A_18 = arith.constant 0 : i32
    %dma_start3A_19 = arith.constant 0 : i32
    %dma_start3A_20 = tpu.memref_slice %arg3[%dma_start3A_18, %dma_start3A_19] : memref<16384x128xf32, #tpu.memory_space<hbm>> -> memref<16384x128xf32, #tpu.memory_space<hbm>>
    tpu.enqueue_indirect_dma source(%dma_start3A_20 : memref<16384x128xf32, #tpu.memory_space<hbm>>) target(%arg17 : memref<80x128xf32, #tpu.memory_space<vmem>>) offsets(%arg11 : memref<80xi32, #tpu.memory_space<vmem>>) semaphore(%arg20 : memref<!tpu.dma_semaphore, #tpu.memory_space<semaphore_mem>>)
    %dma_wait3A = arith.constant 0 : i32
    %dma_wait3A_21 = arith.constant 0 : i32
    %dma_wait3A_22 = tpu.memref_slice %arg2[%dma_wait3A, %dma_wait3A_21] : memref<10000x128xf32, #tpu.memory_space<hbm>> -> memref<10000x128xf32, #tpu.memory_space<hbm>>
    tpu.wait_indirect_dma semaphore(%arg20 : memref<!tpu.dma_semaphore, #tpu.memory_space<semaphore_mem>>) src(%dma_wait3A_22 : memref<10000x128xf32, #tpu.memory_space<hbm>>) dst(%arg15 : memref<80x128xf32, #tpu.memory_space<vmem>>)
    %dma_wait3A_23 = arith.constant 0 : i32
    %dma_wait3A_24 = arith.constant 0 : i32
    %dma_wait3A_25 = tpu.memref_slice %arg3[%dma_wait3A_23, %dma_wait3A_24] : memref<16384x128xf32, #tpu.memory_space<hbm>> -> memref<16384x128xf32, #tpu.memory_space<hbm>>
    tpu.wait_indirect_dma semaphore(%arg20 : memref<!tpu.dma_semaphore, #tpu.memory_space<semaphore_mem>>) src(%dma_wait3A_25 : memref<16384x128xf32, #tpu.memory_space<hbm>>) dst(%arg17 : memref<80x128xf32, #tpu.memory_space<vmem>>)
    %scan3A_26 = arith.constant 0 : i32
    %scan3A_27 = arith.constant 80 : i32
    %scan3A_28 = arith.addi %scan3A_26, %scan3A_27 : i32
    %scan3A_29 = arith.constant 1 : i32
    scf.for %scan3A_43 = %scan3A_26 to %scan3A_28 step %scan3A_29  : i32 {
      %mul3A_44 = arith.constant 1 : i32
      %mul3A_45 = arith.muli %scan3A_43, %mul3A_44 : i32
      %add3A_46 = arith.constant 0 : i32
      %add3A_47 = arith.addi %add3A_46, %mul3A_45 : i32
      %get3A = arith.index_cast %add3A_47 : i32 to index
      %get3A_48 = arith.constant 0 : index
      %get3A_49 = tpu.vector_load %arg15[%get3A, %get3A_48] {strides = array<i32>} : memref<80x128xf32, #tpu.memory_space<vmem>>, vector<16xf32>,
      %get3A_50 = arith.index_cast %add3A_47 : i32 to index
      %get3A_51 = arith.constant 0 : index
      %get3A_52 = tpu.vector_load %arg17[%get3A_50, %get3A_51] {strides = array<i32>} : memref<80x128xf32, #tpu.memory_space<vmem>>, vector<16xf32>,
      %mul3A_53 = arith.mulf %get3A_49, %get3A_52 : vector<16xf32>
      %swap3A = arith.index_cast %add3A_47 : i32 to index
      %swap3A_54 = arith.constant 0 : index
      %swap3A_55 = tpu.vector_load %arg15[%swap3A, %swap3A_54] {strides = array<i32>} : memref<80x128xf32, #tpu.memory_space<vmem>>, vector<16xf32>,
      tpu.vector_store %arg15[%swap3A, %swap3A_54], %mul3A_53 {strides = array<i32>} : memref<80x128xf32, #tpu.memory_space<vmem>>, vector<16xf32>,
      %get3A_56 = arith.index_cast %add3A_47 : i32 to index
      %get3A_57 = arith.constant 16 : index
      %get3A_58 = tpu.vector_load %arg15[%get3A_56, %get3A_57] {strides = array<i32>} : memref<80x128xf32, #tpu.memory_space<vmem>>, vector<16xf32>,
      %get3A_59 = arith.index_cast %add3A_47 : i32 to index
      %get3A_60 = arith.constant 16 : index
      %get3A_61 = tpu.vector_load %arg17[%get3A_59, %get3A_60] {strides = array<i32>} : memref<80x128xf32, #tpu.memory_space<vmem>>, vector<16xf32>,
      %mul3A_62 = arith.mulf %get3A_58, %get3A_61 : vector<16xf32>
      %swap3A_63 = arith.index_cast %add3A_47 : i32 to index
      %swap3A_64 = arith.constant 16 : index
      %swap3A_65 = tpu.vector_load %arg15[%swap3A_63, %swap3A_64] {strides = array<i32>} : memref<80x128xf32, #tpu.memory_space<vmem>>, vector<16xf32>,
      tpu.vector_store %arg15[%swap3A_63, %swap3A_64], %mul3A_62 {strides = array<i32>} : memref<80x128xf32, #tpu.memory_space<vmem>>, vector<16xf32>,
      %get3A_66 = arith.index_cast %add3A_47 : i32 to index
      %get3A_67 = arith.constant 32 : index
      %get3A_68 = tpu.vector_load %arg15[%get3A_66, %get3A_67] {strides = array<i32>} : memref<80x128xf32, #tpu.memory_space<vmem>>, vector<16xf32>,
      %get3A_69 = arith.index_cast %add3A_47 : i32 to index
      %get3A_70 = arith.constant 32 : index
      %get3A_71 = tpu.vector_load %arg17[%get3A_69, %get3A_70] {strides = array<i32>} : memref<80x128xf32, #tpu.memory_space<vmem>>, vector<16xf32>,
      %mul3A_72 = arith.mulf %get3A_68, %get3A_71 : vector<16xf32>
      %swap3A_73 = arith.index_cast %add3A_47 : i32 to index
      %swap3A_74 = arith.constant 32 : index
      %swap3A_75 = tpu.vector_load %arg15[%swap3A_73, %swap3A_74] {strides = array<i32>} : memref<80x128xf32, #tpu.memory_space<vmem>>, vector<16xf32>,
      tpu.vector_store %arg15[%swap3A_73, %swap3A_74], %mul3A_72 {strides = array<i32>} : memref<80x128xf32, #tpu.memory_space<vmem>>, vector<16xf32>,
      %get3A_76 = arith.index_cast %add3A_47 : i32 to index
      %get3A_77 = arith.constant 48 : index
      %get3A_78 = tpu.vector_load %arg15[%get3A_76, %get3A_77] {strides = array<i32>} : memref<80x128xf32, #tpu.memory_space<vmem>>, vector<16xf32>,
      %get3A_79 = arith.index_cast %add3A_47 : i32 to index
      %get3A_80 = arith.constant 48 : index
      %get3A_81 = tpu.vector_load %arg17[%get3A_79, %get3A_80] {strides = array<i32>} : memref<80x128xf32, #tpu.memory_space<vmem>>, vector<16xf32>,
      %mul3A_82 = arith.mulf %get3A_78, %get3A_81 : vector<16xf32>
      %swap3A_83 = arith.index_cast %add3A_47 : i32 to index
      %swap3A_84 = arith.constant 48 : index
      %swap3A_85 = tpu.vector_load %arg15[%swap3A_83, %swap3A_84] {strides = array<i32>} : memref<80x128xf32, #tpu.memory_space<vmem>>, vector<16xf32>,
      tpu.vector_store %arg15[%swap3A_83, %swap3A_84], %mul3A_82 {strides = array<i32>} : memref<80x128xf32, #tpu.memory_space<vmem>>, vector<16xf32>,
      %get3A_86 = arith.index_cast %add3A_47 : i32 to index
      %get3A_87 = arith.constant 64 : index
      %get3A_88 = tpu.vector_load %arg15[%get3A_86, %get3A_87] {strides = array<i32>} : memref<80x128xf32, #tpu.memory_space<vmem>>, vector<16xf32>,
      %get3A_89 = arith.index_cast %add3A_47 : i32 to index
      %get3A_90 = arith.constant 64 : index
      %get3A_91 = tpu.vector_load %arg17[%get3A_89, %get3A_90] {strides = array<i32>} : memref<80x128xf32, #tpu.memory_space<vmem>>, vector<16xf32>,
      %mul3A_92 = arith.mulf %get3A_88, %get3A_91 : vector<16xf32>
      %swap3A_93 = arith.index_cast %add3A_47 : i32 to index
      %swap3A_94 = arith.constant 64 : index
      %swap3A_95 = tpu.vector_load %arg15[%swap3A_93, %swap3A_94] {strides = array<i32>} : memref<80x128xf32, #tpu.memory_space<vmem>>, vector<16xf32>,
      tpu.vector_store %arg15[%swap3A_93, %swap3A_94], %mul3A_92 {strides = array<i32>} : memref<80x128xf32, #tpu.memory_space<vmem>>, vector<16xf32>,
      %get3A_96 = arith.index_cast %add3A_47 : i32 to index
      %get3A_97 = arith.constant 80 : index
      %get3A_98 = tpu.vector_load %arg15[%get3A_96, %get3A_97] {strides = array<i32>} : memref<80x128xf32, #tpu.memory_space<vmem>>, vector<16xf32>,
      %get3A_99 = arith.index_cast %add3A_47 : i32 to index
      %get3A_100 = arith.constant 80 : index
      %get3A_101 = tpu.vector_load %arg17[%get3A_99, %get3A_100] {strides = array<i32>} : memref<80x128xf32, #tpu.memory_space<vmem>>, vector<16xf32>,
      %mul3A_102 = arith.mulf %get3A_98, %get3A_101 : vector<16xf32>
      %swap3A_103 = arith.index_cast %add3A_47 : i32 to index
      %swap3A_104 = arith.constant 80 : index
      %swap3A_105 = tpu.vector_load %arg15[%swap3A_103, %swap3A_104] {strides = array<i32>} : memref<80x128xf32, #tpu.memory_space<vmem>>, vector<16xf32>,
      tpu.vector_store %arg15[%swap3A_103, %swap3A_104], %mul3A_102 {strides = array<i32>} : memref<80x128xf32, #tpu.memory_space<vmem>>, vector<16xf32>,
      %get3A_106 = arith.index_cast %add3A_47 : i32 to index
      %get3A_107 = arith.constant 96 : index
      %get3A_108 = tpu.vector_load %arg15[%get3A_106, %get3A_107] {strides = array<i32>} : memref<80x128xf32, #tpu.memory_space<vmem>>, vector<16xf32>,
      %get3A_109 = arith.index_cast %add3A_47 : i32 to index
      %get3A_110 = arith.constant 96 : index
      %get3A_111 = tpu.vector_load %arg17[%get3A_109, %get3A_110] {strides = array<i32>} : memref<80x128xf32, #tpu.memory_space<vmem>>, vector<16xf32>,
      %mul3A_112 = arith.mulf %get3A_108, %get3A_111 : vector<16xf32>
      %swap3A_113 = arith.index_cast %add3A_47 : i32 to index
      %swap3A_114 = arith.constant 96 : index
      %swap3A_115 = tpu.vector_load %arg15[%swap3A_113, %swap3A_114] {strides = array<i32>} : memref<80x128xf32, #tpu.memory_space<vmem>>, vector<16xf32>,
      tpu.vector_store %arg15[%swap3A_113, %swap3A_114], %mul3A_112 {strides = array<i32>} : memref<80x128xf32, #tpu.memory_space<vmem>>, vector<16xf32>,
      %get3A_116 = arith.index_cast %add3A_47 : i32 to index
      %get3A_117 = arith.constant 112 : index
      %get3A_118 = tpu.vector_load %arg15[%get3A_116, %get3A_117] {strides = array<i32>} : memref<80x128xf32, #tpu.memory_space<vmem>>, vector<16xf32>,
      %get3A_119 = arith.index_cast %add3A_47 : i32 to index
      %get3A_120 = arith.constant 112 : index
      %get3A_121 = tpu.vector_load %arg17[%get3A_119, %get3A_120] {strides = array<i32>} : memref<80x128xf32, #tpu.memory_space<vmem>>, vector<16xf32>,
      %mul3A_122 = arith.mulf %get3A_118, %get3A_121 : vector<16xf32>
      %swap3A_123 = arith.index_cast %add3A_47 : i32 to index
      %swap3A_124 = arith.constant 112 : index
      %swap3A_125 = tpu.vector_load %arg15[%swap3A_123, %swap3A_124] {strides = array<i32>} : memref<80x128xf32, #tpu.memory_space<vmem>>, vector<16xf32>,
      tpu.vector_store %arg15[%swap3A_123, %swap3A_124], %mul3A_122 {strides = array<i32>} : memref<80x128xf32, #tpu.memory_space<vmem>>, vector<16xf32>,
    }
    %scan3A_30 = arith.constant 80 : i32
    %dma_start3A_31 = arith.constant 0 : i32
    %dma_start3A_32 = arith.constant 0 : i32
    %dma_start3A_33 = tpu.memref_slice %arg19[%dma_start3A_31, %dma_start3A_32] : memref<10240x128xf32, #tpu.memory_space<vmem_shared>> -> memref<10240x128xf32, #tpu.memory_space<vmem_shared>>
    tpu.enqueue_indirect_dma source(%arg15 : memref<80x128xf32, #tpu.memory_space<vmem>>) target(%dma_start3A_33 : memref<10240x128xf32, #tpu.memory_space<vmem_shared>>) offsets(%arg13 : memref<80xi32, #tpu.memory_space<vmem>>) semaphore(%arg22 : memref<!tpu.dma_semaphore, #tpu.memory_space<semaphore_mem>>) {add = true}
    %dma_wait3A_34 = arith.constant 0 : i32
    %dma_wait3A_35 = arith.constant 0 : i32
    %dma_wait3A_36 = tpu.memref_slice %arg19[%dma_wait3A_34, %dma_wait3A_35] : memref<10240x128xf32, #tpu.memory_space<vmem_shared>> -> memref<10240x128xf32, #tpu.memory_space<vmem_shared>>
    tpu.wait_indirect_dma semaphore(%arg22 : memref<!tpu.dma_semaphore, #tpu.memory_space<semaphore_mem>>) src(%arg15 : memref<80x128xf32, #tpu.memory_space<vmem>>) dst(%dma_wait3A_36 : memref<10240x128xf32, #tpu.memory_space<vmem_shared>>)
    %barrier3A_37 = arith.constant 0 : index
    tpu.barrier barrier_id(%barrier3A_37)
    %scan3A_38 = arith.constant 0 : i32
    %scan3A_39 = arith.constant 10 : i32
    %scan3A_40 = arith.addi %scan3A_38, %scan3A_39 : i32
    %scan3A_41 = arith.constant 1 : i32
    scf.for %scan3A_43 = %scan3A_38 to %scan3A_40 step %scan3A_41  : i32 {
      %mul3A_44 = arith.constant 1 : i32
      %mul3A_45 = arith.muli %scan3A_43, %mul3A_44 : i32
      %add3A_46 = arith.constant 0 : i32
      %add3A_47 = arith.addi %add3A_46, %mul3A_45 : i32
      %mul3A_48 = arith.constant 640 : i32
      %mul3A_49 = arith.muli %arg1, %mul3A_48 : i32
      %mul3A_50 = arith.constant 64 : i32
      %mul3A_51 = arith.muli %add3A_47, %mul3A_50 : i32
      %add3A_52 = arith.addi %mul3A_49, %mul3A_51 : i32
      "tpu.region"() ({
        %run_scoped3A = tpu.sem_alloc : memref<!tpu.dma_semaphore, #tpu.memory_space<semaphore_mem>>
        %dma_start3A_53 = arith.constant 0 : i32
        %dma_start3A_54 = arith.constant 0 : i32
        %dma_start3A_55 = tpu.memref_slice %arg15[%dma_start3A_53, %dma_start3A_54] : memref<80x128xf32, #tpu.memory_space<vmem>> -> memref<64x128xf32, #tpu.memory_space<vmem>>
        %dma_start3A_56 = arith.constant 0 : i32
        %dma_start3A_57 = tpu.memref_slice %arg19[%add3A_52, %dma_start3A_56] : memref<10240x128xf32, #tpu.memory_space<vmem_shared>> -> memref<64x128xf32, #tpu.memory_space<vmem_shared>>
        %dma_start3A_58 = arith.constant 0 : i32
        %dma_start3A_59 = arith.constant 0 : i32
        %dma_start3A_60 = tpu.memref_slice %arg15[%dma_start3A_58, %dma_start3A_59] : memref<80x128xf32, #tpu.memory_space<vmem>> -> memref<64x128xf32, #tpu.memory_space<vmem>>
        %dma_start3A_61 = arith.constant 0 : i32
        %dma_start3A_62 = tpu.memref_slice %arg19[%add3A_52, %dma_start3A_61] : memref<10240x128xf32, #tpu.memory_space<vmem_shared>> -> memref<64x128xf32, #tpu.memory_space<vmem_shared>>
        tpu.enqueue_dma source(%dma_start3A_62 : memref<64x128xf32, #tpu.memory_space<vmem_shared>>) target(%dma_start3A_60 : memref<64x128xf32, #tpu.memory_space<vmem>>) target_semaphore(%run_scoped3A : memref<!tpu.dma_semaphore, #tpu.memory_space<semaphore_mem>>)
        %dma_wait3A_63 = arith.constant 0 : i32
        %dma_wait3A_64 = arith.constant 0 : i32
        %dma_wait3A_65 = tpu.memref_slice %arg15[%dma_wait3A_63, %dma_wait3A_64] : memref<80x128xf32, #tpu.memory_space<vmem>> -> memref<64x128xf32, #tpu.memory_space<vmem>>
        %dma_wait3A_66 = arith.constant 0 : i32
        %dma_wait3A_67 = tpu.memref_slice %arg19[%add3A_52, %dma_wait3A_66] : memref<10240x128xf32, #tpu.memory_space<vmem_shared>> -> memref<64x128xf32, #tpu.memory_space<vmem_shared>>
        %dma_wait3A_68 = arith.constant 0 : i32
        %dma_wait3A_69 = arith.constant 0 : i32
        %dma_wait3A_70 = tpu.memref_slice %arg15[%dma_wait3A_68, %dma_wait3A_69] : memref<80x128xf32, #tpu.memory_space<vmem>> -> memref<64x128xf32, #tpu.memory_space<vmem>>
        %dma_wait3A_71 = arith.constant 0 : i32
        %dma_wait3A_72 = tpu.memref_slice %arg19[%add3A_52, %dma_wait3A_71] : memref<10240x128xf32, #tpu.memory_space<vmem_shared>> -> memref<64x128xf32, #tpu.memory_space<vmem_shared>>
        tpu.wait_dma2 semaphore(%run_scoped3A : memref<!tpu.dma_semaphore, #tpu.memory_space<semaphore_mem>>) src(%dma_wait3A_72 : memref<64x128xf32, #tpu.memory_space<vmem_shared>>) dst(%dma_wait3A_70 : memref<64x128xf32, #tpu.memory_space<vmem>>)
        tpu.yield
      }) : () -> ()
      "tpu.region"() ({
        %run_scoped3A = tpu.sem_alloc : memref<!tpu.dma_semaphore, #tpu.memory_space<semaphore_mem>>
        %dma_start3A_53 = arith.constant 0 : i32
        %dma_start3A_54 = arith.constant 0 : i32
        %dma_start3A_55 = tpu.memref_slice %arg15[%dma_start3A_53, %dma_start3A_54] : memref<80x128xf32, #tpu.memory_space<vmem>> -> memref<64x128xf32, #tpu.memory_space<vmem>>
        %dma_start3A_56 = arith.constant 0 : i32
        %dma_start3A_57 = tpu.memref_slice %arg8[%arg0, %add3A_52, %dma_start3A_56] : memref<2x10240x128xf32, #tpu.memory_space<hbm>> -> memref<1x64x128xf32, #tpu.memory_space<hbm>>
        %dma_start3A_58 = tpu.memref_squeeze %dma_start3A_57 : memref<1x64x128xf32, #tpu.memory_space<hbm>> -> memref<64x128xf32, #tpu.memory_space<hbm>>
        %dma_start3A_59 = arith.constant 0 : i32
        %dma_start3A_60 = tpu.memref_slice %arg8[%arg0, %add3A_52, %dma_start3A_59] : memref<2x10240x128xf32, #tpu.memory_space<hbm>> -> memref<1x64x128xf32, #tpu.memory_space<hbm>>
        %dma_start3A_61 = tpu.memref_squeeze %dma_start3A_60 : memref<1x64x128xf32, #tpu.memory_space<hbm>> -> memref<64x128xf32, #tpu.memory_space<hbm>>
        %dma_start3A_62 = arith.constant 0 : i32
        %dma_start3A_63 = arith.constant 0 : i32
        %dma_start3A_64 = tpu.memref_slice %arg15[%dma_start3A_62, %dma_start3A_63] : memref<80x128xf32, #tpu.memory_space<vmem>> -> memref<64x128xf32, #tpu.memory_space<vmem>>
        tpu.enqueue_dma source(%dma_start3A_64 : memref<64x128xf32, #tpu.memory_space<vmem>>) target(%dma_start3A_61 : memref<64x128xf32, #tpu.memory_space<hbm>>) target_semaphore(%run_scoped3A : memref<!tpu.dma_semaphore, #tpu.memory_space<semaphore_mem>>)
        %dma_wait3A_65 = arith.constant 0 : i32
        %dma_wait3A_66 = arith.constant 0 : i32
        %dma_wait3A_67 = tpu.memref_slice %arg15[%dma_wait3A_65, %dma_wait3A_66] : memref<80x128xf32, #tpu.memory_space<vmem>> -> memref<64x128xf32, #tpu.memory_space<vmem>>
        %dma_wait3A_68 = arith.constant 0 : i32
        %dma_wait3A_69 = tpu.memref_slice %arg8[%arg0, %add3A_52, %dma_wait3A_68] : memref<2x10240x128xf32, #tpu.memory_space<hbm>> -> memref<1x64x128xf32, #tpu.memory_space<hbm>>
        %dma_wait3A_70 = tpu.memref_squeeze %dma_wait3A_69 : memref<1x64x128xf32, #tpu.memory_space<hbm>> -> memref<64x128xf32, #tpu.memory_space<hbm>>
        %dma_wait3A_71 = arith.constant 0 : i32
        %dma_wait3A_72 = tpu.memref_slice %arg8[%arg0, %add3A_52, %dma_wait3A_71] : memref<2x10240x128xf32, #tpu.memory_space<hbm>> -> memref<1x64x128xf32, #tpu.memory_space<hbm>>
        %dma_wait3A_73 = tpu.memref_squeeze %dma_wait3A_72 : memref<1x64x128xf32, #tpu.memory_space<hbm>> -> memref<64x128xf32, #tpu.memory_space<hbm>>
        %dma_wait3A_74 = arith.constant 0 : i32
        %dma_wait3A_75 = arith.constant 0 : i32
        %dma_wait3A_76 = tpu.memref_slice %arg15[%dma_wait3A_74, %dma_wait3A_75] : memref<80x128xf32, #tpu.memory_space<vmem>> -> memref<64x128xf32, #tpu.memory_space<vmem>>
        tpu.wait_dma2 semaphore(%run_scoped3A : memref<!tpu.dma_semaphore, #tpu.memory_space<semaphore_mem>>) src(%dma_wait3A_76 : memref<64x128xf32, #tpu.memory_space<vmem>>) dst(%dma_wait3A_73 : memref<64x128xf32, #tpu.memory_space<hbm>>)
        tpu.yield
      }) : () -> ()
    }
    %scan3A_42 = arith.constant 10 : i32
    return
  }
}

#map = affine_map<(d0, d1) -> (0, 0)>
#map1 = affine_map<(d0, d1) -> (0)>
#map2 = affine_map<(d0, d1) -> (0, 0, 0)>
module attributes {stable_mosaic.version = 14 : i64} {
  func.func @_msg_body(%arg0: i32, %arg1: i32, %arg2: memref<10000x128xf32, #tpu.memory_space<hbm>>, %arg3: memref<16384x128xf32, #tpu.memory_space<hbm>>, %arg4: memref<320000xi32, #tpu.memory_space<hbm>>, %arg5: memref<320000xi32, #tpu.memory_space<hbm>>, %arg6: memref<320000xi32, #tpu.memory_space<hbm>>, %arg7: memref<64x128xf32, #tpu.memory_space<hbm>>, %arg8: memref<2x10240x128xf32, #tpu.memory_space<hbm>>, %arg9: memref<80xi32, #tpu.memory_space<vmem>>, %arg10: memref<80xi32, #tpu.memory_space<vmem>>, %arg11: memref<80xi32, #tpu.memory_space<vmem>>, %arg12: memref<80xi32, #tpu.memory_space<vmem>>, %arg13: memref<80xi32, #tpu.memory_space<vmem>>, %arg14: memref<80xi32, #tpu.memory_space<vmem>>, %arg15: memref<80x128xf32, #tpu.memory_space<vmem>>, %arg16: memref<80x128xf32, #tpu.memory_space<vmem>>, %arg17: memref<80x128xf32, #tpu.memory_space<vmem>>, %arg18: memref<80x128xf32, #tpu.memory_space<vmem>>, %arg19: memref<10240x128xf32, #tpu.memory_space<vmem_shared>>, %arg20: memref<!tpu.dma_semaphore, #tpu.memory_space<semaphore_mem>>, %arg21: memref<!tpu.dma_semaphore, #tpu.memory_space<semaphore_mem>>, %arg22: memref<!tpu.dma_semaphore, #tpu.memory_space<semaphore_mem>>, %arg23: memref<!tpu.dma_semaphore, #tpu.memory_space<semaphore_mem>>) attributes {dimension_semantics = [#tpu.dimension_semantics<core_parallel>, #tpu.dimension_semantics<subcore_parallel>], iteration_bounds = array<i64: 2, 16>, scalar_prefetch = 0 : i64, scratch_operands = 15 : i64, tpu.core_type = #tpu.core_type<sc_vector_subcore>, window_params = [{transform_indices = #map}, {transform_indices = #map}, {transform_indices = #map1}, {transform_indices = #map1}, {transform_indices = #map1}, {transform_indices = #map}, {transform_indices = #map2}]} {
    %mul3A = arith.constant 2 : i32
    %mul3A_0 = arith.muli %arg1, %mul3A : i32
    %add3A = arith.addi %mul3A_0, %arg0 : i32
    "tpu.region"() ({
      %run_scoped3A = tpu.sem_alloc : memref<!tpu.dma_semaphore, #tpu.memory_space<semaphore_mem>>
      %dma_start3A_43 = arith.constant 0 : i32
      %dma_start3A_44 = arith.constant 0 : i32
      %dma_start3A_45 = tpu.memref_slice %arg15[%dma_start3A_43, %dma_start3A_44] : memref<80x128xf32, #tpu.memory_space<vmem>> -> memref<64x128xf32, #tpu.memory_space<vmem>>
      %dma_start3A_46 = arith.constant 0 : i32
      %dma_start3A_47 = arith.constant 0 : i32
      %dma_start3A_48 = tpu.memref_slice %arg15[%dma_start3A_46, %dma_start3A_47] : memref<80x128xf32, #tpu.memory_space<vmem>> -> memref<64x128xf32, #tpu.memory_space<vmem>>
      tpu.enqueue_dma source(%arg7 : memref<64x128xf32, #tpu.memory_space<hbm>>) target(%dma_start3A_48 : memref<64x128xf32, #tpu.memory_space<vmem>>) target_semaphore(%run_scoped3A : memref<!tpu.dma_semaphore, #tpu.memory_space<semaphore_mem>>)
      %dma_wait3A_49 = arith.constant 0 : i32
      %dma_wait3A_50 = arith.constant 0 : i32
      %dma_wait3A_51 = tpu.memref_slice %arg15[%dma_wait3A_49, %dma_wait3A_50] : memref<80x128xf32, #tpu.memory_space<vmem>> -> memref<64x128xf32, #tpu.memory_space<vmem>>
      %dma_wait3A_52 = arith.constant 0 : i32
      %dma_wait3A_53 = arith.constant 0 : i32
      %dma_wait3A_54 = tpu.memref_slice %arg15[%dma_wait3A_52, %dma_wait3A_53] : memref<80x128xf32, #tpu.memory_space<vmem>> -> memref<64x128xf32, #tpu.memory_space<vmem>>
      tpu.wait_dma2 semaphore(%run_scoped3A : memref<!tpu.dma_semaphore, #tpu.memory_space<semaphore_mem>>) src(%arg7 : memref<64x128xf32, #tpu.memory_space<hbm>>) dst(%dma_wait3A_54 : memref<64x128xf32, #tpu.memory_space<vmem>>)
      tpu.yield
    }) : () -> ()
    %scan3A = arith.constant 0 : i32
    %scan3A_1 = arith.constant 10 : i32
    %scan3A_2 = arith.addi %scan3A, %scan3A_1 : i32
    %scan3A_3 = arith.constant 1 : i32
    scf.for %scan3A_43 = %scan3A to %scan3A_2 step %scan3A_3  : i32 {
      %mul3A_44 = arith.constant 1 : i32
      %mul3A_45 = arith.muli %scan3A_43, %mul3A_44 : i32
      %add3A_46 = arith.constant 0 : i32
      %add3A_47 = arith.addi %add3A_46, %mul3A_45 : i32
      %mul3A_48 = arith.constant 640 : i32
      %mul3A_49 = arith.muli %arg1, %mul3A_48 : i32
      %mul3A_50 = arith.constant 64 : i32
      %mul3A_51 = arith.muli %add3A_47, %mul3A_50 : i32
      %add3A_52 = arith.addi %mul3A_49, %mul3A_51 : i32
      "tpu.region"() ({
        %run_scoped3A = tpu.sem_alloc : memref<!tpu.dma_semaphore, #tpu.memory_space<semaphore_mem>>
        %dma_start3A_53 = arith.constant 0 : i32
        %dma_start3A_54 = arith.constant 0 : i32
        %dma_start3A_55 = tpu.memref_slice %arg15[%dma_start3A_53, %dma_start3A_54] : memref<80x128xf32, #tpu.memory_space<vmem>> -> memref<64x128xf32, #tpu.memory_space<vmem>>
        %dma_start3A_56 = arith.constant 0 : i32
        %dma_start3A_57 = tpu.memref_slice %arg19[%add3A_52, %dma_start3A_56] : memref<10240x128xf32, #tpu.memory_space<vmem_shared>> -> memref<64x128xf32, #tpu.memory_space<vmem_shared>>
        %dma_start3A_58 = arith.constant 0 : i32
        %dma_start3A_59 = tpu.memref_slice %arg19[%add3A_52, %dma_start3A_58] : memref<10240x128xf32, #tpu.memory_space<vmem_shared>> -> memref<64x128xf32, #tpu.memory_space<vmem_shared>>
        %dma_start3A_60 = arith.constant 0 : i32
        %dma_start3A_61 = arith.constant 0 : i32
        %dma_start3A_62 = tpu.memref_slice %arg15[%dma_start3A_60, %dma_start3A_61] : memref<80x128xf32, #tpu.memory_space<vmem>> -> memref<64x128xf32, #tpu.memory_space<vmem>>
        tpu.enqueue_dma source(%dma_start3A_62 : memref<64x128xf32, #tpu.memory_space<vmem>>) target(%dma_start3A_59 : memref<64x128xf32, #tpu.memory_space<vmem_shared>>) target_semaphore(%run_scoped3A : memref<!tpu.dma_semaphore, #tpu.memory_space<semaphore_mem>>)
        %dma_wait3A_63 = arith.constant 0 : i32
        %dma_wait3A_64 = arith.constant 0 : i32
        %dma_wait3A_65 = tpu.memref_slice %arg15[%dma_wait3A_63, %dma_wait3A_64] : memref<80x128xf32, #tpu.memory_space<vmem>> -> memref<64x128xf32, #tpu.memory_space<vmem>>
        %dma_wait3A_66 = arith.constant 0 : i32
        %dma_wait3A_67 = tpu.memref_slice %arg19[%add3A_52, %dma_wait3A_66] : memref<10240x128xf32, #tpu.memory_space<vmem_shared>> -> memref<64x128xf32, #tpu.memory_space<vmem_shared>>
        %dma_wait3A_68 = arith.constant 0 : i32
        %dma_wait3A_69 = tpu.memref_slice %arg19[%add3A_52, %dma_wait3A_68] : memref<10240x128xf32, #tpu.memory_space<vmem_shared>> -> memref<64x128xf32, #tpu.memory_space<vmem_shared>>
        %dma_wait3A_70 = arith.constant 0 : i32
        %dma_wait3A_71 = arith.constant 0 : i32
        %dma_wait3A_72 = tpu.memref_slice %arg15[%dma_wait3A_70, %dma_wait3A_71] : memref<80x128xf32, #tpu.memory_space<vmem>> -> memref<64x128xf32, #tpu.memory_space<vmem>>
        tpu.wait_dma2 semaphore(%run_scoped3A : memref<!tpu.dma_semaphore, #tpu.memory_space<semaphore_mem>>) src(%dma_wait3A_72 : memref<64x128xf32, #tpu.memory_space<vmem>>) dst(%dma_wait3A_69 : memref<64x128xf32, #tpu.memory_space<vmem_shared>>)
        tpu.yield
      }) : () -> ()
    }
    %scan3A_4 = arith.constant 10 : i32
    %barrier3A = arith.constant 0 : index
    tpu.barrier barrier_id(%barrier3A)
    %mul3A_5 = arith.constant 125 : i32
    %mul3A_6 = arith.muli %add3A, %mul3A_5 : i32
    %mul3A_7 = arith.constant 80 : i32
    %mul3A_8 = arith.muli %mul3A_6, %mul3A_7 : i32
    %scan3A_9 = arith.constant 0 : i32
    %scan3A_10 = arith.constant 62 : i32
    %scan3A_11 = arith.addi %scan3A_9, %scan3A_10 : i32
    %scan3A_12 = arith.constant 1 : i32
    scf.for %scan3A_43 = %scan3A_9 to %scan3A_11 step %scan3A_12  : i32 {
      %mul3A_44 = arith.constant 1 : i32
      %mul3A_45 = arith.muli %scan3A_43, %mul3A_44 : i32
      %add3A_46 = arith.constant 0 : i32
      %add3A_47 = arith.addi %add3A_46, %mul3A_45 : i32
      %mul3A_48 = arith.constant 2 : i32
      %mul3A_49 = arith.muli %mul3A_48, %add3A_47 : i32
      %mul3A_50 = arith.constant 80 : i32
      %mul3A_51 = arith.muli %mul3A_49, %mul3A_50 : i32
      %add3A_52 = arith.addi %mul3A_8, %mul3A_51 : i32
      "tpu.region"() ({
        %run_scoped3A = tpu.sem_alloc : memref<!tpu.dma_semaphore, #tpu.memory_space<semaphore_mem>>
        %dma_start3A_106 = tpu.memref_slice %arg5[%add3A_52] : memref<320000xi32, #tpu.memory_space<hbm>> -> memref<80xi32, #tpu.memory_space<hbm>>
        %dma_start3A_107 = tpu.memref_slice %arg5[%add3A_52] : memref<320000xi32, #tpu.memory_space<hbm>> -> memref<80xi32, #tpu.memory_space<hbm>>
        tpu.enqueue_dma source(%dma_start3A_107 : memref<80xi32, #tpu.memory_space<hbm>>) target(%arg9 : memref<80xi32, #tpu.memory_space<vmem>>) target_semaphore(%run_scoped3A : memref<!tpu.dma_semaphore, #tpu.memory_space<semaphore_mem>>)
        %dma_wait3A_108 = tpu.memref_slice %arg5[%add3A_52] : memref<320000xi32, #tpu.memory_space<hbm>> -> memref<80xi32, #tpu.memory_space<hbm>>
        %dma_wait3A_109 = tpu.memref_slice %arg5[%add3A_52] : memref<320000xi32, #tpu.memory_space<hbm>> -> memref<80xi32, #tpu.memory_space<hbm>>
        tpu.wait_dma2 semaphore(%run_scoped3A : memref<!tpu.dma_semaphore, #tpu.memory_space<semaphore_mem>>) src(%dma_wait3A_109 : memref<80xi32, #tpu.memory_space<hbm>>) dst(%arg9 : memref<80xi32, #tpu.memory_space<vmem>>)
        tpu.yield
      }) : () -> ()
      "tpu.region"() ({
        %run_scoped3A = tpu.sem_alloc : memref<!tpu.dma_semaphore, #tpu.memory_space<semaphore_mem>>
        %dma_start3A_106 = tpu.memref_slice %arg6[%add3A_52] : memref<320000xi32, #tpu.memory_space<hbm>> -> memref<80xi32, #tpu.memory_space<hbm>>
        %dma_start3A_107 = tpu.memref_slice %arg6[%add3A_52] : memref<320000xi32, #tpu.memory_space<hbm>> -> memref<80xi32, #tpu.memory_space<hbm>>
        tpu.enqueue_dma source(%dma_start3A_107 : memref<80xi32, #tpu.memory_space<hbm>>) target(%arg11 : memref<80xi32, #tpu.memory_space<vmem>>) target_semaphore(%run_scoped3A : memref<!tpu.dma_semaphore, #tpu.memory_space<semaphore_mem>>)
        %dma_wait3A_108 = tpu.memref_slice %arg6[%add3A_52] : memref<320000xi32, #tpu.memory_space<hbm>> -> memref<80xi32, #tpu.memory_space<hbm>>
        %dma_wait3A_109 = tpu.memref_slice %arg6[%add3A_52] : memref<320000xi32, #tpu.memory_space<hbm>> -> memref<80xi32, #tpu.memory_space<hbm>>
        tpu.wait_dma2 semaphore(%run_scoped3A : memref<!tpu.dma_semaphore, #tpu.memory_space<semaphore_mem>>) src(%dma_wait3A_109 : memref<80xi32, #tpu.memory_space<hbm>>) dst(%arg11 : memref<80xi32, #tpu.memory_space<vmem>>)
        tpu.yield
      }) : () -> ()
      "tpu.region"() ({
        %run_scoped3A = tpu.sem_alloc : memref<!tpu.dma_semaphore, #tpu.memory_space<semaphore_mem>>
        %dma_start3A_106 = tpu.memref_slice %arg4[%add3A_52] : memref<320000xi32, #tpu.memory_space<hbm>> -> memref<80xi32, #tpu.memory_space<hbm>>
        %dma_start3A_107 = tpu.memref_slice %arg4[%add3A_52] : memref<320000xi32, #tpu.memory_space<hbm>> -> memref<80xi32, #tpu.memory_space<hbm>>
        tpu.enqueue_dma source(%dma_start3A_107 : memref<80xi32, #tpu.memory_space<hbm>>) target(%arg13 : memref<80xi32, #tpu.memory_space<vmem>>) target_semaphore(%run_scoped3A : memref<!tpu.dma_semaphore, #tpu.memory_space<semaphore_mem>>)
        %dma_wait3A_108 = tpu.memref_slice %arg4[%add3A_52] : memref<320000xi32, #tpu.memory_space<hbm>> -> memref<80xi32, #tpu.memory_space<hbm>>
        %dma_wait3A_109 = tpu.memref_slice %arg4[%add3A_52] : memref<320000xi32, #tpu.memory_space<hbm>> -> memref<80xi32, #tpu.memory_space<hbm>>
        tpu.wait_dma2 semaphore(%run_scoped3A : memref<!tpu.dma_semaphore, #tpu.memory_space<semaphore_mem>>) src(%dma_wait3A_109 : memref<80xi32, #tpu.memory_space<hbm>>) dst(%arg13 : memref<80xi32, #tpu.memory_space<vmem>>)
        tpu.yield
      }) : () -> ()
      %dma_start3A_53 = arith.constant 0 : i32
      %dma_start3A_54 = arith.constant 0 : i32
      %dma_start3A_55 = tpu.memref_slice %arg2[%dma_start3A_53, %dma_start3A_54] : memref<10000x128xf32, #tpu.memory_space<hbm>> -> memref<10000x128xf32, #tpu.memory_space<hbm>>
      tpu.enqueue_indirect_dma source(%dma_start3A_55 : memref<10000x128xf32, #tpu.memory_space<hbm>>) target(%arg15 : memref<80x128xf32, #tpu.memory_space<vmem>>) offsets(%arg9 : memref<80xi32, #tpu.memory_space<vmem>>) semaphore(%arg20 : memref<!tpu.dma_semaphore, #tpu.memory_space<semaphore_mem>>)
      %dma_start3A_56 = arith.constant 0 : i32
      %dma_start3A_57 = arith.constant 0 : i32
      %dma_start3A_58 = tpu.memref_slice %arg3[%dma_start3A_56, %dma_start3A_57] : memref<16384x128xf32, #tpu.memory_space<hbm>> -> memref<16384x128xf32, #tpu.memory_space<hbm>>
      tpu.enqueue_indirect_dma source(%dma_start3A_58 : memref<16384x128xf32, #tpu.memory_space<hbm>>) target(%arg17 : memref<80x128xf32, #tpu.memory_space<vmem>>) offsets(%arg11 : memref<80xi32, #tpu.memory_space<vmem>>) semaphore(%arg20 : memref<!tpu.dma_semaphore, #tpu.memory_space<semaphore_mem>>)
      %mul3A_59 = arith.constant 2 : i32
      %mul3A_60 = arith.muli %mul3A_59, %add3A_47 : i32
      %add3A_61 = arith.constant 1 : i32
      %add3A_62 = arith.addi %mul3A_60, %add3A_61 : i32
      %mul3A_63 = arith.constant 80 : i32
      %mul3A_64 = arith.muli %add3A_62, %mul3A_63 : i32
      %add3A_65 = arith.addi %mul3A_8, %mul3A_64 : i32
      "tpu.region"() ({
        %run_scoped3A = tpu.sem_alloc : memref<!tpu.dma_semaphore, #tpu.memory_space<semaphore_mem>>
        %dma_start3A_106 = tpu.memref_slice %arg5[%add3A_65] : memref<320000xi32, #tpu.memory_space<hbm>> -> memref<80xi32, #tpu.memory_space<hbm>>
        %dma_start3A_107 = tpu.memref_slice %arg5[%add3A_65] : memref<320000xi32, #tpu.memory_space<hbm>> -> memref<80xi32, #tpu.memory_space<hbm>>
        tpu.enqueue_dma source(%dma_start3A_107 : memref<80xi32, #tpu.memory_space<hbm>>) target(%arg10 : memref<80xi32, #tpu.memory_space<vmem>>) target_semaphore(%run_scoped3A : memref<!tpu.dma_semaphore, #tpu.memory_space<semaphore_mem>>)
        %dma_wait3A_108 = tpu.memref_slice %arg5[%add3A_65] : memref<320000xi32, #tpu.memory_space<hbm>> -> memref<80xi32, #tpu.memory_space<hbm>>
        %dma_wait3A_109 = tpu.memref_slice %arg5[%add3A_65] : memref<320000xi32, #tpu.memory_space<hbm>> -> memref<80xi32, #tpu.memory_space<hbm>>
        tpu.wait_dma2 semaphore(%run_scoped3A : memref<!tpu.dma_semaphore, #tpu.memory_space<semaphore_mem>>) src(%dma_wait3A_109 : memref<80xi32, #tpu.memory_space<hbm>>) dst(%arg10 : memref<80xi32, #tpu.memory_space<vmem>>)
        tpu.yield
      }) : () -> ()
      "tpu.region"() ({
        %run_scoped3A = tpu.sem_alloc : memref<!tpu.dma_semaphore, #tpu.memory_space<semaphore_mem>>
        %dma_start3A_106 = tpu.memref_slice %arg6[%add3A_65] : memref<320000xi32, #tpu.memory_space<hbm>> -> memref<80xi32, #tpu.memory_space<hbm>>
        %dma_start3A_107 = tpu.memref_slice %arg6[%add3A_65] : memref<320000xi32, #tpu.memory_space<hbm>> -> memref<80xi32, #tpu.memory_space<hbm>>
        tpu.enqueue_dma source(%dma_start3A_107 : memref<80xi32, #tpu.memory_space<hbm>>) target(%arg12 : memref<80xi32, #tpu.memory_space<vmem>>) target_semaphore(%run_scoped3A : memref<!tpu.dma_semaphore, #tpu.memory_space<semaphore_mem>>)
        %dma_wait3A_108 = tpu.memref_slice %arg6[%add3A_65] : memref<320000xi32, #tpu.memory_space<hbm>> -> memref<80xi32, #tpu.memory_space<hbm>>
        %dma_wait3A_109 = tpu.memref_slice %arg6[%add3A_65] : memref<320000xi32, #tpu.memory_space<hbm>> -> memref<80xi32, #tpu.memory_space<hbm>>
        tpu.wait_dma2 semaphore(%run_scoped3A : memref<!tpu.dma_semaphore, #tpu.memory_space<semaphore_mem>>) src(%dma_wait3A_109 : memref<80xi32, #tpu.memory_space<hbm>>) dst(%arg12 : memref<80xi32, #tpu.memory_space<vmem>>)
        tpu.yield
      }) : () -> ()
      "tpu.region"() ({
        %run_scoped3A = tpu.sem_alloc : memref<!tpu.dma_semaphore, #tpu.memory_space<semaphore_mem>>
        %dma_start3A_106 = tpu.memref_slice %arg4[%add3A_65] : memref<320000xi32, #tpu.memory_space<hbm>> -> memref<80xi32, #tpu.memory_space<hbm>>
        %dma_start3A_107 = tpu.memref_slice %arg4[%add3A_65] : memref<320000xi32, #tpu.memory_space<hbm>> -> memref<80xi32, #tpu.memory_space<hbm>>
        tpu.enqueue_dma source(%dma_start3A_107 : memref<80xi32, #tpu.memory_space<hbm>>) target(%arg14 : memref<80xi32, #tpu.memory_space<vmem>>) target_semaphore(%run_scoped3A : memref<!tpu.dma_semaphore, #tpu.memory_space<semaphore_mem>>)
        %dma_wait3A_108 = tpu.memref_slice %arg4[%add3A_65] : memref<320000xi32, #tpu.memory_space<hbm>> -> memref<80xi32, #tpu.memory_space<hbm>>
        %dma_wait3A_109 = tpu.memref_slice %arg4[%add3A_65] : memref<320000xi32, #tpu.memory_space<hbm>> -> memref<80xi32, #tpu.memory_space<hbm>>
        tpu.wait_dma2 semaphore(%run_scoped3A : memref<!tpu.dma_semaphore, #tpu.memory_space<semaphore_mem>>) src(%dma_wait3A_109 : memref<80xi32, #tpu.memory_space<hbm>>) dst(%arg14 : memref<80xi32, #tpu.memory_space<vmem>>)
        tpu.yield
      }) : () -> ()
      %dma_start3A_66 = arith.constant 0 : i32
      %dma_start3A_67 = arith.constant 0 : i32
      %dma_start3A_68 = tpu.memref_slice %arg2[%dma_start3A_66, %dma_start3A_67] : memref<10000x128xf32, #tpu.memory_space<hbm>> -> memref<10000x128xf32, #tpu.memory_space<hbm>>
      tpu.enqueue_indirect_dma source(%dma_start3A_68 : memref<10000x128xf32, #tpu.memory_space<hbm>>) target(%arg16 : memref<80x128xf32, #tpu.memory_space<vmem>>) offsets(%arg10 : memref<80xi32, #tpu.memory_space<vmem>>) semaphore(%arg21 : memref<!tpu.dma_semaphore, #tpu.memory_space<semaphore_mem>>)
      %dma_start3A_69 = arith.constant 0 : i32
      %dma_start3A_70 = arith.constant 0 : i32
      %dma_start3A_71 = tpu.memref_slice %arg3[%dma_start3A_69, %dma_start3A_70] : memref<16384x128xf32, #tpu.memory_space<hbm>> -> memref<16384x128xf32, #tpu.memory_space<hbm>>
      tpu.enqueue_indirect_dma source(%dma_start3A_71 : memref<16384x128xf32, #tpu.memory_space<hbm>>) target(%arg18 : memref<80x128xf32, #tpu.memory_space<vmem>>) offsets(%arg12 : memref<80xi32, #tpu.memory_space<vmem>>) semaphore(%arg21 : memref<!tpu.dma_semaphore, #tpu.memory_space<semaphore_mem>>)
      %dma_wait3A_72 = arith.constant 0 : i32
      %dma_wait3A_73 = arith.constant 0 : i32
      %dma_wait3A_74 = tpu.memref_slice %arg2[%dma_wait3A_72, %dma_wait3A_73] : memref<10000x128xf32, #tpu.memory_space<hbm>> -> memref<10000x128xf32, #tpu.memory_space<hbm>>
      tpu.wait_indirect_dma semaphore(%arg20 : memref<!tpu.dma_semaphore, #tpu.memory_space<semaphore_mem>>) src(%dma_wait3A_74 : memref<10000x128xf32, #tpu.memory_space<hbm>>) dst(%arg15 : memref<80x128xf32, #tpu.memory_space<vmem>>)
      %dma_wait3A_75 = arith.constant 0 : i32
      %dma_wait3A_76 = arith.constant 0 : i32
      %dma_wait3A_77 = tpu.memref_slice %arg3[%dma_wait3A_75, %dma_wait3A_76] : memref<16384x128xf32, #tpu.memory_space<hbm>> -> memref<16384x128xf32, #tpu.memory_space<hbm>>
      tpu.wait_indirect_dma semaphore(%arg20 : memref<!tpu.dma_semaphore, #tpu.memory_space<semaphore_mem>>) src(%dma_wait3A_77 : memref<16384x128xf32, #tpu.memory_space<hbm>>) dst(%arg17 : memref<80x128xf32, #tpu.memory_space<vmem>>)
      %scan3A_78 = arith.constant 0 : i32
      %scan3A_79 = arith.constant 80 : i32
      %scan3A_80 = arith.addi %scan3A_78, %scan3A_79 : i32
      %scan3A_81 = arith.constant 1 : i32
      scf.for %scan3A_106 = %scan3A_78 to %scan3A_80 step %scan3A_81  : i32 {
        %mul3A_107 = arith.constant 1 : i32
        %mul3A_108 = arith.muli %scan3A_106, %mul3A_107 : i32
        %add3A_109 = arith.constant 0 : i32
        %add3A_110 = arith.addi %add3A_109, %mul3A_108 : i32
        %get3A = arith.index_cast %add3A_110 : i32 to index
        %get3A_111 = arith.constant 0 : index
        %get3A_112 = tpu.vector_load %arg15[%get3A, %get3A_111] {strides = array<i32>} : memref<80x128xf32, #tpu.memory_space<vmem>>, vector<16xf32>,
        %get3A_113 = arith.index_cast %add3A_110 : i32 to index
        %get3A_114 = arith.constant 0 : index
        %get3A_115 = tpu.vector_load %arg17[%get3A_113, %get3A_114] {strides = array<i32>} : memref<80x128xf32, #tpu.memory_space<vmem>>, vector<16xf32>,
        %mul3A_116 = arith.mulf %get3A_112, %get3A_115 : vector<16xf32>
        %swap3A = arith.index_cast %add3A_110 : i32 to index
        %swap3A_117 = arith.constant 0 : index
        %swap3A_118 = tpu.vector_load %arg15[%swap3A, %swap3A_117] {strides = array<i32>} : memref<80x128xf32, #tpu.memory_space<vmem>>, vector<16xf32>,
        tpu.vector_store %arg15[%swap3A, %swap3A_117], %mul3A_116 {strides = array<i32>} : memref<80x128xf32, #tpu.memory_space<vmem>>, vector<16xf32>,
        %get3A_119 = arith.index_cast %add3A_110 : i32 to index
        %get3A_120 = arith.constant 16 : index
        %get3A_121 = tpu.vector_load %arg15[%get3A_119, %get3A_120] {strides = array<i32>} : memref<80x128xf32, #tpu.memory_space<vmem>>, vector<16xf32>,
        %get3A_122 = arith.index_cast %add3A_110 : i32 to index
        %get3A_123 = arith.constant 16 : index
        %get3A_124 = tpu.vector_load %arg17[%get3A_122, %get3A_123] {strides = array<i32>} : memref<80x128xf32, #tpu.memory_space<vmem>>, vector<16xf32>,
        %mul3A_125 = arith.mulf %get3A_121, %get3A_124 : vector<16xf32>
        %swap3A_126 = arith.index_cast %add3A_110 : i32 to index
        %swap3A_127 = arith.constant 16 : index
        %swap3A_128 = tpu.vector_load %arg15[%swap3A_126, %swap3A_127] {strides = array<i32>} : memref<80x128xf32, #tpu.memory_space<vmem>>, vector<16xf32>,
        tpu.vector_store %arg15[%swap3A_126, %swap3A_127], %mul3A_125 {strides = array<i32>} : memref<80x128xf32, #tpu.memory_space<vmem>>, vector<16xf32>,
        %get3A_129 = arith.index_cast %add3A_110 : i32 to index
        %get3A_130 = arith.constant 32 : index
        %get3A_131 = tpu.vector_load %arg15[%get3A_129, %get3A_130] {strides = array<i32>} : memref<80x128xf32, #tpu.memory_space<vmem>>, vector<16xf32>,
        %get3A_132 = arith.index_cast %add3A_110 : i32 to index
        %get3A_133 = arith.constant 32 : index
        %get3A_134 = tpu.vector_load %arg17[%get3A_132, %get3A_133] {strides = array<i32>} : memref<80x128xf32, #tpu.memory_space<vmem>>, vector<16xf32>,
        %mul3A_135 = arith.mulf %get3A_131, %get3A_134 : vector<16xf32>
        %swap3A_136 = arith.index_cast %add3A_110 : i32 to index
        %swap3A_137 = arith.constant 32 : index
        %swap3A_138 = tpu.vector_load %arg15[%swap3A_136, %swap3A_137] {strides = array<i32>} : memref<80x128xf32, #tpu.memory_space<vmem>>, vector<16xf32>,
        tpu.vector_store %arg15[%swap3A_136, %swap3A_137], %mul3A_135 {strides = array<i32>} : memref<80x128xf32, #tpu.memory_space<vmem>>, vector<16xf32>,
        %get3A_139 = arith.index_cast %add3A_110 : i32 to index
        %get3A_140 = arith.constant 48 : index
        %get3A_141 = tpu.vector_load %arg15[%get3A_139, %get3A_140] {strides = array<i32>} : memref<80x128xf32, #tpu.memory_space<vmem>>, vector<16xf32>,
        %get3A_142 = arith.index_cast %add3A_110 : i32 to index
        %get3A_143 = arith.constant 48 : index
        %get3A_144 = tpu.vector_load %arg17[%get3A_142, %get3A_143] {strides = array<i32>} : memref<80x128xf32, #tpu.memory_space<vmem>>, vector<16xf32>,
        %mul3A_145 = arith.mulf %get3A_141, %get3A_144 : vector<16xf32>
        %swap3A_146 = arith.index_cast %add3A_110 : i32 to index
        %swap3A_147 = arith.constant 48 : index
        %swap3A_148 = tpu.vector_load %arg15[%swap3A_146, %swap3A_147] {strides = array<i32>} : memref<80x128xf32, #tpu.memory_space<vmem>>, vector<16xf32>,
        tpu.vector_store %arg15[%swap3A_146, %swap3A_147], %mul3A_145 {strides = array<i32>} : memref<80x128xf32, #tpu.memory_space<vmem>>, vector<16xf32>,
        %get3A_149 = arith.index_cast %add3A_110 : i32 to index
        %get3A_150 = arith.constant 64 : index
        %get3A_151 = tpu.vector_load %arg15[%get3A_149, %get3A_150] {strides = array<i32>} : memref<80x128xf32, #tpu.memory_space<vmem>>, vector<16xf32>,
        %get3A_152 = arith.index_cast %add3A_110 : i32 to index
        %get3A_153 = arith.constant 64 : index
        %get3A_154 = tpu.vector_load %arg17[%get3A_152, %get3A_153] {strides = array<i32>} : memref<80x128xf32, #tpu.memory_space<vmem>>, vector<16xf32>,
        %mul3A_155 = arith.mulf %get3A_151, %get3A_154 : vector<16xf32>
        %swap3A_156 = arith.index_cast %add3A_110 : i32 to index
        %swap3A_157 = arith.constant 64 : index
        %swap3A_158 = tpu.vector_load %arg15[%swap3A_156, %swap3A_157] {strides = array<i32>} : memref<80x128xf32, #tpu.memory_space<vmem>>, vector<16xf32>,
        tpu.vector_store %arg15[%swap3A_156, %swap3A_157], %mul3A_155 {strides = array<i32>} : memref<80x128xf32, #tpu.memory_space<vmem>>, vector<16xf32>,
        %get3A_159 = arith.index_cast %add3A_110 : i32 to index
        %get3A_160 = arith.constant 80 : index
        %get3A_161 = tpu.vector_load %arg15[%get3A_159, %get3A_160] {strides = array<i32>} : memref<80x128xf32, #tpu.memory_space<vmem>>, vector<16xf32>,
        %get3A_162 = arith.index_cast %add3A_110 : i32 to index
        %get3A_163 = arith.constant 80 : index
        %get3A_164 = tpu.vector_load %arg17[%get3A_162, %get3A_163] {strides = array<i32>} : memref<80x128xf32, #tpu.memory_space<vmem>>, vector<16xf32>,
        %mul3A_165 = arith.mulf %get3A_161, %get3A_164 : vector<16xf32>
        %swap3A_166 = arith.index_cast %add3A_110 : i32 to index
        %swap3A_167 = arith.constant 80 : index
        %swap3A_168 = tpu.vector_load %arg15[%swap3A_166, %swap3A_167] {strides = array<i32>} : memref<80x128xf32, #tpu.memory_space<vmem>>, vector<16xf32>,
        tpu.vector_store %arg15[%swap3A_166, %swap3A_167], %mul3A_165 {strides = array<i32>} : memref<80x128xf32, #tpu.memory_space<vmem>>, vector<16xf32>,
        %get3A_169 = arith.index_cast %add3A_110 : i32 to index
        %get3A_170 = arith.constant 96 : index
        %get3A_171 = tpu.vector_load %arg15[%get3A_169, %get3A_170] {strides = array<i32>} : memref<80x128xf32, #tpu.memory_space<vmem>>, vector<16xf32>,
        %get3A_172 = arith.index_cast %add3A_110 : i32 to index
        %get3A_173 = arith.constant 96 : index
        %get3A_174 = tpu.vector_load %arg17[%get3A_172, %get3A_173] {strides = array<i32>} : memref<80x128xf32, #tpu.memory_space<vmem>>, vector<16xf32>,
        %mul3A_175 = arith.mulf %get3A_171, %get3A_174 : vector<16xf32>
        %swap3A_176 = arith.index_cast %add3A_110 : i32 to index
        %swap3A_177 = arith.constant 96 : index
        %swap3A_178 = tpu.vector_load %arg15[%swap3A_176, %swap3A_177] {strides = array<i32>} : memref<80x128xf32, #tpu.memory_space<vmem>>, vector<16xf32>,
        tpu.vector_store %arg15[%swap3A_176, %swap3A_177], %mul3A_175 {strides = array<i32>} : memref<80x128xf32, #tpu.memory_space<vmem>>, vector<16xf32>,
        %get3A_179 = arith.index_cast %add3A_110 : i32 to index
        %get3A_180 = arith.constant 112 : index
        %get3A_181 = tpu.vector_load %arg15[%get3A_179, %get3A_180] {strides = array<i32>} : memref<80x128xf32, #tpu.memory_space<vmem>>, vector<16xf32>,
        %get3A_182 = arith.index_cast %add3A_110 : i32 to index
        %get3A_183 = arith.constant 112 : index
        %get3A_184 = tpu.vector_load %arg17[%get3A_182, %get3A_183] {strides = array<i32>} : memref<80x128xf32, #tpu.memory_space<vmem>>, vector<16xf32>,
        %mul3A_185 = arith.mulf %get3A_181, %get3A_184 : vector<16xf32>
        %swap3A_186 = arith.index_cast %add3A_110 : i32 to index
        %swap3A_187 = arith.constant 112 : index
        %swap3A_188 = tpu.vector_load %arg15[%swap3A_186, %swap3A_187] {strides = array<i32>} : memref<80x128xf32, #tpu.memory_space<vmem>>, vector<16xf32>,
        tpu.vector_store %arg15[%swap3A_186, %swap3A_187], %mul3A_185 {strides = array<i32>} : memref<80x128xf32, #tpu.memory_space<vmem>>, vector<16xf32>,
      }
      %scan3A_82 = arith.constant 80 : i32
      %dma_start3A_83 = arith.constant 0 : i32
      %dma_start3A_84 = arith.constant 0 : i32
      %dma_start3A_85 = tpu.memref_slice %arg19[%dma_start3A_83, %dma_start3A_84] : memref<10240x128xf32, #tpu.memory_space<vmem_shared>> -> memref<10240x128xf32, #tpu.memory_space<vmem_shared>>
      tpu.enqueue_indirect_dma source(%arg15 : memref<80x128xf32, #tpu.memory_space<vmem>>) target(%dma_start3A_85 : memref<10240x128xf32, #tpu.memory_space<vmem_shared>>) offsets(%arg13 : memref<80xi32, #tpu.memory_space<vmem>>) semaphore(%arg22 : memref<!tpu.dma_semaphore, #tpu.memory_space<semaphore_mem>>) {add = true}
      %dma_wait3A_86 = arith.constant 0 : i32
      %dma_wait3A_87 = arith.constant 0 : i32
      %dma_wait3A_88 = tpu.memref_slice %arg2[%dma_wait3A_86, %dma_wait3A_87] : memref<10000x128xf32, #tpu.memory_space<hbm>> -> memref<10000x128xf32, #tpu.memory_space<hbm>>
      tpu.wait_indirect_dma semaphore(%arg21 : memref<!tpu.dma_semaphore, #tpu.memory_space<semaphore_mem>>) src(%dma_wait3A_88 : memref<10000x128xf32, #tpu.memory_space<hbm>>) dst(%arg16 : memref<80x128xf32, #tpu.memory_space<vmem>>)
      %dma_wait3A_89 = arith.constant 0 : i32
      %dma_wait3A_90 = arith.constant 0 : i32
      %dma_wait3A_91 = tpu.memref_slice %arg3[%dma_wait3A_89, %dma_wait3A_90] : memref<16384x128xf32, #tpu.memory_space<hbm>> -> memref<16384x128xf32, #tpu.memory_space<hbm>>
      tpu.wait_indirect_dma semaphore(%arg21 : memref<!tpu.dma_semaphore, #tpu.memory_space<semaphore_mem>>) src(%dma_wait3A_91 : memref<16384x128xf32, #tpu.memory_space<hbm>>) dst(%arg18 : memref<80x128xf32, #tpu.memory_space<vmem>>)
      %scan3A_92 = arith.constant 0 : i32
      %scan3A_93 = arith.constant 80 : i32
      %scan3A_94 = arith.addi %scan3A_92, %scan3A_93 : i32
      %scan3A_95 = arith.constant 1 : i32
      scf.for %scan3A_106 = %scan3A_92 to %scan3A_94 step %scan3A_95  : i32 {
        %mul3A_107 = arith.constant 1 : i32
        %mul3A_108 = arith.muli %scan3A_106, %mul3A_107 : i32
        %add3A_109 = arith.constant 0 : i32
        %add3A_110 = arith.addi %add3A_109, %mul3A_108 : i32
        %get3A = arith.index_cast %add3A_110 : i32 to index
        %get3A_111 = arith.constant 0 : index
        %get3A_112 = tpu.vector_load %arg16[%get3A, %get3A_111] {strides = array<i32>} : memref<80x128xf32, #tpu.memory_space<vmem>>, vector<16xf32>,
        %get3A_113 = arith.index_cast %add3A_110 : i32 to index
        %get3A_114 = arith.constant 0 : index
        %get3A_115 = tpu.vector_load %arg18[%get3A_113, %get3A_114] {strides = array<i32>} : memref<80x128xf32, #tpu.memory_space<vmem>>, vector<16xf32>,
        %mul3A_116 = arith.mulf %get3A_112, %get3A_115 : vector<16xf32>
        %swap3A = arith.index_cast %add3A_110 : i32 to index
        %swap3A_117 = arith.constant 0 : index
        %swap3A_118 = tpu.vector_load %arg16[%swap3A, %swap3A_117] {strides = array<i32>} : memref<80x128xf32, #tpu.memory_space<vmem>>, vector<16xf32>,
        tpu.vector_store %arg16[%swap3A, %swap3A_117], %mul3A_116 {strides = array<i32>} : memref<80x128xf32, #tpu.memory_space<vmem>>, vector<16xf32>,
        %get3A_119 = arith.index_cast %add3A_110 : i32 to index
        %get3A_120 = arith.constant 16 : index
        %get3A_121 = tpu.vector_load %arg16[%get3A_119, %get3A_120] {strides = array<i32>} : memref<80x128xf32, #tpu.memory_space<vmem>>, vector<16xf32>,
        %get3A_122 = arith.index_cast %add3A_110 : i32 to index
        %get3A_123 = arith.constant 16 : index
        %get3A_124 = tpu.vector_load %arg18[%get3A_122, %get3A_123] {strides = array<i32>} : memref<80x128xf32, #tpu.memory_space<vmem>>, vector<16xf32>,
        %mul3A_125 = arith.mulf %get3A_121, %get3A_124 : vector<16xf32>
        %swap3A_126 = arith.index_cast %add3A_110 : i32 to index
        %swap3A_127 = arith.constant 16 : index
        %swap3A_128 = tpu.vector_load %arg16[%swap3A_126, %swap3A_127] {strides = array<i32>} : memref<80x128xf32, #tpu.memory_space<vmem>>, vector<16xf32>,
        tpu.vector_store %arg16[%swap3A_126, %swap3A_127], %mul3A_125 {strides = array<i32>} : memref<80x128xf32, #tpu.memory_space<vmem>>, vector<16xf32>,
        %get3A_129 = arith.index_cast %add3A_110 : i32 to index
        %get3A_130 = arith.constant 32 : index
        %get3A_131 = tpu.vector_load %arg16[%get3A_129, %get3A_130] {strides = array<i32>} : memref<80x128xf32, #tpu.memory_space<vmem>>, vector<16xf32>,
        %get3A_132 = arith.index_cast %add3A_110 : i32 to index
        %get3A_133 = arith.constant 32 : index
        %get3A_134 = tpu.vector_load %arg18[%get3A_132, %get3A_133] {strides = array<i32>} : memref<80x128xf32, #tpu.memory_space<vmem>>, vector<16xf32>,
        %mul3A_135 = arith.mulf %get3A_131, %get3A_134 : vector<16xf32>
        %swap3A_136 = arith.index_cast %add3A_110 : i32 to index
        %swap3A_137 = arith.constant 32 : index
        %swap3A_138 = tpu.vector_load %arg16[%swap3A_136, %swap3A_137] {strides = array<i32>} : memref<80x128xf32, #tpu.memory_space<vmem>>, vector<16xf32>,
        tpu.vector_store %arg16[%swap3A_136, %swap3A_137], %mul3A_135 {strides = array<i32>} : memref<80x128xf32, #tpu.memory_space<vmem>>, vector<16xf32>,
        %get3A_139 = arith.index_cast %add3A_110 : i32 to index
        %get3A_140 = arith.constant 48 : index
        %get3A_141 = tpu.vector_load %arg16[%get3A_139, %get3A_140] {strides = array<i32>} : memref<80x128xf32, #tpu.memory_space<vmem>>, vector<16xf32>,
        %get3A_142 = arith.index_cast %add3A_110 : i32 to index
        %get3A_143 = arith.constant 48 : index
        %get3A_144 = tpu.vector_load %arg18[%get3A_142, %get3A_143] {strides = array<i32>} : memref<80x128xf32, #tpu.memory_space<vmem>>, vector<16xf32>,
        %mul3A_145 = arith.mulf %get3A_141, %get3A_144 : vector<16xf32>
        %swap3A_146 = arith.index_cast %add3A_110 : i32 to index
        %swap3A_147 = arith.constant 48 : index
        %swap3A_148 = tpu.vector_load %arg16[%swap3A_146, %swap3A_147] {strides = array<i32>} : memref<80x128xf32, #tpu.memory_space<vmem>>, vector<16xf32>,
        tpu.vector_store %arg16[%swap3A_146, %swap3A_147], %mul3A_145 {strides = array<i32>} : memref<80x128xf32, #tpu.memory_space<vmem>>, vector<16xf32>,
        %get3A_149 = arith.index_cast %add3A_110 : i32 to index
        %get3A_150 = arith.constant 64 : index
        %get3A_151 = tpu.vector_load %arg16[%get3A_149, %get3A_150] {strides = array<i32>} : memref<80x128xf32, #tpu.memory_space<vmem>>, vector<16xf32>,
        %get3A_152 = arith.index_cast %add3A_110 : i32 to index
        %get3A_153 = arith.constant 64 : index
        %get3A_154 = tpu.vector_load %arg18[%get3A_152, %get3A_153] {strides = array<i32>} : memref<80x128xf32, #tpu.memory_space<vmem>>, vector<16xf32>,
        %mul3A_155 = arith.mulf %get3A_151, %get3A_154 : vector<16xf32>
        %swap3A_156 = arith.index_cast %add3A_110 : i32 to index
        %swap3A_157 = arith.constant 64 : index
        %swap3A_158 = tpu.vector_load %arg16[%swap3A_156, %swap3A_157] {strides = array<i32>} : memref<80x128xf32, #tpu.memory_space<vmem>>, vector<16xf32>,
        tpu.vector_store %arg16[%swap3A_156, %swap3A_157], %mul3A_155 {strides = array<i32>} : memref<80x128xf32, #tpu.memory_space<vmem>>, vector<16xf32>,
        %get3A_159 = arith.index_cast %add3A_110 : i32 to index
        %get3A_160 = arith.constant 80 : index
        %get3A_161 = tpu.vector_load %arg16[%get3A_159, %get3A_160] {strides = array<i32>} : memref<80x128xf32, #tpu.memory_space<vmem>>, vector<16xf32>,
        %get3A_162 = arith.index_cast %add3A_110 : i32 to index
        %get3A_163 = arith.constant 80 : index
        %get3A_164 = tpu.vector_load %arg18[%get3A_162, %get3A_163] {strides = array<i32>} : memref<80x128xf32, #tpu.memory_space<vmem>>, vector<16xf32>,
        %mul3A_165 = arith.mulf %get3A_161, %get3A_164 : vector<16xf32>
        %swap3A_166 = arith.index_cast %add3A_110 : i32 to index
        %swap3A_167 = arith.constant 80 : index
        %swap3A_168 = tpu.vector_load %arg16[%swap3A_166, %swap3A_167] {strides = array<i32>} : memref<80x128xf32, #tpu.memory_space<vmem>>, vector<16xf32>,
        tpu.vector_store %arg16[%swap3A_166, %swap3A_167], %mul3A_165 {strides = array<i32>} : memref<80x128xf32, #tpu.memory_space<vmem>>, vector<16xf32>,
        %get3A_169 = arith.index_cast %add3A_110 : i32 to index
        %get3A_170 = arith.constant 96 : index
        %get3A_171 = tpu.vector_load %arg16[%get3A_169, %get3A_170] {strides = array<i32>} : memref<80x128xf32, #tpu.memory_space<vmem>>, vector<16xf32>,
        %get3A_172 = arith.index_cast %add3A_110 : i32 to index
        %get3A_173 = arith.constant 96 : index
        %get3A_174 = tpu.vector_load %arg18[%get3A_172, %get3A_173] {strides = array<i32>} : memref<80x128xf32, #tpu.memory_space<vmem>>, vector<16xf32>,
        %mul3A_175 = arith.mulf %get3A_171, %get3A_174 : vector<16xf32>
        %swap3A_176 = arith.index_cast %add3A_110 : i32 to index
        %swap3A_177 = arith.constant 96 : index
        %swap3A_178 = tpu.vector_load %arg16[%swap3A_176, %swap3A_177] {strides = array<i32>} : memref<80x128xf32, #tpu.memory_space<vmem>>, vector<16xf32>,
        tpu.vector_store %arg16[%swap3A_176, %swap3A_177], %mul3A_175 {strides = array<i32>} : memref<80x128xf32, #tpu.memory_space<vmem>>, vector<16xf32>,
        %get3A_179 = arith.index_cast %add3A_110 : i32 to index
        %get3A_180 = arith.constant 112 : index
        %get3A_181 = tpu.vector_load %arg16[%get3A_179, %get3A_180] {strides = array<i32>} : memref<80x128xf32, #tpu.memory_space<vmem>>, vector<16xf32>,
        %get3A_182 = arith.index_cast %add3A_110 : i32 to index
        %get3A_183 = arith.constant 112 : index
        %get3A_184 = tpu.vector_load %arg18[%get3A_182, %get3A_183] {strides = array<i32>} : memref<80x128xf32, #tpu.memory_space<vmem>>, vector<16xf32>,
        %mul3A_185 = arith.mulf %get3A_181, %get3A_184 : vector<16xf32>
        %swap3A_186 = arith.index_cast %add3A_110 : i32 to index
        %swap3A_187 = arith.constant 112 : index
        %swap3A_188 = tpu.vector_load %arg16[%swap3A_186, %swap3A_187] {strides = array<i32>} : memref<80x128xf32, #tpu.memory_space<vmem>>, vector<16xf32>,
        tpu.vector_store %arg16[%swap3A_186, %swap3A_187], %mul3A_185 {strides = array<i32>} : memref<80x128xf32, #tpu.memory_space<vmem>>, vector<16xf32>,
      }
      %scan3A_96 = arith.constant 80 : i32
      %dma_start3A_97 = arith.constant 0 : i32
      %dma_start3A_98 = arith.constant 0 : i32
      %dma_start3A_99 = tpu.memref_slice %arg19[%dma_start3A_97, %dma_start3A_98] : memref<10240x128xf32, #tpu.memory_space<vmem_shared>> -> memref<10240x128xf32, #tpu.memory_space<vmem_shared>>
      tpu.enqueue_indirect_dma source(%arg16 : memref<80x128xf32, #tpu.memory_space<vmem>>) target(%dma_start3A_99 : memref<10240x128xf32, #tpu.memory_space<vmem_shared>>) offsets(%arg14 : memref<80xi32, #tpu.memory_space<vmem>>) semaphore(%arg23 : memref<!tpu.dma_semaphore, #tpu.memory_space<semaphore_mem>>) {add = true}
      %dma_wait3A_100 = arith.constant 0 : i32
      %dma_wait3A_101 = arith.constant 0 : i32
      %dma_wait3A_102 = tpu.memref_slice %arg19[%dma_wait3A_100, %dma_wait3A_101] : memref<10240x128xf32, #tpu.memory_space<vmem_shared>> -> memref<10240x128xf32, #tpu.memory_space<vmem_shared>>
      tpu.wait_indirect_dma semaphore(%arg22 : memref<!tpu.dma_semaphore, #tpu.memory_space<semaphore_mem>>) src(%arg15 : memref<80x128xf32, #tpu.memory_space<vmem>>) dst(%dma_wait3A_102 : memref<10240x128xf32, #tpu.memory_space<vmem_shared>>)
      %dma_wait3A_103 = arith.constant 0 : i32
      %dma_wait3A_104 = arith.constant 0 : i32
      %dma_wait3A_105 = tpu.memref_slice %arg19[%dma_wait3A_103, %dma_wait3A_104] : memref<10240x128xf32, #tpu.memory_space<vmem_shared>> -> memref<10240x128xf32, #tpu.memory_space<vmem_shared>>
      tpu.wait_indirect_dma semaphore(%arg23 : memref<!tpu.dma_semaphore, #tpu.memory_space<semaphore_mem>>) src(%arg16 : memref<80x128xf32, #tpu.memory_space<vmem>>) dst(%dma_wait3A_105 : memref<10240x128xf32, #tpu.memory_space<vmem_shared>>)
    }
    %scan3A_13 = arith.constant 62 : i32
    %add3A_14 = arith.constant 9920 : i32
    %add3A_15 = arith.addi %mul3A_8, %add3A_14 : i32
    "tpu.region"() ({
      %run_scoped3A = tpu.sem_alloc : memref<!tpu.dma_semaphore, #tpu.memory_space<semaphore_mem>>
      %dma_start3A_43 = tpu.memref_slice %arg5[%add3A_15] : memref<320000xi32, #tpu.memory_space<hbm>> -> memref<80xi32, #tpu.memory_space<hbm>>
      %dma_start3A_44 = tpu.memref_slice %arg5[%add3A_15] : memref<320000xi32, #tpu.memory_space<hbm>> -> memref<80xi32, #tpu.memory_space<hbm>>
      tpu.enqueue_dma source(%dma_start3A_44 : memref<80xi32, #tpu.memory_space<hbm>>) target(%arg9 : memref<80xi32, #tpu.memory_space<vmem>>) target_semaphore(%run_scoped3A : memref<!tpu.dma_semaphore, #tpu.memory_space<semaphore_mem>>)
      %dma_wait3A_45 = tpu.memref_slice %arg5[%add3A_15] : memref<320000xi32, #tpu.memory_space<hbm>> -> memref<80xi32, #tpu.memory_space<hbm>>
      %dma_wait3A_46 = tpu.memref_slice %arg5[%add3A_15] : memref<320000xi32, #tpu.memory_space<hbm>> -> memref<80xi32, #tpu.memory_space<hbm>>
      tpu.wait_dma2 semaphore(%run_scoped3A : memref<!tpu.dma_semaphore, #tpu.memory_space<semaphore_mem>>) src(%dma_wait3A_46 : memref<80xi32, #tpu.memory_space<hbm>>) dst(%arg9 : memref<80xi32, #tpu.memory_space<vmem>>)
      tpu.yield
    }) : () -> ()
    "tpu.region"() ({
      %run_scoped3A = tpu.sem_alloc : memref<!tpu.dma_semaphore, #tpu.memory_space<semaphore_mem>>
      %dma_start3A_43 = tpu.memref_slice %arg6[%add3A_15] : memref<320000xi32, #tpu.memory_space<hbm>> -> memref<80xi32, #tpu.memory_space<hbm>>
      %dma_start3A_44 = tpu.memref_slice %arg6[%add3A_15] : memref<320000xi32, #tpu.memory_space<hbm>> -> memref<80xi32, #tpu.memory_space<hbm>>
      tpu.enqueue_dma source(%dma_start3A_44 : memref<80xi32, #tpu.memory_space<hbm>>) target(%arg11 : memref<80xi32, #tpu.memory_space<vmem>>) target_semaphore(%run_scoped3A : memref<!tpu.dma_semaphore, #tpu.memory_space<semaphore_mem>>)
      %dma_wait3A_45 = tpu.memref_slice %arg6[%add3A_15] : memref<320000xi32, #tpu.memory_space<hbm>> -> memref<80xi32, #tpu.memory_space<hbm>>
      %dma_wait3A_46 = tpu.memref_slice %arg6[%add3A_15] : memref<320000xi32, #tpu.memory_space<hbm>> -> memref<80xi32, #tpu.memory_space<hbm>>
      tpu.wait_dma2 semaphore(%run_scoped3A : memref<!tpu.dma_semaphore, #tpu.memory_space<semaphore_mem>>) src(%dma_wait3A_46 : memref<80xi32, #tpu.memory_space<hbm>>) dst(%arg11 : memref<80xi32, #tpu.memory_space<vmem>>)
      tpu.yield
    }) : () -> ()
    "tpu.region"() ({
      %run_scoped3A = tpu.sem_alloc : memref<!tpu.dma_semaphore, #tpu.memory_space<semaphore_mem>>
      %dma_start3A_43 = tpu.memref_slice %arg4[%add3A_15] : memref<320000xi32, #tpu.memory_space<hbm>> -> memref<80xi32, #tpu.memory_space<hbm>>
      %dma_start3A_44 = tpu.memref_slice %arg4[%add3A_15] : memref<320000xi32, #tpu.memory_space<hbm>> -> memref<80xi32, #tpu.memory_space<hbm>>
      tpu.enqueue_dma source(%dma_start3A_44 : memref<80xi32, #tpu.memory_space<hbm>>) target(%arg13 : memref<80xi32, #tpu.memory_space<vmem>>) target_semaphore(%run_scoped3A : memref<!tpu.dma_semaphore, #tpu.memory_space<semaphore_mem>>)
      %dma_wait3A_45 = tpu.memref_slice %arg4[%add3A_15] : memref<320000xi32, #tpu.memory_space<hbm>> -> memref<80xi32, #tpu.memory_space<hbm>>
      %dma_wait3A_46 = tpu.memref_slice %arg4[%add3A_15] : memref<320000xi32, #tpu.memory_space<hbm>> -> memref<80xi32, #tpu.memory_space<hbm>>
      tpu.wait_dma2 semaphore(%run_scoped3A : memref<!tpu.dma_semaphore, #tpu.memory_space<semaphore_mem>>) src(%dma_wait3A_46 : memref<80xi32, #tpu.memory_space<hbm>>) dst(%arg13 : memref<80xi32, #tpu.memory_space<vmem>>)
      tpu.yield
    }) : () -> ()
    %dma_start3A = arith.constant 0 : i32
    %dma_start3A_16 = arith.constant 0 : i32
    %dma_start3A_17 = tpu.memref_slice %arg2[%dma_start3A, %dma_start3A_16] : memref<10000x128xf32, #tpu.memory_space<hbm>> -> memref<10000x128xf32, #tpu.memory_space<hbm>>
    tpu.enqueue_indirect_dma source(%dma_start3A_17 : memref<10000x128xf32, #tpu.memory_space<hbm>>) target(%arg15 : memref<80x128xf32, #tpu.memory_space<vmem>>) offsets(%arg9 : memref<80xi32, #tpu.memory_space<vmem>>) semaphore(%arg20 : memref<!tpu.dma_semaphore, #tpu.memory_space<semaphore_mem>>)
    %dma_start3A_18 = arith.constant 0 : i32
    %dma_start3A_19 = arith.constant 0 : i32
    %dma_start3A_20 = tpu.memref_slice %arg3[%dma_start3A_18, %dma_start3A_19] : memref<16384x128xf32, #tpu.memory_space<hbm>> -> memref<16384x128xf32, #tpu.memory_space<hbm>>
    tpu.enqueue_indirect_dma source(%dma_start3A_20 : memref<16384x128xf32, #tpu.memory_space<hbm>>) target(%arg17 : memref<80x128xf32, #tpu.memory_space<vmem>>) offsets(%arg11 : memref<80xi32, #tpu.memory_space<vmem>>) semaphore(%arg20 : memref<!tpu.dma_semaphore, #tpu.memory_space<semaphore_mem>>)
    %dma_wait3A = arith.constant 0 : i32
    %dma_wait3A_21 = arith.constant 0 : i32
    %dma_wait3A_22 = tpu.memref_slice %arg2[%dma_wait3A, %dma_wait3A_21] : memref<10000x128xf32, #tpu.memory_space<hbm>> -> memref<10000x128xf32, #tpu.memory_space<hbm>>
    tpu.wait_indirect_dma semaphore(%arg20 : memref<!tpu.dma_semaphore, #tpu.memory_space<semaphore_mem>>) src(%dma_wait3A_22 : memref<10000x128xf32, #tpu.memory_space<hbm>>) dst(%arg15 : memref<80x128xf32, #tpu.memory_space<vmem>>)
    %dma_wait3A_23 = arith.constant 0 : i32
    %dma_wait3A_24 = arith.constant 0 : i32
    %dma_wait3A_25 = tpu.memref_slice %arg3[%dma_wait3A_23, %dma_wait3A_24] : memref<16384x128xf32, #tpu.memory_space<hbm>> -> memref<16384x128xf32, #tpu.memory_space<hbm>>
    tpu.wait_indirect_dma semaphore(%arg20 : memref<!tpu.dma_semaphore, #tpu.memory_space<semaphore_mem>>) src(%dma_wait3A_25 : memref<16384x128xf32, #tpu.memory_space<hbm>>) dst(%arg17 : memref<80x128xf32, #tpu.memory_space<vmem>>)
    %scan3A_26 = arith.constant 0 : i32
    %scan3A_27 = arith.constant 80 : i32
    %scan3A_28 = arith.addi %scan3A_26, %scan3A_27 : i32
    %scan3A_29 = arith.constant 1 : i32
    scf.for %scan3A_43 = %scan3A_26 to %scan3A_28 step %scan3A_29  : i32 {
      %mul3A_44 = arith.constant 1 : i32
      %mul3A_45 = arith.muli %scan3A_43, %mul3A_44 : i32
      %add3A_46 = arith.constant 0 : i32
      %add3A_47 = arith.addi %add3A_46, %mul3A_45 : i32
      %get3A = arith.index_cast %add3A_47 : i32 to index
      %get3A_48 = arith.constant 0 : index
      %get3A_49 = tpu.vector_load %arg15[%get3A, %get3A_48] {strides = array<i32>} : memref<80x128xf32, #tpu.memory_space<vmem>>, vector<16xf32>,
      %get3A_50 = arith.index_cast %add3A_47 : i32 to index
      %get3A_51 = arith.constant 0 : index
      %get3A_52 = tpu.vector_load %arg17[%get3A_50, %get3A_51] {strides = array<i32>} : memref<80x128xf32, #tpu.memory_space<vmem>>, vector<16xf32>,
      %mul3A_53 = arith.mulf %get3A_49, %get3A_52 : vector<16xf32>
      %swap3A = arith.index_cast %add3A_47 : i32 to index
      %swap3A_54 = arith.constant 0 : index
      %swap3A_55 = tpu.vector_load %arg15[%swap3A, %swap3A_54] {strides = array<i32>} : memref<80x128xf32, #tpu.memory_space<vmem>>, vector<16xf32>,
      tpu.vector_store %arg15[%swap3A, %swap3A_54], %mul3A_53 {strides = array<i32>} : memref<80x128xf32, #tpu.memory_space<vmem>>, vector<16xf32>,
      %get3A_56 = arith.index_cast %add3A_47 : i32 to index
      %get3A_57 = arith.constant 16 : index
      %get3A_58 = tpu.vector_load %arg15[%get3A_56, %get3A_57] {strides = array<i32>} : memref<80x128xf32, #tpu.memory_space<vmem>>, vector<16xf32>,
      %get3A_59 = arith.index_cast %add3A_47 : i32 to index
      %get3A_60 = arith.constant 16 : index
      %get3A_61 = tpu.vector_load %arg17[%get3A_59, %get3A_60] {strides = array<i32>} : memref<80x128xf32, #tpu.memory_space<vmem>>, vector<16xf32>,
      %mul3A_62 = arith.mulf %get3A_58, %get3A_61 : vector<16xf32>
      %swap3A_63 = arith.index_cast %add3A_47 : i32 to index
      %swap3A_64 = arith.constant 16 : index
      %swap3A_65 = tpu.vector_load %arg15[%swap3A_63, %swap3A_64] {strides = array<i32>} : memref<80x128xf32, #tpu.memory_space<vmem>>, vector<16xf32>,
      tpu.vector_store %arg15[%swap3A_63, %swap3A_64], %mul3A_62 {strides = array<i32>} : memref<80x128xf32, #tpu.memory_space<vmem>>, vector<16xf32>,
      %get3A_66 = arith.index_cast %add3A_47 : i32 to index
      %get3A_67 = arith.constant 32 : index
      %get3A_68 = tpu.vector_load %arg15[%get3A_66, %get3A_67] {strides = array<i32>} : memref<80x128xf32, #tpu.memory_space<vmem>>, vector<16xf32>,
      %get3A_69 = arith.index_cast %add3A_47 : i32 to index
      %get3A_70 = arith.constant 32 : index
      %get3A_71 = tpu.vector_load %arg17[%get3A_69, %get3A_70] {strides = array<i32>} : memref<80x128xf32, #tpu.memory_space<vmem>>, vector<16xf32>,
      %mul3A_72 = arith.mulf %get3A_68, %get3A_71 : vector<16xf32>
      %swap3A_73 = arith.index_cast %add3A_47 : i32 to index
      %swap3A_74 = arith.constant 32 : index
      %swap3A_75 = tpu.vector_load %arg15[%swap3A_73, %swap3A_74] {strides = array<i32>} : memref<80x128xf32, #tpu.memory_space<vmem>>, vector<16xf32>,
      tpu.vector_store %arg15[%swap3A_73, %swap3A_74], %mul3A_72 {strides = array<i32>} : memref<80x128xf32, #tpu.memory_space<vmem>>, vector<16xf32>,
      %get3A_76 = arith.index_cast %add3A_47 : i32 to index
      %get3A_77 = arith.constant 48 : index
      %get3A_78 = tpu.vector_load %arg15[%get3A_76, %get3A_77] {strides = array<i32>} : memref<80x128xf32, #tpu.memory_space<vmem>>, vector<16xf32>,
      %get3A_79 = arith.index_cast %add3A_47 : i32 to index
      %get3A_80 = arith.constant 48 : index
      %get3A_81 = tpu.vector_load %arg17[%get3A_79, %get3A_80] {strides = array<i32>} : memref<80x128xf32, #tpu.memory_space<vmem>>, vector<16xf32>,
      %mul3A_82 = arith.mulf %get3A_78, %get3A_81 : vector<16xf32>
      %swap3A_83 = arith.index_cast %add3A_47 : i32 to index
      %swap3A_84 = arith.constant 48 : index
      %swap3A_85 = tpu.vector_load %arg15[%swap3A_83, %swap3A_84] {strides = array<i32>} : memref<80x128xf32, #tpu.memory_space<vmem>>, vector<16xf32>,
      tpu.vector_store %arg15[%swap3A_83, %swap3A_84], %mul3A_82 {strides = array<i32>} : memref<80x128xf32, #tpu.memory_space<vmem>>, vector<16xf32>,
      %get3A_86 = arith.index_cast %add3A_47 : i32 to index
      %get3A_87 = arith.constant 64 : index
      %get3A_88 = tpu.vector_load %arg15[%get3A_86, %get3A_87] {strides = array<i32>} : memref<80x128xf32, #tpu.memory_space<vmem>>, vector<16xf32>,
      %get3A_89 = arith.index_cast %add3A_47 : i32 to index
      %get3A_90 = arith.constant 64 : index
      %get3A_91 = tpu.vector_load %arg17[%get3A_89, %get3A_90] {strides = array<i32>} : memref<80x128xf32, #tpu.memory_space<vmem>>, vector<16xf32>,
      %mul3A_92 = arith.mulf %get3A_88, %get3A_91 : vector<16xf32>
      %swap3A_93 = arith.index_cast %add3A_47 : i32 to index
      %swap3A_94 = arith.constant 64 : index
      %swap3A_95 = tpu.vector_load %arg15[%swap3A_93, %swap3A_94] {strides = array<i32>} : memref<80x128xf32, #tpu.memory_space<vmem>>, vector<16xf32>,
      tpu.vector_store %arg15[%swap3A_93, %swap3A_94], %mul3A_92 {strides = array<i32>} : memref<80x128xf32, #tpu.memory_space<vmem>>, vector<16xf32>,
      %get3A_96 = arith.index_cast %add3A_47 : i32 to index
      %get3A_97 = arith.constant 80 : index
      %get3A_98 = tpu.vector_load %arg15[%get3A_96, %get3A_97] {strides = array<i32>} : memref<80x128xf32, #tpu.memory_space<vmem>>, vector<16xf32>,
      %get3A_99 = arith.index_cast %add3A_47 : i32 to index
      %get3A_100 = arith.constant 80 : index
      %get3A_101 = tpu.vector_load %arg17[%get3A_99, %get3A_100] {strides = array<i32>} : memref<80x128xf32, #tpu.memory_space<vmem>>, vector<16xf32>,
      %mul3A_102 = arith.mulf %get3A_98, %get3A_101 : vector<16xf32>
      %swap3A_103 = arith.index_cast %add3A_47 : i32 to index
      %swap3A_104 = arith.constant 80 : index
      %swap3A_105 = tpu.vector_load %arg15[%swap3A_103, %swap3A_104] {strides = array<i32>} : memref<80x128xf32, #tpu.memory_space<vmem>>, vector<16xf32>,
      tpu.vector_store %arg15[%swap3A_103, %swap3A_104], %mul3A_102 {strides = array<i32>} : memref<80x128xf32, #tpu.memory_space<vmem>>, vector<16xf32>,
      %get3A_106 = arith.index_cast %add3A_47 : i32 to index
      %get3A_107 = arith.constant 96 : index
      %get3A_108 = tpu.vector_load %arg15[%get3A_106, %get3A_107] {strides = array<i32>} : memref<80x128xf32, #tpu.memory_space<vmem>>, vector<16xf32>,
      %get3A_109 = arith.index_cast %add3A_47 : i32 to index
      %get3A_110 = arith.constant 96 : index
      %get3A_111 = tpu.vector_load %arg17[%get3A_109, %get3A_110] {strides = array<i32>} : memref<80x128xf32, #tpu.memory_space<vmem>>, vector<16xf32>,
      %mul3A_112 = arith.mulf %get3A_108, %get3A_111 : vector<16xf32>
      %swap3A_113 = arith.index_cast %add3A_47 : i32 to index
      %swap3A_114 = arith.constant 96 : index
      %swap3A_115 = tpu.vector_load %arg15[%swap3A_113, %swap3A_114] {strides = array<i32>} : memref<80x128xf32, #tpu.memory_space<vmem>>, vector<16xf32>,
      tpu.vector_store %arg15[%swap3A_113, %swap3A_114], %mul3A_112 {strides = array<i32>} : memref<80x128xf32, #tpu.memory_space<vmem>>, vector<16xf32>,
      %get3A_116 = arith.index_cast %add3A_47 : i32 to index
      %get3A_117 = arith.constant 112 : index
      %get3A_118 = tpu.vector_load %arg15[%get3A_116, %get3A_117] {strides = array<i32>} : memref<80x128xf32, #tpu.memory_space<vmem>>, vector<16xf32>,
      %get3A_119 = arith.index_cast %add3A_47 : i32 to index
      %get3A_120 = arith.constant 112 : index
      %get3A_121 = tpu.vector_load %arg17[%get3A_119, %get3A_120] {strides = array<i32>} : memref<80x128xf32, #tpu.memory_space<vmem>>, vector<16xf32>,
      %mul3A_122 = arith.mulf %get3A_118, %get3A_121 : vector<16xf32>
      %swap3A_123 = arith.index_cast %add3A_47 : i32 to index
      %swap3A_124 = arith.constant 112 : index
      %swap3A_125 = tpu.vector_load %arg15[%swap3A_123, %swap3A_124] {strides = array<i32>} : memref<80x128xf32, #tpu.memory_space<vmem>>, vector<16xf32>,
      tpu.vector_store %arg15[%swap3A_123, %swap3A_124], %mul3A_122 {strides = array<i32>} : memref<80x128xf32, #tpu.memory_space<vmem>>, vector<16xf32>,
    }
    %scan3A_30 = arith.constant 80 : i32
    %dma_start3A_31 = arith.constant 0 : i32
    %dma_start3A_32 = arith.constant 0 : i32
    %dma_start3A_33 = tpu.memref_slice %arg19[%dma_start3A_31, %dma_start3A_32] : memref<10240x128xf32, #tpu.memory_space<vmem_shared>> -> memref<10240x128xf32, #tpu.memory_space<vmem_shared>>
    tpu.enqueue_indirect_dma source(%arg15 : memref<80x128xf32, #tpu.memory_space<vmem>>) target(%dma_start3A_33 : memref<10240x128xf32, #tpu.memory_space<vmem_shared>>) offsets(%arg13 : memref<80xi32, #tpu.memory_space<vmem>>) semaphore(%arg22 : memref<!tpu.dma_semaphore, #tpu.memory_space<semaphore_mem>>) {add = true}
    %dma_wait3A_34 = arith.constant 0 : i32
    %dma_wait3A_35 = arith.constant 0 : i32
    %dma_wait3A_36 = tpu.memref_slice %arg19[%dma_wait3A_34, %dma_wait3A_35] : memref<10240x128xf32, #tpu.memory_space<vmem_shared>> -> memref<10240x128xf32, #tpu.memory_space<vmem_shared>>
    tpu.wait_indirect_dma semaphore(%arg22 : memref<!tpu.dma_semaphore, #tpu.memory_space<semaphore_mem>>) src(%arg15 : memref<80x128xf32, #tpu.memory_space<vmem>>) dst(%dma_wait3A_36 : memref<10240x128xf32, #tpu.memory_space<vmem_shared>>)
    %barrier3A_37 = arith.constant 0 : index
    tpu.barrier barrier_id(%barrier3A_37)
    %scan3A_38 = arith.constant 0 : i32
    %scan3A_39 = arith.constant 10 : i32
    %scan3A_40 = arith.addi %scan3A_38, %scan3A_39 : i32
    %scan3A_41 = arith.constant 1 : i32
    scf.for %scan3A_43 = %scan3A_38 to %scan3A_40 step %scan3A_41  : i32 {
      %mul3A_44 = arith.constant 1 : i32
      %mul3A_45 = arith.muli %scan3A_43, %mul3A_44 : i32
      %add3A_46 = arith.constant 0 : i32
      %add3A_47 = arith.addi %add3A_46, %mul3A_45 : i32
      %mul3A_48 = arith.constant 640 : i32
      %mul3A_49 = arith.muli %arg1, %mul3A_48 : i32
      %mul3A_50 = arith.constant 64 : i32
      %mul3A_51 = arith.muli %add3A_47, %mul3A_50 : i32
      %add3A_52 = arith.addi %mul3A_49, %mul3A_51 : i32
      "tpu.region"() ({
        %run_scoped3A = tpu.sem_alloc : memref<!tpu.dma_semaphore, #tpu.memory_space<semaphore_mem>>
        %dma_start3A_53 = arith.constant 0 : i32
        %dma_start3A_54 = arith.constant 0 : i32
        %dma_start3A_55 = tpu.memref_slice %arg15[%dma_start3A_53, %dma_start3A_54] : memref<80x128xf32, #tpu.memory_space<vmem>> -> memref<64x128xf32, #tpu.memory_space<vmem>>
        %dma_start3A_56 = arith.constant 0 : i32
        %dma_start3A_57 = tpu.memref_slice %arg19[%add3A_52, %dma_start3A_56] : memref<10240x128xf32, #tpu.memory_space<vmem_shared>> -> memref<64x128xf32, #tpu.memory_space<vmem_shared>>
        %dma_start3A_58 = arith.constant 0 : i32
        %dma_start3A_59 = arith.constant 0 : i32
        %dma_start3A_60 = tpu.memref_slice %arg15[%dma_start3A_58, %dma_start3A_59] : memref<80x128xf32, #tpu.memory_space<vmem>> -> memref<64x128xf32, #tpu.memory_space<vmem>>
        %dma_start3A_61 = arith.constant 0 : i32
        %dma_start3A_62 = tpu.memref_slice %arg19[%add3A_52, %dma_start3A_61] : memref<10240x128xf32, #tpu.memory_space<vmem_shared>> -> memref<64x128xf32, #tpu.memory_space<vmem_shared>>
        tpu.enqueue_dma source(%dma_start3A_62 : memref<64x128xf32, #tpu.memory_space<vmem_shared>>) target(%dma_start3A_60 : memref<64x128xf32, #tpu.memory_space<vmem>>) target_semaphore(%run_scoped3A : memref<!tpu.dma_semaphore, #tpu.memory_space<semaphore_mem>>)
        %dma_wait3A_63 = arith.constant 0 : i32
        %dma_wait3A_64 = arith.constant 0 : i32
        %dma_wait3A_65 = tpu.memref_slice %arg15[%dma_wait3A_63, %dma_wait3A_64] : memref<80x128xf32, #tpu.memory_space<vmem>> -> memref<64x128xf32, #tpu.memory_space<vmem>>
        %dma_wait3A_66 = arith.constant 0 : i32
        %dma_wait3A_67 = tpu.memref_slice %arg19[%add3A_52, %dma_wait3A_66] : memref<10240x128xf32, #tpu.memory_space<vmem_shared>> -> memref<64x128xf32, #tpu.memory_space<vmem_shared>>
        %dma_wait3A_68 = arith.constant 0 : i32
        %dma_wait3A_69 = arith.constant 0 : i32
        %dma_wait3A_70 = tpu.memref_slice %arg15[%dma_wait3A_68, %dma_wait3A_69] : memref<80x128xf32, #tpu.memory_space<vmem>> -> memref<64x128xf32, #tpu.memory_space<vmem>>
        %dma_wait3A_71 = arith.constant 0 : i32
        %dma_wait3A_72 = tpu.memref_slice %arg19[%add3A_52, %dma_wait3A_71] : memref<10240x128xf32, #tpu.memory_space<vmem_shared>> -> memref<64x128xf32, #tpu.memory_space<vmem_shared>>
        tpu.wait_dma2 semaphore(%run_scoped3A : memref<!tpu.dma_semaphore, #tpu.memory_space<semaphore_mem>>) src(%dma_wait3A_72 : memref<64x128xf32, #tpu.memory_space<vmem_shared>>) dst(%dma_wait3A_70 : memref<64x128xf32, #tpu.memory_space<vmem>>)
        tpu.yield
      }) : () -> ()
      "tpu.region"() ({
        %run_scoped3A = tpu.sem_alloc : memref<!tpu.dma_semaphore, #tpu.memory_space<semaphore_mem>>
        %dma_start3A_53 = arith.constant 0 : i32
        %dma_start3A_54 = arith.constant 0 : i32
        %dma_start3A_55 = tpu.memref_slice %arg15[%dma_start3A_53, %dma_start3A_54] : memref<80x128xf32, #tpu.memory_space<vmem>> -> memref<64x128xf32, #tpu.memory_space<vmem>>
        %dma_start3A_56 = arith.constant 0 : i32
        %dma_start3A_57 = tpu.memref_slice %arg8[%arg0, %add3A_52, %dma_start3A_56] : memref<2x10240x128xf32, #tpu.memory_space<hbm>> -> memref<1x64x128xf32, #tpu.memory_space<hbm>>
        %dma_start3A_58 = tpu.memref_squeeze %dma_start3A_57 : memref<1x64x128xf32, #tpu.memory_space<hbm>> -> memref<64x128xf32, #tpu.memory_space<hbm>>
        %dma_start3A_59 = arith.constant 0 : i32
        %dma_start3A_60 = tpu.memref_slice %arg8[%arg0, %add3A_52, %dma_start3A_59] : memref<2x10240x128xf32, #tpu.memory_space<hbm>> -> memref<1x64x128xf32, #tpu.memory_space<hbm>>
        %dma_start3A_61 = tpu.memref_squeeze %dma_start3A_60 : memref<1x64x128xf32, #tpu.memory_space<hbm>> -> memref<64x128xf32, #tpu.memory_space<hbm>>
        %dma_start3A_62 = arith.constant 0 : i32
        %dma_start3A_63 = arith.constant 0 : i32
        %dma_start3A_64 = tpu.memref_slice %arg15[%dma_start3A_62, %dma_start3A_63] : memref<80x128xf32, #tpu.memory_space<vmem>> -> memref<64x128xf32, #tpu.memory_space<vmem>>
        tpu.enqueue_dma source(%dma_start3A_64 : memref<64x128xf32, #tpu.memory_space<vmem>>) target(%dma_start3A_61 : memref<64x128xf32, #tpu.memory_space<hbm>>) target_semaphore(%run_scoped3A : memref<!tpu.dma_semaphore, #tpu.memory_space<semaphore_mem>>)
        %dma_wait3A_65 = arith.constant 0 : i32
        %dma_wait3A_66 = arith.constant 0 : i32
        %dma_wait3A_67 = tpu.memref_slice %arg15[%dma_wait3A_65, %dma_wait3A_66] : memref<80x128xf32, #tpu.memory_space<vmem>> -> memref<64x128xf32, #tpu.memory_space<vmem>>
        %dma_wait3A_68 = arith.constant 0 : i32
        %dma_wait3A_69 = tpu.memref_slice %arg8[%arg0, %add3A_52, %dma_wait3A_68] : memref<2x10240x128xf32, #tpu.memory_space<hbm>> -> memref<1x64x128xf32, #tpu.memory_space<hbm>>
        %dma_wait3A_70 = tpu.memref_squeeze %dma_wait3A_69 : memref<1x64x128xf32, #tpu.memory_space<hbm>> -> memref<64x128xf32, #tpu.memory_space<hbm>>
        %dma_wait3A_71 = arith.constant 0 : i32
        %dma_wait3A_72 = tpu.memref_slice %arg8[%arg0, %add3A_52, %dma_wait3A_71] : memref<2x10240x128xf32, #tpu.memory_space<hbm>> -> memref<1x64x128xf32, #tpu.memory_space<hbm>>
        %dma_wait3A_73 = tpu.memref_squeeze %dma_wait3A_72 : memref<1x64x128xf32, #tpu.memory_space<hbm>> -> memref<64x128xf32, #tpu.memory_space<hbm>>
        %dma_wait3A_74 = arith.constant 0 : i32
        %dma_wait3A_75 = arith.constant 0 : i32
        %dma_wait3A_76 = tpu.memref_slice %arg15[%dma_wait3A_74, %dma_wait3A_75] : memref<80x128xf32, #tpu.memory_space<vmem>> -> memref<64x128xf32, #tpu.memory_space<vmem>>
        tpu.wait_dma2 semaphore(%run_scoped3A : memref<!tpu.dma_semaphore, #tpu.memory_space<semaphore_mem>>) src(%dma_wait3A_76 : memref<64x128xf32, #tpu.memory_space<vmem>>) dst(%dma_wait3A_73 : memref<64x128xf32, #tpu.memory_space<hbm>>)
        tpu.yield
      }) : () -> ()
    }
    %scan3A_42 = arith.constant 10 : i32
    return
  }
}

#map = affine_map<(d0, d1) -> (0, 0)>
#map1 = affine_map<(d0, d1) -> (0)>
#map2 = affine_map<(d0, d1) -> (0, 0, 0)>
module attributes {stable_mosaic.version = 14 : i64} {
  func.func @_msg_body(%arg0: i32, %arg1: i32, %arg2: memref<10000x128xf32, #tpu.memory_space<hbm>>, %arg3: memref<16384x128xf32, #tpu.memory_space<hbm>>, %arg4: memref<320000xi32, #tpu.memory_space<hbm>>, %arg5: memref<320000xi32, #tpu.memory_space<hbm>>, %arg6: memref<320000xi32, #tpu.memory_space<hbm>>, %arg7: memref<64x128xf32, #tpu.memory_space<hbm>>, %arg8: memref<2x10240x128xf32, #tpu.memory_space<hbm>>, %arg9: memref<80xi32, #tpu.memory_space<vmem>>, %arg10: memref<80xi32, #tpu.memory_space<vmem>>, %arg11: memref<80xi32, #tpu.memory_space<vmem>>, %arg12: memref<80xi32, #tpu.memory_space<vmem>>, %arg13: memref<80xi32, #tpu.memory_space<vmem>>, %arg14: memref<80xi32, #tpu.memory_space<vmem>>, %arg15: memref<80x128xf32, #tpu.memory_space<vmem>>, %arg16: memref<80x128xf32, #tpu.memory_space<vmem>>, %arg17: memref<80x128xf32, #tpu.memory_space<vmem>>, %arg18: memref<80x128xf32, #tpu.memory_space<vmem>>, %arg19: memref<10240x128xf32, #tpu.memory_space<vmem_shared>>, %arg20: memref<!tpu.dma_semaphore, #tpu.memory_space<semaphore_mem>>, %arg21: memref<!tpu.dma_semaphore, #tpu.memory_space<semaphore_mem>>, %arg22: memref<!tpu.dma_semaphore, #tpu.memory_space<semaphore_mem>>, %arg23: memref<!tpu.dma_semaphore, #tpu.memory_space<semaphore_mem>>) attributes {dimension_semantics = [#tpu.dimension_semantics<core_parallel>, #tpu.dimension_semantics<subcore_parallel>], iteration_bounds = array<i64: 2, 16>, scalar_prefetch = 0 : i64, scratch_operands = 15 : i64, tpu.core_type = #tpu.core_type<sc_vector_subcore>, window_params = [{transform_indices = #map}, {transform_indices = #map}, {transform_indices = #map1}, {transform_indices = #map1}, {transform_indices = #map1}, {transform_indices = #map}, {transform_indices = #map2}]} {
    %mul3A = arith.constant 2 : i32
    %mul3A_0 = arith.muli %arg1, %mul3A : i32
    %add3A = arith.addi %mul3A_0, %arg0 : i32
    "tpu.region"() ({
      %run_scoped3A = tpu.sem_alloc : memref<!tpu.dma_semaphore, #tpu.memory_space<semaphore_mem>>
      %dma_start3A_43 = arith.constant 0 : i32
      %dma_start3A_44 = arith.constant 0 : i32
      %dma_start3A_45 = tpu.memref_slice %arg15[%dma_start3A_43, %dma_start3A_44] : memref<80x128xf32, #tpu.memory_space<vmem>> -> memref<64x128xf32, #tpu.memory_space<vmem>>
      %dma_start3A_46 = arith.constant 0 : i32
      %dma_start3A_47 = arith.constant 0 : i32
      %dma_start3A_48 = tpu.memref_slice %arg15[%dma_start3A_46, %dma_start3A_47] : memref<80x128xf32, #tpu.memory_space<vmem>> -> memref<64x128xf32, #tpu.memory_space<vmem>>
      tpu.enqueue_dma source(%arg7 : memref<64x128xf32, #tpu.memory_space<hbm>>) target(%dma_start3A_48 : memref<64x128xf32, #tpu.memory_space<vmem>>) target_semaphore(%run_scoped3A : memref<!tpu.dma_semaphore, #tpu.memory_space<semaphore_mem>>)
      %dma_wait3A_49 = arith.constant 0 : i32
      %dma_wait3A_50 = arith.constant 0 : i32
      %dma_wait3A_51 = tpu.memref_slice %arg15[%dma_wait3A_49, %dma_wait3A_50] : memref<80x128xf32, #tpu.memory_space<vmem>> -> memref<64x128xf32, #tpu.memory_space<vmem>>
      %dma_wait3A_52 = arith.constant 0 : i32
      %dma_wait3A_53 = arith.constant 0 : i32
      %dma_wait3A_54 = tpu.memref_slice %arg15[%dma_wait3A_52, %dma_wait3A_53] : memref<80x128xf32, #tpu.memory_space<vmem>> -> memref<64x128xf32, #tpu.memory_space<vmem>>
      tpu.wait_dma2 semaphore(%run_scoped3A : memref<!tpu.dma_semaphore, #tpu.memory_space<semaphore_mem>>) src(%arg7 : memref<64x128xf32, #tpu.memory_space<hbm>>) dst(%dma_wait3A_54 : memref<64x128xf32, #tpu.memory_space<vmem>>)
      tpu.yield
    }) : () -> ()
    %scan3A = arith.constant 0 : i32
    %scan3A_1 = arith.constant 10 : i32
    %scan3A_2 = arith.addi %scan3A, %scan3A_1 : i32
    %scan3A_3 = arith.constant 1 : i32
    scf.for %scan3A_43 = %scan3A to %scan3A_2 step %scan3A_3  : i32 {
      %mul3A_44 = arith.constant 1 : i32
      %mul3A_45 = arith.muli %scan3A_43, %mul3A_44 : i32
      %add3A_46 = arith.constant 0 : i32
      %add3A_47 = arith.addi %add3A_46, %mul3A_45 : i32
      %mul3A_48 = arith.constant 640 : i32
      %mul3A_49 = arith.muli %arg1, %mul3A_48 : i32
      %mul3A_50 = arith.constant 64 : i32
      %mul3A_51 = arith.muli %add3A_47, %mul3A_50 : i32
      %add3A_52 = arith.addi %mul3A_49, %mul3A_51 : i32
      "tpu.region"() ({
        %run_scoped3A = tpu.sem_alloc : memref<!tpu.dma_semaphore, #tpu.memory_space<semaphore_mem>>
        %dma_start3A_53 = arith.constant 0 : i32
        %dma_start3A_54 = arith.constant 0 : i32
        %dma_start3A_55 = tpu.memref_slice %arg15[%dma_start3A_53, %dma_start3A_54] : memref<80x128xf32, #tpu.memory_space<vmem>> -> memref<64x128xf32, #tpu.memory_space<vmem>>
        %dma_start3A_56 = arith.constant 0 : i32
        %dma_start3A_57 = tpu.memref_slice %arg19[%add3A_52, %dma_start3A_56] : memref<10240x128xf32, #tpu.memory_space<vmem_shared>> -> memref<64x128xf32, #tpu.memory_space<vmem_shared>>
        %dma_start3A_58 = arith.constant 0 : i32
        %dma_start3A_59 = tpu.memref_slice %arg19[%add3A_52, %dma_start3A_58] : memref<10240x128xf32, #tpu.memory_space<vmem_shared>> -> memref<64x128xf32, #tpu.memory_space<vmem_shared>>
        %dma_start3A_60 = arith.constant 0 : i32
        %dma_start3A_61 = arith.constant 0 : i32
        %dma_start3A_62 = tpu.memref_slice %arg15[%dma_start3A_60, %dma_start3A_61] : memref<80x128xf32, #tpu.memory_space<vmem>> -> memref<64x128xf32, #tpu.memory_space<vmem>>
        tpu.enqueue_dma source(%dma_start3A_62 : memref<64x128xf32, #tpu.memory_space<vmem>>) target(%dma_start3A_59 : memref<64x128xf32, #tpu.memory_space<vmem_shared>>) target_semaphore(%run_scoped3A : memref<!tpu.dma_semaphore, #tpu.memory_space<semaphore_mem>>)
        %dma_wait3A_63 = arith.constant 0 : i32
        %dma_wait3A_64 = arith.constant 0 : i32
        %dma_wait3A_65 = tpu.memref_slice %arg15[%dma_wait3A_63, %dma_wait3A_64] : memref<80x128xf32, #tpu.memory_space<vmem>> -> memref<64x128xf32, #tpu.memory_space<vmem>>
        %dma_wait3A_66 = arith.constant 0 : i32
        %dma_wait3A_67 = tpu.memref_slice %arg19[%add3A_52, %dma_wait3A_66] : memref<10240x128xf32, #tpu.memory_space<vmem_shared>> -> memref<64x128xf32, #tpu.memory_space<vmem_shared>>
        %dma_wait3A_68 = arith.constant 0 : i32
        %dma_wait3A_69 = tpu.memref_slice %arg19[%add3A_52, %dma_wait3A_68] : memref<10240x128xf32, #tpu.memory_space<vmem_shared>> -> memref<64x128xf32, #tpu.memory_space<vmem_shared>>
        %dma_wait3A_70 = arith.constant 0 : i32
        %dma_wait3A_71 = arith.constant 0 : i32
        %dma_wait3A_72 = tpu.memref_slice %arg15[%dma_wait3A_70, %dma_wait3A_71] : memref<80x128xf32, #tpu.memory_space<vmem>> -> memref<64x128xf32, #tpu.memory_space<vmem>>
        tpu.wait_dma2 semaphore(%run_scoped3A : memref<!tpu.dma_semaphore, #tpu.memory_space<semaphore_mem>>) src(%dma_wait3A_72 : memref<64x128xf32, #tpu.memory_space<vmem>>) dst(%dma_wait3A_69 : memref<64x128xf32, #tpu.memory_space<vmem_shared>>)
        tpu.yield
      }) : () -> ()
    }
    %scan3A_4 = arith.constant 10 : i32
    %barrier3A = arith.constant 0 : index
    tpu.barrier barrier_id(%barrier3A)
    %mul3A_5 = arith.constant 125 : i32
    %mul3A_6 = arith.muli %add3A, %mul3A_5 : i32
    %mul3A_7 = arith.constant 80 : i32
    %mul3A_8 = arith.muli %mul3A_6, %mul3A_7 : i32
    %scan3A_9 = arith.constant 0 : i32
    %scan3A_10 = arith.constant 62 : i32
    %scan3A_11 = arith.addi %scan3A_9, %scan3A_10 : i32
    %scan3A_12 = arith.constant 1 : i32
    scf.for %scan3A_43 = %scan3A_9 to %scan3A_11 step %scan3A_12  : i32 {
      %mul3A_44 = arith.constant 1 : i32
      %mul3A_45 = arith.muli %scan3A_43, %mul3A_44 : i32
      %add3A_46 = arith.constant 0 : i32
      %add3A_47 = arith.addi %add3A_46, %mul3A_45 : i32
      %mul3A_48 = arith.constant 2 : i32
      %mul3A_49 = arith.muli %mul3A_48, %add3A_47 : i32
      %mul3A_50 = arith.constant 80 : i32
      %mul3A_51 = arith.muli %mul3A_49, %mul3A_50 : i32
      %add3A_52 = arith.addi %mul3A_8, %mul3A_51 : i32
      "tpu.region"() ({
        %run_scoped3A = tpu.sem_alloc : memref<!tpu.dma_semaphore, #tpu.memory_space<semaphore_mem>>
        %dma_start3A_106 = tpu.memref_slice %arg5[%add3A_52] : memref<320000xi32, #tpu.memory_space<hbm>> -> memref<80xi32, #tpu.memory_space<hbm>>
        %dma_start3A_107 = tpu.memref_slice %arg5[%add3A_52] : memref<320000xi32, #tpu.memory_space<hbm>> -> memref<80xi32, #tpu.memory_space<hbm>>
        tpu.enqueue_dma source(%dma_start3A_107 : memref<80xi32, #tpu.memory_space<hbm>>) target(%arg9 : memref<80xi32, #tpu.memory_space<vmem>>) target_semaphore(%run_scoped3A : memref<!tpu.dma_semaphore, #tpu.memory_space<semaphore_mem>>)
        %dma_wait3A_108 = tpu.memref_slice %arg5[%add3A_52] : memref<320000xi32, #tpu.memory_space<hbm>> -> memref<80xi32, #tpu.memory_space<hbm>>
        %dma_wait3A_109 = tpu.memref_slice %arg5[%add3A_52] : memref<320000xi32, #tpu.memory_space<hbm>> -> memref<80xi32, #tpu.memory_space<hbm>>
        tpu.wait_dma2 semaphore(%run_scoped3A : memref<!tpu.dma_semaphore, #tpu.memory_space<semaphore_mem>>) src(%dma_wait3A_109 : memref<80xi32, #tpu.memory_space<hbm>>) dst(%arg9 : memref<80xi32, #tpu.memory_space<vmem>>)
        tpu.yield
      }) : () -> ()
      "tpu.region"() ({
        %run_scoped3A = tpu.sem_alloc : memref<!tpu.dma_semaphore, #tpu.memory_space<semaphore_mem>>
        %dma_start3A_106 = tpu.memref_slice %arg6[%add3A_52] : memref<320000xi32, #tpu.memory_space<hbm>> -> memref<80xi32, #tpu.memory_space<hbm>>
        %dma_start3A_107 = tpu.memref_slice %arg6[%add3A_52] : memref<320000xi32, #tpu.memory_space<hbm>> -> memref<80xi32, #tpu.memory_space<hbm>>
        tpu.enqueue_dma source(%dma_start3A_107 : memref<80xi32, #tpu.memory_space<hbm>>) target(%arg11 : memref<80xi32, #tpu.memory_space<vmem>>) target_semaphore(%run_scoped3A : memref<!tpu.dma_semaphore, #tpu.memory_space<semaphore_mem>>)
        %dma_wait3A_108 = tpu.memref_slice %arg6[%add3A_52] : memref<320000xi32, #tpu.memory_space<hbm>> -> memref<80xi32, #tpu.memory_space<hbm>>
        %dma_wait3A_109 = tpu.memref_slice %arg6[%add3A_52] : memref<320000xi32, #tpu.memory_space<hbm>> -> memref<80xi32, #tpu.memory_space<hbm>>
        tpu.wait_dma2 semaphore(%run_scoped3A : memref<!tpu.dma_semaphore, #tpu.memory_space<semaphore_mem>>) src(%dma_wait3A_109 : memref<80xi32, #tpu.memory_space<hbm>>) dst(%arg11 : memref<80xi32, #tpu.memory_space<vmem>>)
        tpu.yield
      }) : () -> ()
      "tpu.region"() ({
        %run_scoped3A = tpu.sem_alloc : memref<!tpu.dma_semaphore, #tpu.memory_space<semaphore_mem>>
        %dma_start3A_106 = tpu.memref_slice %arg4[%add3A_52] : memref<320000xi32, #tpu.memory_space<hbm>> -> memref<80xi32, #tpu.memory_space<hbm>>
        %dma_start3A_107 = tpu.memref_slice %arg4[%add3A_52] : memref<320000xi32, #tpu.memory_space<hbm>> -> memref<80xi32, #tpu.memory_space<hbm>>
        tpu.enqueue_dma source(%dma_start3A_107 : memref<80xi32, #tpu.memory_space<hbm>>) target(%arg13 : memref<80xi32, #tpu.memory_space<vmem>>) target_semaphore(%run_scoped3A : memref<!tpu.dma_semaphore, #tpu.memory_space<semaphore_mem>>)
        %dma_wait3A_108 = tpu.memref_slice %arg4[%add3A_52] : memref<320000xi32, #tpu.memory_space<hbm>> -> memref<80xi32, #tpu.memory_space<hbm>>
        %dma_wait3A_109 = tpu.memref_slice %arg4[%add3A_52] : memref<320000xi32, #tpu.memory_space<hbm>> -> memref<80xi32, #tpu.memory_space<hbm>>
        tpu.wait_dma2 semaphore(%run_scoped3A : memref<!tpu.dma_semaphore, #tpu.memory_space<semaphore_mem>>) src(%dma_wait3A_109 : memref<80xi32, #tpu.memory_space<hbm>>) dst(%arg13 : memref<80xi32, #tpu.memory_space<vmem>>)
        tpu.yield
      }) : () -> ()
      %dma_start3A_53 = arith.constant 0 : i32
      %dma_start3A_54 = arith.constant 0 : i32
      %dma_start3A_55 = tpu.memref_slice %arg2[%dma_start3A_53, %dma_start3A_54] : memref<10000x128xf32, #tpu.memory_space<hbm>> -> memref<10000x128xf32, #tpu.memory_space<hbm>>
      tpu.enqueue_indirect_dma source(%dma_start3A_55 : memref<10000x128xf32, #tpu.memory_space<hbm>>) target(%arg15 : memref<80x128xf32, #tpu.memory_space<vmem>>) offsets(%arg9 : memref<80xi32, #tpu.memory_space<vmem>>) semaphore(%arg20 : memref<!tpu.dma_semaphore, #tpu.memory_space<semaphore_mem>>)
      %dma_start3A_56 = arith.constant 0 : i32
      %dma_start3A_57 = arith.constant 0 : i32
      %dma_start3A_58 = tpu.memref_slice %arg3[%dma_start3A_56, %dma_start3A_57] : memref<16384x128xf32, #tpu.memory_space<hbm>> -> memref<16384x128xf32, #tpu.memory_space<hbm>>
      tpu.enqueue_indirect_dma source(%dma_start3A_58 : memref<16384x128xf32, #tpu.memory_space<hbm>>) target(%arg17 : memref<80x128xf32, #tpu.memory_space<vmem>>) offsets(%arg11 : memref<80xi32, #tpu.memory_space<vmem>>) semaphore(%arg20 : memref<!tpu.dma_semaphore, #tpu.memory_space<semaphore_mem>>)
      %mul3A_59 = arith.constant 2 : i32
      %mul3A_60 = arith.muli %mul3A_59, %add3A_47 : i32
      %add3A_61 = arith.constant 1 : i32
      %add3A_62 = arith.addi %mul3A_60, %add3A_61 : i32
      %mul3A_63 = arith.constant 80 : i32
      %mul3A_64 = arith.muli %add3A_62, %mul3A_63 : i32
      %add3A_65 = arith.addi %mul3A_8, %mul3A_64 : i32
      "tpu.region"() ({
        %run_scoped3A = tpu.sem_alloc : memref<!tpu.dma_semaphore, #tpu.memory_space<semaphore_mem>>
        %dma_start3A_106 = tpu.memref_slice %arg5[%add3A_65] : memref<320000xi32, #tpu.memory_space<hbm>> -> memref<80xi32, #tpu.memory_space<hbm>>
        %dma_start3A_107 = tpu.memref_slice %arg5[%add3A_65] : memref<320000xi32, #tpu.memory_space<hbm>> -> memref<80xi32, #tpu.memory_space<hbm>>
        tpu.enqueue_dma source(%dma_start3A_107 : memref<80xi32, #tpu.memory_space<hbm>>) target(%arg10 : memref<80xi32, #tpu.memory_space<vmem>>) target_semaphore(%run_scoped3A : memref<!tpu.dma_semaphore, #tpu.memory_space<semaphore_mem>>)
        %dma_wait3A_108 = tpu.memref_slice %arg5[%add3A_65] : memref<320000xi32, #tpu.memory_space<hbm>> -> memref<80xi32, #tpu.memory_space<hbm>>
        %dma_wait3A_109 = tpu.memref_slice %arg5[%add3A_65] : memref<320000xi32, #tpu.memory_space<hbm>> -> memref<80xi32, #tpu.memory_space<hbm>>
        tpu.wait_dma2 semaphore(%run_scoped3A : memref<!tpu.dma_semaphore, #tpu.memory_space<semaphore_mem>>) src(%dma_wait3A_109 : memref<80xi32, #tpu.memory_space<hbm>>) dst(%arg10 : memref<80xi32, #tpu.memory_space<vmem>>)
        tpu.yield
      }) : () -> ()
      "tpu.region"() ({
        %run_scoped3A = tpu.sem_alloc : memref<!tpu.dma_semaphore, #tpu.memory_space<semaphore_mem>>
        %dma_start3A_106 = tpu.memref_slice %arg6[%add3A_65] : memref<320000xi32, #tpu.memory_space<hbm>> -> memref<80xi32, #tpu.memory_space<hbm>>
        %dma_start3A_107 = tpu.memref_slice %arg6[%add3A_65] : memref<320000xi32, #tpu.memory_space<hbm>> -> memref<80xi32, #tpu.memory_space<hbm>>
        tpu.enqueue_dma source(%dma_start3A_107 : memref<80xi32, #tpu.memory_space<hbm>>) target(%arg12 : memref<80xi32, #tpu.memory_space<vmem>>) target_semaphore(%run_scoped3A : memref<!tpu.dma_semaphore, #tpu.memory_space<semaphore_mem>>)
        %dma_wait3A_108 = tpu.memref_slice %arg6[%add3A_65] : memref<320000xi32, #tpu.memory_space<hbm>> -> memref<80xi32, #tpu.memory_space<hbm>>
        %dma_wait3A_109 = tpu.memref_slice %arg6[%add3A_65] : memref<320000xi32, #tpu.memory_space<hbm>> -> memref<80xi32, #tpu.memory_space<hbm>>
        tpu.wait_dma2 semaphore(%run_scoped3A : memref<!tpu.dma_semaphore, #tpu.memory_space<semaphore_mem>>) src(%dma_wait3A_109 : memref<80xi32, #tpu.memory_space<hbm>>) dst(%arg12 : memref<80xi32, #tpu.memory_space<vmem>>)
        tpu.yield
      }) : () -> ()
      "tpu.region"() ({
        %run_scoped3A = tpu.sem_alloc : memref<!tpu.dma_semaphore, #tpu.memory_space<semaphore_mem>>
        %dma_start3A_106 = tpu.memref_slice %arg4[%add3A_65] : memref<320000xi32, #tpu.memory_space<hbm>> -> memref<80xi32, #tpu.memory_space<hbm>>
        %dma_start3A_107 = tpu.memref_slice %arg4[%add3A_65] : memref<320000xi32, #tpu.memory_space<hbm>> -> memref<80xi32, #tpu.memory_space<hbm>>
        tpu.enqueue_dma source(%dma_start3A_107 : memref<80xi32, #tpu.memory_space<hbm>>) target(%arg14 : memref<80xi32, #tpu.memory_space<vmem>>) target_semaphore(%run_scoped3A : memref<!tpu.dma_semaphore, #tpu.memory_space<semaphore_mem>>)
        %dma_wait3A_108 = tpu.memref_slice %arg4[%add3A_65] : memref<320000xi32, #tpu.memory_space<hbm>> -> memref<80xi32, #tpu.memory_space<hbm>>
        %dma_wait3A_109 = tpu.memref_slice %arg4[%add3A_65] : memref<320000xi32, #tpu.memory_space<hbm>> -> memref<80xi32, #tpu.memory_space<hbm>>
        tpu.wait_dma2 semaphore(%run_scoped3A : memref<!tpu.dma_semaphore, #tpu.memory_space<semaphore_mem>>) src(%dma_wait3A_109 : memref<80xi32, #tpu.memory_space<hbm>>) dst(%arg14 : memref<80xi32, #tpu.memory_space<vmem>>)
        tpu.yield
      }) : () -> ()
      %dma_start3A_66 = arith.constant 0 : i32
      %dma_start3A_67 = arith.constant 0 : i32
      %dma_start3A_68 = tpu.memref_slice %arg2[%dma_start3A_66, %dma_start3A_67] : memref<10000x128xf32, #tpu.memory_space<hbm>> -> memref<10000x128xf32, #tpu.memory_space<hbm>>
      tpu.enqueue_indirect_dma source(%dma_start3A_68 : memref<10000x128xf32, #tpu.memory_space<hbm>>) target(%arg16 : memref<80x128xf32, #tpu.memory_space<vmem>>) offsets(%arg10 : memref<80xi32, #tpu.memory_space<vmem>>) semaphore(%arg21 : memref<!tpu.dma_semaphore, #tpu.memory_space<semaphore_mem>>)
      %dma_start3A_69 = arith.constant 0 : i32
      %dma_start3A_70 = arith.constant 0 : i32
      %dma_start3A_71 = tpu.memref_slice %arg3[%dma_start3A_69, %dma_start3A_70] : memref<16384x128xf32, #tpu.memory_space<hbm>> -> memref<16384x128xf32, #tpu.memory_space<hbm>>
      tpu.enqueue_indirect_dma source(%dma_start3A_71 : memref<16384x128xf32, #tpu.memory_space<hbm>>) target(%arg18 : memref<80x128xf32, #tpu.memory_space<vmem>>) offsets(%arg12 : memref<80xi32, #tpu.memory_space<vmem>>) semaphore(%arg21 : memref<!tpu.dma_semaphore, #tpu.memory_space<semaphore_mem>>)
      %dma_wait3A_72 = arith.constant 0 : i32
      %dma_wait3A_73 = arith.constant 0 : i32
      %dma_wait3A_74 = tpu.memref_slice %arg2[%dma_wait3A_72, %dma_wait3A_73] : memref<10000x128xf32, #tpu.memory_space<hbm>> -> memref<10000x128xf32, #tpu.memory_space<hbm>>
      tpu.wait_indirect_dma semaphore(%arg20 : memref<!tpu.dma_semaphore, #tpu.memory_space<semaphore_mem>>) src(%dma_wait3A_74 : memref<10000x128xf32, #tpu.memory_space<hbm>>) dst(%arg15 : memref<80x128xf32, #tpu.memory_space<vmem>>)
      %dma_wait3A_75 = arith.constant 0 : i32
      %dma_wait3A_76 = arith.constant 0 : i32
      %dma_wait3A_77 = tpu.memref_slice %arg3[%dma_wait3A_75, %dma_wait3A_76] : memref<16384x128xf32, #tpu.memory_space<hbm>> -> memref<16384x128xf32, #tpu.memory_space<hbm>>
      tpu.wait_indirect_dma semaphore(%arg20 : memref<!tpu.dma_semaphore, #tpu.memory_space<semaphore_mem>>) src(%dma_wait3A_77 : memref<16384x128xf32, #tpu.memory_space<hbm>>) dst(%arg17 : memref<80x128xf32, #tpu.memory_space<vmem>>)
      %scan3A_78 = arith.constant 0 : i32
      %scan3A_79 = arith.constant 80 : i32
      %scan3A_80 = arith.addi %scan3A_78, %scan3A_79 : i32
      %scan3A_81 = arith.constant 1 : i32
      scf.for %scan3A_106 = %scan3A_78 to %scan3A_80 step %scan3A_81  : i32 {
        %mul3A_107 = arith.constant 1 : i32
        %mul3A_108 = arith.muli %scan3A_106, %mul3A_107 : i32
        %add3A_109 = arith.constant 0 : i32
        %add3A_110 = arith.addi %add3A_109, %mul3A_108 : i32
        %get3A = arith.index_cast %add3A_110 : i32 to index
        %get3A_111 = arith.constant 0 : index
        %get3A_112 = tpu.vector_load %arg15[%get3A, %get3A_111] {strides = array<i32>} : memref<80x128xf32, #tpu.memory_space<vmem>>, vector<16xf32>,
        %get3A_113 = arith.index_cast %add3A_110 : i32 to index
        %get3A_114 = arith.constant 0 : index
        %get3A_115 = tpu.vector_load %arg17[%get3A_113, %get3A_114] {strides = array<i32>} : memref<80x128xf32, #tpu.memory_space<vmem>>, vector<16xf32>,
        %mul3A_116 = arith.mulf %get3A_112, %get3A_115 : vector<16xf32>
        %swap3A = arith.index_cast %add3A_110 : i32 to index
        %swap3A_117 = arith.constant 0 : index
        %swap3A_118 = tpu.vector_load %arg15[%swap3A, %swap3A_117] {strides = array<i32>} : memref<80x128xf32, #tpu.memory_space<vmem>>, vector<16xf32>,
        tpu.vector_store %arg15[%swap3A, %swap3A_117], %mul3A_116 {strides = array<i32>} : memref<80x128xf32, #tpu.memory_space<vmem>>, vector<16xf32>,
        %get3A_119 = arith.index_cast %add3A_110 : i32 to index
        %get3A_120 = arith.constant 16 : index
        %get3A_121 = tpu.vector_load %arg15[%get3A_119, %get3A_120] {strides = array<i32>} : memref<80x128xf32, #tpu.memory_space<vmem>>, vector<16xf32>,
        %get3A_122 = arith.index_cast %add3A_110 : i32 to index
        %get3A_123 = arith.constant 16 : index
        %get3A_124 = tpu.vector_load %arg17[%get3A_122, %get3A_123] {strides = array<i32>} : memref<80x128xf32, #tpu.memory_space<vmem>>, vector<16xf32>,
        %mul3A_125 = arith.mulf %get3A_121, %get3A_124 : vector<16xf32>
        %swap3A_126 = arith.index_cast %add3A_110 : i32 to index
        %swap3A_127 = arith.constant 16 : index
        %swap3A_128 = tpu.vector_load %arg15[%swap3A_126, %swap3A_127] {strides = array<i32>} : memref<80x128xf32, #tpu.memory_space<vmem>>, vector<16xf32>,
        tpu.vector_store %arg15[%swap3A_126, %swap3A_127], %mul3A_125 {strides = array<i32>} : memref<80x128xf32, #tpu.memory_space<vmem>>, vector<16xf32>,
        %get3A_129 = arith.index_cast %add3A_110 : i32 to index
        %get3A_130 = arith.constant 32 : index
        %get3A_131 = tpu.vector_load %arg15[%get3A_129, %get3A_130] {strides = array<i32>} : memref<80x128xf32, #tpu.memory_space<vmem>>, vector<16xf32>,
        %get3A_132 = arith.index_cast %add3A_110 : i32 to index
        %get3A_133 = arith.constant 32 : index
        %get3A_134 = tpu.vector_load %arg17[%get3A_132, %get3A_133] {strides = array<i32>} : memref<80x128xf32, #tpu.memory_space<vmem>>, vector<16xf32>,
        %mul3A_135 = arith.mulf %get3A_131, %get3A_134 : vector<16xf32>
        %swap3A_136 = arith.index_cast %add3A_110 : i32 to index
        %swap3A_137 = arith.constant 32 : index
        %swap3A_138 = tpu.vector_load %arg15[%swap3A_136, %swap3A_137] {strides = array<i32>} : memref<80x128xf32, #tpu.memory_space<vmem>>, vector<16xf32>,
        tpu.vector_store %arg15[%swap3A_136, %swap3A_137], %mul3A_135 {strides = array<i32>} : memref<80x128xf32, #tpu.memory_space<vmem>>, vector<16xf32>,
        %get3A_139 = arith.index_cast %add3A_110 : i32 to index
        %get3A_140 = arith.constant 48 : index
        %get3A_141 = tpu.vector_load %arg15[%get3A_139, %get3A_140] {strides = array<i32>} : memref<80x128xf32, #tpu.memory_space<vmem>>, vector<16xf32>,
        %get3A_142 = arith.index_cast %add3A_110 : i32 to index
        %get3A_143 = arith.constant 48 : index
        %get3A_144 = tpu.vector_load %arg17[%get3A_142, %get3A_143] {strides = array<i32>} : memref<80x128xf32, #tpu.memory_space<vmem>>, vector<16xf32>,
        %mul3A_145 = arith.mulf %get3A_141, %get3A_144 : vector<16xf32>
        %swap3A_146 = arith.index_cast %add3A_110 : i32 to index
        %swap3A_147 = arith.constant 48 : index
        %swap3A_148 = tpu.vector_load %arg15[%swap3A_146, %swap3A_147] {strides = array<i32>} : memref<80x128xf32, #tpu.memory_space<vmem>>, vector<16xf32>,
        tpu.vector_store %arg15[%swap3A_146, %swap3A_147], %mul3A_145 {strides = array<i32>} : memref<80x128xf32, #tpu.memory_space<vmem>>, vector<16xf32>,
        %get3A_149 = arith.index_cast %add3A_110 : i32 to index
        %get3A_150 = arith.constant 64 : index
        %get3A_151 = tpu.vector_load %arg15[%get3A_149, %get3A_150] {strides = array<i32>} : memref<80x128xf32, #tpu.memory_space<vmem>>, vector<16xf32>,
        %get3A_152 = arith.index_cast %add3A_110 : i32 to index
        %get3A_153 = arith.constant 64 : index
        %get3A_154 = tpu.vector_load %arg17[%get3A_152, %get3A_153] {strides = array<i32>} : memref<80x128xf32, #tpu.memory_space<vmem>>, vector<16xf32>,
        %mul3A_155 = arith.mulf %get3A_151, %get3A_154 : vector<16xf32>
        %swap3A_156 = arith.index_cast %add3A_110 : i32 to index
        %swap3A_157 = arith.constant 64 : index
        %swap3A_158 = tpu.vector_load %arg15[%swap3A_156, %swap3A_157] {strides = array<i32>} : memref<80x128xf32, #tpu.memory_space<vmem>>, vector<16xf32>,
        tpu.vector_store %arg15[%swap3A_156, %swap3A_157], %mul3A_155 {strides = array<i32>} : memref<80x128xf32, #tpu.memory_space<vmem>>, vector<16xf32>,
        %get3A_159 = arith.index_cast %add3A_110 : i32 to index
        %get3A_160 = arith.constant 80 : index
        %get3A_161 = tpu.vector_load %arg15[%get3A_159, %get3A_160] {strides = array<i32>} : memref<80x128xf32, #tpu.memory_space<vmem>>, vector<16xf32>,
        %get3A_162 = arith.index_cast %add3A_110 : i32 to index
        %get3A_163 = arith.constant 80 : index
        %get3A_164 = tpu.vector_load %arg17[%get3A_162, %get3A_163] {strides = array<i32>} : memref<80x128xf32, #tpu.memory_space<vmem>>, vector<16xf32>,
        %mul3A_165 = arith.mulf %get3A_161, %get3A_164 : vector<16xf32>
        %swap3A_166 = arith.index_cast %add3A_110 : i32 to index
        %swap3A_167 = arith.constant 80 : index
        %swap3A_168 = tpu.vector_load %arg15[%swap3A_166, %swap3A_167] {strides = array<i32>} : memref<80x128xf32, #tpu.memory_space<vmem>>, vector<16xf32>,
        tpu.vector_store %arg15[%swap3A_166, %swap3A_167], %mul3A_165 {strides = array<i32>} : memref<80x128xf32, #tpu.memory_space<vmem>>, vector<16xf32>,
        %get3A_169 = arith.index_cast %add3A_110 : i32 to index
        %get3A_170 = arith.constant 96 : index
        %get3A_171 = tpu.vector_load %arg15[%get3A_169, %get3A_170] {strides = array<i32>} : memref<80x128xf32, #tpu.memory_space<vmem>>, vector<16xf32>,
        %get3A_172 = arith.index_cast %add3A_110 : i32 to index
        %get3A_173 = arith.constant 96 : index
        %get3A_174 = tpu.vector_load %arg17[%get3A_172, %get3A_173] {strides = array<i32>} : memref<80x128xf32, #tpu.memory_space<vmem>>, vector<16xf32>,
        %mul3A_175 = arith.mulf %get3A_171, %get3A_174 : vector<16xf32>
        %swap3A_176 = arith.index_cast %add3A_110 : i32 to index
        %swap3A_177 = arith.constant 96 : index
        %swap3A_178 = tpu.vector_load %arg15[%swap3A_176, %swap3A_177] {strides = array<i32>} : memref<80x128xf32, #tpu.memory_space<vmem>>, vector<16xf32>,
        tpu.vector_store %arg15[%swap3A_176, %swap3A_177], %mul3A_175 {strides = array<i32>} : memref<80x128xf32, #tpu.memory_space<vmem>>, vector<16xf32>,
        %get3A_179 = arith.index_cast %add3A_110 : i32 to index
        %get3A_180 = arith.constant 112 : index
        %get3A_181 = tpu.vector_load %arg15[%get3A_179, %get3A_180] {strides = array<i32>} : memref<80x128xf32, #tpu.memory_space<vmem>>, vector<16xf32>,
        %get3A_182 = arith.index_cast %add3A_110 : i32 to index
        %get3A_183 = arith.constant 112 : index
        %get3A_184 = tpu.vector_load %arg17[%get3A_182, %get3A_183] {strides = array<i32>} : memref<80x128xf32, #tpu.memory_space<vmem>>, vector<16xf32>,
        %mul3A_185 = arith.mulf %get3A_181, %get3A_184 : vector<16xf32>
        %swap3A_186 = arith.index_cast %add3A_110 : i32 to index
        %swap3A_187 = arith.constant 112 : index
        %swap3A_188 = tpu.vector_load %arg15[%swap3A_186, %swap3A_187] {strides = array<i32>} : memref<80x128xf32, #tpu.memory_space<vmem>>, vector<16xf32>,
        tpu.vector_store %arg15[%swap3A_186, %swap3A_187], %mul3A_185 {strides = array<i32>} : memref<80x128xf32, #tpu.memory_space<vmem>>, vector<16xf32>,
      }
      %scan3A_82 = arith.constant 80 : i32
      %dma_start3A_83 = arith.constant 0 : i32
      %dma_start3A_84 = arith.constant 0 : i32
      %dma_start3A_85 = tpu.memref_slice %arg19[%dma_start3A_83, %dma_start3A_84] : memref<10240x128xf32, #tpu.memory_space<vmem_shared>> -> memref<10240x128xf32, #tpu.memory_space<vmem_shared>>
      tpu.enqueue_indirect_dma source(%arg15 : memref<80x128xf32, #tpu.memory_space<vmem>>) target(%dma_start3A_85 : memref<10240x128xf32, #tpu.memory_space<vmem_shared>>) offsets(%arg13 : memref<80xi32, #tpu.memory_space<vmem>>) semaphore(%arg22 : memref<!tpu.dma_semaphore, #tpu.memory_space<semaphore_mem>>) {add = true}
      %dma_wait3A_86 = arith.constant 0 : i32
      %dma_wait3A_87 = arith.constant 0 : i32
      %dma_wait3A_88 = tpu.memref_slice %arg2[%dma_wait3A_86, %dma_wait3A_87] : memref<10000x128xf32, #tpu.memory_space<hbm>> -> memref<10000x128xf32, #tpu.memory_space<hbm>>
      tpu.wait_indirect_dma semaphore(%arg21 : memref<!tpu.dma_semaphore, #tpu.memory_space<semaphore_mem>>) src(%dma_wait3A_88 : memref<10000x128xf32, #tpu.memory_space<hbm>>) dst(%arg16 : memref<80x128xf32, #tpu.memory_space<vmem>>)
      %dma_wait3A_89 = arith.constant 0 : i32
      %dma_wait3A_90 = arith.constant 0 : i32
      %dma_wait3A_91 = tpu.memref_slice %arg3[%dma_wait3A_89, %dma_wait3A_90] : memref<16384x128xf32, #tpu.memory_space<hbm>> -> memref<16384x128xf32, #tpu.memory_space<hbm>>
      tpu.wait_indirect_dma semaphore(%arg21 : memref<!tpu.dma_semaphore, #tpu.memory_space<semaphore_mem>>) src(%dma_wait3A_91 : memref<16384x128xf32, #tpu.memory_space<hbm>>) dst(%arg18 : memref<80x128xf32, #tpu.memory_space<vmem>>)
      %scan3A_92 = arith.constant 0 : i32
      %scan3A_93 = arith.constant 80 : i32
      %scan3A_94 = arith.addi %scan3A_92, %scan3A_93 : i32
      %scan3A_95 = arith.constant 1 : i32
      scf.for %scan3A_106 = %scan3A_92 to %scan3A_94 step %scan3A_95  : i32 {
        %mul3A_107 = arith.constant 1 : i32
        %mul3A_108 = arith.muli %scan3A_106, %mul3A_107 : i32
        %add3A_109 = arith.constant 0 : i32
        %add3A_110 = arith.addi %add3A_109, %mul3A_108 : i32
        %get3A = arith.index_cast %add3A_110 : i32 to index
        %get3A_111 = arith.constant 0 : index
        %get3A_112 = tpu.vector_load %arg16[%get3A, %get3A_111] {strides = array<i32>} : memref<80x128xf32, #tpu.memory_space<vmem>>, vector<16xf32>,
        %get3A_113 = arith.index_cast %add3A_110 : i32 to index
        %get3A_114 = arith.constant 0 : index
        %get3A_115 = tpu.vector_load %arg18[%get3A_113, %get3A_114] {strides = array<i32>} : memref<80x128xf32, #tpu.memory_space<vmem>>, vector<16xf32>,
        %mul3A_116 = arith.mulf %get3A_112, %get3A_115 : vector<16xf32>
        %swap3A = arith.index_cast %add3A_110 : i32 to index
        %swap3A_117 = arith.constant 0 : index
        %swap3A_118 = tpu.vector_load %arg16[%swap3A, %swap3A_117] {strides = array<i32>} : memref<80x128xf32, #tpu.memory_space<vmem>>, vector<16xf32>,
        tpu.vector_store %arg16[%swap3A, %swap3A_117], %mul3A_116 {strides = array<i32>} : memref<80x128xf32, #tpu.memory_space<vmem>>, vector<16xf32>,
        %get3A_119 = arith.index_cast %add3A_110 : i32 to index
        %get3A_120 = arith.constant 16 : index
        %get3A_121 = tpu.vector_load %arg16[%get3A_119, %get3A_120] {strides = array<i32>} : memref<80x128xf32, #tpu.memory_space<vmem>>, vector<16xf32>,
        %get3A_122 = arith.index_cast %add3A_110 : i32 to index
        %get3A_123 = arith.constant 16 : index
        %get3A_124 = tpu.vector_load %arg18[%get3A_122, %get3A_123] {strides = array<i32>} : memref<80x128xf32, #tpu.memory_space<vmem>>, vector<16xf32>,
        %mul3A_125 = arith.mulf %get3A_121, %get3A_124 : vector<16xf32>
        %swap3A_126 = arith.index_cast %add3A_110 : i32 to index
        %swap3A_127 = arith.constant 16 : index
        %swap3A_128 = tpu.vector_load %arg16[%swap3A_126, %swap3A_127] {strides = array<i32>} : memref<80x128xf32, #tpu.memory_space<vmem>>, vector<16xf32>,
        tpu.vector_store %arg16[%swap3A_126, %swap3A_127], %mul3A_125 {strides = array<i32>} : memref<80x128xf32, #tpu.memory_space<vmem>>, vector<16xf32>,
        %get3A_129 = arith.index_cast %add3A_110 : i32 to index
        %get3A_130 = arith.constant 32 : index
        %get3A_131 = tpu.vector_load %arg16[%get3A_129, %get3A_130] {strides = array<i32>} : memref<80x128xf32, #tpu.memory_space<vmem>>, vector<16xf32>,
        %get3A_132 = arith.index_cast %add3A_110 : i32 to index
        %get3A_133 = arith.constant 32 : index
        %get3A_134 = tpu.vector_load %arg18[%get3A_132, %get3A_133] {strides = array<i32>} : memref<80x128xf32, #tpu.memory_space<vmem>>, vector<16xf32>,
        %mul3A_135 = arith.mulf %get3A_131, %get3A_134 : vector<16xf32>
        %swap3A_136 = arith.index_cast %add3A_110 : i32 to index
        %swap3A_137 = arith.constant 32 : index
        %swap3A_138 = tpu.vector_load %arg16[%swap3A_136, %swap3A_137] {strides = array<i32>} : memref<80x128xf32, #tpu.memory_space<vmem>>, vector<16xf32>,
        tpu.vector_store %arg16[%swap3A_136, %swap3A_137], %mul3A_135 {strides = array<i32>} : memref<80x128xf32, #tpu.memory_space<vmem>>, vector<16xf32>,
        %get3A_139 = arith.index_cast %add3A_110 : i32 to index
        %get3A_140 = arith.constant 48 : index
        %get3A_141 = tpu.vector_load %arg16[%get3A_139, %get3A_140] {strides = array<i32>} : memref<80x128xf32, #tpu.memory_space<vmem>>, vector<16xf32>,
        %get3A_142 = arith.index_cast %add3A_110 : i32 to index
        %get3A_143 = arith.constant 48 : index
        %get3A_144 = tpu.vector_load %arg18[%get3A_142, %get3A_143] {strides = array<i32>} : memref<80x128xf32, #tpu.memory_space<vmem>>, vector<16xf32>,
        %mul3A_145 = arith.mulf %get3A_141, %get3A_144 : vector<16xf32>
        %swap3A_146 = arith.index_cast %add3A_110 : i32 to index
        %swap3A_147 = arith.constant 48 : index
        %swap3A_148 = tpu.vector_load %arg16[%swap3A_146, %swap3A_147] {strides = array<i32>} : memref<80x128xf32, #tpu.memory_space<vmem>>, vector<16xf32>,
        tpu.vector_store %arg16[%swap3A_146, %swap3A_147], %mul3A_145 {strides = array<i32>} : memref<80x128xf32, #tpu.memory_space<vmem>>, vector<16xf32>,
        %get3A_149 = arith.index_cast %add3A_110 : i32 to index
        %get3A_150 = arith.constant 64 : index
        %get3A_151 = tpu.vector_load %arg16[%get3A_149, %get3A_150] {strides = array<i32>} : memref<80x128xf32, #tpu.memory_space<vmem>>, vector<16xf32>,
        %get3A_152 = arith.index_cast %add3A_110 : i32 to index
        %get3A_153 = arith.constant 64 : index
        %get3A_154 = tpu.vector_load %arg18[%get3A_152, %get3A_153] {strides = array<i32>} : memref<80x128xf32, #tpu.memory_space<vmem>>, vector<16xf32>,
        %mul3A_155 = arith.mulf %get3A_151, %get3A_154 : vector<16xf32>
        %swap3A_156 = arith.index_cast %add3A_110 : i32 to index
        %swap3A_157 = arith.constant 64 : index
        %swap3A_158 = tpu.vector_load %arg16[%swap3A_156, %swap3A_157] {strides = array<i32>} : memref<80x128xf32, #tpu.memory_space<vmem>>, vector<16xf32>,
        tpu.vector_store %arg16[%swap3A_156, %swap3A_157], %mul3A_155 {strides = array<i32>} : memref<80x128xf32, #tpu.memory_space<vmem>>, vector<16xf32>,
        %get3A_159 = arith.index_cast %add3A_110 : i32 to index
        %get3A_160 = arith.constant 80 : index
        %get3A_161 = tpu.vector_load %arg16[%get3A_159, %get3A_160] {strides = array<i32>} : memref<80x128xf32, #tpu.memory_space<vmem>>, vector<16xf32>,
        %get3A_162 = arith.index_cast %add3A_110 : i32 to index
        %get3A_163 = arith.constant 80 : index
        %get3A_164 = tpu.vector_load %arg18[%get3A_162, %get3A_163] {strides = array<i32>} : memref<80x128xf32, #tpu.memory_space<vmem>>, vector<16xf32>,
        %mul3A_165 = arith.mulf %get3A_161, %get3A_164 : vector<16xf32>
        %swap3A_166 = arith.index_cast %add3A_110 : i32 to index
        %swap3A_167 = arith.constant 80 : index
        %swap3A_168 = tpu.vector_load %arg16[%swap3A_166, %swap3A_167] {strides = array<i32>} : memref<80x128xf32, #tpu.memory_space<vmem>>, vector<16xf32>,
        tpu.vector_store %arg16[%swap3A_166, %swap3A_167], %mul3A_165 {strides = array<i32>} : memref<80x128xf32, #tpu.memory_space<vmem>>, vector<16xf32>,
        %get3A_169 = arith.index_cast %add3A_110 : i32 to index
        %get3A_170 = arith.constant 96 : index
        %get3A_171 = tpu.vector_load %arg16[%get3A_169, %get3A_170] {strides = array<i32>} : memref<80x128xf32, #tpu.memory_space<vmem>>, vector<16xf32>,
        %get3A_172 = arith.index_cast %add3A_110 : i32 to index
        %get3A_173 = arith.constant 96 : index
        %get3A_174 = tpu.vector_load %arg18[%get3A_172, %get3A_173] {strides = array<i32>} : memref<80x128xf32, #tpu.memory_space<vmem>>, vector<16xf32>,
        %mul3A_175 = arith.mulf %get3A_171, %get3A_174 : vector<16xf32>
        %swap3A_176 = arith.index_cast %add3A_110 : i32 to index
        %swap3A_177 = arith.constant 96 : index
        %swap3A_178 = tpu.vector_load %arg16[%swap3A_176, %swap3A_177] {strides = array<i32>} : memref<80x128xf32, #tpu.memory_space<vmem>>, vector<16xf32>,
        tpu.vector_store %arg16[%swap3A_176, %swap3A_177], %mul3A_175 {strides = array<i32>} : memref<80x128xf32, #tpu.memory_space<vmem>>, vector<16xf32>,
        %get3A_179 = arith.index_cast %add3A_110 : i32 to index
        %get3A_180 = arith.constant 112 : index
        %get3A_181 = tpu.vector_load %arg16[%get3A_179, %get3A_180] {strides = array<i32>} : memref<80x128xf32, #tpu.memory_space<vmem>>, vector<16xf32>,
        %get3A_182 = arith.index_cast %add3A_110 : i32 to index
        %get3A_183 = arith.constant 112 : index
        %get3A_184 = tpu.vector_load %arg18[%get3A_182, %get3A_183] {strides = array<i32>} : memref<80x128xf32, #tpu.memory_space<vmem>>, vector<16xf32>,
        %mul3A_185 = arith.mulf %get3A_181, %get3A_184 : vector<16xf32>
        %swap3A_186 = arith.index_cast %add3A_110 : i32 to index
        %swap3A_187 = arith.constant 112 : index
        %swap3A_188 = tpu.vector_load %arg16[%swap3A_186, %swap3A_187] {strides = array<i32>} : memref<80x128xf32, #tpu.memory_space<vmem>>, vector<16xf32>,
        tpu.vector_store %arg16[%swap3A_186, %swap3A_187], %mul3A_185 {strides = array<i32>} : memref<80x128xf32, #tpu.memory_space<vmem>>, vector<16xf32>,
      }
      %scan3A_96 = arith.constant 80 : i32
      %dma_start3A_97 = arith.constant 0 : i32
      %dma_start3A_98 = arith.constant 0 : i32
      %dma_start3A_99 = tpu.memref_slice %arg19[%dma_start3A_97, %dma_start3A_98] : memref<10240x128xf32, #tpu.memory_space<vmem_shared>> -> memref<10240x128xf32, #tpu.memory_space<vmem_shared>>
      tpu.enqueue_indirect_dma source(%arg16 : memref<80x128xf32, #tpu.memory_space<vmem>>) target(%dma_start3A_99 : memref<10240x128xf32, #tpu.memory_space<vmem_shared>>) offsets(%arg14 : memref<80xi32, #tpu.memory_space<vmem>>) semaphore(%arg23 : memref<!tpu.dma_semaphore, #tpu.memory_space<semaphore_mem>>) {add = true}
      %dma_wait3A_100 = arith.constant 0 : i32
      %dma_wait3A_101 = arith.constant 0 : i32
      %dma_wait3A_102 = tpu.memref_slice %arg19[%dma_wait3A_100, %dma_wait3A_101] : memref<10240x128xf32, #tpu.memory_space<vmem_shared>> -> memref<10240x128xf32, #tpu.memory_space<vmem_shared>>
      tpu.wait_indirect_dma semaphore(%arg22 : memref<!tpu.dma_semaphore, #tpu.memory_space<semaphore_mem>>) src(%arg15 : memref<80x128xf32, #tpu.memory_space<vmem>>) dst(%dma_wait3A_102 : memref<10240x128xf32, #tpu.memory_space<vmem_shared>>)
      %dma_wait3A_103 = arith.constant 0 : i32
      %dma_wait3A_104 = arith.constant 0 : i32
      %dma_wait3A_105 = tpu.memref_slice %arg19[%dma_wait3A_103, %dma_wait3A_104] : memref<10240x128xf32, #tpu.memory_space<vmem_shared>> -> memref<10240x128xf32, #tpu.memory_space<vmem_shared>>
      tpu.wait_indirect_dma semaphore(%arg23 : memref<!tpu.dma_semaphore, #tpu.memory_space<semaphore_mem>>) src(%arg16 : memref<80x128xf32, #tpu.memory_space<vmem>>) dst(%dma_wait3A_105 : memref<10240x128xf32, #tpu.memory_space<vmem_shared>>)
    }
    %scan3A_13 = arith.constant 62 : i32
    %add3A_14 = arith.constant 9920 : i32
    %add3A_15 = arith.addi %mul3A_8, %add3A_14 : i32
    "tpu.region"() ({
      %run_scoped3A = tpu.sem_alloc : memref<!tpu.dma_semaphore, #tpu.memory_space<semaphore_mem>>
      %dma_start3A_43 = tpu.memref_slice %arg5[%add3A_15] : memref<320000xi32, #tpu.memory_space<hbm>> -> memref<80xi32, #tpu.memory_space<hbm>>
      %dma_start3A_44 = tpu.memref_slice %arg5[%add3A_15] : memref<320000xi32, #tpu.memory_space<hbm>> -> memref<80xi32, #tpu.memory_space<hbm>>
      tpu.enqueue_dma source(%dma_start3A_44 : memref<80xi32, #tpu.memory_space<hbm>>) target(%arg9 : memref<80xi32, #tpu.memory_space<vmem>>) target_semaphore(%run_scoped3A : memref<!tpu.dma_semaphore, #tpu.memory_space<semaphore_mem>>)
      %dma_wait3A_45 = tpu.memref_slice %arg5[%add3A_15] : memref<320000xi32, #tpu.memory_space<hbm>> -> memref<80xi32, #tpu.memory_space<hbm>>
      %dma_wait3A_46 = tpu.memref_slice %arg5[%add3A_15] : memref<320000xi32, #tpu.memory_space<hbm>> -> memref<80xi32, #tpu.memory_space<hbm>>
      tpu.wait_dma2 semaphore(%run_scoped3A : memref<!tpu.dma_semaphore, #tpu.memory_space<semaphore_mem>>) src(%dma_wait3A_46 : memref<80xi32, #tpu.memory_space<hbm>>) dst(%arg9 : memref<80xi32, #tpu.memory_space<vmem>>)
      tpu.yield
    }) : () -> ()
    "tpu.region"() ({
      %run_scoped3A = tpu.sem_alloc : memref<!tpu.dma_semaphore, #tpu.memory_space<semaphore_mem>>
      %dma_start3A_43 = tpu.memref_slice %arg6[%add3A_15] : memref<320000xi32, #tpu.memory_space<hbm>> -> memref<80xi32, #tpu.memory_space<hbm>>
      %dma_start3A_44 = tpu.memref_slice %arg6[%add3A_15] : memref<320000xi32, #tpu.memory_space<hbm>> -> memref<80xi32, #tpu.memory_space<hbm>>
      tpu.enqueue_dma source(%dma_start3A_44 : memref<80xi32, #tpu.memory_space<hbm>>) target(%arg11 : memref<80xi32, #tpu.memory_space<vmem>>) target_semaphore(%run_scoped3A : memref<!tpu.dma_semaphore, #tpu.memory_space<semaphore_mem>>)
      %dma_wait3A_45 = tpu.memref_slice %arg6[%add3A_15] : memref<320000xi32, #tpu.memory_space<hbm>> -> memref<80xi32, #tpu.memory_space<hbm>>
      %dma_wait3A_46 = tpu.memref_slice %arg6[%add3A_15] : memref<320000xi32, #tpu.memory_space<hbm>> -> memref<80xi32, #tpu.memory_space<hbm>>
      tpu.wait_dma2 semaphore(%run_scoped3A : memref<!tpu.dma_semaphore, #tpu.memory_space<semaphore_mem>>) src(%dma_wait3A_46 : memref<80xi32, #tpu.memory_space<hbm>>) dst(%arg11 : memref<80xi32, #tpu.memory_space<vmem>>)
      tpu.yield
    }) : () -> ()
    "tpu.region"() ({
      %run_scoped3A = tpu.sem_alloc : memref<!tpu.dma_semaphore, #tpu.memory_space<semaphore_mem>>
      %dma_start3A_43 = tpu.memref_slice %arg4[%add3A_15] : memref<320000xi32, #tpu.memory_space<hbm>> -> memref<80xi32, #tpu.memory_space<hbm>>
      %dma_start3A_44 = tpu.memref_slice %arg4[%add3A_15] : memref<320000xi32, #tpu.memory_space<hbm>> -> memref<80xi32, #tpu.memory_space<hbm>>
      tpu.enqueue_dma source(%dma_start3A_44 : memref<80xi32, #tpu.memory_space<hbm>>) target(%arg13 : memref<80xi32, #tpu.memory_space<vmem>>) target_semaphore(%run_scoped3A : memref<!tpu.dma_semaphore, #tpu.memory_space<semaphore_mem>>)
      %dma_wait3A_45 = tpu.memref_slice %arg4[%add3A_15] : memref<320000xi32, #tpu.memory_space<hbm>> -> memref<80xi32, #tpu.memory_space<hbm>>
      %dma_wait3A_46 = tpu.memref_slice %arg4[%add3A_15] : memref<320000xi32, #tpu.memory_space<hbm>> -> memref<80xi32, #tpu.memory_space<hbm>>
      tpu.wait_dma2 semaphore(%run_scoped3A : memref<!tpu.dma_semaphore, #tpu.memory_space<semaphore_mem>>) src(%dma_wait3A_46 : memref<80xi32, #tpu.memory_space<hbm>>) dst(%arg13 : memref<80xi32, #tpu.memory_space<vmem>>)
      tpu.yield
    }) : () -> ()
    %dma_start3A = arith.constant 0 : i32
    %dma_start3A_16 = arith.constant 0 : i32
    %dma_start3A_17 = tpu.memref_slice %arg2[%dma_start3A, %dma_start3A_16] : memref<10000x128xf32, #tpu.memory_space<hbm>> -> memref<10000x128xf32, #tpu.memory_space<hbm>>
    tpu.enqueue_indirect_dma source(%dma_start3A_17 : memref<10000x128xf32, #tpu.memory_space<hbm>>) target(%arg15 : memref<80x128xf32, #tpu.memory_space<vmem>>) offsets(%arg9 : memref<80xi32, #tpu.memory_space<vmem>>) semaphore(%arg20 : memref<!tpu.dma_semaphore, #tpu.memory_space<semaphore_mem>>)
    %dma_start3A_18 = arith.constant 0 : i32
    %dma_start3A_19 = arith.constant 0 : i32
    %dma_start3A_20 = tpu.memref_slice %arg3[%dma_start3A_18, %dma_start3A_19] : memref<16384x128xf32, #tpu.memory_space<hbm>> -> memref<16384x128xf32, #tpu.memory_space<hbm>>
    tpu.enqueue_indirect_dma source(%dma_start3A_20 : memref<16384x128xf32, #tpu.memory_space<hbm>>) target(%arg17 : memref<80x128xf32, #tpu.memory_space<vmem>>) offsets(%arg11 : memref<80xi32, #tpu.memory_space<vmem>>) semaphore(%arg20 : memref<!tpu.dma_semaphore, #tpu.memory_space<semaphore_mem>>)
    %dma_wait3A = arith.constant 0 : i32
    %dma_wait3A_21 = arith.constant 0 : i32
    %dma_wait3A_22 = tpu.memref_slice %arg2[%dma_wait3A, %dma_wait3A_21] : memref<10000x128xf32, #tpu.memory_space<hbm>> -> memref<10000x128xf32, #tpu.memory_space<hbm>>
    tpu.wait_indirect_dma semaphore(%arg20 : memref<!tpu.dma_semaphore, #tpu.memory_space<semaphore_mem>>) src(%dma_wait3A_22 : memref<10000x128xf32, #tpu.memory_space<hbm>>) dst(%arg15 : memref<80x128xf32, #tpu.memory_space<vmem>>)
    %dma_wait3A_23 = arith.constant 0 : i32
    %dma_wait3A_24 = arith.constant 0 : i32
    %dma_wait3A_25 = tpu.memref_slice %arg3[%dma_wait3A_23, %dma_wait3A_24] : memref<16384x128xf32, #tpu.memory_space<hbm>> -> memref<16384x128xf32, #tpu.memory_space<hbm>>
    tpu.wait_indirect_dma semaphore(%arg20 : memref<!tpu.dma_semaphore, #tpu.memory_space<semaphore_mem>>) src(%dma_wait3A_25 : memref<16384x128xf32, #tpu.memory_space<hbm>>) dst(%arg17 : memref<80x128xf32, #tpu.memory_space<vmem>>)
    %scan3A_26 = arith.constant 0 : i32
    %scan3A_27 = arith.constant 80 : i32
    %scan3A_28 = arith.addi %scan3A_26, %scan3A_27 : i32
    %scan3A_29 = arith.constant 1 : i32
    scf.for %scan3A_43 = %scan3A_26 to %scan3A_28 step %scan3A_29  : i32 {
      %mul3A_44 = arith.constant 1 : i32
      %mul3A_45 = arith.muli %scan3A_43, %mul3A_44 : i32
      %add3A_46 = arith.constant 0 : i32
      %add3A_47 = arith.addi %add3A_46, %mul3A_45 : i32
      %get3A = arith.index_cast %add3A_47 : i32 to index
      %get3A_48 = arith.constant 0 : index
      %get3A_49 = tpu.vector_load %arg15[%get3A, %get3A_48] {strides = array<i32>} : memref<80x128xf32, #tpu.memory_space<vmem>>, vector<16xf32>,
      %get3A_50 = arith.index_cast %add3A_47 : i32 to index
      %get3A_51 = arith.constant 0 : index
      %get3A_52 = tpu.vector_load %arg17[%get3A_50, %get3A_51] {strides = array<i32>} : memref<80x128xf32, #tpu.memory_space<vmem>>, vector<16xf32>,
      %mul3A_53 = arith.mulf %get3A_49, %get3A_52 : vector<16xf32>
      %swap3A = arith.index_cast %add3A_47 : i32 to index
      %swap3A_54 = arith.constant 0 : index
      %swap3A_55 = tpu.vector_load %arg15[%swap3A, %swap3A_54] {strides = array<i32>} : memref<80x128xf32, #tpu.memory_space<vmem>>, vector<16xf32>,
      tpu.vector_store %arg15[%swap3A, %swap3A_54], %mul3A_53 {strides = array<i32>} : memref<80x128xf32, #tpu.memory_space<vmem>>, vector<16xf32>,
      %get3A_56 = arith.index_cast %add3A_47 : i32 to index
      %get3A_57 = arith.constant 16 : index
      %get3A_58 = tpu.vector_load %arg15[%get3A_56, %get3A_57] {strides = array<i32>} : memref<80x128xf32, #tpu.memory_space<vmem>>, vector<16xf32>,
      %get3A_59 = arith.index_cast %add3A_47 : i32 to index
      %get3A_60 = arith.constant 16 : index
      %get3A_61 = tpu.vector_load %arg17[%get3A_59, %get3A_60] {strides = array<i32>} : memref<80x128xf32, #tpu.memory_space<vmem>>, vector<16xf32>,
      %mul3A_62 = arith.mulf %get3A_58, %get3A_61 : vector<16xf32>
      %swap3A_63 = arith.index_cast %add3A_47 : i32 to index
      %swap3A_64 = arith.constant 16 : index
      %swap3A_65 = tpu.vector_load %arg15[%swap3A_63, %swap3A_64] {strides = array<i32>} : memref<80x128xf32, #tpu.memory_space<vmem>>, vector<16xf32>,
      tpu.vector_store %arg15[%swap3A_63, %swap3A_64], %mul3A_62 {strides = array<i32>} : memref<80x128xf32, #tpu.memory_space<vmem>>, vector<16xf32>,
      %get3A_66 = arith.index_cast %add3A_47 : i32 to index
      %get3A_67 = arith.constant 32 : index
      %get3A_68 = tpu.vector_load %arg15[%get3A_66, %get3A_67] {strides = array<i32>} : memref<80x128xf32, #tpu.memory_space<vmem>>, vector<16xf32>,
      %get3A_69 = arith.index_cast %add3A_47 : i32 to index
      %get3A_70 = arith.constant 32 : index
      %get3A_71 = tpu.vector_load %arg17[%get3A_69, %get3A_70] {strides = array<i32>} : memref<80x128xf32, #tpu.memory_space<vmem>>, vector<16xf32>,
      %mul3A_72 = arith.mulf %get3A_68, %get3A_71 : vector<16xf32>
      %swap3A_73 = arith.index_cast %add3A_47 : i32 to index
      %swap3A_74 = arith.constant 32 : index
      %swap3A_75 = tpu.vector_load %arg15[%swap3A_73, %swap3A_74] {strides = array<i32>} : memref<80x128xf32, #tpu.memory_space<vmem>>, vector<16xf32>,
      tpu.vector_store %arg15[%swap3A_73, %swap3A_74], %mul3A_72 {strides = array<i32>} : memref<80x128xf32, #tpu.memory_space<vmem>>, vector<16xf32>,
      %get3A_76 = arith.index_cast %add3A_47 : i32 to index
      %get3A_77 = arith.constant 48 : index
      %get3A_78 = tpu.vector_load %arg15[%get3A_76, %get3A_77] {strides = array<i32>} : memref<80x128xf32, #tpu.memory_space<vmem>>, vector<16xf32>,
      %get3A_79 = arith.index_cast %add3A_47 : i32 to index
      %get3A_80 = arith.constant 48 : index
      %get3A_81 = tpu.vector_load %arg17[%get3A_79, %get3A_80] {strides = array<i32>} : memref<80x128xf32, #tpu.memory_space<vmem>>, vector<16xf32>,
      %mul3A_82 = arith.mulf %get3A_78, %get3A_81 : vector<16xf32>
      %swap3A_83 = arith.index_cast %add3A_47 : i32 to index
      %swap3A_84 = arith.constant 48 : index
      %swap3A_85 = tpu.vector_load %arg15[%swap3A_83, %swap3A_84] {strides = array<i32>} : memref<80x128xf32, #tpu.memory_space<vmem>>, vector<16xf32>,
      tpu.vector_store %arg15[%swap3A_83, %swap3A_84], %mul3A_82 {strides = array<i32>} : memref<80x128xf32, #tpu.memory_space<vmem>>, vector<16xf32>,
      %get3A_86 = arith.index_cast %add3A_47 : i32 to index
      %get3A_87 = arith.constant 64 : index
      %get3A_88 = tpu.vector_load %arg15[%get3A_86, %get3A_87] {strides = array<i32>} : memref<80x128xf32, #tpu.memory_space<vmem>>, vector<16xf32>,
      %get3A_89 = arith.index_cast %add3A_47 : i32 to index
      %get3A_90 = arith.constant 64 : index
      %get3A_91 = tpu.vector_load %arg17[%get3A_89, %get3A_90] {strides = array<i32>} : memref<80x128xf32, #tpu.memory_space<vmem>>, vector<16xf32>,
      %mul3A_92 = arith.mulf %get3A_88, %get3A_91 : vector<16xf32>
      %swap3A_93 = arith.index_cast %add3A_47 : i32 to index
      %swap3A_94 = arith.constant 64 : index
      %swap3A_95 = tpu.vector_load %arg15[%swap3A_93, %swap3A_94] {strides = array<i32>} : memref<80x128xf32, #tpu.memory_space<vmem>>, vector<16xf32>,
      tpu.vector_store %arg15[%swap3A_93, %swap3A_94], %mul3A_92 {strides = array<i32>} : memref<80x128xf32, #tpu.memory_space<vmem>>, vector<16xf32>,
      %get3A_96 = arith.index_cast %add3A_47 : i32 to index
      %get3A_97 = arith.constant 80 : index
      %get3A_98 = tpu.vector_load %arg15[%get3A_96, %get3A_97] {strides = array<i32>} : memref<80x128xf32, #tpu.memory_space<vmem>>, vector<16xf32>,
      %get3A_99 = arith.index_cast %add3A_47 : i32 to index
      %get3A_100 = arith.constant 80 : index
      %get3A_101 = tpu.vector_load %arg17[%get3A_99, %get3A_100] {strides = array<i32>} : memref<80x128xf32, #tpu.memory_space<vmem>>, vector<16xf32>,
      %mul3A_102 = arith.mulf %get3A_98, %get3A_101 : vector<16xf32>
      %swap3A_103 = arith.index_cast %add3A_47 : i32 to index
      %swap3A_104 = arith.constant 80 : index
      %swap3A_105 = tpu.vector_load %arg15[%swap3A_103, %swap3A_104] {strides = array<i32>} : memref<80x128xf32, #tpu.memory_space<vmem>>, vector<16xf32>,
      tpu.vector_store %arg15[%swap3A_103, %swap3A_104], %mul3A_102 {strides = array<i32>} : memref<80x128xf32, #tpu.memory_space<vmem>>, vector<16xf32>,
      %get3A_106 = arith.index_cast %add3A_47 : i32 to index
      %get3A_107 = arith.constant 96 : index
      %get3A_108 = tpu.vector_load %arg15[%get3A_106, %get3A_107] {strides = array<i32>} : memref<80x128xf32, #tpu.memory_space<vmem>>, vector<16xf32>,
      %get3A_109 = arith.index_cast %add3A_47 : i32 to index
      %get3A_110 = arith.constant 96 : index
      %get3A_111 = tpu.vector_load %arg17[%get3A_109, %get3A_110] {strides = array<i32>} : memref<80x128xf32, #tpu.memory_space<vmem>>, vector<16xf32>,
      %mul3A_112 = arith.mulf %get3A_108, %get3A_111 : vector<16xf32>
      %swap3A_113 = arith.index_cast %add3A_47 : i32 to index
      %swap3A_114 = arith.constant 96 : index
      %swap3A_115 = tpu.vector_load %arg15[%swap3A_113, %swap3A_114] {strides = array<i32>} : memref<80x128xf32, #tpu.memory_space<vmem>>, vector<16xf32>,
      tpu.vector_store %arg15[%swap3A_113, %swap3A_114], %mul3A_112 {strides = array<i32>} : memref<80x128xf32, #tpu.memory_space<vmem>>, vector<16xf32>,
      %get3A_116 = arith.index_cast %add3A_47 : i32 to index
      %get3A_117 = arith.constant 112 : index
      %get3A_118 = tpu.vector_load %arg15[%get3A_116, %get3A_117] {strides = array<i32>} : memref<80x128xf32, #tpu.memory_space<vmem>>, vector<16xf32>,
      %get3A_119 = arith.index_cast %add3A_47 : i32 to index
      %get3A_120 = arith.constant 112 : index
      %get3A_121 = tpu.vector_load %arg17[%get3A_119, %get3A_120] {strides = array<i32>} : memref<80x128xf32, #tpu.memory_space<vmem>>, vector<16xf32>,
      %mul3A_122 = arith.mulf %get3A_118, %get3A_121 : vector<16xf32>
      %swap3A_123 = arith.index_cast %add3A_47 : i32 to index
      %swap3A_124 = arith.constant 112 : index
      %swap3A_125 = tpu.vector_load %arg15[%swap3A_123, %swap3A_124] {strides = array<i32>} : memref<80x128xf32, #tpu.memory_space<vmem>>, vector<16xf32>,
      tpu.vector_store %arg15[%swap3A_123, %swap3A_124], %mul3A_122 {strides = array<i32>} : memref<80x128xf32, #tpu.memory_space<vmem>>, vector<16xf32>,
    }
    %scan3A_30 = arith.constant 80 : i32
    %dma_start3A_31 = arith.constant 0 : i32
    %dma_start3A_32 = arith.constant 0 : i32
    %dma_start3A_33 = tpu.memref_slice %arg19[%dma_start3A_31, %dma_start3A_32] : memref<10240x128xf32, #tpu.memory_space<vmem_shared>> -> memref<10240x128xf32, #tpu.memory_space<vmem_shared>>
    tpu.enqueue_indirect_dma source(%arg15 : memref<80x128xf32, #tpu.memory_space<vmem>>) target(%dma_start3A_33 : memref<10240x128xf32, #tpu.memory_space<vmem_shared>>) offsets(%arg13 : memref<80xi32, #tpu.memory_space<vmem>>) semaphore(%arg22 : memref<!tpu.dma_semaphore, #tpu.memory_space<semaphore_mem>>) {add = true}
    %dma_wait3A_34 = arith.constant 0 : i32
    %dma_wait3A_35 = arith.constant 0 : i32
    %dma_wait3A_36 = tpu.memref_slice %arg19[%dma_wait3A_34, %dma_wait3A_35] : memref<10240x128xf32, #tpu.memory_space<vmem_shared>> -> memref<10240x128xf32, #tpu.memory_space<vmem_shared>>
    tpu.wait_indirect_dma semaphore(%arg22 : memref<!tpu.dma_semaphore, #tpu.memory_space<semaphore_mem>>) src(%arg15 : memref<80x128xf32, #tpu.memory_space<vmem>>) dst(%dma_wait3A_36 : memref<10240x128xf32, #tpu.memory_space<vmem_shared>>)
    %barrier3A_37 = arith.constant 0 : index
    tpu.barrier barrier_id(%barrier3A_37)
    %scan3A_38 = arith.constant 0 : i32
    %scan3A_39 = arith.constant 10 : i32
    %scan3A_40 = arith.addi %scan3A_38, %scan3A_39 : i32
    %scan3A_41 = arith.constant 1 : i32
    scf.for %scan3A_43 = %scan3A_38 to %scan3A_40 step %scan3A_41  : i32 {
      %mul3A_44 = arith.constant 1 : i32
      %mul3A_45 = arith.muli %scan3A_43, %mul3A_44 : i32
      %add3A_46 = arith.constant 0 : i32
      %add3A_47 = arith.addi %add3A_46, %mul3A_45 : i32
      %mul3A_48 = arith.constant 640 : i32
      %mul3A_49 = arith.muli %arg1, %mul3A_48 : i32
      %mul3A_50 = arith.constant 64 : i32
      %mul3A_51 = arith.muli %add3A_47, %mul3A_50 : i32
      %add3A_52 = arith.addi %mul3A_49, %mul3A_51 : i32
      "tpu.region"() ({
        %run_scoped3A = tpu.sem_alloc : memref<!tpu.dma_semaphore, #tpu.memory_space<semaphore_mem>>
        %dma_start3A_53 = arith.constant 0 : i32
        %dma_start3A_54 = arith.constant 0 : i32
        %dma_start3A_55 = tpu.memref_slice %arg15[%dma_start3A_53, %dma_start3A_54] : memref<80x128xf32, #tpu.memory_space<vmem>> -> memref<64x128xf32, #tpu.memory_space<vmem>>
        %dma_start3A_56 = arith.constant 0 : i32
        %dma_start3A_57 = tpu.memref_slice %arg19[%add3A_52, %dma_start3A_56] : memref<10240x128xf32, #tpu.memory_space<vmem_shared>> -> memref<64x128xf32, #tpu.memory_space<vmem_shared>>
        %dma_start3A_58 = arith.constant 0 : i32
        %dma_start3A_59 = arith.constant 0 : i32
        %dma_start3A_60 = tpu.memref_slice %arg15[%dma_start3A_58, %dma_start3A_59] : memref<80x128xf32, #tpu.memory_space<vmem>> -> memref<64x128xf32, #tpu.memory_space<vmem>>
        %dma_start3A_61 = arith.constant 0 : i32
        %dma_start3A_62 = tpu.memref_slice %arg19[%add3A_52, %dma_start3A_61] : memref<10240x128xf32, #tpu.memory_space<vmem_shared>> -> memref<64x128xf32, #tpu.memory_space<vmem_shared>>
        tpu.enqueue_dma source(%dma_start3A_62 : memref<64x128xf32, #tpu.memory_space<vmem_shared>>) target(%dma_start3A_60 : memref<64x128xf32, #tpu.memory_space<vmem>>) target_semaphore(%run_scoped3A : memref<!tpu.dma_semaphore, #tpu.memory_space<semaphore_mem>>)
        %dma_wait3A_63 = arith.constant 0 : i32
        %dma_wait3A_64 = arith.constant 0 : i32
        %dma_wait3A_65 = tpu.memref_slice %arg15[%dma_wait3A_63, %dma_wait3A_64] : memref<80x128xf32, #tpu.memory_space<vmem>> -> memref<64x128xf32, #tpu.memory_space<vmem>>
        %dma_wait3A_66 = arith.constant 0 : i32
        %dma_wait3A_67 = tpu.memref_slice %arg19[%add3A_52, %dma_wait3A_66] : memref<10240x128xf32, #tpu.memory_space<vmem_shared>> -> memref<64x128xf32, #tpu.memory_space<vmem_shared>>
        %dma_wait3A_68 = arith.constant 0 : i32
        %dma_wait3A_69 = arith.constant 0 : i32
        %dma_wait3A_70 = tpu.memref_slice %arg15[%dma_wait3A_68, %dma_wait3A_69] : memref<80x128xf32, #tpu.memory_space<vmem>> -> memref<64x128xf32, #tpu.memory_space<vmem>>
        %dma_wait3A_71 = arith.constant 0 : i32
        %dma_wait3A_72 = tpu.memref_slice %arg19[%add3A_52, %dma_wait3A_71] : memref<10240x128xf32, #tpu.memory_space<vmem_shared>> -> memref<64x128xf32, #tpu.memory_space<vmem_shared>>
        tpu.wait_dma2 semaphore(%run_scoped3A : memref<!tpu.dma_semaphore, #tpu.memory_space<semaphore_mem>>) src(%dma_wait3A_72 : memref<64x128xf32, #tpu.memory_space<vmem_shared>>) dst(%dma_wait3A_70 : memref<64x128xf32, #tpu.memory_space<vmem>>)
        tpu.yield
      }) : () -> ()
      "tpu.region"() ({
        %run_scoped3A = tpu.sem_alloc : memref<!tpu.dma_semaphore, #tpu.memory_space<semaphore_mem>>
        %dma_start3A_53 = arith.constant 0 : i32
        %dma_start3A_54 = arith.constant 0 : i32
        %dma_start3A_55 = tpu.memref_slice %arg15[%dma_start3A_53, %dma_start3A_54] : memref<80x128xf32, #tpu.memory_space<vmem>> -> memref<64x128xf32, #tpu.memory_space<vmem>>
        %dma_start3A_56 = arith.constant 0 : i32
        %dma_start3A_57 = tpu.memref_slice %arg8[%arg0, %add3A_52, %dma_start3A_56] : memref<2x10240x128xf32, #tpu.memory_space<hbm>> -> memref<1x64x128xf32, #tpu.memory_space<hbm>>
        %dma_start3A_58 = tpu.memref_squeeze %dma_start3A_57 : memref<1x64x128xf32, #tpu.memory_space<hbm>> -> memref<64x128xf32, #tpu.memory_space<hbm>>
        %dma_start3A_59 = arith.constant 0 : i32
        %dma_start3A_60 = tpu.memref_slice %arg8[%arg0, %add3A_52, %dma_start3A_59] : memref<2x10240x128xf32, #tpu.memory_space<hbm>> -> memref<1x64x128xf32, #tpu.memory_space<hbm>>
        %dma_start3A_61 = tpu.memref_squeeze %dma_start3A_60 : memref<1x64x128xf32, #tpu.memory_space<hbm>> -> memref<64x128xf32, #tpu.memory_space<hbm>>
        %dma_start3A_62 = arith.constant 0 : i32
        %dma_start3A_63 = arith.constant 0 : i32
        %dma_start3A_64 = tpu.memref_slice %arg15[%dma_start3A_62, %dma_start3A_63] : memref<80x128xf32, #tpu.memory_space<vmem>> -> memref<64x128xf32, #tpu.memory_space<vmem>>
        tpu.enqueue_dma source(%dma_start3A_64 : memref<64x128xf32, #tpu.memory_space<vmem>>) target(%dma_start3A_61 : memref<64x128xf32, #tpu.memory_space<hbm>>) target_semaphore(%run_scoped3A : memref<!tpu.dma_semaphore, #tpu.memory_space<semaphore_mem>>)
        %dma_wait3A_65 = arith.constant 0 : i32
        %dma_wait3A_66 = arith.constant 0 : i32
        %dma_wait3A_67 = tpu.memref_slice %arg15[%dma_wait3A_65, %dma_wait3A_66] : memref<80x128xf32, #tpu.memory_space<vmem>> -> memref<64x128xf32, #tpu.memory_space<vmem>>
        %dma_wait3A_68 = arith.constant 0 : i32
        %dma_wait3A_69 = tpu.memref_slice %arg8[%arg0, %add3A_52, %dma_wait3A_68] : memref<2x10240x128xf32, #tpu.memory_space<hbm>> -> memref<1x64x128xf32, #tpu.memory_space<hbm>>
        %dma_wait3A_70 = tpu.memref_squeeze %dma_wait3A_69 : memref<1x64x128xf32, #tpu.memory_space<hbm>> -> memref<64x128xf32, #tpu.memory_space<hbm>>
        %dma_wait3A_71 = arith.constant 0 : i32
        %dma_wait3A_72 = tpu.memref_slice %arg8[%arg0, %add3A_52, %dma_wait3A_71] : memref<2x10240x128xf32, #tpu.memory_space<hbm>> -> memref<1x64x128xf32, #tpu.memory_space<hbm>>
        %dma_wait3A_73 = tpu.memref_squeeze %dma_wait3A_72 : memref<1x64x128xf32, #tpu.memory_space<hbm>> -> memref<64x128xf32, #tpu.memory_space<hbm>>
        %dma_wait3A_74 = arith.constant 0 : i32
        %dma_wait3A_75 = arith.constant 0 : i32
        %dma_wait3A_76 = tpu.memref_slice %arg15[%dma_wait3A_74, %dma_wait3A_75] : memref<80x128xf32, #tpu.memory_space<vmem>> -> memref<64x128xf32, #tpu.memory_space<vmem>>
        tpu.wait_dma2 semaphore(%run_scoped3A : memref<!tpu.dma_semaphore, #tpu.memory_space<semaphore_mem>>) src(%dma_wait3A_76 : memref<64x128xf32, #tpu.memory_space<vmem>>) dst(%dma_wait3A_73 : memref<64x128xf32, #tpu.memory_space<hbm>>)
        tpu.yield
      }) : () -> ()
    }
    %scan3A_42 = arith.constant 10 : i32
    return
  }
}

module attributes {stable_mosaic.version = 14 : i64} {
  func.func @_emb_body(%arg0: i32, %arg1: memref<1x1x2000xi32, #tpu.memory_space<vmem>>, %arg2: memref<400x128xf32, #tpu.memory_space<vmem>>, %arg3: memref<128x128xf32, #tpu.memory_space<vmem>>, %arg4: memref<2000x128xf32, #tpu.memory_space<vmem>>, %arg5: memref<2000x128xf32, #tpu.memory_space<vmem>>) attributes {dimension_semantics = [#tpu.dimension_semantics<arbitrary>], iteration_bounds = array<i64: 5>, scalar_prefetch = 0 : i64, scratch_operands = 0 : i64, tpu.core_type = #tpu.core_type<tc>, window_params = [{transform_indices = @transform_0, window_bounds = array<i64: 1, 1, 2000>}, {pipeline_mode = #tpu.pipeline_mode<synchronous>, transform_indices = @transform_1, window_bounds = array<i64: 400, 128>}, {pipeline_mode = #tpu.pipeline_mode<synchronous>, transform_indices = @transform_2, window_bounds = array<i64: 128, 128>}, {transform_indices = @transform_3, window_bounds = array<i64: 2000, 128>}, {transform_indices = @transform_4, window_bounds = array<i64: 2000, 128>}]} {
    %get3A = arith.constant 0 : index
    %get3A_0 = arith.constant 0 : index
    %get3A_1 = arith.constant 0 : index
    %get3A_2 = vector.load %arg1[%get3A, %get3A_0, %get3A_1] : memref<1x1x2000xi32, #tpu.memory_space<vmem>>, vector<1x1x2000xi32>
    %get3A_3 = vector.shape_cast %get3A_2 : vector<1x1x2000xi32> to vector<2000xi32>
    %iota3A = tpu.iota {dimensions = array<i32: 1>} : vector<2000x400xi32>
    %broadcast_in_dim3A = vector.shape_cast %get3A_3 : vector<2000xi32> to vector<2000x1xi32>
    %eq3A = vector.broadcast %broadcast_in_dim3A : vector<2000x1xi32> to vector<2000x400xi32>
    %eq3A_4 = arith.cmpi eq, %iota3A, %eq3A : vector<2000x400xi32>
    %convert_element_type3A = arith.extui %eq3A_4 : vector<2000x400xi1> to vector<2000x400xi32>
    %convert_element_type3A_5 = arith.sitofp %convert_element_type3A : vector<2000x400xi32> to vector<2000x400xf32>
    %get3A_6 = arith.constant 0 : index
    %get3A_7 = arith.constant 0 : index
    %get3A_8 = vector.load %arg2[%get3A_6, %get3A_7] : memref<400x128xf32, #tpu.memory_space<vmem>>, vector<400x128xf32>
    %dot_general3A = arith.constant dense<0.000000e+00> : vector<2000x128xf32>
    %dot_general3A_9 = tpu.matmul %convert_element_type3A_5, %get3A_8, %dot_general3A {dimension_numbers = #tpu.dot_dimension_numbers<[1], [0], [0], [1], [0, 0, 1, 1], [], []>, transpose_lhs_hint = false} : vector<2000x400xf32>, vector<400x128xf32>, vector<2000x128xf32> -> vector<2000x128xf32>
    %swap3A = arith.constant 0 : index
    %swap3A_10 = arith.constant 0 : index
    %swap3A_11 = vector.load %arg4[%swap3A, %swap3A_10] : memref<2000x128xf32, #tpu.memory_space<vmem>>, vector<2000x128xf32>
    tpu.vector_store %arg4[%swap3A, %swap3A_10], %dot_general3A_9 {strides = array<i32>} : memref<2000x128xf32, #tpu.memory_space<vmem>>, vector<2000x128xf32>,
    %get3A_12 = arith.constant 0 : index
    %get3A_13 = arith.constant 0 : index
    %get3A_14 = vector.load %arg3[%get3A_12, %get3A_13] : memref<128x128xf32, #tpu.memory_space<vmem>>, vector<128x128xf32>
    %dot_general3A_15 = arith.constant dense<0.000000e+00> : vector<2000x128xf32>
    %dot_general3A_16 = tpu.matmul %dot_general3A_9, %get3A_14, %dot_general3A_15 {dimension_numbers = #tpu.dot_dimension_numbers<[1], [0], [0], [1], [0, 0, 1, 1], [], []>, transpose_lhs_hint = false} : vector<2000x128xf32>, vector<128x128xf32>, vector<2000x128xf32> -> vector<2000x128xf32>
    %swap3A_17 = arith.constant 0 : index
    %swap3A_18 = arith.constant 0 : index
    %swap3A_19 = vector.load %arg5[%swap3A_17, %swap3A_18] : memref<2000x128xf32, #tpu.memory_space<vmem>>, vector<2000x128xf32>
    tpu.vector_store %arg5[%swap3A_17, %swap3A_18], %dot_general3A_16 {strides = array<i32>} : memref<2000x128xf32, #tpu.memory_space<vmem>>, vector<2000x128xf32>,
    return
  }
  func.func @transform_0(%arg0: i32) -> (i32, i32, i32) {
    %c0_i32 = arith.constant 0 : i32
    %c0_i32_0 = arith.constant 0 : i32
    %c0_i32_1 = arith.constant 0 : i32
    return %arg0, %c0_i32, %c0_i32_0 : i32, i32, i32
  }
  func.func @transform_1(%arg0: i32) -> (i32, i32) {
    %c0_i32 = arith.constant 0 : i32
    %c0_i32_0 = arith.constant 0 : i32
    %c0_i32_1 = arith.constant 0 : i32
    return %c0_i32, %c0_i32_0 : i32, i32
  }
  func.func @transform_2(%arg0: i32) -> (i32, i32) {
    %c0_i32 = arith.constant 0 : i32
    %c0_i32_0 = arith.constant 0 : i32
    %c0_i32_1 = arith.constant 0 : i32
    return %c0_i32, %c0_i32_0 : i32, i32
  }
  func.func @transform_3(%arg0: i32) -> (i32, i32) {
    %c0_i32 = arith.constant 0 : i32
    %c0_i32_0 = arith.constant 0 : i32
    return %arg0, %c0_i32 : i32, i32
  }
  func.func @transform_4(%arg0: i32) -> (i32, i32) {
    %c0_i32 = arith.constant 0 : i32
    %c0_i32_0 = arith.constant 0 : i32
    return %arg0, %c0_i32 : i32, i32
  }
}

module attributes {stable_mosaic.version = 14 : i64} {
  func.func @_tab_body(%arg0: i32, %arg1: memref<3x50x128xf32, #tpu.memory_space<vmem>>, %arg2: memref<3x128xf32, #tpu.memory_space<vmem>>, %arg3: memref<3x128x128xf32, #tpu.memory_space<vmem>>, %arg4: memref<3x128xf32, #tpu.memory_space<vmem>>, %arg5: memref<3x2048x128xf32, #tpu.memory_space<vmem>>) attributes {dimension_semantics = [#tpu.dimension_semantics<arbitrary>], iteration_bounds = array<i64: 8>, scalar_prefetch = 0 : i64, scratch_operands = 0 : i64, tpu.core_type = #tpu.core_type<tc>, window_params = [{pipeline_mode = #tpu.pipeline_mode<synchronous>, transform_indices = @transform_0, window_bounds = array<i64: 3, 50, 128>}, {pipeline_mode = #tpu.pipeline_mode<synchronous>, transform_indices = @transform_1, window_bounds = array<i64: 3, 128>}, {pipeline_mode = #tpu.pipeline_mode<synchronous>, transform_indices = @transform_2, window_bounds = array<i64: 3, 128, 128>}, {pipeline_mode = #tpu.pipeline_mode<synchronous>, transform_indices = @transform_3, window_bounds = array<i64: 3, 128>}, {transform_indices = @transform_4, window_bounds = array<i64: 3, 2048, 128>}]} {
    %iota3A = tpu.iota {dimensions = array<i32: 0>} : vector<2048x1xi32>
    %convert_element_type3A = arith.sitofp %iota3A : vector<2048x1xi32> to vector<2048x1xf32>
    %mul3A = arith.constant 2048 : i32
    %mul3A_0 = arith.muli %arg0, %mul3A : i32
    %convert_element_type3A_1 = arith.sitofp %mul3A_0 : i32 to f32
    %add3A = vector.broadcast %convert_element_type3A_1 : f32 to vector<2048x1xf32>
    %add3A_2 = arith.addf %convert_element_type3A, %add3A : vector<2048x1xf32>
    %mul3A_3 = arith.constant 3.05194408E-4 : f32
    %mul3A_4 = vector.broadcast %mul3A_3 : f32 to vector<2048x1xf32>
    %mul3A_5 = arith.mulf %add3A_2, %mul3A_4 : vector<2048x1xf32>
    %iota3A_6 = tpu.iota {dimensions = array<i32: 1>} : vector<1x50xi32>
    %convert_element_type3A_7 = arith.sitofp %iota3A_6 : vector<1x50xi32> to vector<1x50xf32>
    %mul3A_8 = arith.constant 0.10204082 : f32
    %mul3A_9 = vector.broadcast %mul3A_8 : f32 to vector<1x50xf32>
    %mul3A_10 = arith.mulf %convert_element_type3A_7, %mul3A_9 : vector<1x50xf32>
    %sub3A = vector.broadcast %mul3A_5 : vector<2048x1xf32> to vector<2048x50xf32>
    %sub3A_11 = vector.broadcast %mul3A_10 : vector<1x50xf32> to vector<2048x50xf32>
    %sub3A_12 = arith.subf %sub3A, %sub3A_11 : vector<2048x50xf32>
    %integer_pow3A = arith.mulf %sub3A_12, %sub3A_12 : vector<2048x50xf32>
    %mul3A_13 = arith.constant -4.802000e+01 : f32
    %mul3A_14 = vector.broadcast %mul3A_13 : f32 to vector<2048x50xf32>
    %mul3A_15 = arith.mulf %mul3A_14, %integer_pow3A : vector<2048x50xf32>
    %exp3A = math.exp %mul3A_15 : vector<2048x50xf32>
    %mul3A_16 = arith.constant 0.628318548 : f32
    %mul3A_17 = vector.broadcast %mul3A_16 : f32 to vector<2048x1xf32>
    %mul3A_18 = arith.mulf %mul3A_5, %mul3A_17 : vector<2048x1xf32>
    %cos3A = math.cos %mul3A_18 : vector<2048x1xf32>
    %add3A_19 = arith.constant 1.000000e+00 : f32
    %add3A_20 = vector.broadcast %add3A_19 : f32 to vector<2048x1xf32>
    %add3A_21 = arith.addf %cos3A, %add3A_20 : vector<2048x1xf32>
    %mul3A_22 = arith.constant 5.000000e-01 : f32
    %mul3A_23 = vector.broadcast %mul3A_22 : f32 to vector<2048x1xf32>
    %mul3A_24 = arith.mulf %mul3A_23, %add3A_21 : vector<2048x1xf32>
    %lt3A = arith.constant 5.000000e+00 : f32
    %lt3A_25 = vector.broadcast %lt3A : f32 to vector<2048x1xf32>
    %lt3A_26 = arith.cmpf olt, %mul3A_5, %lt3A_25 : vector<2048x1xf32>
    %convert_element_type3A_27 = arith.extui %lt3A_26 : vector<2048x1xi1> to vector<2048x1xi32>
    %convert_element_type3A_28 = arith.sitofp %convert_element_type3A_27 : vector<2048x1xi32> to vector<2048x1xf32>
    %mul3A_29 = arith.mulf %mul3A_24, %convert_element_type3A_28 : vector<2048x1xf32>
    %get3A = arith.constant 0 : index
    %get3A_30 = arith.constant 0 : index
    %get3A_31 = arith.constant 0 : index
    %get3A_32 = vector.load %arg1[%get3A, %get3A_30, %get3A_31] : memref<3x50x128xf32, #tpu.memory_space<vmem>>, vector<1x50x128xf32>
    %get3A_33 = vector.shape_cast %get3A_32 : vector<1x50x128xf32> to vector<50x128xf32>
    %dot_general3A = arith.constant dense<0.000000e+00> : vector<2048x128xf32>
    %dot_general3A_34 = tpu.matmul %exp3A, %get3A_33, %dot_general3A {dimension_numbers = #tpu.dot_dimension_numbers<[1], [0], [0], [1], [0, 0, 1, 1], [], []>, transpose_lhs_hint = false} : vector<2048x50xf32>, vector<50x128xf32>, vector<2048x128xf32> -> vector<2048x128xf32>
    %get3A_35 = arith.constant 0 : index
    %get3A_36 = arith.constant 0 : index
    %get3A_37 = vector.load %arg2[%get3A_35, %get3A_36] : memref<3x128xf32, #tpu.memory_space<vmem>>, vector<1x128xf32>
    %get3A_38 = vector.shape_cast %get3A_37 : vector<1x128xf32> to vector<128xf32>
    %broadcast_in_dim3A = vector.shape_cast %get3A_38 : vector<128xf32> to vector<1x128xf32>
    %add3A_39 = vector.broadcast %broadcast_in_dim3A : vector<1x128xf32> to vector<2048x128xf32>
    %add3A_40 = arith.addf %dot_general3A_34, %add3A_39 : vector<2048x128xf32>
    %custom_jvp_call3A = arith.constant 0.000000e+00 : f32
    %max3A = vector.broadcast %custom_jvp_call3A : f32 to vector<2048x128xf32>
    %max3A_41 = arith.maximumf %add3A_40, %max3A : vector<2048x128xf32>
    %sub3A_42 = vector.broadcast %custom_jvp_call3A : f32 to vector<2048x128xf32>
    %sub3A_43 = arith.subf %add3A_40, %sub3A_42 : vector<2048x128xf32>
    %ne3A = arith.cmpf one, %sub3A_43, %sub3A_43 : vector<2048x128xf32>
    %add3A_44 = vector.broadcast %custom_jvp_call3A : f32 to vector<2048x128xf32>
    %add3A_45 = arith.addf %add3A_40, %add3A_44 : vector<2048x128xf32>
    %abs3A = math.absf %sub3A_43 : vector<2048x128xf32>
    %neg3A = arith.constant 0.000000e+00 : f32
    %neg3A_46 = vector.broadcast %neg3A : f32 to vector<2048x128xf32>
    %neg3A_47 = arith.subf %neg3A_46, %abs3A : vector<2048x128xf32>
    %exp3A_48 = math.exp %neg3A_47 : vector<2048x128xf32>
    %log1p3A = math.log1p %exp3A_48 : vector<2048x128xf32>
    %add3A_49 = arith.addf %max3A_41, %log1p3A : vector<2048x128xf32>
    %select_n3A = arith.select %ne3A, %add3A_45, %add3A_49 : vector<2048x128xi1>, vector<2048x128xf32>
    %sub3A_50 = arith.constant 0.693147182 : f32
    %sub3A_51 = vector.broadcast %sub3A_50 : f32 to vector<2048x128xf32>
    %sub3A_52 = arith.subf %select_n3A, %sub3A_51 : vector<2048x128xf32>
    %get3A_53 = arith.constant 0 : index
    %get3A_54 = arith.constant 0 : index
    %get3A_55 = arith.constant 0 : index
    %get3A_56 = vector.load %arg3[%get3A_53, %get3A_54, %get3A_55] : memref<3x128x128xf32, #tpu.memory_space<vmem>>, vector<1x128x128xf32>
    %get3A_57 = vector.shape_cast %get3A_56 : vector<1x128x128xf32> to vector<128x128xf32>
    %dot_general3A_58 = arith.constant dense<0.000000e+00> : vector<2048x128xf32>
    %dot_general3A_59 = tpu.matmul %sub3A_52, %get3A_57, %dot_general3A_58 {dimension_numbers = #tpu.dot_dimension_numbers<[1], [0], [0], [1], [0, 0, 1, 1], [], []>, transpose_lhs_hint = false} : vector<2048x128xf32>, vector<128x128xf32>, vector<2048x128xf32> -> vector<2048x128xf32>
    %get3A_60 = arith.constant 0 : index
    %get3A_61 = arith.constant 0 : index
    %get3A_62 = vector.load %arg4[%get3A_60, %get3A_61] : memref<3x128xf32, #tpu.memory_space<vmem>>, vector<1x128xf32>
    %get3A_63 = vector.shape_cast %get3A_62 : vector<1x128xf32> to vector<128xf32>
    %broadcast_in_dim3A_64 = vector.shape_cast %get3A_63 : vector<128xf32> to vector<1x128xf32>
    %add3A_65 = vector.broadcast %broadcast_in_dim3A_64 : vector<1x128xf32> to vector<2048x128xf32>
    %add3A_66 = arith.addf %dot_general3A_59, %add3A_65 : vector<2048x128xf32>
    %mul3A_67 = vector.broadcast %mul3A_29 : vector<2048x1xf32> to vector<2048x128xf32>
    %mul3A_68 = arith.mulf %add3A_66, %mul3A_67 : vector<2048x128xf32>
    %swap3A = arith.constant 0 : index
    %swap3A_69 = arith.constant 0 : index
    %swap3A_70 = arith.constant 0 : index
    %swap3A_71 = vector.load %arg5[%swap3A, %swap3A_69, %swap3A_70] : memref<3x2048x128xf32, #tpu.memory_space<vmem>>, vector<1x2048x128xf32>
    %swap3A_72 = vector.shape_cast %swap3A_71 : vector<1x2048x128xf32> to vector<2048x128xf32>
    %swap3A_73 = vector.shape_cast %mul3A_68 : vector<2048x128xf32> to vector<1x2048x128xf32>
    tpu.vector_store %arg5[%swap3A, %swap3A_69, %swap3A_70], %swap3A_73 {strides = array<i32>} : memref<3x2048x128xf32, #tpu.memory_space<vmem>>, vector<1x2048x128xf32>,
    %get3A_74 = arith.constant 1 : index
    %get3A_75 = arith.constant 0 : index
    %get3A_76 = arith.constant 0 : index
    %get3A_77 = vector.load %arg1[%get3A_74, %get3A_75, %get3A_76] : memref<3x50x128xf32, #tpu.memory_space<vmem>>, vector<1x50x128xf32>
    %get3A_78 = vector.shape_cast %get3A_77 : vector<1x50x128xf32> to vector<50x128xf32>
    %dot_general3A_79 = arith.constant dense<0.000000e+00> : vector<2048x128xf32>
    %dot_general3A_80 = tpu.matmul %exp3A, %get3A_78, %dot_general3A_79 {dimension_numbers = #tpu.dot_dimension_numbers<[1], [0], [0], [1], [0, 0, 1, 1], [], []>, transpose_lhs_hint = false} : vector<2048x50xf32>, vector<50x128xf32>, vector<2048x128xf32> -> vector<2048x128xf32>
    %get3A_81 = arith.constant 1 : index
    %get3A_82 = arith.constant 0 : index
    %get3A_83 = vector.load %arg2[%get3A_81, %get3A_82] : memref<3x128xf32, #tpu.memory_space<vmem>>, vector<1x128xf32>
    %get3A_84 = vector.shape_cast %get3A_83 : vector<1x128xf32> to vector<128xf32>
    %broadcast_in_dim3A_85 = vector.shape_cast %get3A_84 : vector<128xf32> to vector<1x128xf32>
    %add3A_86 = vector.broadcast %broadcast_in_dim3A_85 : vector<1x128xf32> to vector<2048x128xf32>
    %add3A_87 = arith.addf %dot_general3A_80, %add3A_86 : vector<2048x128xf32>
    %custom_jvp_call3A_88 = arith.constant 0.000000e+00 : f32
    %max3A_89 = vector.broadcast %custom_jvp_call3A_88 : f32 to vector<2048x128xf32>
    %max3A_90 = arith.maximumf %add3A_87, %max3A_89 : vector<2048x128xf32>
    %sub3A_91 = vector.broadcast %custom_jvp_call3A_88 : f32 to vector<2048x128xf32>
    %sub3A_92 = arith.subf %add3A_87, %sub3A_91 : vector<2048x128xf32>
    %ne3A_93 = arith.cmpf one, %sub3A_92, %sub3A_92 : vector<2048x128xf32>
    %add3A_94 = vector.broadcast %custom_jvp_call3A_88 : f32 to vector<2048x128xf32>
    %add3A_95 = arith.addf %add3A_87, %add3A_94 : vector<2048x128xf32>
    %abs3A_96 = math.absf %sub3A_92 : vector<2048x128xf32>
    %neg3A_97 = arith.constant 0.000000e+00 : f32
    %neg3A_98 = vector.broadcast %neg3A_97 : f32 to vector<2048x128xf32>
    %neg3A_99 = arith.subf %neg3A_98, %abs3A_96 : vector<2048x128xf32>
    %exp3A_100 = math.exp %neg3A_99 : vector<2048x128xf32>
    %log1p3A_101 = math.log1p %exp3A_100 : vector<2048x128xf32>
    %add3A_102 = arith.addf %max3A_90, %log1p3A_101 : vector<2048x128xf32>
    %select_n3A_103 = arith.select %ne3A_93, %add3A_95, %add3A_102 : vector<2048x128xi1>, vector<2048x128xf32>
    %sub3A_104 = arith.constant 0.693147182 : f32
    %sub3A_105 = vector.broadcast %sub3A_104 : f32 to vector<2048x128xf32>
    %sub3A_106 = arith.subf %select_n3A_103, %sub3A_105 : vector<2048x128xf32>
    %get3A_107 = arith.constant 1 : index
    %get3A_108 = arith.constant 0 : index
    %get3A_109 = arith.constant 0 : index
    %get3A_110 = vector.load %arg3[%get3A_107, %get3A_108, %get3A_109] : memref<3x128x128xf32, #tpu.memory_space<vmem>>, vector<1x128x128xf32>
    %get3A_111 = vector.shape_cast %get3A_110 : vector<1x128x128xf32> to vector<128x128xf32>
    %dot_general3A_112 = arith.constant dense<0.000000e+00> : vector<2048x128xf32>
    %dot_general3A_113 = tpu.matmul %sub3A_106, %get3A_111, %dot_general3A_112 {dimension_numbers = #tpu.dot_dimension_numbers<[1], [0], [0], [1], [0, 0, 1, 1], [], []>, transpose_lhs_hint = false} : vector<2048x128xf32>, vector<128x128xf32>, vector<2048x128xf32> -> vector<2048x128xf32>
    %get3A_114 = arith.constant 1 : index
    %get3A_115 = arith.constant 0 : index
    %get3A_116 = vector.load %arg4[%get3A_114, %get3A_115] : memref<3x128xf32, #tpu.memory_space<vmem>>, vector<1x128xf32>
    %get3A_117 = vector.shape_cast %get3A_116 : vector<1x128xf32> to vector<128xf32>
    %broadcast_in_dim3A_118 = vector.shape_cast %get3A_117 : vector<128xf32> to vector<1x128xf32>
    %add3A_119 = vector.broadcast %broadcast_in_dim3A_118 : vector<1x128xf32> to vector<2048x128xf32>
    %add3A_120 = arith.addf %dot_general3A_113, %add3A_119 : vector<2048x128xf32>
    %mul3A_121 = vector.broadcast %mul3A_29 : vector<2048x1xf32> to vector<2048x128xf32>
    %mul3A_122 = arith.mulf %add3A_120, %mul3A_121 : vector<2048x128xf32>
    %swap3A_123 = arith.constant 1 : index
    %swap3A_124 = arith.constant 0 : index
    %swap3A_125 = arith.constant 0 : index
    %swap3A_126 = vector.load %arg5[%swap3A_123, %swap3A_124, %swap3A_125] : memref<3x2048x128xf32, #tpu.memory_space<vmem>>, vector<1x2048x128xf32>
    %swap3A_127 = vector.shape_cast %swap3A_126 : vector<1x2048x128xf32> to vector<2048x128xf32>
    %swap3A_128 = vector.shape_cast %mul3A_122 : vector<2048x128xf32> to vector<1x2048x128xf32>
    tpu.vector_store %arg5[%swap3A_123, %swap3A_124, %swap3A_125], %swap3A_128 {strides = array<i32>} : memref<3x2048x128xf32, #tpu.memory_space<vmem>>, vector<1x2048x128xf32>,
    %get3A_129 = arith.constant 2 : index
    %get3A_130 = arith.constant 0 : index
    %get3A_131 = arith.constant 0 : index
    %get3A_132 = vector.load %arg1[%get3A_129, %get3A_130, %get3A_131] : memref<3x50x128xf32, #tpu.memory_space<vmem>>, vector<1x50x128xf32>
    %get3A_133 = vector.shape_cast %get3A_132 : vector<1x50x128xf32> to vector<50x128xf32>
    %dot_general3A_134 = arith.constant dense<0.000000e+00> : vector<2048x128xf32>
    %dot_general3A_135 = tpu.matmul %exp3A, %get3A_133, %dot_general3A_134 {dimension_numbers = #tpu.dot_dimension_numbers<[1], [0], [0], [1], [0, 0, 1, 1], [], []>, transpose_lhs_hint = false} : vector<2048x50xf32>, vector<50x128xf32>, vector<2048x128xf32> -> vector<2048x128xf32>
    %get3A_136 = arith.constant 2 : index
    %get3A_137 = arith.constant 0 : index
    %get3A_138 = vector.load %arg2[%get3A_136, %get3A_137] : memref<3x128xf32, #tpu.memory_space<vmem>>, vector<1x128xf32>
    %get3A_139 = vector.shape_cast %get3A_138 : vector<1x128xf32> to vector<128xf32>
    %broadcast_in_dim3A_140 = vector.shape_cast %get3A_139 : vector<128xf32> to vector<1x128xf32>
    %add3A_141 = vector.broadcast %broadcast_in_dim3A_140 : vector<1x128xf32> to vector<2048x128xf32>
    %add3A_142 = arith.addf %dot_general3A_135, %add3A_141 : vector<2048x128xf32>
    %custom_jvp_call3A_143 = arith.constant 0.000000e+00 : f32
    %max3A_144 = vector.broadcast %custom_jvp_call3A_143 : f32 to vector<2048x128xf32>
    %max3A_145 = arith.maximumf %add3A_142, %max3A_144 : vector<2048x128xf32>
    %sub3A_146 = vector.broadcast %custom_jvp_call3A_143 : f32 to vector<2048x128xf32>
    %sub3A_147 = arith.subf %add3A_142, %sub3A_146 : vector<2048x128xf32>
    %ne3A_148 = arith.cmpf one, %sub3A_147, %sub3A_147 : vector<2048x128xf32>
    %add3A_149 = vector.broadcast %custom_jvp_call3A_143 : f32 to vector<2048x128xf32>
    %add3A_150 = arith.addf %add3A_142, %add3A_149 : vector<2048x128xf32>
    %abs3A_151 = math.absf %sub3A_147 : vector<2048x128xf32>
    %neg3A_152 = arith.constant 0.000000e+00 : f32
    %neg3A_153 = vector.broadcast %neg3A_152 : f32 to vector<2048x128xf32>
    %neg3A_154 = arith.subf %neg3A_153, %abs3A_151 : vector<2048x128xf32>
    %exp3A_155 = math.exp %neg3A_154 : vector<2048x128xf32>
    %log1p3A_156 = math.log1p %exp3A_155 : vector<2048x128xf32>
    %add3A_157 = arith.addf %max3A_145, %log1p3A_156 : vector<2048x128xf32>
    %select_n3A_158 = arith.select %ne3A_148, %add3A_150, %add3A_157 : vector<2048x128xi1>, vector<2048x128xf32>
    %sub3A_159 = arith.constant 0.693147182 : f32
    %sub3A_160 = vector.broadcast %sub3A_159 : f32 to vector<2048x128xf32>
    %sub3A_161 = arith.subf %select_n3A_158, %sub3A_160 : vector<2048x128xf32>
    %get3A_162 = arith.constant 2 : index
    %get3A_163 = arith.constant 0 : index
    %get3A_164 = arith.constant 0 : index
    %get3A_165 = vector.load %arg3[%get3A_162, %get3A_163, %get3A_164] : memref<3x128x128xf32, #tpu.memory_space<vmem>>, vector<1x128x128xf32>
    %get3A_166 = vector.shape_cast %get3A_165 : vector<1x128x128xf32> to vector<128x128xf32>
    %dot_general3A_167 = arith.constant dense<0.000000e+00> : vector<2048x128xf32>
    %dot_general3A_168 = tpu.matmul %sub3A_161, %get3A_166, %dot_general3A_167 {dimension_numbers = #tpu.dot_dimension_numbers<[1], [0], [0], [1], [0, 0, 1, 1], [], []>, transpose_lhs_hint = false} : vector<2048x128xf32>, vector<128x128xf32>, vector<2048x128xf32> -> vector<2048x128xf32>
    %get3A_169 = arith.constant 2 : index
    %get3A_170 = arith.constant 0 : index
    %get3A_171 = vector.load %arg4[%get3A_169, %get3A_170] : memref<3x128xf32, #tpu.memory_space<vmem>>, vector<1x128xf32>
    %get3A_172 = vector.shape_cast %get3A_171 : vector<1x128xf32> to vector<128xf32>
    %broadcast_in_dim3A_173 = vector.shape_cast %get3A_172 : vector<128xf32> to vector<1x128xf32>
    %add3A_174 = vector.broadcast %broadcast_in_dim3A_173 : vector<1x128xf32> to vector<2048x128xf32>
    %add3A_175 = arith.addf %dot_general3A_168, %add3A_174 : vector<2048x128xf32>
    %mul3A_176 = vector.broadcast %mul3A_29 : vector<2048x1xf32> to vector<2048x128xf32>
    %mul3A_177 = arith.mulf %add3A_175, %mul3A_176 : vector<2048x128xf32>
    %swap3A_178 = arith.constant 2 : index
    %swap3A_179 = arith.constant 0 : index
    %swap3A_180 = arith.constant 0 : index
    %swap3A_181 = vector.load %arg5[%swap3A_178, %swap3A_179, %swap3A_180] : memref<3x2048x128xf32, #tpu.memory_space<vmem>>, vector<1x2048x128xf32>
    %swap3A_182 = vector.shape_cast %swap3A_181 : vector<1x2048x128xf32> to vector<2048x128xf32>
    %swap3A_183 = vector.shape_cast %mul3A_177 : vector<2048x128xf32> to vector<1x2048x128xf32>
    tpu.vector_store %arg5[%swap3A_178, %swap3A_179, %swap3A_180], %swap3A_183 {strides = array<i32>} : memref<3x2048x128xf32, #tpu.memory_space<vmem>>, vector<1x2048x128xf32>,
    return
  }
  func.func @transform_0(%arg0: i32) -> (i32, i32, i32) {
    %c0_i32 = arith.constant 0 : i32
    %c0_i32_0 = arith.constant 0 : i32
    %c0_i32_1 = arith.constant 0 : i32
    %c0_i32_2 = arith.constant 0 : i32
    return %c0_i32, %c0_i32_0, %c0_i32_1 : i32, i32, i32
  }
  func.func @transform_1(%arg0: i32) -> (i32, i32) {
    %c0_i32 = arith.constant 0 : i32
    %c0_i32_0 = arith.constant 0 : i32
    %c0_i32_1 = arith.constant 0 : i32
    return %c0_i32, %c0_i32_0 : i32, i32
  }
  func.func @transform_2(%arg0: i32) -> (i32, i32, i32) {
    %c0_i32 = arith.constant 0 : i32
    %c0_i32_0 = arith.constant 0 : i32
    %c0_i32_1 = arith.constant 0 : i32
    %c0_i32_2 = arith.constant 0 : i32
    return %c0_i32, %c0_i32_0, %c0_i32_1 : i32, i32, i32
  }
  func.func @transform_3(%arg0: i32) -> (i32, i32) {
    %c0_i32 = arith.constant 0 : i32
    %c0_i32_0 = arith.constant 0 : i32
    %c0_i32_1 = arith.constant 0 : i32
    return %c0_i32, %c0_i32_0 : i32, i32
  }
  func.func @transform_4(%arg0: i32) -> (i32, i32, i32) {
    %c0_i32 = arith.constant 0 : i32
    %c0_i32_0 = arith.constant 0 : i32
    %c0_i32_1 = arith.constant 0 : i32
    return %c0_i32, %arg0, %c0_i32_0 : i32, i32, i32
  }
}

module attributes {stable_mosaic.version = 14 : i64} {
  func.func @_upd_body(%arg0: i32, %arg1: memref<2000x128xf32, #tpu.memory_space<vmem>>, %arg2: memref<2x2000x128xf32, #tpu.memory_space<vmem>>, %arg3: memref<128x128xf32, #tpu.memory_space<vmem>>, %arg4: memref<128xf32, #tpu.memory_space<vmem>>, %arg5: memref<128x128xf32, #tpu.memory_space<vmem>>, %arg6: memref<128xf32, #tpu.memory_space<vmem>>, %arg7: memref<128x128xf32, #tpu.memory_space<vmem>>, %arg8: memref<2000x128xf32, #tpu.memory_space<vmem>>, %arg9: memref<2000x128xf32, #tpu.memory_space<vmem>>) attributes {dimension_semantics = [#tpu.dimension_semantics<arbitrary>], iteration_bounds = array<i64: 5>, scalar_prefetch = 0 : i64, scratch_operands = 0 : i64, tpu.core_type = #tpu.core_type<tc>, window_params = [{transform_indices = @transform_0, window_bounds = array<i64: 2000, 128>}, {transform_indices = @transform_1, window_bounds = array<i64: 2, 2000, 128>}, {pipeline_mode = #tpu.pipeline_mode<synchronous>, transform_indices = @transform_2, window_bounds = array<i64: 128, 128>}, {pipeline_mode = #tpu.pipeline_mode<synchronous>, transform_indices = @transform_3, window_bounds = array<i64: 128>}, {pipeline_mode = #tpu.pipeline_mode<synchronous>, transform_indices = @transform_4, window_bounds = array<i64: 128, 128>}, {pipeline_mode = #tpu.pipeline_mode<synchronous>, transform_indices = @transform_5, window_bounds = array<i64: 128>}, {pipeline_mode = #tpu.pipeline_mode<synchronous>, transform_indices = @transform_6, window_bounds = array<i64: 128, 128>}, {transform_indices = @transform_7, window_bounds = array<i64: 2000, 128>}, {transform_indices = @transform_8, window_bounds = array<i64: 2000, 128>}]} {
    %get3A = arith.constant 0 : index
    %get3A_0 = arith.constant 0 : index
    %get3A_1 = arith.constant 0 : index
    %get3A_2 = vector.load %arg2[%get3A, %get3A_0, %get3A_1] : memref<2x2000x128xf32, #tpu.memory_space<vmem>>, vector<1x2000x128xf32>
    %get3A_3 = vector.shape_cast %get3A_2 : vector<1x2000x128xf32> to vector<2000x128xf32>
    %get3A_4 = arith.constant 1 : index
    %get3A_5 = arith.constant 0 : index
    %get3A_6 = arith.constant 0 : index
    %get3A_7 = vector.load %arg2[%get3A_4, %get3A_5, %get3A_6] : memref<2x2000x128xf32, #tpu.memory_space<vmem>>, vector<1x2000x128xf32>
    %get3A_8 = vector.shape_cast %get3A_7 : vector<1x2000x128xf32> to vector<2000x128xf32>
    %add3A = arith.addf %get3A_3, %get3A_8 : vector<2000x128xf32>
    %get3A_9 = arith.constant 0 : index
    %get3A_10 = arith.constant 0 : index
    %get3A_11 = vector.load %arg3[%get3A_9, %get3A_10] : memref<128x128xf32, #tpu.memory_space<vmem>>, vector<128x128xf32>
    %dot_general3A = arith.constant dense<0.000000e+00> : vector<2000x128xf32>
    %dot_general3A_12 = tpu.matmul %add3A, %get3A_11, %dot_general3A {dimension_numbers = #tpu.dot_dimension_numbers<[1], [0], [0], [1], [0, 0, 1, 1], [], []>, transpose_lhs_hint = false} : vector<2000x128xf32>, vector<128x128xf32>, vector<2000x128xf32> -> vector<2000x128xf32>
    %get3A_13 = arith.constant 0 : index
    %get3A_14 = vector.load %arg4[%get3A_13] : memref<128xf32, #tpu.memory_space<vmem>>, vector<128xf32>
    %broadcast_in_dim3A = vector.shape_cast %get3A_14 : vector<128xf32> to vector<1x128xf32>
    %add3A_15 = vector.broadcast %broadcast_in_dim3A : vector<1x128xf32> to vector<2000x128xf32>
    %add3A_16 = arith.addf %dot_general3A_12, %add3A_15 : vector<2000x128xf32>
    %custom_jvp_call3A = arith.constant 0.000000e+00 : f32
    %max3A = vector.broadcast %custom_jvp_call3A : f32 to vector<2000x128xf32>
    %max3A_17 = arith.maximumf %add3A_16, %max3A : vector<2000x128xf32>
    %sub3A = vector.broadcast %custom_jvp_call3A : f32 to vector<2000x128xf32>
    %sub3A_18 = arith.subf %add3A_16, %sub3A : vector<2000x128xf32>
    %ne3A = arith.cmpf one, %sub3A_18, %sub3A_18 : vector<2000x128xf32>
    %add3A_19 = vector.broadcast %custom_jvp_call3A : f32 to vector<2000x128xf32>
    %add3A_20 = arith.addf %add3A_16, %add3A_19 : vector<2000x128xf32>
    %abs3A = math.absf %sub3A_18 : vector<2000x128xf32>
    %neg3A = arith.constant 0.000000e+00 : f32
    %neg3A_21 = vector.broadcast %neg3A : f32 to vector<2000x128xf32>
    %neg3A_22 = arith.subf %neg3A_21, %abs3A : vector<2000x128xf32>
    %exp3A = math.exp %neg3A_22 : vector<2000x128xf32>
    %log1p3A = math.log1p %exp3A : vector<2000x128xf32>
    %add3A_23 = arith.addf %max3A_17, %log1p3A : vector<2000x128xf32>
    %select_n3A = arith.select %ne3A, %add3A_20, %add3A_23 : vector<2000x128xi1>, vector<2000x128xf32>
    %sub3A_24 = arith.constant 0.693147182 : f32
    %sub3A_25 = vector.broadcast %sub3A_24 : f32 to vector<2000x128xf32>
    %sub3A_26 = arith.subf %select_n3A, %sub3A_25 : vector<2000x128xf32>
    %get3A_27 = arith.constant 0 : index
    %get3A_28 = arith.constant 0 : index
    %get3A_29 = vector.load %arg5[%get3A_27, %get3A_28] : memref<128x128xf32, #tpu.memory_space<vmem>>, vector<128x128xf32>
    %dot_general3A_30 = arith.constant dense<0.000000e+00> : vector<2000x128xf32>
    %dot_general3A_31 = tpu.matmul %sub3A_26, %get3A_29, %dot_general3A_30 {dimension_numbers = #tpu.dot_dimension_numbers<[1], [0], [0], [1], [0, 0, 1, 1], [], []>, transpose_lhs_hint = false} : vector<2000x128xf32>, vector<128x128xf32>, vector<2000x128xf32> -> vector<2000x128xf32>
    %get3A_32 = arith.constant 0 : index
    %get3A_33 = vector.load %arg6[%get3A_32] : memref<128xf32, #tpu.memory_space<vmem>>, vector<128xf32>
    %broadcast_in_dim3A_34 = vector.shape_cast %get3A_33 : vector<128xf32> to vector<1x128xf32>
    %add3A_35 = vector.broadcast %broadcast_in_dim3A_34 : vector<1x128xf32> to vector<2000x128xf32>
    %add3A_36 = arith.addf %dot_general3A_31, %add3A_35 : vector<2000x128xf32>
    %get3A_37 = arith.constant 0 : index
    %get3A_38 = arith.constant 0 : index
    %get3A_39 = vector.load %arg1[%get3A_37, %get3A_38] : memref<2000x128xf32, #tpu.memory_space<vmem>>, vector<2000x128xf32>
    %add3A_40 = arith.addf %get3A_39, %add3A_36 : vector<2000x128xf32>
    %swap3A = arith.constant 0 : index
    %swap3A_41 = arith.constant 0 : index
    %swap3A_42 = vector.load %arg8[%swap3A, %swap3A_41] : memref<2000x128xf32, #tpu.memory_space<vmem>>, vector<2000x128xf32>
    tpu.vector_store %arg8[%swap3A, %swap3A_41], %add3A_40 {strides = array<i32>} : memref<2000x128xf32, #tpu.memory_space<vmem>>, vector<2000x128xf32>,
    %get3A_43 = arith.constant 0 : index
    %get3A_44 = arith.constant 0 : index
    %get3A_45 = vector.load %arg7[%get3A_43, %get3A_44] : memref<128x128xf32, #tpu.memory_space<vmem>>, vector<128x128xf32>
    %dot_general3A_46 = arith.constant dense<0.000000e+00> : vector<2000x128xf32>
    %dot_general3A_47 = tpu.matmul %add3A_40, %get3A_45, %dot_general3A_46 {dimension_numbers = #tpu.dot_dimension_numbers<[1], [0], [0], [1], [0, 0, 1, 1], [], []>, transpose_lhs_hint = false} : vector<2000x128xf32>, vector<128x128xf32>, vector<2000x128xf32> -> vector<2000x128xf32>
    %swap3A_48 = arith.constant 0 : index
    %swap3A_49 = arith.constant 0 : index
    %swap3A_50 = vector.load %arg9[%swap3A_48, %swap3A_49] : memref<2000x128xf32, #tpu.memory_space<vmem>>, vector<2000x128xf32>
    tpu.vector_store %arg9[%swap3A_48, %swap3A_49], %dot_general3A_47 {strides = array<i32>} : memref<2000x128xf32, #tpu.memory_space<vmem>>, vector<2000x128xf32>,
    return
  }
  func.func @transform_0(%arg0: i32) -> (i32, i32) {
    %c0_i32 = arith.constant 0 : i32
    %c0_i32_0 = arith.constant 0 : i32
    return %arg0, %c0_i32 : i32, i32
  }
  func.func @transform_1(%arg0: i32) -> (i32, i32, i32) {
    %c0_i32 = arith.constant 0 : i32
    %c0_i32_0 = arith.constant 0 : i32
    %c0_i32_1 = arith.constant 0 : i32
    return %c0_i32, %arg0, %c0_i32_0 : i32, i32, i32
  }
  func.func @transform_2(%arg0: i32) -> (i32, i32) {
    %c0_i32 = arith.constant 0 : i32
    %c0_i32_0 = arith.constant 0 : i32
    %c0_i32_1 = arith.constant 0 : i32
    return %c0_i32, %c0_i32_0 : i32, i32
  }
  func.func @transform_3(%arg0: i32) -> i32 {
    %c0_i32 = arith.constant 0 : i32
    %c0_i32_0 = arith.constant 0 : i32
    return %c0_i32 : i32
  }
  func.func @transform_4(%arg0: i32) -> (i32, i32) {
    %c0_i32 = arith.constant 0 : i32
    %c0_i32_0 = arith.constant 0 : i32
    %c0_i32_1 = arith.constant 0 : i32
    return %c0_i32, %c0_i32_0 : i32, i32
  }
  func.func @transform_5(%arg0: i32) -> i32 {
    %c0_i32 = arith.constant 0 : i32
    %c0_i32_0 = arith.constant 0 : i32
    return %c0_i32 : i32
  }
  func.func @transform_6(%arg0: i32) -> (i32, i32) {
    %c0_i32 = arith.constant 0 : i32
    %c0_i32_0 = arith.constant 0 : i32
    %c0_i32_1 = arith.constant 0 : i32
    return %c0_i32, %c0_i32_0 : i32, i32
  }
  func.func @transform_7(%arg0: i32) -> (i32, i32) {
    %c0_i32 = arith.constant 0 : i32
    %c0_i32_0 = arith.constant 0 : i32
    return %arg0, %c0_i32 : i32, i32
  }
  func.func @transform_8(%arg0: i32) -> (i32, i32) {
    %c0_i32 = arith.constant 0 : i32
    %c0_i32_0 = arith.constant 0 : i32
    return %arg0, %c0_i32 : i32, i32
  }
}

module attributes {stable_mosaic.version = 14 : i64} {
  func.func @_upd_body(%arg0: i32, %arg1: memref<2000x128xf32, #tpu.memory_space<vmem>>, %arg2: memref<2x2000x128xf32, #tpu.memory_space<vmem>>, %arg3: memref<128x128xf32, #tpu.memory_space<vmem>>, %arg4: memref<128xf32, #tpu.memory_space<vmem>>, %arg5: memref<128x128xf32, #tpu.memory_space<vmem>>, %arg6: memref<128xf32, #tpu.memory_space<vmem>>, %arg7: memref<128x128xf32, #tpu.memory_space<vmem>>, %arg8: memref<2000x128xf32, #tpu.memory_space<vmem>>) attributes {dimension_semantics = [#tpu.dimension_semantics<arbitrary>], iteration_bounds = array<i64: 5>, scalar_prefetch = 0 : i64, scratch_operands = 0 : i64, tpu.core_type = #tpu.core_type<tc>, window_params = [{transform_indices = @transform_0, window_bounds = array<i64: 2000, 128>}, {transform_indices = @transform_1, window_bounds = array<i64: 2, 2000, 128>}, {pipeline_mode = #tpu.pipeline_mode<synchronous>, transform_indices = @transform_2, window_bounds = array<i64: 128, 128>}, {pipeline_mode = #tpu.pipeline_mode<synchronous>, transform_indices = @transform_3, window_bounds = array<i64: 128>}, {pipeline_mode = #tpu.pipeline_mode<synchronous>, transform_indices = @transform_4, window_bounds = array<i64: 128, 128>}, {pipeline_mode = #tpu.pipeline_mode<synchronous>, transform_indices = @transform_5, window_bounds = array<i64: 128>}, {pipeline_mode = #tpu.pipeline_mode<synchronous>, transform_indices = @transform_6, window_bounds = array<i64: 128, 128>}, {transform_indices = @transform_7, window_bounds = array<i64: 2000, 128>}]} {
    %get3A = arith.constant 0 : index
    %get3A_0 = arith.constant 0 : index
    %get3A_1 = arith.constant 0 : index
    %get3A_2 = vector.load %arg2[%get3A, %get3A_0, %get3A_1] : memref<2x2000x128xf32, #tpu.memory_space<vmem>>, vector<1x2000x128xf32>
    %get3A_3 = vector.shape_cast %get3A_2 : vector<1x2000x128xf32> to vector<2000x128xf32>
    %get3A_4 = arith.constant 1 : index
    %get3A_5 = arith.constant 0 : index
    %get3A_6 = arith.constant 0 : index
    %get3A_7 = vector.load %arg2[%get3A_4, %get3A_5, %get3A_6] : memref<2x2000x128xf32, #tpu.memory_space<vmem>>, vector<1x2000x128xf32>
    %get3A_8 = vector.shape_cast %get3A_7 : vector<1x2000x128xf32> to vector<2000x128xf32>
    %add3A = arith.addf %get3A_3, %get3A_8 : vector<2000x128xf32>
    %get3A_9 = arith.constant 0 : index
    %get3A_10 = arith.constant 0 : index
    %get3A_11 = vector.load %arg3[%get3A_9, %get3A_10] : memref<128x128xf32, #tpu.memory_space<vmem>>, vector<128x128xf32>
    %dot_general3A = arith.constant dense<0.000000e+00> : vector<2000x128xf32>
    %dot_general3A_12 = tpu.matmul %add3A, %get3A_11, %dot_general3A {dimension_numbers = #tpu.dot_dimension_numbers<[1], [0], [0], [1], [0, 0, 1, 1], [], []>, transpose_lhs_hint = false} : vector<2000x128xf32>, vector<128x128xf32>, vector<2000x128xf32> -> vector<2000x128xf32>
    %get3A_13 = arith.constant 0 : index
    %get3A_14 = vector.load %arg4[%get3A_13] : memref<128xf32, #tpu.memory_space<vmem>>, vector<128xf32>
    %broadcast_in_dim3A = vector.shape_cast %get3A_14 : vector<128xf32> to vector<1x128xf32>
    %add3A_15 = vector.broadcast %broadcast_in_dim3A : vector<1x128xf32> to vector<2000x128xf32>
    %add3A_16 = arith.addf %dot_general3A_12, %add3A_15 : vector<2000x128xf32>
    %custom_jvp_call3A = arith.constant 0.000000e+00 : f32
    %max3A = vector.broadcast %custom_jvp_call3A : f32 to vector<2000x128xf32>
    %max3A_17 = arith.maximumf %add3A_16, %max3A : vector<2000x128xf32>
    %sub3A = vector.broadcast %custom_jvp_call3A : f32 to vector<2000x128xf32>
    %sub3A_18 = arith.subf %add3A_16, %sub3A : vector<2000x128xf32>
    %ne3A = arith.cmpf one, %sub3A_18, %sub3A_18 : vector<2000x128xf32>
    %add3A_19 = vector.broadcast %custom_jvp_call3A : f32 to vector<2000x128xf32>
    %add3A_20 = arith.addf %add3A_16, %add3A_19 : vector<2000x128xf32>
    %abs3A = math.absf %sub3A_18 : vector<2000x128xf32>
    %neg3A = arith.constant 0.000000e+00 : f32
    %neg3A_21 = vector.broadcast %neg3A : f32 to vector<2000x128xf32>
    %neg3A_22 = arith.subf %neg3A_21, %abs3A : vector<2000x128xf32>
    %exp3A = math.exp %neg3A_22 : vector<2000x128xf32>
    %log1p3A = math.log1p %exp3A : vector<2000x128xf32>
    %add3A_23 = arith.addf %max3A_17, %log1p3A : vector<2000x128xf32>
    %select_n3A = arith.select %ne3A, %add3A_20, %add3A_23 : vector<2000x128xi1>, vector<2000x128xf32>
    %sub3A_24 = arith.constant 0.693147182 : f32
    %sub3A_25 = vector.broadcast %sub3A_24 : f32 to vector<2000x128xf32>
    %sub3A_26 = arith.subf %select_n3A, %sub3A_25 : vector<2000x128xf32>
    %get3A_27 = arith.constant 0 : index
    %get3A_28 = arith.constant 0 : index
    %get3A_29 = vector.load %arg5[%get3A_27, %get3A_28] : memref<128x128xf32, #tpu.memory_space<vmem>>, vector<128x128xf32>
    %dot_general3A_30 = arith.constant dense<0.000000e+00> : vector<2000x128xf32>
    %dot_general3A_31 = tpu.matmul %sub3A_26, %get3A_29, %dot_general3A_30 {dimension_numbers = #tpu.dot_dimension_numbers<[1], [0], [0], [1], [0, 0, 1, 1], [], []>, transpose_lhs_hint = false} : vector<2000x128xf32>, vector<128x128xf32>, vector<2000x128xf32> -> vector<2000x128xf32>
    %get3A_32 = arith.constant 0 : index
    %get3A_33 = vector.load %arg6[%get3A_32] : memref<128xf32, #tpu.memory_space<vmem>>, vector<128xf32>
    %broadcast_in_dim3A_34 = vector.shape_cast %get3A_33 : vector<128xf32> to vector<1x128xf32>
    %add3A_35 = vector.broadcast %broadcast_in_dim3A_34 : vector<1x128xf32> to vector<2000x128xf32>
    %add3A_36 = arith.addf %dot_general3A_31, %add3A_35 : vector<2000x128xf32>
    %get3A_37 = arith.constant 0 : index
    %get3A_38 = arith.constant 0 : index
    %get3A_39 = vector.load %arg1[%get3A_37, %get3A_38] : memref<2000x128xf32, #tpu.memory_space<vmem>>, vector<2000x128xf32>
    %add3A_40 = arith.addf %get3A_39, %add3A_36 : vector<2000x128xf32>
    %swap3A = arith.constant 0 : index
    %swap3A_41 = arith.constant 0 : index
    %swap3A_42 = vector.load %arg8[%swap3A, %swap3A_41] : memref<2000x128xf32, #tpu.memory_space<vmem>>, vector<2000x128xf32>
    tpu.vector_store %arg8[%swap3A, %swap3A_41], %add3A_40 {strides = array<i32>} : memref<2000x128xf32, #tpu.memory_space<vmem>>, vector<2000x128xf32>,
    return
  }
  func.func @transform_0(%arg0: i32) -> (i32, i32) {
    %c0_i32 = arith.constant 0 : i32
    %c0_i32_0 = arith.constant 0 : i32
    return %arg0, %c0_i32 : i32, i32
  }
  func.func @transform_1(%arg0: i32) -> (i32, i32, i32) {
    %c0_i32 = arith.constant 0 : i32
    %c0_i32_0 = arith.constant 0 : i32
    %c0_i32_1 = arith.constant 0 : i32
    return %c0_i32, %arg0, %c0_i32_0 : i32, i32, i32
  }
  func.func @transform_2(%arg0: i32) -> (i32, i32) {
    %c0_i32 = arith.constant 0 : i32
    %c0_i32_0 = arith.constant 0 : i32
    %c0_i32_1 = arith.constant 0 : i32
    return %c0_i32, %c0_i32_0 : i32, i32
  }
  func.func @transform_3(%arg0: i32) -> i32 {
    %c0_i32 = arith.constant 0 : i32
    %c0_i32_0 = arith.constant 0 : i32
    return %c0_i32 : i32
  }
  func.func @transform_4(%arg0: i32) -> (i32, i32) {
    %c0_i32 = arith.constant 0 : i32
    %c0_i32_0 = arith.constant 0 : i32
    %c0_i32_1 = arith.constant 0 : i32
    return %c0_i32, %c0_i32_0 : i32, i32
  }
  func.func @transform_5(%arg0: i32) -> i32 {
    %c0_i32 = arith.constant 0 : i32
    %c0_i32_0 = arith.constant 0 : i32
    return %c0_i32 : i32
  }
  func.func @transform_6(%arg0: i32) -> (i32, i32) {
    %c0_i32 = arith.constant 0 : i32
    %c0_i32_0 = arith.constant 0 : i32
    %c0_i32_1 = arith.constant 0 : i32
    return %c0_i32, %c0_i32_0 : i32, i32
  }
  func.func @transform_7(%arg0: i32) -> (i32, i32) {
    %c0_i32 = arith.constant 0 : i32
    %c0_i32_0 = arith.constant 0 : i32
    return %arg0, %c0_i32 : i32, i32
  }
}

</mosaic_0001>

<sc_bundles>
// kernel: kernel.11.cloned.1.call-start
scs
__scs_entry_jumppad:
0x0: {  	(pc) =	sbr.rel $0x88, $3  }
0x1: {  	(tag) =	ssettag $0x0;
	lr =	simm.s32 $0x1  }
0x2: {  	[smem:$0x3F93] =	sst lr;
	_ =	strace $0xD0000000  }
0x3: {  	_ = 	snop  }
0x4: {  	_ = 	snop  }
0x5: {  	_ = 	snop  }
0x6: {  	_ = 	snop  }
0x7: {  	_ = 	snop  }
__scs_overlays_trampoline_lowered:
0x8: {  	[smem:$0x3FA2] =	sst s0  }
0x9: {  	[smem:$0x3FA3] =	sst s1  }
0xa: {  	[smem:$0x3FA4] =	sst s2  }
0xb: {  	[smem:$0x3FA5] =	sst s3  }
0xc: {  	[smem:$0x3FA6] =	sst s4  }
0xd: {  	[smem:$0x3FA7] =	sst s5  }
0xe: {  	[smem:$0x3FA8] =	sst s6  }
0xf: {  	[smem:$0x3FA9] =	sst s7  }
0x10: {  	[smem:$0x3FAA] =	sst s8  }
0x11: {  	[smem:$0x3FAB] =	sst s9;
	s0 =	simm.s32 @!p0 $0x0  }
0x12: {  	s1 =	sld [smem:$0x3F91];
	s0 =	simm.s32 @p0 $0x1  }
0x13: {  	[smem:$0x3FAC] =	sst s0;
	s0 =	simm.s32 @!p1 $0x0  }
0x14: {  	s2 =	sld [smem:$0x3F90];
	s0 =	simm.s32 @p1 $0x1  }
0x15: {  	[smem:$0x3FAD] =	sst s0;
	s0 =	simm.s32 @!p2 $0x0  }
0x16: {  	s3 =	sld [smem:$0x3FDB];
	s0 =	simm.s32 @p2 $0x1  }
0x17: {  	s4 =	simm.s32 $0x1BF5;
	[smem:$0x3FAF] =	sst s0  }
0x18: {  	s0 =	sld [smem:$0x3F92];
	_ =	swait.ge [sflag:s4], $0x0  }
0x19: {  	s7 =	sld [smem:$0x3F93]  }
0x1a: {  	s8 =	sadd.s32 $0xFFFFE003, lr  }
0x1b: {  	s9 =	sadd.s32 $0xFFFFFEF7, lr;
	s5 =	simm.s32 $0xFFFFFFFF;
	p2 =	slt.u32 s8, $0xFFFFF086  }
0x1c: {  	p1 =	slt.u32 s9, $0xF7A;
	s5 =	simm.s32 @!p2 $0x0  }
0x1d: {  	s5 =	simm.s32 @p1 $0x1;
	p0 =	seq.s32 s7, s2  }
0x1e: {  	s7 =	smul.u32 @!p0 $0xF7A, s2;
	p2 =	seq.s32 @!p0 s5, $0x0  }
0x1f: {  	s9 =	smul.u32 $0xF7A, s1;
	s8 =	simm.s32 @!p0 $0x1BF5;
	p2 =	por !p2, p0  }
0x20: {  	[sflag:s8] =	ssyncset.s32 @!p0 $0xFFFFF086;
	s6 =	sadd.s32 @!p0 s3, s7;
	s7 =	simm.s32 @!p0 $0x108  }
0x21: {  	s3 =	sadd.s32 s3, s9;
	s6 =	sadd.s32 @!p0 $0x88, s6;
	s7 =	simm.s32 @p2 $0x1082  }
0x22: {  	[simem:s7], [sflag:s8] =	dma.local @!p0 [hbm:s6], $0xF7A  }
0x23: {  	s9 =	sor.u32 $0xD0000000, s2;
	s6 =	simm.s32 $0x108;
	_ =	swait.ge @!p0 [sflag:s8], $0x0  }
0x24: {  	s3 =	sadd.s32 $0x88, s3;
	s6 =	simm.s32 @!p1 $0x1082;
	[sflag:s4] =	ssyncset.s32 $0xFFFFF086  }
0x25: {  	[simem:s6], [sflag:s4] =	dma.local [hbm:s3], $0xF7A  }
0x26: {  	[smem:$0x3F93] =	sst s1;
	(tag) =	ssettag s2;
	_ =	strace s9  }
0x27: {  	s1 =	sld [smem:$0x3FA3]  }
0x28: {  	s2 =	sld [smem:$0x3FA4]  }
0x29: {  	s4 =	sld [smem:$0x3FA6]  }
0x2a: {  	p0 =	seq.s32 s5, $0x0;
	s5 =	sld [smem:$0x3FA7]  }
0x2b: {  	s6 =	sld [smem:$0x3FA8]  }
0x2c: {  	s7 =	sld [smem:$0x3FA9]  }
0x2d: {  	s3 =	simm.s32 $0x108;
	s8 =	sld [smem:$0x3FAA]  }
0x2e: {  	s3 =	simm.s32 @!p0 $0x1082;
	s9 =	sld [smem:$0x3FAB]  }
0x2f: {  	lr =	sadd.s32 s0, s3;
	s0 =	sld [smem:$0x3FA2]  }
0x30: {  	s3 =	sld [smem:$0x3FA5]  }
0x31: {  	[smem:$0x3FAE] =	sst s10  }
0x32: {  	s10 =	sld [smem:$0x3FAC];
	_ =	sdelay $0x3  }
0x33: {  	p0 =	seq.s32 s10, $0x1;
	s10 =	sld [smem:$0x3FAE];
	_ =	sdelay $0x3  }
0x34: {  	[smem:$0x3FAE] =	sst s10  }
0x35: {  	s10 =	sld [smem:$0x3FAD];
	_ =	sdelay $0x3  }
0x36: {  	p1 =	seq.s32 s10, $0x1;
	s10 =	sld [smem:$0x3FAE];
	_ =	sdelay $0x3  }
0x37: {  	[smem:$0x3FAE] =	sst s10  }
0x38: {  	s10 =	sld [smem:$0x3FAF]  }
0x39: {  	_ = 	snop;
	(pc) =	sbr.ind lr, $3  }
0x3a: {  	_ = 	snop  }
0x3b: {  	_ = 	snop  }
0x3c: {  	p2 =	seq.s32 s10, $0x1;
	s10 =	sld [smem:$0x3FAE]  }
0x3d: {  	_ =	shalt  }
0x3e: {  	_ =	shalt  }
0x3f: {  	_ =	shalt  }
0x40: {  	_ =	shalt  }
0x41: {  	_ =	shalt  }
0x42: {  	_ =	shalt  }
0x43: {  	_ =	shalt  }
0x44: {  	_ =	shalt  }
0x45: {  	_ =	shalt  }
0x46: {  	_ =	shalt  }
0x47: {  	_ =	shalt  }
0x48: {  	_ =	shalt  }
0x49: {  	_ =	shalt  }
0x4a: {  	_ =	shalt  }
0x4b: {  	_ =	shalt  }
0x4c: {  	_ =	shalt  }
0x4d: {  	_ =	shalt  }
0x4e: {  	_ =	shalt  }
0x4f: {  	_ =	shalt  }
0x50: {  	_ =	shalt  }
0x51: {  	_ =	shalt  }
0x52: {  	_ =	shalt  }
0x53: {  	_ =	shalt  }
0x54: {  	_ =	shalt  }
0x55: {  	_ =	shalt  }
0x56: {  	_ =	shalt  }
0x57: {  	_ =	shalt  }
0x58: {  	_ =	shalt  }
0x59: {  	_ =	shalt  }
0x5a: {  	_ =	shalt  }
0x5b: {  	_ =	shalt  }
0x5c: {  	_ =	shalt  }
0x5d: {  	_ =	shalt  }
0x5e: {  	_ =	shalt  }
0x5f: {  	_ =	shalt  }
0x60: {  	_ =	shalt  }
0x61: {  	_ =	shalt  }
0x62: {  	_ =	shalt  }
0x63: {  	_ =	shalt  }
0x64: {  	_ =	shalt  }
0x65: {  	_ =	shalt  }
0x66: {  	_ =	shalt  }
0x67: {  	_ =	shalt  }
0x68: {  	_ =	shalt  }
0x69: {  	_ =	shalt  }
0x6a: {  	_ =	shalt  }
0x6b: {  	_ =	shalt  }
0x6c: {  	_ =	shalt  }
0x6d: {  	_ =	shalt  }
0x6e: {  	_ =	shalt  }
0x6f: {  	_ =	shalt  }
0x70: {  	_ =	shalt  }
0x71: {  	_ =	shalt  }
0x72: {  	_ =	shalt  }
0x73: {  	_ =	shalt  }
0x74: {  	_ =	shalt  }
0x75: {  	_ =	shalt  }
0x76: {  	_ =	shalt  }
0x77: {  	_ =	shalt  }
0x78: {  	_ =	shalt  }
0x79: {  	_ =	shalt  }
0x7a: {  	_ =	shalt  }
0x7b: {  	_ =	shalt  }
0x7c: {  	_ =	shalt  }
0x7d: {  	_ =	shalt  }
0x7e: {  	_ =	shalt  }
0x7f: {  	_ =	shalt  }
0x80: {  	_ =	shalt  }
0x81: {  	_ =	shalt  }
0x82: {  	_ =	shalt  }
0x83: {  	_ =	shalt  }
0x84: {  	_ =	shalt  }
0x85: {  	_ =	shalt  }
0x86: {  	_ =	shalt  }
0x87: {  	_ =	shalt  }
.Lfunc_end0:
.L_simem_size_0:
called_computation_lowered:
.L_overlay_start_0:
0x88: {  	s2 =	sld [smem:$0x3FD9]  }
0x89: {  	s3 =	sld [smem:$0x3FFE];
	_ =	sdelay $0x1  }
0x8a: {  	s1 =	srdreg.scid  }
0x8b: {  	s0 =	sand.u32 $0x1, s1  }
0x8c: {  	s17 =	sshll.u32 s0, $0xA;
	s2 =	sadd.s32 s3, s2  }
0x8d: {  	s2 =	sadd.s32 s2, s17  }
0x8e: {  	[smem:$0x3FBA] =	sst s2  }
0x8f: {  	_ = 	snop  }
0x90: {  	s2 =	sld [smem:$0x3FC7]  }
0x91: {  	s18 =	sld [smem:$0x3FC6];
	(tm) =	ssettm $0x1  }
0x92: {  	s4 =	sld [smem:$0x3FFB];
	_ =	sdelay $0x3  }
0x93: {  	_ =	strace s4  }
0x94: {  	s4 =	sld [smem:$0x3FFC];
	_ =	sdelay $0x3  }
0x95: {  	_ =	strace s4  }
0x96: {  	s4 =	sld [smem:$0x3FFD];
	_ =	sdelay $0x3  }
0x97: {  	_ =	strace s4  }
0x98: {  	_ =	strace $0x8FFFFFFF  }
0x99: {  	s19 =	sld [smem:$0x3FDB];
	_ =	sdelay $0x1  }
0x9a: {  	s5 =	simm.s32 $_scs_section_size  }
0x9b: {  	s6 =	simm.s32 $_size__tile_overlayer_lowered;
	s7 =	simm.s32 $_tile_overlayer_lowered  }
0x9c: {  	s22 =	simm.s32 $0x1BFF;
	s21 =	sshll.u32 s7, $0x1;
	s4 =	sadd.s32 s5, s19  }
0x9d: {  	s8 =	simm.s32 $0x0;
	s20 =	sshll.u32 s6, $0x1;
	s6 =	sadd.s32 s21, s4  }
0x9e: {  	[timem:s8], [sflag:s22] =	dma.local [hbm:s6], s20  }
0x9f: {  	_ =	swait.ge [sflag:s22], s20  }
0xa0: {  	s5 =	ssub.s32 $0x0, s20;
	[sflag:s22] =	ssyncset.done $0x0  }
0xa1: {  	[sflag:s22] =	ssyncadd.s32 s5;
	_ =	sdelay $0x1  }
0xa2: {  	s23 =	simm.s32 $0x1B8B  }
0xa3: {  	_ =	swait.ge [sflag:s23], $0x1  }
0xa4: {  	[sflag:s23] =	ssyncset.done $0x0  }
0xa5: {  	s25 =	simm.s32 $0x1B8E;
	s24 =	sld [smem:$0x3FFE];
	[sflag:s23] =	ssyncadd.s32 $0xFFFFFFFF  }
0xa6: {  	s26 =	simm.s32 $execute0_lowered;
	[smem:$0x3FD2] =	sst s25  }
0xa7: {  	s6 =	sshll.u32 s26, $0x1;
	_ =	strace $0x80000046;
	[dreg:$0x1] =	wrdreg $0xFFFFFFFF  }
0xa8: {  	s28 =	simm.s32 $_size_execute0_lowered;
	s4 =	sadd.s32 s4, s6;
	[dreg:$0x0] =	wrdreg $0x0  }
0xa9: {  	s6 =	sshll.u32 s28, $0x1;
	[dreg:$0x2] =	wrdreg s4  }
0xaa: {  	[dreg:$0x3] =	wrdreg s6  }
0xab: {  	[dreg:$0x4] =	wrdreg $0xC0  }
0xac: {  	_ =	task [dreg:s8], $0x5FFFF  }
0xad: {  	[dreg:$0x1] =	wrdreg $0xFFFFFFFF  }
0xae: {  	[dreg:$0x0] =	wrdreg $0x60  }
0xaf: {  	[dreg:$0x2] =	wrdreg s24  }
0xb0: {  	[dreg:$0x3] =	wrdreg s2  }
0xb1: {  	[dreg:$0x4] =	wrdreg s18  }
0xb2: {  	[dreg:$0x5] =	wrdreg $0x9  }
0xb3: {  	_ =	task.clear_ibuf [dreg:s8], $0x6FFFF;
	_ =	strace $0x90000046  }
0xb4: {  	s29 =	simm.s32 $0x9;
	_ =	strace $0x80000048  }
0xb5: {  	_ =	swait.ge [sflag:s29], $0x1  }
0xb6: {  	[sflag:s29] =	ssyncadd.s32 $0xFFFFFFFF  }
0xb7: {  	_ =	strace $0x90000048  }
0xb8: {  	_ =	sfence  }
0xb9: {  	s30 =	sld [smem:$0x0];
	_ =	sdelay $0x2  }
0xba: {  	s31 =	sshll.u32 s1, $0xD;
	s1 =	sshrl.u32 s1, $0x2  }
0xbb: {  	s3 =	sand.u32 $0x4000, s31;
	s1 =	sadd.s32 s1, s30  }
0xbc: {  	s0 =	sor.u32 s3, s0;
	s1 =	sshll.u32 s1, $0x11  }
0xbd: {  	s0 =	sor.u32 s1, s0  }
0xbe: {  	s0 =	sadd.s32 $0x8F2B, s0  }
0xbf: {  	[sflag:s0] =	ssyncadd.remote.s32 $0x1  }
0xc0: {  	_ =	sfence.sel $0xFFFF  }
0xc1: {  	[dreg:$0x0] =	wrdreg $0xFFFFFFFF;
	(pc) =	sbr.abs _section_cstart, $3  }
0xc2: {  	[dreg:$0x1] =	wrdreg $0xFFFFFFFF  }
0xc3: {  	_ =	task.clear_ibuf [dreg:s8], $0x2FFFF;
	_ =	strace $0x9FFFFFFF  }
0xc4: {  	(tm) =	ssettm $0x7FFFFFFF  }
0xc5: {  	_ =	shalt  }
tec
execute0_lowered:
.L_overlay_start_1:
0x0: {  	(tag) =	ssettag $0x1  }
0x1: {  	s8 =	rddreg [dreg:$0x0]  }
0x2: {  	s1 =	rddreg [dreg:$0x1]  }
0x3: {  	s2 =	rddreg [dreg:$0x2]  }
0x4: {  	s0 =	rddreg [dreg:$0x3]  }
0x5: {  	s3 =	simm.s32 $0x0;
	s4 =	srdreg.scid;
	s13 =	simm.s32 $0x4F00  }
0x6: {  	s14 =	simm.s32 $0x7680;
	s15 =	simm.s32 $0x7E80;
	s16 =	simm.s32 $0x8680  }
0x7: {  	s17 =	simm.s32 $0x0;
	[smem:$0x7FF] =	sst s3;
	s5 =	sadd.s32 $0x3A00, s8  }
0x8: {  	s9 =	sand.u32 $0x1, s4;
	s6 =	sadd.s32 $0x3400, s8;
	s4 =	stileid.u32  }
0x9: {  	s7 =	sadd.s32 $0x2E00, s8;
	s8 =	sadd.s32 $0x4000, s8;
	s10 =	ssub.s32 $0x2, s9  }
0xa: {  	_ =	strace $0x80000047;
	s12 =	sshll.u32 s4, $0x1;
	s11 =	sshrl.u32 s10, $0x1  }
0xb: {  	s9 =	sor.u32 s9, s12;
	s12 =	simm.s32 $0x2780;
	s10 =	ssub.s32 s10, s11  }
0xc: {  	s9 =	smul.u32 $0x2710, s9;
	s11 =	simm.s32 $0x1;
	s10 =	smax.u32 s10, $0x1  }
.LBB2_1:
0xd: {  	[tilespmem:s3], [sflag:$0x1] =	stream.linear.gather [hbm4b:s5+s3], $0x2780, $0x38;
	[tilespmem:$0x8E80] =	vst v63  }
0xe: {  	_ =	swait.ge [sflag:s11], $0x2780  }
0xf: {  	[sflag:s11] =	ssyncset.done $0x0  }
0x10: {  	[sflag:s11] =	ssyncadd.s32 $0xFFFFD880  }
0x11: {  	[tilespmem:s12], [sflag:$0x1] =	stream.linear.gather [hbm4b:s6+s3], $0x2780, $0x38;
	[tilespmem:$0x8E80] =	vst v63  }
0x12: {  	_ =	swait.ge [sflag:s11], $0x2780  }
0x13: {  	[sflag:s11] =	ssyncset.done $0x0  }
0x14: {  	[sflag:s11] =	ssyncadd.s32 $0xFFFFD880  }
0x15: {  	[tilespmem:s13], [sflag:$0x1] =	stream.linear.gather [hbm4b:s7+s3], $0x2780, $0x38;
	[tilespmem:$0x8E80] =	vst v63  }
0x16: {  	_ =	swait.ge [sflag:s11], $0x2780  }
0x17: {  	[sflag:s11] =	ssyncset.done $0x0  }
0x18: {  	s18 =	simm.s32 $0x0;
	[sflag:s11] =	ssyncadd.s32 $0xFFFFD880  }
.LBB2_2:
0x19: {  	s19 =	smul.u32 $0x7D0, s18;
	_ =	sdelay $0x1  }
0x1a: {  	s19 =	sadd.s32 s9, s19  }
0x1b: {  	s19 =	sshrl.u32 s19, $0x3  }
0x1c: {  	s21 =	simm.s32 $0x0;
	s20 =	sadd.s32 s1, s19  }
0x1d: {  	[tilespmem:s14], [sflag:$0x1] =	stream.linear.gather [hbm4b:s20+s21], $0x7D0, $0x38;
	[tilespmem:$0x8E80] =	vst v63  }
0x1e: {  	_ =	swait.ge [sflag:s11], $0x7D0  }
0x1f: {  	[sflag:s11] =	ssyncset.done $0x0  }
0x20: {  	s31 =	sadd.s32 s2, s19;
	[sflag:s11] =	ssyncadd.s32 $0xFFFFF830  }
0x21: {  	[tilespmem:s15], [sflag:$0x1] =	stream.linear.gather [hbm4b:s31+s21], $0x7D0, $0x38;
	[tilespmem:$0x8E80] =	vst v63  }
0x22: {  	_ =	swait.ge [sflag:s11], $0x7D0  }
0x23: {  	[sflag:s11] =	ssyncset.done $0x0  }
0x24: {  	s20 =	simm.s32 $0x0;
	[sflag:s11] =	ssyncadd.s32 $0xFFFFF830  }
0x25: {  	v0 =	vld [tilespmem:s20+$0x7680]  }
0x26: {  	v1 =	vld [tilespmem:s20+$0x7E80];
	_ =	sdelay $0x6  }
0x27: {  	v2 =	vld.idx.msk [tilespmem:v0+s12+$0x0], $0xffff  }
0x28: {  	v3 =	vld.idx.msk [tilespmem:v1+s12+$0x0], $0xffff  }
0x29: {  	v4 =	vld.idx.msk [tilespmem:v0+s3+$0x0], $0xffff  }
0x2a: {  	v5 =	vld.idx.msk [tilespmem:v1+s3+$0x0], $0xffff  }
0x2b: {  	v0 =	vld.idx.msk [tilespmem:v0+s13+$0x0], $0xffff  }
0x2c: {  	v1 =	vld.idx.msk [tilespmem:v1+s13+$0x0], $0xffff;
	_ =	sdelay $0x2  }
0x2d: {  	v4 =	vsub.f32 v5, v4;
	v2 =	vsub.f32 v3, v2;
	_ =	sdelay $0x1  }
0x2e: {  	v0 =	vsub.f32 v1, v0;
	v1 =	vmul.f32 v4, v4;
	v2 =	vmul.f32 v2, v2;
	_ =	sdelay $0x1  }
0x2f: {  	v0 =	vmul.f32 v0, v0;
	v1 =	vadd.f32 v2, v1;
	_ =	sdelay $0x1  }
0x30: {  	v0 =	vadd.f32 v0, v1;
	_ =	sdelay $0x1  }
0x31: {  	v0 =	vadd.f32 $9.999999960e-13, v0;
	_ =	sdelay $0x1  }
0x32: {  	v1 =	vshra.s32 v0, $0x1;
	v2 =	vmul.f32 $5.000000000e-01, v0  }
0x33: {  	v1 =	vsub.s32 $0x5F3759DF, v1  }
0x34: {  	v3 =	vmul.f32 v1, v2;
	_ =	sdelay $0x1  }
0x35: {  	v3 =	vmul.f32 v1, v3;
	_ =	sdelay $0x1  }
0x36: {  	v3 =	vsub.f32 $1.500000000e+00, v3;
	_ =	sdelay $0x1  }
0x37: {  	v1 =	vmul.f32 v1, v3;
	_ =	sdelay $0x1  }
0x38: {  	v3 =	vmul.f32 v1, v2;
	_ =	sdelay $0x1  }
0x39: {  	v3 =	vmul.f32 v3, v1;
	_ =	sdelay $0x1  }
0x3a: {  	v3 =	vsub.f32 $1.500000000e+00, v3;
	_ =	sdelay $0x1  }
0x3b: {  	v1 =	vmul.f32 v3, v1;
	_ =	sdelay $0x1  }
0x3c: {  	v2 =	vmul.f32 v1, v2;
	_ =	sdelay $0x1  }
0x3d: {  	v2 =	vmul.f32 v2, v1;
	_ =	sdelay $0x1  }
0x3e: {  	v2 =	vsub.f32 $1.500000000e+00, v2;
	_ =	sdelay $0x1  }
0x3f: {  	v1 =	vmul.f32 v2, v1;
	_ =	sdelay $0x1  }
0x40: {  	v0 =	vmul.f32 v1, v0;
	_ =	sdelay $0x1  }
0x41: {  	s22 =	simm.s32 $0x10;
	v2 =	vmul.f32 $3.276600100e+03, v0  }
0x42: {  	v0 =	vld [tilespmem:s22+$0x7680]  }
0x43: {  	v1 =	vld [tilespmem:s22+$0x7E80];
	v2 =	vadd.f32 $5.000000000e-01, v2  }
0x44: {  	s21 =	simm.s32 $0x80  }
.LBB2_3:
0x45: {  	p0 =	sne.s32 s21, $0x1F00;
	v2 =	vmin.f32 v2, $1.638300000e+04  }
0x46: {  	v2 =	vtrunc.f32 v2  }
0x47: {  	v2 =	vcvt.f32.s32 v2;
	_ =	sdelay $0x1  }
0x48: {  	[tilespmem:s20+$0x8680] =	vst v2;
	s20 =	smov.u32 s22  }
0x49: {  	v2 =	vld.idx.msk [tilespmem:v0+s12+$0x0], $0xffff  }
0x4a: {  	v3 =	vld.idx.msk [tilespmem:v1+s12+$0x0], $0xffff  }
0x4b: {  	v4 =	vld.idx.msk [tilespmem:v0+s3+$0x0], $0xffff  }
0x4c: {  	v5 =	vld.idx.msk [tilespmem:v1+s3+$0x0], $0xffff  }
0x4d: {  	v0 =	vld.idx.msk [tilespmem:v0+s13+$0x0], $0xffff  }
0x4e: {  	v1 =	vld.idx.msk [tilespmem:v1+s13+$0x0], $0xffff;
	_ =	sdelay $0x3  }
0x4f: {  	v2 =	vsub.f32 v3, v2;
	v4 =	vsub.f32 v5, v4;
	_ =	sdelay $0x1  }
0x50: {  	v2 =	vmul.f32 v2, v2;
	v0 =	vsub.f32 v1, v0;
	v1 =	vmul.f32 v4, v4;
	_ =	sdelay $0x1  }
0x51: {  	v1 =	vadd.f32 v2, v1;
	v0 =	vmul.f32 v0, v0;
	_ =	sdelay $0x1  }
0x52: {  	v0 =	vadd.f32 v0, v1;
	_ =	sdelay $0x1  }
0x53: {  	v0 =	vadd.f32 $9.999999960e-13, v0;
	_ =	sdelay $0x1  }
0x54: {  	v1 =	vshra.s32 v0, $0x1;
	v2 =	vmul.f32 $5.000000000e-01, v0  }
0x55: {  	v1 =	vsub.s32 $0x5F3759DF, v1  }
0x56: {  	v3 =	vmul.f32 v1, v2;
	_ =	sdelay $0x1  }
0x57: {  	v3 =	vmul.f32 v1, v3;
	_ =	sdelay $0x1  }
0x58: {  	v3 =	vsub.f32 $1.500000000e+00, v3;
	_ =	sdelay $0x1  }
0x59: {  	v1 =	vmul.f32 v1, v3;
	_ =	sdelay $0x1  }
0x5a: {  	v3 =	vmul.f32 v1, v2;
	_ =	sdelay $0x1  }
0x5b: {  	v3 =	vmul.f32 v3, v1;
	_ =	sdelay $0x1  }
0x5c: {  	v3 =	vsub.f32 $1.500000000e+00, v3;
	_ =	sdelay $0x1  }
0x5d: {  	v1 =	vmul.f32 v3, v1;
	_ =	sdelay $0x1  }
0x5e: {  	v2 =	vmul.f32 v1, v2;
	_ =	sdelay $0x1  }
0x5f: {  	v2 =	vmul.f32 v2, v1;
	_ =	sdelay $0x1  }
0x60: {  	v2 =	vsub.f32 $1.500000000e+00, v2;
	_ =	sdelay $0x1  }
0x61: {  	v1 =	vmul.f32 v2, v1;
	_ =	sdelay $0x1  }
0x62: {  	v0 =	vmul.f32 v1, v0  }
.Ltmp0:
0x63: {  	(pc) =	sbr.rel @p0 .LBB2_3-.Ltmp0, $4  }
0x64: {  	s22 =	sshra.s32 s21, $0x2;
	v2 =	vmul.f32 $3.276600100e+03, v0  }
0x65: {  	v0 =	vld [tilespmem:s22+$0x7680]  }
0x66: {  	v2 =	vadd.f32 $5.000000000e-01, v2;
	v1 =	vld [tilespmem:s22+$0x7E80]  }
0x67: {  	s21 =	sadd.s32 $0x40, s21  }
0x68: {  	_ = 	snop  }
0x69: {  	v2 =	vmin.f32 v2, $1.638300000e+04  }
0x6a: {  	v2 =	vtrunc.f32 v2  }
0x6b: {  	v2 =	vcvt.f32.s32 v2;
	_ =	sdelay $0x1  }
0x6c: {  	[tilespmem:s20+$0x8680] =	vst v2  }
0x6d: {  	v2 =	vld.idx.msk [tilespmem:v0+s12+$0x0], $0xffff  }
0x6e: {  	v3 =	vld.idx.msk [tilespmem:v1+s12+$0x0], $0xffff  }
0x6f: {  	v4 =	vld.idx.msk [tilespmem:v0+s3+$0x0], $0xffff  }
0x70: {  	v5 =	vld.idx.msk [tilespmem:v1+s3+$0x0], $0xffff  }
0x71: {  	v58 =	vld.idx.msk [tilespmem:v0+s13+$0x0], $0xffff  }
0x72: {  	v59 =	vld.idx.msk [tilespmem:v1+s13+$0x0], $0xffff;
	_ =	sdelay $0x2  }
0x73: {  	v4 =	vsub.f32 v5, v4;
	v2 =	vsub.f32 v3, v2;
	_ =	sdelay $0x1  }
0x74: {  	v0 =	vsub.f32 v59, v58;
	v60 =	vmul.f32 v4, v4;
	v2 =	vmul.f32 v2, v2;
	_ =	sdelay $0x1  }
0x75: {  	v0 =	vmul.f32 v0, v0;
	v1 =	vadd.f32 v2, v60;
	_ =	sdelay $0x1  }
0x76: {  	v0 =	vadd.f32 v0, v1;
	_ =	sdelay $0x1  }
0x77: {  	v0 =	vadd.f32 $9.999999960e-13, v0;
	_ =	sdelay $0x1  }
0x78: {  	v61 =	vshra.s32 v0, $0x1;
	v62 =	vmul.f32 $5.000000000e-01, v0  }
0x79: {  	v1 =	vsub.s32 $0x5F3759DF, v61  }
0x7a: {  	v63 =	vmul.f32 v1, v62;
	_ =	sdelay $0x1  }
0x7b: {  	v3 =	vmul.f32 v1, v63;
	_ =	sdelay $0x1  }
0x7c: {  	v3 =	vsub.f32 $1.500000000e+00, v3;
	_ =	sdelay $0x1  }
0x7d: {  	v1 =	vmul.f32 v1, v3;
	_ =	sdelay $0x1  }
0x7e: {  	v3 =	vmul.f32 v1, v62;
	_ =	sdelay $0x1  }
0x7f: {  	v3 =	vmul.f32 v3, v1;
	_ =	sdelay $0x1  }
0x80: {  	v3 =	vsub.f32 $1.500000000e+00, v3;
	_ =	sdelay $0x1  }
0x81: {  	v1 =	vmul.f32 v3, v1;
	_ =	sdelay $0x1  }
0x82: {  	v2 =	vmul.f32 v1, v62;
	_ =	sdelay $0x1  }
0x83: {  	v2 =	vmul.f32 v2, v1;
	_ =	sdelay $0x1  }
0x84: {  	v2 =	vsub.f32 $1.500000000e+00, v2;
	_ =	sdelay $0x1  }
0x85: {  	v1 =	vmul.f32 v2, v1;
	_ =	sdelay $0x1  }
0x86: {  	v0 =	vmul.f32 v1, v0;
	_ =	sdelay $0x1  }
0x87: {  	v0 =	vmul.f32 $3.276600100e+03, v0;
	_ =	sdelay $0x1  }
0x88: {  	v0 =	vadd.f32 $5.000000000e-01, v0;
	_ =	sdelay $0x1  }
0x89: {  	v0 =	vmin.f32 v0, $1.638300000e+04  }
0x8a: {  	v0 =	vtrunc.f32 v0  }
0x8b: {  	s18 =	sadd.s32 $0x1, s18;
	v0 =	vcvt.f32.s32 v0  }
0x8c: {  	p0 =	sne.s32 s18, $0x5  }
.Ltmp1:
0x8d: {  	s19 =	sadd.s32 s8, s19;
	[tilespmem:s22+$0x8680] =	vst v0;
	(pc) =	sbr.rel @p0 .LBB2_2-.Ltmp1, $4  }
0x8e: {  	[hbm4b:s19+s3] =	stream.linear.scatter [tilespmem:s16], [sflag:$0x1], $0x7D0, $0x38;
	[tilespmem:$0x8E80] =	vst v63  }
0x8f: {  	_ =	swait.ge [sflag:s11], $0x7D0  }
0x90: {  	[sflag:s11] =	ssyncset.done $0x0  }
0x91: {  	[sflag:s11] =	ssyncadd.s32 $0xFFFFF830  }
0x92: {  	s17 =	sadd.s32 $0x1, s17  }
0x93: {  	p0 =	sne.s32 s17, s10  }
.Ltmp2:
0x94: {  	_ = 	snop;
	(pc) =	sbr.rel @p0 .LBB2_1-.Ltmp2, $1  }
0x95: {  	_ =	sdelay $0x3  }
0x96: {  	_ =	sfence.sel $0x180000  }
0x97: {  	[bflag:$0x0] =	sbarrier.arrive $0xFFFF  }
0x98: {  	p0 =	sne.s32 s4, $0x0;
	_ =	strace $0x90000047  }
0x99: {  	s0 =	sadd.s32 @!p0 $0x100000, s0;
	[bflag:$0x2] =	sbarrier.arrive $0xFFFF  }
0x9a: {  	[sflag:s0] =	ssyncadd.tile.s32 @!p0 $0x1;
	_ =	shalt  }
.Lfunc_end2:
_tile_overlayer_lowered:
.L_overlay_start_2:
0x9b: {  	(tag) =	ssettag $0x2  }
0x9c: {  	s0 =	rddreg [dreg:$0x0];
	s2 =	stileid.u32  }
0x9d: {  	s1 =	rddreg [dreg:$0x1];
	p0 =	sne.s32 s2, $0x0  }
0x9e: {  	s3 =	rddreg [dreg:$0x2];
	[bflag:$0x3] =	sbarrier.arrive $0xFFFF;
	s2 =	simm.s32 @!p0 $0x1C01  }
0x9f: {  	[timem:s3], [sflag:s2] =	dma.local @!p0 [hbm:s0], s1  }
0xa0: {  	s0 =	simm.s32 @!p0 $0x1  }
0xa1: {  	_ =	swait.ge @!p0 [sflag:s0], s1  }
0xa2: {  	s1 =	ssub.s32 @!p0 $0x0, s1;
	[sflag:s0] =	ssyncset.done @!p0 $0x0  }
0xa3: {  	[sflag:s0] =	ssyncadd.s32 @!p0 s1  }
0xa4: {  	[bflag:$0x3] =	sbarrier.arrive $0xFFFF  }
0xa5: {  	_ =	shalt  }

// kernel: kernel.14.cloned.1.call-start
scs
__scs_entry_jumppad:
0x0: {  	(pc) =	sbr.rel $0x88, $3  }
0x1: {  	(tag) =	ssettag $0x0;
	lr =	simm.s32 $0x1  }
0x2: {  	[smem:$0x3F93] =	sst lr;
	_ =	strace $0xD0000000  }
0x3: {  	_ = 	snop  }
0x4: {  	_ = 	snop  }
0x5: {  	_ = 	snop  }
0x6: {  	_ = 	snop  }
0x7: {  	_ = 	snop  }
__scs_overlays_trampoline_lowered:
0x8: {  	[smem:$0x3FA2] =	sst s0  }
0x9: {  	[smem:$0x3FA3] =	sst s1  }
0xa: {  	[smem:$0x3FA4] =	sst s2  }
0xb: {  	[smem:$0x3FA5] =	sst s3  }
0xc: {  	[smem:$0x3FA6] =	sst s4  }
0xd: {  	[smem:$0x3FA7] =	sst s5  }
0xe: {  	[smem:$0x3FA8] =	sst s6  }
0xf: {  	[smem:$0x3FA9] =	sst s7  }
0x10: {  	[smem:$0x3FAA] =	sst s8  }
0x11: {  	[smem:$0x3FAB] =	sst s9;
	s0 =	simm.s32 @!p0 $0x0  }
0x12: {  	s1 =	sld [smem:$0x3F91];
	s0 =	simm.s32 @p0 $0x1  }
0x13: {  	[smem:$0x3FAC] =	sst s0;
	s0 =	simm.s32 @!p1 $0x0  }
0x14: {  	s2 =	sld [smem:$0x3F90];
	s0 =	simm.s32 @p1 $0x1  }
0x15: {  	[smem:$0x3FAD] =	sst s0;
	s0 =	simm.s32 @!p2 $0x0  }
0x16: {  	s3 =	sld [smem:$0x3FDB];
	s0 =	simm.s32 @p2 $0x1  }
0x17: {  	s4 =	simm.s32 $0x1BF5;
	[smem:$0x3FAF] =	sst s0  }
0x18: {  	s0 =	sld [smem:$0x3F92];
	_ =	swait.ge [sflag:s4], $0x0  }
0x19: {  	s7 =	sld [smem:$0x3F93]  }
0x1a: {  	s8 =	sadd.s32 $0xFFFFE003, lr  }
0x1b: {  	s9 =	sadd.s32 $0xFFFFFEF7, lr;
	s5 =	simm.s32 $0xFFFFFFFF;
	p2 =	slt.u32 s8, $0xFFFFF086  }
0x1c: {  	p1 =	slt.u32 s9, $0xF7A;
	s5 =	simm.s32 @!p2 $0x0  }
0x1d: {  	s5 =	simm.s32 @p1 $0x1;
	p0 =	seq.s32 s7, s2  }
0x1e: {  	s7 =	smul.u32 @!p0 $0xF7A, s2;
	p2 =	seq.s32 @!p0 s5, $0x0  }
0x1f: {  	s9 =	smul.u32 $0xF7A, s1;
	s8 =	simm.s32 @!p0 $0x1BF5;
	p2 =	por !p2, p0  }
0x20: {  	[sflag:s8] =	ssyncset.s32 @!p0 $0xFFFFF086;
	s6 =	sadd.s32 @!p0 s3, s7;
	s7 =	simm.s32 @!p0 $0x108  }
0x21: {  	s3 =	sadd.s32 s3, s9;
	s6 =	sadd.s32 @!p0 $0x88, s6;
	s7 =	simm.s32 @p2 $0x1082  }
0x22: {  	[simem:s7], [sflag:s8] =	dma.local @!p0 [hbm:s6], $0xF7A  }
0x23: {  	s9 =	sor.u32 $0xD0000000, s2;
	s6 =	simm.s32 $0x108;
	_ =	swait.ge @!p0 [sflag:s8], $0x0  }
0x24: {  	s3 =	sadd.s32 $0x88, s3;
	s6 =	simm.s32 @!p1 $0x1082;
	[sflag:s4] =	ssyncset.s32 $0xFFFFF086  }
0x25: {  	[simem:s6], [sflag:s4] =	dma.local [hbm:s3], $0xF7A  }
0x26: {  	[smem:$0x3F93] =	sst s1;
	(tag) =	ssettag s2;
	_ =	strace s9  }
0x27: {  	s1 =	sld [smem:$0x3FA3]  }
0x28: {  	s2 =	sld [smem:$0x3FA4]  }
0x29: {  	s4 =	sld [smem:$0x3FA6]  }
0x2a: {  	p0 =	seq.s32 s5, $0x0;
	s5 =	sld [smem:$0x3FA7]  }
0x2b: {  	s6 =	sld [smem:$0x3FA8]  }
0x2c: {  	s7 =	sld [smem:$0x3FA9]  }
0x2d: {  	s3 =	simm.s32 $0x108;
	s8 =	sld [smem:$0x3FAA]  }
0x2e: {  	s3 =	simm.s32 @!p0 $0x1082;
	s9 =	sld [smem:$0x3FAB]  }
0x2f: {  	lr =	sadd.s32 s0, s3;
	s0 =	sld [smem:$0x3FA2]  }
0x30: {  	s3 =	sld [smem:$0x3FA5]  }
0x31: {  	[smem:$0x3FAE] =	sst s10  }
0x32: {  	s10 =	sld [smem:$0x3FAC];
	_ =	sdelay $0x3  }
0x33: {  	p0 =	seq.s32 s10, $0x1;
	s10 =	sld [smem:$0x3FAE];
	_ =	sdelay $0x3  }
0x34: {  	[smem:$0x3FAE] =	sst s10  }
0x35: {  	s10 =	sld [smem:$0x3FAD];
	_ =	sdelay $0x3  }
0x36: {  	p1 =	seq.s32 s10, $0x1;
	s10 =	sld [smem:$0x3FAE];
	_ =	sdelay $0x3  }
0x37: {  	[smem:$0x3FAE] =	sst s10  }
0x38: {  	s10 =	sld [smem:$0x3FAF]  }
0x39: {  	_ = 	snop;
	(pc) =	sbr.ind lr, $3  }
0x3a: {  	_ = 	snop  }
0x3b: {  	_ = 	snop  }
0x3c: {  	p2 =	seq.s32 s10, $0x1;
	s10 =	sld [smem:$0x3FAE]  }
0x3d: {  	_ =	shalt  }
0x3e: {  	_ =	shalt  }
0x3f: {  	_ =	shalt  }
0x40: {  	_ =	shalt  }
0x41: {  	_ =	shalt  }
0x42: {  	_ =	shalt  }
0x43: {  	_ =	shalt  }
0x44: {  	_ =	shalt  }
0x45: {  	_ =	shalt  }
0x46: {  	_ =	shalt  }
0x47: {  	_ =	shalt  }
0x48: {  	_ =	shalt  }
0x49: {  	_ =	shalt  }
0x4a: {  	_ =	shalt  }
0x4b: {  	_ =	shalt  }
0x4c: {  	_ =	shalt  }
0x4d: {  	_ =	shalt  }
0x4e: {  	_ =	shalt  }
0x4f: {  	_ =	shalt  }
0x50: {  	_ =	shalt  }
0x51: {  	_ =	shalt  }
0x52: {  	_ =	shalt  }
0x53: {  	_ =	shalt  }
0x54: {  	_ =	shalt  }
0x55: {  	_ =	shalt  }
0x56: {  	_ =	shalt  }
0x57: {  	_ =	shalt  }
0x58: {  	_ =	shalt  }
0x59: {  	_ =	shalt  }
0x5a: {  	_ =	shalt  }
0x5b: {  	_ =	shalt  }
0x5c: {  	_ =	shalt  }
0x5d: {  	_ =	shalt  }
0x5e: {  	_ =	shalt  }
0x5f: {  	_ =	shalt  }
0x60: {  	_ =	shalt  }
0x61: {  	_ =	shalt  }
0x62: {  	_ =	shalt  }
0x63: {  	_ =	shalt  }
0x64: {  	_ =	shalt  }
0x65: {  	_ =	shalt  }
0x66: {  	_ =	shalt  }
0x67: {  	_ =	shalt  }
0x68: {  	_ =	shalt  }
0x69: {  	_ =	shalt  }
0x6a: {  	_ =	shalt  }
0x6b: {  	_ =	shalt  }
0x6c: {  	_ =	shalt  }
0x6d: {  	_ =	shalt  }
0x6e: {  	_ =	shalt  }
0x6f: {  	_ =	shalt  }
0x70: {  	_ =	shalt  }
0x71: {  	_ =	shalt  }
0x72: {  	_ =	shalt  }
0x73: {  	_ =	shalt  }
0x74: {  	_ =	shalt  }
0x75: {  	_ =	shalt  }
0x76: {  	_ =	shalt  }
0x77: {  	_ =	shalt  }
0x78: {  	_ =	shalt  }
0x79: {  	_ =	shalt  }
0x7a: {  	_ =	shalt  }
0x7b: {  	_ =	shalt  }
0x7c: {  	_ =	shalt  }
0x7d: {  	_ =	shalt  }
0x7e: {  	_ =	shalt  }
0x7f: {  	_ =	shalt  }
0x80: {  	_ =	shalt  }
0x81: {  	_ =	shalt  }
0x82: {  	_ =	shalt  }
0x83: {  	_ =	shalt  }
0x84: {  	_ =	shalt  }
0x85: {  	_ =	shalt  }
0x86: {  	_ =	shalt  }
0x87: {  	_ =	shalt  }
.Lfunc_end0:
.L_simem_size_0:
called_computation.1_lowered:
.L_overlay_start_0:
0x88: {  	s2 =	sld [smem:$0x3FD9]  }
0x89: {  	s3 =	sld [smem:$0x3FFE];
	_ =	sdelay $0x1  }
0x8a: {  	s1 =	srdreg.scid  }
0x8b: {  	s0 =	sand.u32 $0x1, s1  }
0x8c: {  	s17 =	sshll.u32 s0, $0xA;
	s2 =	sadd.s32 s3, s2  }
0x8d: {  	s2 =	sadd.s32 s2, s17  }
0x8e: {  	[smem:$0x3FBA] =	sst s2  }
0x8f: {  	_ = 	snop  }
0x90: {  	s2 =	sld [smem:$0x3FC7]  }
0x91: {  	s18 =	sld [smem:$0x3FC6]  }
0x92: {  	s4 =	sld [smem:$0x3FD0];
	(tm) =	ssettm $0x1  }
0x93: {  	s5 =	sld [smem:$0x3FFB];
	_ =	sdelay $0x3  }
0x94: {  	_ =	strace s5  }
0x95: {  	s5 =	sld [smem:$0x3FFC];
	_ =	sdelay $0x3  }
0x96: {  	_ =	strace s5  }
0x97: {  	s5 =	sld [smem:$0x3FFD];
	_ =	sdelay $0x3  }
0x98: {  	_ =	strace s5  }
0x99: {  	_ =	strace $0x8FFFFFFF  }
0x9a: {  	s19 =	sld [smem:$0x3FDB];
	_ =	sdelay $0x1  }
0x9b: {  	s6 =	simm.s32 $_scs_section_size  }
0x9c: {  	s7 =	simm.s32 $_size__tile_overlayer_lowered;
	s8 =	simm.s32 $_tile_overlayer_lowered  }
0x9d: {  	s22 =	simm.s32 $0x1BFF;
	s21 =	sshll.u32 s8, $0x1;
	s5 =	sadd.s32 s6, s19  }
0x9e: {  	s9 =	simm.s32 $0x0;
	s20 =	sshll.u32 s7, $0x1;
	s7 =	sadd.s32 s21, s5  }
0x9f: {  	[timem:s9], [sflag:s22] =	dma.local [hbm:s7], s20  }
0xa0: {  	_ =	swait.ge [sflag:s22], s20  }
0xa1: {  	s6 =	ssub.s32 $0x0, s20;
	[sflag:s22] =	ssyncset.done $0x0  }
0xa2: {  	[sflag:s22] =	ssyncadd.s32 s6;
	_ =	sdelay $0x1  }
0xa3: {  	s23 =	simm.s32 $0x1B8B  }
0xa4: {  	_ =	swait.ge [sflag:s23], $0x1  }
0xa5: {  	[sflag:s23] =	ssyncset.done $0x0  }
0xa6: {  	s25 =	simm.s32 $0x1B8E;
	s24 =	sld [smem:$0x3FFE];
	[sflag:s23] =	ssyncadd.s32 $0xFFFFFFFF  }
0xa7: {  	s26 =	simm.s32 $execute0_lowered;
	[smem:$0x3FD2] =	sst s25  }
0xa8: {  	s7 =	sshll.u32 s26, $0x1;
	_ =	strace $0x80000049;
	[dreg:$0x1] =	wrdreg $0xFFFFFFFF  }
0xa9: {  	s28 =	simm.s32 $_size_execute0_lowered;
	s5 =	sadd.s32 s5, s7;
	[dreg:$0x0] =	wrdreg $0x0  }
0xaa: {  	s7 =	sshll.u32 s28, $0x1;
	[dreg:$0x2] =	wrdreg s5  }
0xab: {  	[dreg:$0x3] =	wrdreg s7  }
0xac: {  	[dreg:$0x4] =	wrdreg $0xC0  }
0xad: {  	_ =	task [dreg:s9], $0x5FFFF  }
0xae: {  	[dreg:$0x1] =	wrdreg $0xFFFFFFFF  }
0xaf: {  	[dreg:$0x0] =	wrdreg $0x60  }
0xb0: {  	[dreg:$0x2] =	wrdreg s4  }
0xb1: {  	[dreg:$0x3] =	wrdreg s24  }
0xb2: {  	[dreg:$0x4] =	wrdreg s2  }
0xb3: {  	[dreg:$0x5] =	wrdreg s18  }
0xb4: {  	[dreg:$0x6] =	wrdreg $0xA3000  }
0xb5: {  	[dreg:$0x7] =	wrdreg $0x9  }
0xb6: {  	_ =	task.clear_ibuf [dreg:s9], $0x8FFFF;
	_ =	strace $0x90000049  }
0xb7: {  	s29 =	simm.s32 $0x9;
	_ =	strace $0x8000004B  }
0xb8: {  	_ =	swait.ge [sflag:s29], $0x1  }
0xb9: {  	[sflag:s29] =	ssyncadd.s32 $0xFFFFFFFF  }
0xba: {  	_ =	strace $0x9000004B  }
0xbb: {  	_ =	sfence  }
0xbc: {  	s30 =	sld [smem:$0x0];
	_ =	sdelay $0x2  }
0xbd: {  	s31 =	sshll.u32 s1, $0xD;
	s1 =	sshrl.u32 s1, $0x2  }
0xbe: {  	s3 =	sand.u32 $0x4000, s31;
	s1 =	sadd.s32 s1, s30  }
0xbf: {  	s0 =	sor.u32 s3, s0;
	s1 =	sshll.u32 s1, $0x11  }
0xc0: {  	s0 =	sor.u32 s1, s0  }
0xc1: {  	s0 =	sadd.s32 $0x8F2B, s0  }
0xc2: {  	[sflag:s0] =	ssyncadd.remote.s32 $0x1  }
0xc3: {  	_ =	sfence.sel $0xFFFF  }
0xc4: {  	[dreg:$0x0] =	wrdreg $0xFFFFFFFF;
	(pc) =	sbr.abs _section_cstart, $3  }
0xc5: {  	[dreg:$0x1] =	wrdreg $0xFFFFFFFF  }
0xc6: {  	_ =	task.clear_ibuf [dreg:s9], $0x2FFFF;
	_ =	strace $0x9FFFFFFF  }
0xc7: {  	(tm) =	ssettm $0x7FFFFFFF  }
tec
execute0_lowered:
.L_overlay_start_1:
0x0: {  	(tag) =	ssettag $0x1  }
0x1: {  	s0 =	rddreg [dreg:$0x0]  }
0x2: {  	s1 =	rddreg [dreg:$0x1]  }
0x3: {  	s2 =	rddreg [dreg:$0x2]  }
0x4: {  	s3 =	simm.s32 $0x0;
	s4 =	srdreg.scid;
	s18 =	stileid.u32  }
0x5: {  	[smem:$0x7FF] =	sst s3;
	s7 =	smul.u32 $0x14000, s18  }
0x6: {  	s4 =	sand.u32 $0x1, s4;
	s9 =	sshll.u32 s18, $0x1;
	s18 =	smul.u32 $0x50000, s18  }
0x7: {  	s6 =	ssub.s32 $0x2, s4;
	s10 =	smul.u32 $0x140000, s4;
	s4 =	sor.u32 s4, s9  }
0x8: {  	s5 =	sadd.s32 $0xDE00, s1;
	s8 =	sshrl.u32 s6, $0x1;
	s4 =	smul.u32 $0x2710, s4  }
0x9: {  	s12 =	sadd.s32 $0x4000, s7;
	s13 =	sadd.s32 $0x8000, s7;
	s16 =	sadd.s32 $0xA000, s7  }
0xa: {  	s17 =	sadd.s32 $0xC000, s7;
	s20 =	sadd.s32 $0xE000, s7;
	s6 =	ssub.s32 s6, s8  }
0xb: {  	s8 =	sor.u32 $0x2000, s7;
	s22 =	sadd.s32 s10, s7;
	s24 =	sadd.s32 s10, s12  }
0xc: {  	s14 =	sadd.s32 s10, s13;
	s15 =	sadd.s32 s10, s17;
	s19 =	sadd.s32 s10, s20  }
0xd: {  	s11 =	sadd.s32 s10, s8;
	s9 =	sshrl.u32 s22, $0x3;
	s14 =	sshrl.u32 s14, $0x3  }
0xe: {  	s22 =	sadd.s32 $0x10000, s7;
	s11 =	sshrl.u32 s11, $0x3;
	s9 =	sadd.s32 s5, s9  }
0xf: {  	s26 =	sadd.s32 s5, s14;
	s14 =	sadd.s32 s10, s16;
	[dreg:$0x6] =	wrdreg s9  }
0x10: {  	s23 =	sadd.s32 s5, s11;
	s9 =	sshrl.u32 s24, $0x3;
	s11 =	sadd.s32 $0x6000, s7  }
0x11: {  	[dreg:$0xa] =	wrdreg s26;
	s9 =	sadd.s32 s5, s9;
	s25 =	sadd.s32 s10, s11  }
0x12: {  	s7 =	sadd.s32 $0x12000, s7;
	[dreg:$0x8] =	wrdreg s9;
	s9 =	sshrl.u32 s25, $0x3  }
0x13: {  	s26 =	sshrl.u32 s4, $0x3;
	[dreg:$0x7] =	wrdreg s23;
	s9 =	sadd.s32 s5, s9  }
0x14: {  	[dreg:$0x9] =	wrdreg s9;
	s9 =	sshrl.u32 s14, $0x3;
	s14 =	sshrl.u32 s19, $0x3  }
0x15: {  	s9 =	sadd.s32 s5, s9;
	s21 =	sadd.s32 s5, s14;
	s14 =	rddreg [dreg:$0x3]  }
0x16: {  	s23 =	sadd.s32 s10, s22;
	[dreg:$0xb] =	wrdreg s9;
	s9 =	sshrl.u32 s15, $0x3  }
0x17: {  	s10 =	sadd.s32 s10, s7;
	[dreg:$0xd] =	wrdreg s21;
	s9 =	sadd.s32 s5, s9  }
0x18: {  	s24 =	sshrl.u32 s10, $0x3;
	[dreg:$0xc] =	wrdreg s9;
	s9 =	sshrl.u32 s23, $0x3  }
0x19: {  	s25 =	sshrl.u32 s18, $0x2;
	s15 =	rddreg [dreg:$0x4];
	s9 =	sadd.s32 s5, s9  }
0x1a: {  	s18 =	sadd.s32 $0xCDE00, s1;
	s5 =	sadd.s32 s5, s24;
	[dreg:$0xe] =	wrdreg s9  }
0x1b: {  	s19 =	sadd.s32 $0x4000, s1;
	s1 =	sadd.s32 $0x2E00, s1;
	[dreg:$0xf] =	wrdreg s5  }
0x1c: {  	s24 =	smax.u32 s6, $0x1;
	_ =	strace $0x8000004A;
	[dreg:$0x10] =	wrdreg s1  }
0x1d: {  	s21 =	sadd.s32 s25, s15;
	s25 =	sadd.s32 s8, s15;
	[dreg:$0x14] =	wrdreg s24  }
0x1e: {  	s9 =	sadd.s32 $0x4D8, s26;
	s26 =	sadd.s32 s12, s15;
	[dreg:$0x15] =	wrdreg s25  }
0x1f: {  	s5 =	sadd.s32 s11, s15;
	[dreg:$0x16] =	wrdreg s26  }
0x20: {  	s6 =	sadd.s32 s13, s15;
	[dreg:$0x17] =	wrdreg s5  }
0x21: {  	s8 =	sadd.s32 s16, s15;
	[dreg:$0x18] =	wrdreg s6  }
0x22: {  	s28 =	simm.s32 $0x50;
	s11 =	sadd.s32 s22, s15;
	[dreg:$0x19] =	wrdreg s8  }
0x23: {  	s29 =	simm.s32 $0x5300;
	s12 =	sadd.s32 s7, s15;
	[dreg:$0x1c] =	wrdreg s11  }
0x24: {  	s30 =	simm.s32 $0x80;
	s13 =	sadd.s32 $0x2000, s21;
	[dreg:$0x1d] =	wrdreg s12  }
0x25: {  	s31 =	simm.s32 $0x180;
	s16 =	sadd.s32 $0x4000, s21;
	[dreg:$0x1e] =	wrdreg s13  }
0x26: {  	s7 =	sadd.s32 $0x50, s4;
	s22 =	sadd.s32 $0xA000, s21;
	[dreg:$0x1f] =	wrdreg s16  }
0x27: {  	s10 =	sadd.s32 s14, s9;
	s23 =	sadd.s32 s19, s9;
	[smem:$0x7F9] =	sst s22  }
0x28: {  	s1 =	sadd.s32 s2, s9;
	s9 =	sadd.s32 s17, s15;
	[dreg:$0x11] =	wrdreg s10  }
0x29: {  	s17 =	sadd.s32 $0x6000, s21;
	s24 =	sadd.s32 $0xE000, s21;
	[dreg:$0x12] =	wrdreg s23  }
0x2a: {  	s25 =	sadd.s32 $0x10000, s21;
	s26 =	sadd.s32 $0x12000, s21;
	[dreg:$0x13] =	wrdreg s1  }
0x2b: {  	s13 =	simm.s32 $0x280;
	s5 =	simm.s32 $0x7B00;
	[dreg:$0x1a] =	wrdreg s9  }
0x2c: {  	s6 =	simm.s32 $0x1;
	s8 =	simm.s32 $0x2;
	[smem:$0x7F7] =	sst s17  }
0x2d: {  	s11 =	simm.s32 $0x0;
	s22 =	simm.s32 $0x0;
	[smem:$0x7FB] =	sst s24  }
0x2e: {  	s10 =	sadd.s32 s20, s15;
	s20 =	sadd.s32 $0x8000, s21;
	[smem:$0x7FC] =	sst s25  }
0x2f: {  	s23 =	sadd.s32 $0xC000, s21;
	[smem:$0x7FD] =	sst s26;
	s24 =	simm.s32 $0x5  }
0x30: {  	s25 =	simm.s32 $0x100;
	s26 =	simm.s32 $0x200;
	[dreg:$0x1b] =	wrdreg s10  }
0x31: {  	s1 =	simm.s32 $0x2B00;
	s9 =	simm.s32 $0x3;
	[smem:$0x7F8] =	sst s20  }
0x32: {  	[smem:$0x7FA] =	sst s23;
	s23 =	simm.s32 $0x300;
	s10 =	simm.s32 $0x4  }
.LBB2_1:
0x33: {  	s12 =	rddreg [dreg:$0x10]  }
0x34: {  	[tilespmem:s23], [sflag:$0x5] =	stream.linear.gather [hbm4b:s12+s3], $0x2000, $0x38;
	[tilespmem:$0x1E300] =	vst v63  }
0x35: {  	_ =	swait.ge [sflag:s24], $0x2000  }
0x36: {  	[sflag:s24] =	ssyncset.done $0x0  }
0x37: {  	[sflag:s24] =	ssyncadd.s32 $0xFFFFE000  }
0x38: {  	[spmem:s21] =	stream.linear.scatter [tilespmem:s23], [sflag:$0x5], $0x2000, $0x38;
	[tilespmem:$0x1E300] =	vst v63  }
0x39: {  	_ =	swait.ge [sflag:s24], $0x2000  }
0x3a: {  	[sflag:s24] =	ssyncset.done $0x0  }
0x3b: {  	s16 =	rddreg [dreg:$0x1e];
	[sflag:s24] =	ssyncadd.s32 $0xFFFFE000  }
0x3c: {  	[spmem:s16] =	stream.linear.scatter [tilespmem:s23], [sflag:$0x5], $0x2000, $0x38;
	[tilespmem:$0x1E300] =	vst v63  }
0x3d: {  	_ =	swait.ge [sflag:s24], $0x2000  }
0x3e: {  	[sflag:s24] =	ssyncset.done $0x0  }
0x3f: {  	s17 =	rddreg [dreg:$0x1f];
	[sflag:s24] =	ssyncadd.s32 $0xFFFFE000  }
0x40: {  	[spmem:s17] =	stream.linear.scatter [tilespmem:s23], [sflag:$0x5], $0x2000, $0x38;
	[tilespmem:$0x1E300] =	vst v63  }
0x41: {  	_ =	swait.ge [sflag:s24], $0x2000  }
0x42: {  	s20 =	sld [smem:$0x7F7]  }
0x43: {  	[sflag:s24] =	ssyncset.done $0x0  }
0x44: {  	[sflag:s24] =	ssyncadd.s32 $0xFFFFE000  }
0x45: {  	[spmem:s20] =	stream.linear.scatter [tilespmem:s23], [sflag:$0x5], $0x2000, $0x38;
	[tilespmem:$0x1E300] =	vst v63  }
0x46: {  	_ =	swait.ge [sflag:s24], $0x2000  }
0x47: {  	s16 =	sld [smem:$0x7F8]  }
0x48: {  	[sflag:s24] =	ssyncset.done $0x0  }
0x49: {  	[sflag:s24] =	ssyncadd.s32 $0xFFFFE000  }
0x4a: {  	[spmem:s16] =	stream.linear.scatter [tilespmem:s23], [sflag:$0x5], $0x2000, $0x38;
	[tilespmem:$0x1E300] =	vst v63  }
0x4b: {  	_ =	swait.ge [sflag:s24], $0x2000  }
0x4c: {  	s17 =	sld [smem:$0x7F9]  }
0x4d: {  	[sflag:s24] =	ssyncset.done $0x0  }
0x4e: {  	[sflag:s24] =	ssyncadd.s32 $0xFFFFE000  }
0x4f: {  	[spmem:s17] =	stream.linear.scatter [tilespmem:s23], [sflag:$0x5], $0x2000, $0x38;
	[tilespmem:$0x1E300] =	vst v63  }
0x50: {  	_ =	swait.ge [sflag:s24], $0x2000  }
0x51: {  	s20 =	sld [smem:$0x7FA]  }
0x52: {  	[sflag:s24] =	ssyncset.done $0x0  }
0x53: {  	[sflag:s24] =	ssyncadd.s32 $0xFFFFE000  }
0x54: {  	[spmem:s20] =	stream.linear.scatter [tilespmem:s23], [sflag:$0x5], $0x2000, $0x38;
	[tilespmem:$0x1E300] =	vst v63  }
0x55: {  	_ =	swait.ge [sflag:s24], $0x2000  }
0x56: {  	s16 =	sld [smem:$0x7FB]  }
0x57: {  	[sflag:s24] =	ssyncset.done $0x0  }
0x58: {  	[sflag:s24] =	ssyncadd.s32 $0xFFFFE000  }
0x59: {  	[spmem:s16] =	stream.linear.scatter [tilespmem:s23], [sflag:$0x5], $0x2000, $0x38;
	[tilespmem:$0x1E300] =	vst v63  }
0x5a: {  	_ =	swait.ge [sflag:s24], $0x2000  }
0x5b: {  	s17 =	sld [smem:$0x7FC]  }
0x5c: {  	[sflag:s24] =	ssyncset.done $0x0  }
0x5d: {  	[sflag:s24] =	ssyncadd.s32 $0xFFFFE000  }
0x5e: {  	[spmem:s17] =	stream.linear.scatter [tilespmem:s23], [sflag:$0x5], $0x2000, $0x38;
	[tilespmem:$0x1E300] =	vst v63  }
0x5f: {  	_ =	swait.ge [sflag:s24], $0x2000  }
0x60: {  	s20 =	sld [smem:$0x7FD]  }
0x61: {  	[sflag:s24] =	ssyncset.done $0x0  }
0x62: {  	[sflag:s24] =	ssyncadd.s32 $0xFFFFE000  }
0x63: {  	[spmem:s20] =	stream.linear.scatter [tilespmem:s23], [sflag:$0x5], $0x2000, $0x38;
	[tilespmem:$0x1E300] =	vst v63  }
0x64: {  	_ =	swait.ge [sflag:s24], $0x2000  }
0x65: {  	[sflag:s24] =	ssyncset.done $0x0  }
0x66: {  	[sflag:s24] =	ssyncadd.s32 $0xFFFFE000  }
0x67: {  	s12 =	simm.s32 $0x0;
	[bflag:$0x0] =	sbarrier.arrive $0xFFFF  }
.LBB2_2:
0x68: {  	s16 =	smul.u32 $0xA0, s12;
	_ =	sdelay $0x1  }
0x69: {  	s17 =	sadd.s32 s4, s16  }
0x6a: {  	s17 =	sshrl.u32 s17, $0x3  }
0x6b: {  	s20 =	sadd.s32 s14, s17  }
0x6c: {  	[tilespmem:s22], [sflag:$0x5] =	stream.linear.gather [hbm4b:s20+s22], $0x50, $0x38;
	[tilespmem:$0x1E300] =	vst v63  }
0x6d: {  	_ =	swait.ge [sflag:s24], $0x50  }
0x6e: {  	[sflag:s24] =	ssyncset.done $0x0  }
0x6f: {  	s20 =	sadd.s32 s19, s17;
	[sflag:s24] =	ssyncadd.s32 $0xFFFFFFB0  }
0x70: {  	[tilespmem:s25], [sflag:$0x5] =	stream.linear.gather [hbm4b:s20+s22], $0x50, $0x38;
	[tilespmem:$0x1E300] =	vst v63  }
0x71: {  	_ =	swait.ge [sflag:s24], $0x50  }
0x72: {  	[sflag:s24] =	ssyncset.done $0x0  }
0x73: {  	s17 =	sadd.s32 s2, s17;
	[sflag:s24] =	ssyncadd.s32 $0xFFFFFFB0  }
0x74: {  	[tilespmem:s26], [sflag:$0x5] =	stream.linear.gather [hbm4b:s17+s22], $0x50, $0x38;
	[tilespmem:$0x1E300] =	vst v63  }
0x75: {  	_ =	swait.ge [sflag:s24], $0x50  }
0x76: {  	[sflag:s24] =	ssyncset.done $0x0  }
0x77: {  	s16 =	sadd.s32 s16, s7;
	[sflag:s24] =	ssyncadd.s32 $0xFFFFFFB0  }
0x78: {  	[tilespmem:s23], [sflag:$0x1] =	stream.indirect.gather [hbm4b:s0+s28], $0x80, s22, s28, $0xb8;
	[tilespmem:$0x1E300] =	vst v63  }
0x79: {  	s16 =	sshrl.u32 s16, $0x3  }
0x7a: {  	[tilespmem:s29], [sflag:$0x1] =	stream.indirect.gather [hbm4b:s18+s28], $0x80, s25, s28, $0xb8;
	[tilespmem:$0x1E300] =	vst v63  }
0x7b: {  	s20 =	sadd.s32 s14, s16  }
0x7c: {  	[tilespmem:s30], [sflag:$0x5] =	stream.linear.gather [hbm4b:s20+s22], $0x50, $0x38;
	[tilespmem:$0x1E300] =	vst v63  }
0x7d: {  	_ =	swait.ge [sflag:s24], $0x50  }
0x7e: {  	[sflag:s24] =	ssyncset.done $0x0  }
0x7f: {  	s20 =	sadd.s32 s19, s16;
	[sflag:s24] =	ssyncadd.s32 $0xFFFFFFB0  }
0x80: {  	[tilespmem:s31], [sflag:$0x5] =	stream.linear.gather [hbm4b:s20+s22], $0x50, $0x38;
	[tilespmem:$0x1E300] =	vst v63  }
0x81: {  	_ =	swait.ge [sflag:s24], $0x50  }
0x82: {  	[sflag:s24] =	ssyncset.done $0x0  }
0x83: {  	s16 =	sadd.s32 s2, s16;
	[sflag:s24] =	ssyncadd.s32 $0xFFFFFFB0  }
0x84: {  	[tilespmem:s13], [sflag:$0x5] =	stream.linear.gather [hbm4b:s16+s22], $0x50, $0x38;
	[tilespmem:$0x1E300] =	vst v63  }
0x85: {  	_ =	swait.ge [sflag:s24], $0x50  }
0x86: {  	[sflag:s24] =	ssyncset.done $0x0  }
0x87: {  	[sflag:s24] =	ssyncadd.s32 $0xFFFFFFB0  }
0x88: {  	[tilespmem:s1], [sflag:$0x2] =	stream.indirect.gather [hbm4b:s0+s28], $0x80, s30, s28, $0xb8;
	[tilespmem:$0x1E300] =	vst v63  }
0x89: {  	_ = 	snop  }
0x8a: {  	[tilespmem:s5], [sflag:$0x2] =	stream.indirect.gather [hbm4b:s18+s28], $0x80, s31, s28, $0xb8;
	[tilespmem:$0x1E300] =	vst v63  }
0x8b: {  	_ =	swait.ge [sflag:s6], $0x2800  }
0x8c: {  	[sflag:s6] =	ssyncset.done $0x0  }
0x8d: {  	[sflag:s6] =	ssyncadd.s32 $0xFFFFD800  }
0x8e: {  	_ =	swait.ge [sflag:s6], $0x2800  }
0x8f: {  	[sflag:s6] =	ssyncset.done $0x0  }
0x90: {  	s16 =	simm.s32 $0x0;
	[sflag:s6] =	ssyncadd.s32 $0xFFFFD800  }
0x91: {  	v7 =	vld [tilespmem:s16+$0x5300]  }
0x92: {  	v11 =	vld [tilespmem:s16+$0x5310]  }
0x93: {  	v5 =	vld [tilespmem:s16+$0x5320]  }
0x94: {  	v4 =	vld [tilespmem:s16+$0x5330]  }
0x95: {  	v3 =	vld [tilespmem:s16+$0x5340]  }
0x96: {  	v2 =	vld [tilespmem:s16+$0x5350]  }
0x97: {  	v1 =	vld [tilespmem:s16+$0x5360]  }
0x98: {  	v0 =	vld [tilespmem:s16+$0x5370]  }
0x99: {  	v12 =	vld [tilespmem:s16+$0x300]  }
0x9a: {  	v13 =	vld [tilespmem:s16+$0x310]  }
0x9b: {  	v10 =	vld [tilespmem:s16+$0x320]  }
0x9c: {  	v9 =	vld [tilespmem:s16+$0x330]  }
0x9d: {  	v8 =	vld [tilespmem:s16+$0x340]  }
0x9e: {  	v6 =	vld [tilespmem:s16+$0x350];
	v12 =	vmul.f32 v7, v12  }
0x9f: {  	s17 =	simm.s32 $0x200;
	v11 =	vmul.f32 v11, v13;
	v7 =	vld [tilespmem:s16+$0x360]  }
.LBB2_3:
0xa0: {  	s20 =	sshra.s32 s17, $0x2;
	p0 =	sne.s32 s17, $0x9E00;
	[tilespmem:s16+$0x300] =	vst v12;
	v5 =	vmul.f32 v5, v10;
	v10 =	vld [tilespmem:s16+$0x370]  }
0xa1: {  	v12 =	vld [tilespmem:s20+$0x5300];
	[tilespmem:s16+$0x310] =	vst v11;
	v4 =	vmul.f32 v4, v9  }
0xa2: {  	v11 =	vld [tilespmem:s20+$0x5310];
	[tilespmem:s16+$0x320] =	vst v5;
	v3 =	vmul.f32 v3, v8  }
0xa3: {  	v5 =	vld [tilespmem:s20+$0x5320];
	[tilespmem:s16+$0x330] =	vst v4;
	v2 =	vmul.f32 v2, v6  }
0xa4: {  	v4 =	vld [tilespmem:s20+$0x5330];
	[tilespmem:s16+$0x340] =	vst v3;
	v1 =	vmul.f32 v1, v7  }
0xa5: {  	v3 =	vld [tilespmem:s20+$0x5340];
	[tilespmem:s16+$0x350] =	vst v2;
	v0 =	vmul.f32 v0, v10  }
0xa6: {  	v2 =	vld [tilespmem:s20+$0x5350];
	[tilespmem:s16+$0x360] =	vst v1  }
0xa7: {  	v1 =	vld [tilespmem:s20+$0x5360];
	[tilespmem:s16+$0x370] =	vst v0;
	s16 =	smov.u32 s20  }
0xa8: {  	v0 =	vld [tilespmem:s16+$0x5370]  }
0xa9: {  	v6 =	vld [tilespmem:s16+$0x300]  }
0xaa: {  	v7 =	vld [tilespmem:s16+$0x310]  }
.Ltmp0:
0xab: {  	v10 =	vld [tilespmem:s16+$0x320];
	(pc) =	sbr.rel @p0 .LBB2_3-.Ltmp0, $4  }
0xac: {  	v9 =	vld [tilespmem:s16+$0x330]  }
0xad: {  	v8 =	vld [tilespmem:s16+$0x340]  }
0xae: {  	v12 =	vmul.f32 v12, v6;
	v6 =	vld [tilespmem:s16+$0x350]  }
0xaf: {  	s17 =	sadd.s32 $0x200, s17;
	v11 =	vmul.f32 v11, v7;
	v7 =	vld [tilespmem:s16+$0x360]  }
0xb0: {  	[tilespmem:s16+$0x300] =	vst v12;
	v5 =	vmul.f32 v5, v10;
	v10 =	vld [tilespmem:s16+$0x370]  }
0xb1: {  	[tilespmem:s16+$0x310] =	vst v11;
	v4 =	vmul.f32 v4, v9  }
0xb2: {  	[tilespmem:s16+$0x320] =	vst v5;
	v3 =	vmul.f32 v3, v8  }
0xb3: {  	[tilespmem:s16+$0x330] =	vst v4;
	v2 =	vmul.f32 v2, v6  }
0xb4: {  	[tilespmem:s16+$0x340] =	vst v3;
	v1 =	vmul.f32 v1, v7  }
0xb5: {  	[tilespmem:s16+$0x350] =	vst v2;
	v0 =	vmul.f32 v0, v10  }
0xb6: {  	[tilespmem:s16+$0x360] =	vst v1  }
0xb7: {  	[tilespmem:s16+$0x370] =	vst v0  }
0xb8: {  	[spmem:s15] =	stream.indirect.scatter.add.f32 [tilespmem:s23], [sflag:$0x3], $0x80, s26, s28, $0xb8;
	[tilespmem:$0x1E300] =	vst v63  }
0xb9: {  	_ =	swait.ge [sflag:s8], $0x2800  }
0xba: {  	[sflag:s8] =	ssyncset.done $0x0  }
0xbb: {  	[sflag:s8] =	ssyncadd.s32 $0xFFFFD800  }
0xbc: {  	_ =	swait.ge [sflag:s8], $0x2800  }
0xbd: {  	[sflag:s8] =	ssyncset.done $0x0  }
0xbe: {  	s16 =	simm.s32 $0x0;
	[sflag:s8] =	ssyncadd.s32 $0xFFFFD800  }
0xbf: {  	v7 =	vld [tilespmem:s16+$0x7B00]  }
0xc0: {  	v11 =	vld [tilespmem:s16+$0x7B10]  }
0xc1: {  	v5 =	vld [tilespmem:s16+$0x7B20]  }
0xc2: {  	v4 =	vld [tilespmem:s16+$0x7B30]  }
0xc3: {  	v3 =	vld [tilespmem:s16+$0x7B40]  }
0xc4: {  	v2 =	vld [tilespmem:s16+$0x7B50]  }
0xc5: {  	v1 =	vld [tilespmem:s16+$0x7B60]  }
0xc6: {  	v0 =	vld [tilespmem:s16+$0x7B70]  }
0xc7: {  	v12 =	vld [tilespmem:s16+$0x2B00]  }
0xc8: {  	v13 =	vld [tilespmem:s16+$0x2B10]  }
0xc9: {  	v10 =	vld [tilespmem:s16+$0x2B20]  }
0xca: {  	v9 =	vld [tilespmem:s16+$0x2B30]  }
0xcb: {  	v8 =	vld [tilespmem:s16+$0x2B40]  }
0xcc: {  	v6 =	vld [tilespmem:s16+$0x2B50];
	v12 =	vmul.f32 v7, v12  }
0xcd: {  	s17 =	simm.s32 $0x200;
	v11 =	vmul.f32 v11, v13;
	v7 =	vld [tilespmem:s16+$0x2B60]  }
.LBB2_5:
0xce: {  	s20 =	sshra.s32 s17, $0x2;
	p0 =	sne.s32 s17, $0x9E00;
	[tilespmem:s16+$0x2B00] =	vst v12;
	v5 =	vmul.f32 v5, v10;
	v10 =	vld [tilespmem:s16+$0x2B70]  }
0xcf: {  	v12 =	vld [tilespmem:s20+$0x7B00];
	[tilespmem:s16+$0x2B10] =	vst v11;
	v4 =	vmul.f32 v4, v9  }
0xd0: {  	v11 =	vld [tilespmem:s20+$0x7B10];
	[tilespmem:s16+$0x2B20] =	vst v5;
	v3 =	vmul.f32 v3, v8  }
0xd1: {  	v5 =	vld [tilespmem:s20+$0x7B20];
	[tilespmem:s16+$0x2B30] =	vst v4;
	v2 =	vmul.f32 v2, v6  }
0xd2: {  	v4 =	vld [tilespmem:s20+$0x7B30];
	[tilespmem:s16+$0x2B40] =	vst v3;
	v1 =	vmul.f32 v1, v7  }
0xd3: {  	v3 =	vld [tilespmem:s20+$0x7B40];
	[tilespmem:s16+$0x2B50] =	vst v2;
	v0 =	vmul.f32 v0, v10  }
0xd4: {  	v2 =	vld [tilespmem:s20+$0x7B50];
	[tilespmem:s16+$0x2B60] =	vst v1  }
0xd5: {  	v1 =	vld [tilespmem:s20+$0x7B60];
	[tilespmem:s16+$0x2B70] =	vst v0;
	s16 =	smov.u32 s20  }
0xd6: {  	v0 =	vld [tilespmem:s16+$0x7B70]  }
0xd7: {  	v6 =	vld [tilespmem:s16+$0x2B00]  }
0xd8: {  	v7 =	vld [tilespmem:s16+$0x2B10]  }
.Ltmp1:
0xd9: {  	v10 =	vld [tilespmem:s16+$0x2B20];
	(pc) =	sbr.rel @p0 .LBB2_5-.Ltmp1, $4  }
0xda: {  	v9 =	vld [tilespmem:s16+$0x2B30]  }
0xdb: {  	v8 =	vld [tilespmem:s16+$0x2B40]  }
0xdc: {  	v12 =	vmul.f32 v12, v6;
	v6 =	vld [tilespmem:s16+$0x2B50]  }
0xdd: {  	s17 =	sadd.s32 $0x200, s17;
	v11 =	vmul.f32 v11, v7;
	v7 =	vld [tilespmem:s16+$0x2B60]  }
0xde: {  	[tilespmem:s16+$0x2B00] =	vst v12;
	v5 =	vmul.f32 v5, v10;
	v63 =	vld [tilespmem:s16+$0x2B70]  }
0xdf: {  	[tilespmem:s16+$0x2B10] =	vst v11;
	v4 =	vmul.f32 v4, v9  }
0xe0: {  	[tilespmem:s16+$0x2B20] =	vst v5;
	v3 =	vmul.f32 v3, v8  }
0xe1: {  	[tilespmem:s16+$0x2B30] =	vst v4;
	v2 =	vmul.f32 v2, v6  }
0xe2: {  	[tilespmem:s16+$0x2B40] =	vst v3;
	v1 =	vmul.f32 v1, v7  }
0xe3: {  	[tilespmem:s16+$0x2B50] =	vst v2;
	v0 =	vmul.f32 v0, v63  }
0xe4: {  	[tilespmem:s16+$0x2B60] =	vst v1  }
0xe5: {  	s12 =	sadd.s32 $0x1, s12;
	[tilespmem:s16+$0x2B70] =	vst v0  }
0xe6: {  	[spmem:s15] =	stream.indirect.scatter.add.f32 [tilespmem:s1], [sflag:$0x4], $0x80, s13, s28, $0xb8;
	[tilespmem:$0x1E300] =	vst v63  }
0xe7: {  	p0 =	sne.s32 s12, $0x3E;
	_ =	swait.ge [sflag:s9], $0x2800  }
.Ltmp2:
0xe8: {  	[sflag:s9] =	ssyncset.done $0x0;
	(pc) =	sbr.rel @p0 .LBB2_2-.Ltmp2, $4  }
0xe9: {  	[sflag:s9] =	ssyncadd.s32 $0xFFFFD800  }
0xea: {  	_ =	swait.ge [sflag:s10], $0x2800  }
0xeb: {  	[sflag:s10] =	ssyncset.done $0x0  }
0xec: {  	[sflag:s10] =	ssyncadd.s32 $0xFFFFD800  }
0xed: {  	s12 =	simm.s32 $0x0;
	s16 =	rddreg [dreg:$0x11]  }
0xee: {  	[tilespmem:s12], [sflag:$0x5] =	stream.linear.gather [hbm4b:s16+s12], $0x50, $0x38;
	[tilespmem:$0x1E300] =	vst v63  }
0xef: {  	_ =	swait.ge [sflag:s24], $0x50  }
0xf0: {  	[sflag:s24] =	ssyncset.done $0x0  }
0xf1: {  	s17 =	rddreg [dreg:$0x12];
	[sflag:s24] =	ssyncadd.s32 $0xFFFFFFB0  }
0xf2: {  	[tilespmem:s25], [sflag:$0x5] =	stream.linear.gather [hbm4b:s17+s12], $0x50, $0x38;
	[tilespmem:$0x1E300] =	vst v63  }
0xf3: {  	_ =	swait.ge [sflag:s24], $0x50  }
0xf4: {  	[sflag:s24] =	ssyncset.done $0x0  }
0xf5: {  	s20 =	rddreg [dreg:$0x13];
	[sflag:s24] =	ssyncadd.s32 $0xFFFFFFB0  }
0xf6: {  	[tilespmem:s26], [sflag:$0x5] =	stream.linear.gather [hbm4b:s20+s12], $0x50, $0x38;
	[tilespmem:$0x1E300] =	vst v63  }
0xf7: {  	_ =	swait.ge [sflag:s24], $0x50  }
0xf8: {  	[sflag:s24] =	ssyncset.done $0x0  }
0xf9: {  	[sflag:s24] =	ssyncadd.s32 $0xFFFFFFB0  }
0xfa: {  	[tilespmem:s23], [sflag:$0x1] =	stream.indirect.gather [hbm4b:s0+s28], $0x80, s12, s28, $0xb8;
	[tilespmem:$0x1E300] =	vst v63  }
0xfb: {  	_ = 	snop  }
0xfc: {  	[tilespmem:s29], [sflag:$0x1] =	stream.indirect.gather [hbm4b:s18+s28], $0x80, s25, s28, $0xb8;
	[tilespmem:$0x1E300] =	vst v63  }
0xfd: {  	_ =	swait.ge [sflag:s6], $0x2800  }
0xfe: {  	[sflag:s6] =	ssyncset.done $0x0  }
0xff: {  	[sflag:s6] =	ssyncadd.s32 $0xFFFFD800  }
0x100: {  	_ =	swait.ge [sflag:s6], $0x2800  }
0x101: {  	[sflag:s6] =	ssyncset.done $0x0  }
0x102: {  	s12 =	simm.s32 $0x0;
	[sflag:s6] =	ssyncadd.s32 $0xFFFFD800  }
0x103: {  	v7 =	vld [tilespmem:s12+$0x5300]  }
0x104: {  	v11 =	vld [tilespmem:s12+$0x5310]  }
0x105: {  	v5 =	vld [tilespmem:s12+$0x5320]  }
0x106: {  	v4 =	vld [tilespmem:s12+$0x5330]  }
0x107: {  	v3 =	vld [tilespmem:s12+$0x5340]  }
0x108: {  	v2 =	vld [tilespmem:s12+$0x5350]  }
0x109: {  	v1 =	vld [tilespmem:s12+$0x5360]  }
0x10a: {  	v0 =	vld [tilespmem:s12+$0x5370]  }
0x10b: {  	v12 =	vld [tilespmem:s12+$0x300]  }
0x10c: {  	v13 =	vld [tilespmem:s12+$0x310]  }
0x10d: {  	v10 =	vld [tilespmem:s12+$0x320]  }
0x10e: {  	v9 =	vld [tilespmem:s12+$0x330]  }
0x10f: {  	v8 =	vld [tilespmem:s12+$0x340]  }
0x110: {  	v6 =	vld [tilespmem:s12+$0x350];
	v12 =	vmul.f32 v7, v12  }
0x111: {  	s16 =	simm.s32 $0x200;
	v11 =	vmul.f32 v11, v13;
	v7 =	vld [tilespmem:s12+$0x360]  }
.LBB2_8:
0x112: {  	s17 =	sshra.s32 s16, $0x2;
	p0 =	sne.s32 s16, $0x9E00;
	[tilespmem:s12+$0x300] =	vst v12;
	v5 =	vmul.f32 v5, v10;
	v10 =	vld [tilespmem:s12+$0x370]  }
0x113: {  	v12 =	vld [tilespmem:s17+$0x5300];
	[tilespmem:s12+$0x310] =	vst v11;
	v4 =	vmul.f32 v4, v9  }
0x114: {  	v11 =	vld [tilespmem:s17+$0x5310];
	[tilespmem:s12+$0x320] =	vst v5;
	v3 =	vmul.f32 v3, v8  }
0x115: {  	v5 =	vld [tilespmem:s17+$0x5320];
	[tilespmem:s12+$0x330] =	vst v4;
	v2 =	vmul.f32 v2, v6  }
0x116: {  	v4 =	vld [tilespmem:s17+$0x5330];
	[tilespmem:s12+$0x340] =	vst v3;
	v1 =	vmul.f32 v1, v7  }
0x117: {  	v3 =	vld [tilespmem:s17+$0x5340];
	[tilespmem:s12+$0x350] =	vst v2;
	v0 =	vmul.f32 v0, v10  }
0x118: {  	v2 =	vld [tilespmem:s17+$0x5350];
	[tilespmem:s12+$0x360] =	vst v1  }
0x119: {  	v1 =	vld [tilespmem:s17+$0x5360];
	[tilespmem:s12+$0x370] =	vst v0;
	s12 =	smov.u32 s17  }
0x11a: {  	v0 =	vld [tilespmem:s12+$0x5370]  }
0x11b: {  	v6 =	vld [tilespmem:s12+$0x300]  }
0x11c: {  	v7 =	vld [tilespmem:s12+$0x310]  }
.Ltmp3:
0x11d: {  	v10 =	vld [tilespmem:s12+$0x320];
	(pc) =	sbr.rel @p0 .LBB2_8-.Ltmp3, $4  }
0x11e: {  	v9 =	vld [tilespmem:s12+$0x330]  }
0x11f: {  	v8 =	vld [tilespmem:s12+$0x340]  }
0x120: {  	v12 =	vmul.f32 v12, v6;
	v6 =	vld [tilespmem:s12+$0x350]  }
0x121: {  	s16 =	sadd.s32 $0x200, s16;
	v11 =	vmul.f32 v11, v7;
	v7 =	vld [tilespmem:s12+$0x360]  }
0x122: {  	[tilespmem:s12+$0x300] =	vst v12;
	v5 =	vmul.f32 v5, v10;
	v63 =	vld [tilespmem:s12+$0x370]  }
0x123: {  	[tilespmem:s12+$0x310] =	vst v11;
	v4 =	vmul.f32 v4, v9  }
0x124: {  	[tilespmem:s12+$0x320] =	vst v5;
	v3 =	vmul.f32 v3, v8  }
0x125: {  	[tilespmem:s12+$0x330] =	vst v4;
	v2 =	vmul.f32 v2, v6  }
0x126: {  	[tilespmem:s12+$0x340] =	vst v3;
	v1 =	vmul.f32 v1, v7  }
0x127: {  	[tilespmem:s12+$0x350] =	vst v2;
	v0 =	vmul.f32 v0, v63  }
0x128: {  	[tilespmem:s12+$0x360] =	vst v1  }
0x129: {  	[tilespmem:s12+$0x370] =	vst v0  }
0x12a: {  	[spmem:s15] =	stream.indirect.scatter.add.f32 [tilespmem:s23], [sflag:$0x3], $0x80, s26, s28, $0xb8;
	[tilespmem:$0x1E300] =	vst v63  }
0x12b: {  	_ =	swait.ge [sflag:s9], $0x2800  }
0x12c: {  	[sflag:s9] =	ssyncset.done $0x0  }
0x12d: {  	[sflag:s9] =	ssyncadd.s32 $0xFFFFD800  }
0x12e: {  	[bflag:$0x0] =	sbarrier.arrive $0xFFFF  }
0x12f: {  	[tilespmem:s23], [sflag:$0x5] =	stream.linear.gather [spmem:s21], $0x2000, $0x38;
	[tilespmem:$0x1E300] =	vst v63  }
0x130: {  	_ =	swait.ge [sflag:s24], $0x2000  }
0x131: {  	[sflag:s24] =	ssyncset.done $0x0  }
0x132: {  	s17 =	rddreg [dreg:$0x6];
	[sflag:s24] =	ssyncadd.s32 $0xFFFFE000  }
0x133: {  	[hbm4b:s17+s3] =	stream.linear.scatter [tilespmem:s23], [sflag:$0x5], $0x2000, $0x38;
	[tilespmem:$0x1E300] =	vst v63  }
0x134: {  	_ =	swait.ge [sflag:s24], $0x2000  }
0x135: {  	[sflag:s24] =	ssyncset.done $0x0  }
0x136: {  	s20 =	rddreg [dreg:$0x15];
	[sflag:s24] =	ssyncadd.s32 $0xFFFFE000  }
0x137: {  	[tilespmem:s23], [sflag:$0x5] =	stream.linear.gather [spmem:s20], $0x2000, $0x38;
	[tilespmem:$0x1E300] =	vst v63  }
0x138: {  	_ =	swait.ge [sflag:s24], $0x2000  }
0x139: {  	[sflag:s24] =	ssyncset.done $0x0  }
0x13a: {  	s16 =	rddreg [dreg:$0x7];
	[sflag:s24] =	ssyncadd.s32 $0xFFFFE000  }
0x13b: {  	[hbm4b:s16+s3] =	stream.linear.scatter [tilespmem:s23], [sflag:$0x5], $0x2000, $0x38;
	[tilespmem:$0x1E300] =	vst v63  }
0x13c: {  	_ =	swait.ge [sflag:s24], $0x2000  }
0x13d: {  	[sflag:s24] =	ssyncset.done $0x0  }
0x13e: {  	s17 =	rddreg [dreg:$0x16];
	[sflag:s24] =	ssyncadd.s32 $0xFFFFE000  }
0x13f: {  	[tilespmem:s23], [sflag:$0x5] =	stream.linear.gather [spmem:s17], $0x2000, $0x38;
	[tilespmem:$0x1E300] =	vst v63  }
0x140: {  	_ =	swait.ge [sflag:s24], $0x2000  }
0x141: {  	[sflag:s24] =	ssyncset.done $0x0  }
0x142: {  	s20 =	rddreg [dreg:$0x8];
	[sflag:s24] =	ssyncadd.s32 $0xFFFFE000  }
0x143: {  	[hbm4b:s20+s3] =	stream.linear.scatter [tilespmem:s23], [sflag:$0x5], $0x2000, $0x38;
	[tilespmem:$0x1E300] =	vst v63  }
0x144: {  	_ =	swait.ge [sflag:s24], $0x2000  }
0x145: {  	[sflag:s24] =	ssyncset.done $0x0  }
0x146: {  	s16 =	rddreg [dreg:$0x17];
	[sflag:s24] =	ssyncadd.s32 $0xFFFFE000  }
0x147: {  	[tilespmem:s23], [sflag:$0x5] =	stream.linear.gather [spmem:s16], $0x2000, $0x38;
	[tilespmem:$0x1E300] =	vst v63  }
0x148: {  	_ =	swait.ge [sflag:s24], $0x2000  }
0x149: {  	[sflag:s24] =	ssyncset.done $0x0  }
0x14a: {  	s17 =	rddreg [dreg:$0x9];
	[sflag:s24] =	ssyncadd.s32 $0xFFFFE000  }
0x14b: {  	[hbm4b:s17+s3] =	stream.linear.scatter [tilespmem:s23], [sflag:$0x5], $0x2000, $0x38;
	[tilespmem:$0x1E300] =	vst v63  }
0x14c: {  	_ =	swait.ge [sflag:s24], $0x2000  }
0x14d: {  	[sflag:s24] =	ssyncset.done $0x0  }
0x14e: {  	s20 =	rddreg [dreg:$0x18];
	[sflag:s24] =	ssyncadd.s32 $0xFFFFE000  }
0x14f: {  	[tilespmem:s23], [sflag:$0x5] =	stream.linear.gather [spmem:s20], $0x2000, $0x38;
	[tilespmem:$0x1E300] =	vst v63  }
0x150: {  	_ =	swait.ge [sflag:s24], $0x2000  }
0x151: {  	[sflag:s24] =	ssyncset.done $0x0  }
0x152: {  	s16 =	rddreg [dreg:$0xa];
	[sflag:s24] =	ssyncadd.s32 $0xFFFFE000  }
0x153: {  	[hbm4b:s16+s3] =	stream.linear.scatter [tilespmem:s23], [sflag:$0x5], $0x2000, $0x38;
	[tilespmem:$0x1E300] =	vst v63  }
0x154: {  	_ =	swait.ge [sflag:s24], $0x2000  }
0x155: {  	[sflag:s24] =	ssyncset.done $0x0  }
0x156: {  	s17 =	rddreg [dreg:$0x19];
	[sflag:s24] =	ssyncadd.s32 $0xFFFFE000  }
0x157: {  	[tilespmem:s23], [sflag:$0x5] =	stream.linear.gather [spmem:s17], $0x2000, $0x38;
	[tilespmem:$0x1E300] =	vst v63  }
0x158: {  	_ =	swait.ge [sflag:s24], $0x2000  }
0x159: {  	[sflag:s24] =	ssyncset.done $0x0  }
0x15a: {  	s20 =	rddreg [dreg:$0xb];
	[sflag:s24] =	ssyncadd.s32 $0xFFFFE000  }
0x15b: {  	[hbm4b:s20+s3] =	stream.linear.scatter [tilespmem:s23], [sflag:$0x5], $0x2000, $0x38;
	[tilespmem:$0x1E300] =	vst v63  }
0x15c: {  	_ =	swait.ge [sflag:s24], $0x2000  }
0x15d: {  	[sflag:s24] =	ssyncset.done $0x0  }
0x15e: {  	s16 =	rddreg [dreg:$0x1a];
	[sflag:s24] =	ssyncadd.s32 $0xFFFFE000  }
0x15f: {  	[tilespmem:s23], [sflag:$0x5] =	stream.linear.gather [spmem:s16], $0x2000, $0x38;
	[tilespmem:$0x1E300] =	vst v63  }
0x160: {  	_ =	swait.ge [sflag:s24], $0x2000  }
0x161: {  	[sflag:s24] =	ssyncset.done $0x0  }
0x162: {  	s17 =	rddreg [dreg:$0xc];
	[sflag:s24] =	ssyncadd.s32 $0xFFFFE000  }
0x163: {  	[hbm4b:s17+s3] =	stream.linear.scatter [tilespmem:s23], [sflag:$0x5], $0x2000, $0x38;
	[tilespmem:$0x1E300] =	vst v63  }
0x164: {  	_ =	swait.ge [sflag:s24], $0x2000  }
0x165: {  	[sflag:s24] =	ssyncset.done $0x0  }
0x166: {  	s20 =	rddreg [dreg:$0x1b];
	[sflag:s24] =	ssyncadd.s32 $0xFFFFE000  }
0x167: {  	[tilespmem:s23], [sflag:$0x5] =	stream.linear.gather [spmem:s20], $0x2000, $0x38;
	[tilespmem:$0x1E300] =	vst v63  }
0x168: {  	_ =	swait.ge [sflag:s24], $0x2000  }
0x169: {  	[sflag:s24] =	ssyncset.done $0x0  }
0x16a: {  	s16 =	rddreg [dreg:$0xd];
	[sflag:s24] =	ssyncadd.s32 $0xFFFFE000  }
0x16b: {  	[hbm4b:s16+s3] =	stream.linear.scatter [tilespmem:s23], [sflag:$0x5], $0x2000, $0x38;
	[tilespmem:$0x1E300] =	vst v63  }
0x16c: {  	_ =	swait.ge [sflag:s24], $0x2000  }
0x16d: {  	[sflag:s24] =	ssyncset.done $0x0  }
0x16e: {  	s17 =	rddreg [dreg:$0x1c];
	[sflag:s24] =	ssyncadd.s32 $0xFFFFE000  }
0x16f: {  	[tilespmem:s23], [sflag:$0x5] =	stream.linear.gather [spmem:s17], $0x2000, $0x38;
	[tilespmem:$0x1E300] =	vst v63  }
0x170: {  	_ =	swait.ge [sflag:s24], $0x2000  }
0x171: {  	[sflag:s24] =	ssyncset.done $0x0  }
0x172: {  	s20 =	rddreg [dreg:$0xe];
	[sflag:s24] =	ssyncadd.s32 $0xFFFFE000  }
0x173: {  	[hbm4b:s20+s3] =	stream.linear.scatter [tilespmem:s23], [sflag:$0x5], $0x2000, $0x38;
	[tilespmem:$0x1E300] =	vst v63  }
0x174: {  	_ =	swait.ge [sflag:s24], $0x2000  }
0x175: {  	[sflag:s24] =	ssyncset.done $0x0  }
0x176: {  	s16 =	rddreg [dreg:$0x1d];
	[sflag:s24] =	ssyncadd.s32 $0xFFFFE000  }
0x177: {  	[tilespmem:s23], [sflag:$0x5] =	stream.linear.gather [spmem:s16], $0x2000, $0x38;
	[tilespmem:$0x1E300] =	vst v63  }
0x178: {  	_ =	swait.ge [sflag:s24], $0x2000  }
0x179: {  	[sflag:s24] =	ssyncset.done $0x0  }
0x17a: {  	s17 =	rddreg [dreg:$0xf];
	[sflag:s24] =	ssyncadd.s32 $0xFFFFE000  }
0x17b: {  	[hbm4b:s17+s3] =	stream.linear.scatter [tilespmem:s23], [sflag:$0x5], $0x2000, $0x38;
	[tilespmem:$0x1E300] =	vst v63  }
0x17c: {  	_ =	swait.ge [sflag:s24], $0x2000  }
0x17d: {  	s11 =	sadd.s32 $0x1, s11;
	s20 =	rddreg [dreg:$0x14]  }
0x17e: {  	p0 =	sne.s32 s11, s20  }
.Ltmp4:
0x17f: {  	_ = 	snop;
	(pc) =	sbr.rel @p0 .LBB2_1-.Ltmp4, $3  }
0x180: {  	_ =	sdelay $0x1  }
0x181: {  	[sflag:s24] =	ssyncset.done $0x0  }
0x182: {  	[sflag:s24] =	ssyncadd.s32 $0xFFFFE000  }
0x183: {  	_ =	sfence.sel $0x180000  }
0x184: {  	[bflag:$0x0] =	sbarrier.arrive $0xFFFF  }
0x185: {  	_ =	strace $0x9000004A  }
0x186: {  	s0 =	stileid.u32;
	[bflag:$0x2] =	sbarrier.arrive $0xFFFF  }
0x187: {  	p0 =	sne.s32 s0, $0x0;
	s0 =	rddreg [dreg:$0x5]  }
0x188: {  	s0 =	sadd.s32 @!p0 $0x100000, s0  }
0x189: {  	[sflag:s0] =	ssyncadd.tile.s32 @!p0 $0x1;
	_ =	shalt  }
.Lfunc_end2:
_tile_overlayer_lowered:
.L_overlay_start_2:
0x18a: {  	(tag) =	ssettag $0x2  }
0x18b: {  	s0 =	rddreg [dreg:$0x0];
	s2 =	stileid.u32  }
0x18c: {  	s1 =	rddreg [dreg:$0x1];
	p0 =	sne.s32 s2, $0x0  }
0x18d: {  	s3 =	rddreg [dreg:$0x2];
	[bflag:$0x3] =	sbarrier.arrive $0xFFFF;
	s2 =	simm.s32 @!p0 $0x1C05  }
0x18e: {  	[timem:s3], [sflag:s2] =	dma.local @!p0 [hbm:s0], s1  }
0x18f: {  	s0 =	simm.s32 @!p0 $0x5  }
0x190: {  	_ =	swait.ge @!p0 [sflag:s0], s1  }
0x191: {  	s1 =	ssub.s32 @!p0 $0x0, s1;
	[sflag:s0] =	ssyncset.done @!p0 $0x0  }
0x192: {  	[sflag:s0] =	ssyncadd.s32 @!p0 s1  }
0x193: {  	[bflag:$0x3] =	sbarrier.arrive $0xFFFF  }
0x194: {  	_ =	shalt  }

// kernel: kernel.17.cloned.1.call-start
scs
__scs_entry_jumppad:
0x0: {  	(pc) =	sbr.rel $0x88, $3  }
0x1: {  	(tag) =	ssettag $0x0;
	lr =	simm.s32 $0x1  }
0x2: {  	[smem:$0x3F93] =	sst lr;
	_ =	strace $0xD0000000  }
0x3: {  	_ = 	snop  }
0x4: {  	_ = 	snop  }
0x5: {  	_ = 	snop  }
0x6: {  	_ = 	snop  }
0x7: {  	_ = 	snop  }
__scs_overlays_trampoline_lowered:
0x8: {  	[smem:$0x3FA2] =	sst s0  }
0x9: {  	[smem:$0x3FA3] =	sst s1  }
0xa: {  	[smem:$0x3FA4] =	sst s2  }
0xb: {  	[smem:$0x3FA5] =	sst s3  }
0xc: {  	[smem:$0x3FA6] =	sst s4  }
0xd: {  	[smem:$0x3FA7] =	sst s5  }
0xe: {  	[smem:$0x3FA8] =	sst s6  }
0xf: {  	[smem:$0x3FA9] =	sst s7  }
0x10: {  	[smem:$0x3FAA] =	sst s8  }
0x11: {  	[smem:$0x3FAB] =	sst s9;
	s0 =	simm.s32 @!p0 $0x0  }
0x12: {  	s1 =	sld [smem:$0x3F91];
	s0 =	simm.s32 @p0 $0x1  }
0x13: {  	[smem:$0x3FAC] =	sst s0;
	s0 =	simm.s32 @!p1 $0x0  }
0x14: {  	s2 =	sld [smem:$0x3F90];
	s0 =	simm.s32 @p1 $0x1  }
0x15: {  	[smem:$0x3FAD] =	sst s0;
	s0 =	simm.s32 @!p2 $0x0  }
0x16: {  	s3 =	sld [smem:$0x3FDB];
	s0 =	simm.s32 @p2 $0x1  }
0x17: {  	s4 =	simm.s32 $0x1BF5;
	[smem:$0x3FAF] =	sst s0  }
0x18: {  	s0 =	sld [smem:$0x3F92];
	_ =	swait.ge [sflag:s4], $0x0  }
0x19: {  	s7 =	sld [smem:$0x3F93]  }
0x1a: {  	s8 =	sadd.s32 $0xFFFFE003, lr  }
0x1b: {  	s9 =	sadd.s32 $0xFFFFFEF7, lr;
	s5 =	simm.s32 $0xFFFFFFFF;
	p2 =	slt.u32 s8, $0xFFFFF086  }
0x1c: {  	p1 =	slt.u32 s9, $0xF7A;
	s5 =	simm.s32 @!p2 $0x0  }
0x1d: {  	s5 =	simm.s32 @p1 $0x1;
	p0 =	seq.s32 s7, s2  }
0x1e: {  	s7 =	smul.u32 @!p0 $0xF7A, s2;
	p2 =	seq.s32 @!p0 s5, $0x0  }
0x1f: {  	s9 =	smul.u32 $0xF7A, s1;
	s8 =	simm.s32 @!p0 $0x1BF5;
	p2 =	por !p2, p0  }
0x20: {  	[sflag:s8] =	ssyncset.s32 @!p0 $0xFFFFF086;
	s6 =	sadd.s32 @!p0 s3, s7;
	s7 =	simm.s32 @!p0 $0x108  }
0x21: {  	s3 =	sadd.s32 s3, s9;
	s6 =	sadd.s32 @!p0 $0x88, s6;
	s7 =	simm.s32 @p2 $0x1082  }
0x22: {  	[simem:s7], [sflag:s8] =	dma.local @!p0 [hbm:s6], $0xF7A  }
0x23: {  	s9 =	sor.u32 $0xD0000000, s2;
	s6 =	simm.s32 $0x108;
	_ =	swait.ge @!p0 [sflag:s8], $0x0  }
0x24: {  	s3 =	sadd.s32 $0x88, s3;
	s6 =	simm.s32 @!p1 $0x1082;
	[sflag:s4] =	ssyncset.s32 $0xFFFFF086  }
0x25: {  	[simem:s6], [sflag:s4] =	dma.local [hbm:s3], $0xF7A  }
0x26: {  	[smem:$0x3F93] =	sst s1;
	(tag) =	ssettag s2;
	_ =	strace s9  }
0x27: {  	s1 =	sld [smem:$0x3FA3]  }
0x28: {  	s2 =	sld [smem:$0x3FA4]  }
0x29: {  	s4 =	sld [smem:$0x3FA6]  }
0x2a: {  	p0 =	seq.s32 s5, $0x0;
	s5 =	sld [smem:$0x3FA7]  }
0x2b: {  	s6 =	sld [smem:$0x3FA8]  }
0x2c: {  	s7 =	sld [smem:$0x3FA9]  }
0x2d: {  	s3 =	simm.s32 $0x108;
	s8 =	sld [smem:$0x3FAA]  }
0x2e: {  	s3 =	simm.s32 @!p0 $0x1082;
	s9 =	sld [smem:$0x3FAB]  }
0x2f: {  	lr =	sadd.s32 s0, s3;
	s0 =	sld [smem:$0x3FA2]  }
0x30: {  	s3 =	sld [smem:$0x3FA5]  }
0x31: {  	[smem:$0x3FAE] =	sst s10  }
0x32: {  	s10 =	sld [smem:$0x3FAC];
	_ =	sdelay $0x3  }
0x33: {  	p0 =	seq.s32 s10, $0x1;
	s10 =	sld [smem:$0x3FAE];
	_ =	sdelay $0x3  }
0x34: {  	[smem:$0x3FAE] =	sst s10  }
0x35: {  	s10 =	sld [smem:$0x3FAD];
	_ =	sdelay $0x3  }
0x36: {  	p1 =	seq.s32 s10, $0x1;
	s10 =	sld [smem:$0x3FAE];
	_ =	sdelay $0x3  }
0x37: {  	[smem:$0x3FAE] =	sst s10  }
0x38: {  	s10 =	sld [smem:$0x3FAF]  }
0x39: {  	_ = 	snop;
	(pc) =	sbr.ind lr, $3  }
0x3a: {  	_ = 	snop  }
0x3b: {  	_ = 	snop  }
0x3c: {  	p2 =	seq.s32 s10, $0x1;
	s10 =	sld [smem:$0x3FAE]  }
0x3d: {  	_ =	shalt  }
0x3e: {  	_ =	shalt  }
0x3f: {  	_ =	shalt  }
0x40: {  	_ =	shalt  }
0x41: {  	_ =	shalt  }
0x42: {  	_ =	shalt  }
0x43: {  	_ =	shalt  }
0x44: {  	_ =	shalt  }
0x45: {  	_ =	shalt  }
0x46: {  	_ =	shalt  }
0x47: {  	_ =	shalt  }
0x48: {  	_ =	shalt  }
0x49: {  	_ =	shalt  }
0x4a: {  	_ =	shalt  }
0x4b: {  	_ =	shalt  }
0x4c: {  	_ =	shalt  }
0x4d: {  	_ =	shalt  }
0x4e: {  	_ =	shalt  }
0x4f: {  	_ =	shalt  }
0x50: {  	_ =	shalt  }
0x51: {  	_ =	shalt  }
0x52: {  	_ =	shalt  }
0x53: {  	_ =	shalt  }
0x54: {  	_ =	shalt  }
0x55: {  	_ =	shalt  }
0x56: {  	_ =	shalt  }
0x57: {  	_ =	shalt  }
0x58: {  	_ =	shalt  }
0x59: {  	_ =	shalt  }
0x5a: {  	_ =	shalt  }
0x5b: {  	_ =	shalt  }
0x5c: {  	_ =	shalt  }
0x5d: {  	_ =	shalt  }
0x5e: {  	_ =	shalt  }
0x5f: {  	_ =	shalt  }
0x60: {  	_ =	shalt  }
0x61: {  	_ =	shalt  }
0x62: {  	_ =	shalt  }
0x63: {  	_ =	shalt  }
0x64: {  	_ =	shalt  }
0x65: {  	_ =	shalt  }
0x66: {  	_ =	shalt  }
0x67: {  	_ =	shalt  }
0x68: {  	_ =	shalt  }
0x69: {  	_ =	shalt  }
0x6a: {  	_ =	shalt  }
0x6b: {  	_ =	shalt  }
0x6c: {  	_ =	shalt  }
0x6d: {  	_ =	shalt  }
0x6e: {  	_ =	shalt  }
0x6f: {  	_ =	shalt  }
0x70: {  	_ =	shalt  }
0x71: {  	_ =	shalt  }
0x72: {  	_ =	shalt  }
0x73: {  	_ =	shalt  }
0x74: {  	_ =	shalt  }
0x75: {  	_ =	shalt  }
0x76: {  	_ =	shalt  }
0x77: {  	_ =	shalt  }
0x78: {  	_ =	shalt  }
0x79: {  	_ =	shalt  }
0x7a: {  	_ =	shalt  }
0x7b: {  	_ =	shalt  }
0x7c: {  	_ =	shalt  }
0x7d: {  	_ =	shalt  }
0x7e: {  	_ =	shalt  }
0x7f: {  	_ =	shalt  }
0x80: {  	_ =	shalt  }
0x81: {  	_ =	shalt  }
0x82: {  	_ =	shalt  }
0x83: {  	_ =	shalt  }
0x84: {  	_ =	shalt  }
0x85: {  	_ =	shalt  }
0x86: {  	_ =	shalt  }
0x87: {  	_ =	shalt  }
.Lfunc_end0:
.L_simem_size_0:
called_computation.2_lowered:
.L_overlay_start_0:
0x88: {  	s2 =	sld [smem:$0x3FD9]  }
0x89: {  	s3 =	sld [smem:$0x3FFE];
	_ =	sdelay $0x1  }
0x8a: {  	s1 =	srdreg.scid  }
0x8b: {  	s0 =	sand.u32 $0x1, s1  }
0x8c: {  	s17 =	sshll.u32 s0, $0xA;
	s2 =	sadd.s32 s3, s2  }
0x8d: {  	s2 =	sadd.s32 s2, s17  }
0x8e: {  	[smem:$0x3FBA] =	sst s2  }
0x8f: {  	_ = 	snop  }
0x90: {  	s2 =	sld [smem:$0x3FC7]  }
0x91: {  	s18 =	sld [smem:$0x3FC6]  }
0x92: {  	s4 =	sld [smem:$0x3FD0];
	(tm) =	ssettm $0x1  }
0x93: {  	s5 =	sld [smem:$0x3FFB];
	_ =	sdelay $0x3  }
0x94: {  	_ =	strace s5  }
0x95: {  	s5 =	sld [smem:$0x3FFC];
	_ =	sdelay $0x3  }
0x96: {  	_ =	strace s5  }
0x97: {  	s5 =	sld [smem:$0x3FFD];
	_ =	sdelay $0x3  }
0x98: {  	_ =	strace s5  }
0x99: {  	_ =	strace $0x8FFFFFFF  }
0x9a: {  	s19 =	sld [smem:$0x3FDB];
	_ =	sdelay $0x1  }
0x9b: {  	s6 =	simm.s32 $_scs_section_size  }
0x9c: {  	s7 =	simm.s32 $_size__tile_overlayer_lowered;
	s8 =	simm.s32 $_tile_overlayer_lowered  }
0x9d: {  	s22 =	simm.s32 $0x1BFF;
	s21 =	sshll.u32 s8, $0x1;
	s5 =	sadd.s32 s6, s19  }
0x9e: {  	s9 =	simm.s32 $0x0;
	s20 =	sshll.u32 s7, $0x1;
	s7 =	sadd.s32 s21, s5  }
0x9f: {  	[timem:s9], [sflag:s22] =	dma.local [hbm:s7], s20  }
0xa0: {  	_ =	swait.ge [sflag:s22], s20  }
0xa1: {  	s6 =	ssub.s32 $0x0, s20;
	[sflag:s22] =	ssyncset.done $0x0  }
0xa2: {  	[sflag:s22] =	ssyncadd.s32 s6;
	_ =	sdelay $0x1  }
0xa3: {  	s23 =	simm.s32 $0x1B8B  }
0xa4: {  	_ =	swait.ge [sflag:s23], $0x1  }
0xa5: {  	[sflag:s23] =	ssyncset.done $0x0  }
0xa6: {  	s25 =	simm.s32 $0x1B8E;
	s24 =	sld [smem:$0x3FFE];
	[sflag:s23] =	ssyncadd.s32 $0xFFFFFFFF  }
0xa7: {  	s26 =	simm.s32 $execute0_lowered;
	[smem:$0x3FD2] =	sst s25  }
0xa8: {  	s7 =	sshll.u32 s26, $0x1;
	_ =	strace $0x8000004C;
	[dreg:$0x1] =	wrdreg $0xFFFFFFFF  }
0xa9: {  	s28 =	simm.s32 $_size_execute0_lowered;
	s5 =	sadd.s32 s5, s7;
	[dreg:$0x0] =	wrdreg $0x0  }
0xaa: {  	s7 =	sshll.u32 s28, $0x1;
	[dreg:$0x2] =	wrdreg s5  }
0xab: {  	[dreg:$0x3] =	wrdreg s7  }
0xac: {  	[dreg:$0x4] =	wrdreg $0xC0  }
0xad: {  	_ =	task [dreg:s9], $0x5FFFF  }
0xae: {  	[dreg:$0x1] =	wrdreg $0xFFFFFFFF  }
0xaf: {  	[dreg:$0x0] =	wrdreg $0x60  }
0xb0: {  	[dreg:$0x2] =	wrdreg s4  }
0xb1: {  	[dreg:$0x3] =	wrdreg s24  }
0xb2: {  	[dreg:$0x4] =	wrdreg s2  }
0xb3: {  	[dreg:$0x5] =	wrdreg s18  }
0xb4: {  	[dreg:$0x6] =	wrdreg $0xA3000  }
0xb5: {  	[dreg:$0x7] =	wrdreg $0x9  }
0xb6: {  	_ =	task.clear_ibuf [dreg:s9], $0x8FFFF;
	_ =	strace $0x9000004C  }
0xb7: {  	s29 =	simm.s32 $0x9;
	_ =	strace $0x8000004E  }
0xb8: {  	_ =	swait.ge [sflag:s29], $0x1  }
0xb9: {  	[sflag:s29] =	ssyncadd.s32 $0xFFFFFFFF  }
0xba: {  	_ =	strace $0x9000004E  }
0xbb: {  	_ =	sfence  }
0xbc: {  	s30 =	sld [smem:$0x0];
	_ =	sdelay $0x2  }
0xbd: {  	s31 =	sshll.u32 s1, $0xD;
	s1 =	sshrl.u32 s1, $0x2  }
0xbe: {  	s3 =	sand.u32 $0x4000, s31;
	s1 =	sadd.s32 s1, s30  }
0xbf: {  	s0 =	sor.u32 s3, s0;
	s1 =	sshll.u32 s1, $0x11  }
0xc0: {  	s0 =	sor.u32 s1, s0  }
0xc1: {  	s0 =	sadd.s32 $0x8F2B, s0  }
0xc2: {  	[sflag:s0] =	ssyncadd.remote.s32 $0x1  }
0xc3: {  	_ =	sfence.sel $0xFFFF  }
0xc4: {  	[dreg:$0x0] =	wrdreg $0xFFFFFFFF;
	(pc) =	sbr.abs _section_cstart, $3  }
0xc5: {  	[dreg:$0x1] =	wrdreg $0xFFFFFFFF  }
0xc6: {  	_ =	task.clear_ibuf [dreg:s9], $0x2FFFF;
	_ =	strace $0x9FFFFFFF  }
0xc7: {  	(tm) =	ssettm $0x7FFFFFFF  }
tec
execute0_lowered:
.L_overlay_start_1:
0x0: {  	(tag) =	ssettag $0x1  }
0x1: {  	s0 =	rddreg [dreg:$0x0]  }
0x2: {  	s1 =	rddreg [dreg:$0x1]  }
0x3: {  	s2 =	rddreg [dreg:$0x2]  }
0x4: {  	s3 =	simm.s32 $0x0;
	s4 =	srdreg.scid;
	s18 =	stileid.u32  }
0x5: {  	[smem:$0x7FF] =	sst s3;
	s7 =	smul.u32 $0x14000, s18  }
0x6: {  	s4 =	sand.u32 $0x1, s4;
	s9 =	sshll.u32 s18, $0x1;
	s18 =	smul.u32 $0x50000, s18  }
0x7: {  	s6 =	ssub.s32 $0x2, s4;
	s10 =	smul.u32 $0x140000, s4;
	s4 =	sor.u32 s4, s9  }
0x8: {  	s5 =	sadd.s32 $0xDE00, s1;
	s8 =	sshrl.u32 s6, $0x1;
	s4 =	smul.u32 $0x2710, s4  }
0x9: {  	s12 =	sadd.s32 $0x4000, s7;
	s13 =	sadd.s32 $0x8000, s7;
	s16 =	sadd.s32 $0xA000, s7  }
0xa: {  	s17 =	sadd.s32 $0xC000, s7;
	s20 =	sadd.s32 $0xE000, s7;
	s6 =	ssub.s32 s6, s8  }
0xb: {  	s8 =	sor.u32 $0x2000, s7;
	s22 =	sadd.s32 s10, s7;
	s24 =	sadd.s32 s10, s12  }
0xc: {  	s14 =	sadd.s32 s10, s13;
	s15 =	sadd.s32 s10, s17;
	s19 =	sadd.s32 s10, s20  }
0xd: {  	s11 =	sadd.s32 s10, s8;
	s9 =	sshrl.u32 s22, $0x3;
	s14 =	sshrl.u32 s14, $0x3  }
0xe: {  	s22 =	sadd.s32 $0x10000, s7;
	s11 =	sshrl.u32 s11, $0x3;
	s9 =	sadd.s32 s5, s9  }
0xf: {  	s26 =	sadd.s32 s5, s14;
	s14 =	sadd.s32 s10, s16;
	[dreg:$0x6] =	wrdreg s9  }
0x10: {  	s23 =	sadd.s32 s5, s11;
	s9 =	sshrl.u32 s24, $0x3;
	s11 =	sadd.s32 $0x6000, s7  }
0x11: {  	[dreg:$0xa] =	wrdreg s26;
	s9 =	sadd.s32 s5, s9;
	s25 =	sadd.s32 s10, s11  }
0x12: {  	s7 =	sadd.s32 $0x12000, s7;
	[dreg:$0x8] =	wrdreg s9;
	s9 =	sshrl.u32 s25, $0x3  }
0x13: {  	s26 =	sshrl.u32 s4, $0x3;
	[dreg:$0x7] =	wrdreg s23;
	s9 =	sadd.s32 s5, s9  }
0x14: {  	[dreg:$0x9] =	wrdreg s9;
	s9 =	sshrl.u32 s14, $0x3;
	s14 =	sshrl.u32 s19, $0x3  }
0x15: {  	s9 =	sadd.s32 s5, s9;
	s21 =	sadd.s32 s5, s14;
	s14 =	rddreg [dreg:$0x3]  }
0x16: {  	s23 =	sadd.s32 s10, s22;
	[dreg:$0xb] =	wrdreg s9;
	s9 =	sshrl.u32 s15, $0x3  }
0x17: {  	s10 =	sadd.s32 s10, s7;
	[dreg:$0xd] =	wrdreg s21;
	s9 =	sadd.s32 s5, s9  }
0x18: {  	s24 =	sshrl.u32 s10, $0x3;
	[dreg:$0xc] =	wrdreg s9;
	s9 =	sshrl.u32 s23, $0x3  }
0x19: {  	s25 =	sshrl.u32 s18, $0x2;
	s15 =	rddreg [dreg:$0x4];
	s9 =	sadd.s32 s5, s9  }
0x1a: {  	s18 =	sadd.s32 $0x10DE00, s1;
	s5 =	sadd.s32 s5, s24;
	[dreg:$0xe] =	wrdreg s9  }
0x1b: {  	s19 =	sadd.s32 $0x4000, s1;
	s1 =	sadd.s32 $0x2E00, s1;
	[dreg:$0xf] =	wrdreg s5  }
0x1c: {  	s24 =	smax.u32 s6, $0x1;
	_ =	strace $0x8000004D;
	[dreg:$0x10] =	wrdreg s1  }
0x1d: {  	s21 =	sadd.s32 s25, s15;
	s25 =	sadd.s32 s8, s15;
	[dreg:$0x14] =	wrdreg s24  }
0x1e: {  	s9 =	sadd.s32 $0x4D8, s26;
	s26 =	sadd.s32 s12, s15;
	[dreg:$0x15] =	wrdreg s25  }
0x1f: {  	s5 =	sadd.s32 s11, s15;
	[dreg:$0x16] =	wrdreg s26  }
0x20: {  	s6 =	sadd.s32 s13, s15;
	[dreg:$0x17] =	wrdreg s5  }
0x21: {  	s8 =	sadd.s32 s16, s15;
	[dreg:$0x18] =	wrdreg s6  }
0x22: {  	s28 =	simm.s32 $0x50;
	s11 =	sadd.s32 s22, s15;
	[dreg:$0x19] =	wrdreg s8  }
0x23: {  	s29 =	simm.s32 $0x5300;
	s12 =	sadd.s32 s7, s15;
	[dreg:$0x1c] =	wrdreg s11  }
0x24: {  	s30 =	simm.s32 $0x80;
	s13 =	sadd.s32 $0x2000, s21;
	[dreg:$0x1d] =	wrdreg s12  }
0x25: {  	s31 =	simm.s32 $0x180;
	s16 =	sadd.s32 $0x4000, s21;
	[dreg:$0x1e] =	wrdreg s13  }
0x26: {  	s7 =	sadd.s32 $0x50, s4;
	s22 =	sadd.s32 $0xA000, s21;
	[dreg:$0x1f] =	wrdreg s16  }
0x27: {  	s10 =	sadd.s32 s14, s9;
	s23 =	sadd.s32 s19, s9;
	[smem:$0x7F9] =	sst s22  }
0x28: {  	s1 =	sadd.s32 s2, s9;
	s9 =	sadd.s32 s17, s15;
	[dreg:$0x11] =	wrdreg s10  }
0x29: {  	s17 =	sadd.s32 $0x6000, s21;
	s24 =	sadd.s32 $0xE000, s21;
	[dreg:$0x12] =	wrdreg s23  }
0x2a: {  	s25 =	sadd.s32 $0x10000, s21;
	s26 =	sadd.s32 $0x12000, s21;
	[dreg:$0x13] =	wrdreg s1  }
0x2b: {  	s13 =	simm.s32 $0x280;
	s5 =	simm.s32 $0x7B00;
	[dreg:$0x1a] =	wrdreg s9  }
0x2c: {  	s6 =	simm.s32 $0x1;
	s8 =	simm.s32 $0x2;
	[smem:$0x7F7] =	sst s17  }
0x2d: {  	s11 =	simm.s32 $0x0;
	s22 =	simm.s32 $0x0;
	[smem:$0x7FB] =	sst s24  }
0x2e: {  	s10 =	sadd.s32 s20, s15;
	s20 =	sadd.s32 $0x8000, s21;
	[smem:$0x7FC] =	sst s25  }
0x2f: {  	s23 =	sadd.s32 $0xC000, s21;
	[smem:$0x7FD] =	sst s26;
	s24 =	simm.s32 $0x5  }
0x30: {  	s25 =	simm.s32 $0x100;
	s26 =	simm.s32 $0x200;
	[dreg:$0x1b] =	wrdreg s10  }
0x31: {  	s1 =	simm.s32 $0x2B00;
	s9 =	simm.s32 $0x3;
	[smem:$0x7F8] =	sst s20  }
0x32: {  	[smem:$0x7FA] =	sst s23;
	s23 =	simm.s32 $0x300;
	s10 =	simm.s32 $0x4  }
.LBB2_1:
0x33: {  	s12 =	rddreg [dreg:$0x10]  }
0x34: {  	[tilespmem:s23], [sflag:$0x5] =	stream.linear.gather [hbm4b:s12+s3], $0x2000, $0x38;
	[tilespmem:$0x1E300] =	vst v63  }
0x35: {  	_ =	swait.ge [sflag:s24], $0x2000  }
0x36: {  	[sflag:s24] =	ssyncset.done $0x0  }
0x37: {  	[sflag:s24] =	ssyncadd.s32 $0xFFFFE000  }
0x38: {  	[spmem:s21] =	stream.linear.scatter [tilespmem:s23], [sflag:$0x5], $0x2000, $0x38;
	[tilespmem:$0x1E300] =	vst v63  }
0x39: {  	_ =	swait.ge [sflag:s24], $0x2000  }
0x3a: {  	[sflag:s24] =	ssyncset.done $0x0  }
0x3b: {  	s16 =	rddreg [dreg:$0x1e];
	[sflag:s24] =	ssyncadd.s32 $0xFFFFE000  }
0x3c: {  	[spmem:s16] =	stream.linear.scatter [tilespmem:s23], [sflag:$0x5], $0x2000, $0x38;
	[tilespmem:$0x1E300] =	vst v63  }
0x3d: {  	_ =	swait.ge [sflag:s24], $0x2000  }
0x3e: {  	[sflag:s24] =	ssyncset.done $0x0  }
0x3f: {  	s17 =	rddreg [dreg:$0x1f];
	[sflag:s24] =	ssyncadd.s32 $0xFFFFE000  }
0x40: {  	[spmem:s17] =	stream.linear.scatter [tilespmem:s23], [sflag:$0x5], $0x2000, $0x38;
	[tilespmem:$0x1E300] =	vst v63  }
0x41: {  	_ =	swait.ge [sflag:s24], $0x2000  }
0x42: {  	s20 =	sld [smem:$0x7F7]  }
0x43: {  	[sflag:s24] =	ssyncset.done $0x0  }
0x44: {  	[sflag:s24] =	ssyncadd.s32 $0xFFFFE000  }
0x45: {  	[spmem:s20] =	stream.linear.scatter [tilespmem:s23], [sflag:$0x5], $0x2000, $0x38;
	[tilespmem:$0x1E300] =	vst v63  }
0x46: {  	_ =	swait.ge [sflag:s24], $0x2000  }
0x47: {  	s16 =	sld [smem:$0x7F8]  }
0x48: {  	[sflag:s24] =	ssyncset.done $0x0  }
0x49: {  	[sflag:s24] =	ssyncadd.s32 $0xFFFFE000  }
0x4a: {  	[spmem:s16] =	stream.linear.scatter [tilespmem:s23], [sflag:$0x5], $0x2000, $0x38;
	[tilespmem:$0x1E300] =	vst v63  }
0x4b: {  	_ =	swait.ge [sflag:s24], $0x2000  }
0x4c: {  	s17 =	sld [smem:$0x7F9]  }
0x4d: {  	[sflag:s24] =	ssyncset.done $0x0  }
0x4e: {  	[sflag:s24] =	ssyncadd.s32 $0xFFFFE000  }
0x4f: {  	[spmem:s17] =	stream.linear.scatter [tilespmem:s23], [sflag:$0x5], $0x2000, $0x38;
	[tilespmem:$0x1E300] =	vst v63  }
0x50: {  	_ =	swait.ge [sflag:s24], $0x2000  }
0x51: {  	s20 =	sld [smem:$0x7FA]  }
0x52: {  	[sflag:s24] =	ssyncset.done $0x0  }
0x53: {  	[sflag:s24] =	ssyncadd.s32 $0xFFFFE000  }
0x54: {  	[spmem:s20] =	stream.linear.scatter [tilespmem:s23], [sflag:$0x5], $0x2000, $0x38;
	[tilespmem:$0x1E300] =	vst v63  }
0x55: {  	_ =	swait.ge [sflag:s24], $0x2000  }
0x56: {  	s16 =	sld [smem:$0x7FB]  }
0x57: {  	[sflag:s24] =	ssyncset.done $0x0  }
0x58: {  	[sflag:s24] =	ssyncadd.s32 $0xFFFFE000  }
0x59: {  	[spmem:s16] =	stream.linear.scatter [tilespmem:s23], [sflag:$0x5], $0x2000, $0x38;
	[tilespmem:$0x1E300] =	vst v63  }
0x5a: {  	_ =	swait.ge [sflag:s24], $0x2000  }
0x5b: {  	s17 =	sld [smem:$0x7FC]  }
0x5c: {  	[sflag:s24] =	ssyncset.done $0x0  }
0x5d: {  	[sflag:s24] =	ssyncadd.s32 $0xFFFFE000  }
0x5e: {  	[spmem:s17] =	stream.linear.scatter [tilespmem:s23], [sflag:$0x5], $0x2000, $0x38;
	[tilespmem:$0x1E300] =	vst v63  }
0x5f: {  	_ =	swait.ge [sflag:s24], $0x2000  }
0x60: {  	s20 =	sld [smem:$0x7FD]  }
0x61: {  	[sflag:s24] =	ssyncset.done $0x0  }
0x62: {  	[sflag:s24] =	ssyncadd.s32 $0xFFFFE000  }
0x63: {  	[spmem:s20] =	stream.linear.scatter [tilespmem:s23], [sflag:$0x5], $0x2000, $0x38;
	[tilespmem:$0x1E300] =	vst v63  }
0x64: {  	_ =	swait.ge [sflag:s24], $0x2000  }
0x65: {  	[sflag:s24] =	ssyncset.done $0x0  }
0x66: {  	[sflag:s24] =	ssyncadd.s32 $0xFFFFE000  }
0x67: {  	s12 =	simm.s32 $0x0;
	[bflag:$0x0] =	sbarrier.arrive $0xFFFF  }
.LBB2_2:
0x68: {  	s16 =	smul.u32 $0xA0, s12;
	_ =	sdelay $0x1  }
0x69: {  	s17 =	sadd.s32 s4, s16  }
0x6a: {  	s17 =	sshrl.u32 s17, $0x3  }
0x6b: {  	s20 =	sadd.s32 s14, s17  }
0x6c: {  	[tilespmem:s22], [sflag:$0x5] =	stream.linear.gather [hbm4b:s20+s22], $0x50, $0x38;
	[tilespmem:$0x1E300] =	vst v63  }
0x6d: {  	_ =	swait.ge [sflag:s24], $0x50  }
0x6e: {  	[sflag:s24] =	ssyncset.done $0x0  }
0x6f: {  	s20 =	sadd.s32 s19, s17;
	[sflag:s24] =	ssyncadd.s32 $0xFFFFFFB0  }
0x70: {  	[tilespmem:s25], [sflag:$0x5] =	stream.linear.gather [hbm4b:s20+s22], $0x50, $0x38;
	[tilespmem:$0x1E300] =	vst v63  }
0x71: {  	_ =	swait.ge [sflag:s24], $0x50  }
0x72: {  	[sflag:s24] =	ssyncset.done $0x0  }
0x73: {  	s17 =	sadd.s32 s2, s17;
	[sflag:s24] =	ssyncadd.s32 $0xFFFFFFB0  }
0x74: {  	[tilespmem:s26], [sflag:$0x5] =	stream.linear.gather [hbm4b:s17+s22], $0x50, $0x38;
	[tilespmem:$0x1E300] =	vst v63  }
0x75: {  	_ =	swait.ge [sflag:s24], $0x50  }
0x76: {  	[sflag:s24] =	ssyncset.done $0x0  }
0x77: {  	s16 =	sadd.s32 s16, s7;
	[sflag:s24] =	ssyncadd.s32 $0xFFFFFFB0  }
0x78: {  	[tilespmem:s23], [sflag:$0x1] =	stream.indirect.gather [hbm4b:s0+s28], $0x80, s22, s28, $0xb8;
	[tilespmem:$0x1E300] =	vst v63  }
0x79: {  	s16 =	sshrl.u32 s16, $0x3  }
0x7a: {  	[tilespmem:s29], [sflag:$0x1] =	stream.indirect.gather [hbm4b:s18+s28], $0x80, s25, s28, $0xb8;
	[tilespmem:$0x1E300] =	vst v63  }
0x7b: {  	s20 =	sadd.s32 s14, s16  }
0x7c: {  	[tilespmem:s30], [sflag:$0x5] =	stream.linear.gather [hbm4b:s20+s22], $0x50, $0x38;
	[tilespmem:$0x1E300] =	vst v63  }
0x7d: {  	_ =	swait.ge [sflag:s24], $0x50  }
0x7e: {  	[sflag:s24] =	ssyncset.done $0x0  }
0x7f: {  	s20 =	sadd.s32 s19, s16;
	[sflag:s24] =	ssyncadd.s32 $0xFFFFFFB0  }
0x80: {  	[tilespmem:s31], [sflag:$0x5] =	stream.linear.gather [hbm4b:s20+s22], $0x50, $0x38;
	[tilespmem:$0x1E300] =	vst v63  }
0x81: {  	_ =	swait.ge [sflag:s24], $0x50  }
0x82: {  	[sflag:s24] =	ssyncset.done $0x0  }
0x83: {  	s16 =	sadd.s32 s2, s16;
	[sflag:s24] =	ssyncadd.s32 $0xFFFFFFB0  }
0x84: {  	[tilespmem:s13], [sflag:$0x5] =	stream.linear.gather [hbm4b:s16+s22], $0x50, $0x38;
	[tilespmem:$0x1E300] =	vst v63  }
0x85: {  	_ =	swait.ge [sflag:s24], $0x50  }
0x86: {  	[sflag:s24] =	ssyncset.done $0x0  }
0x87: {  	[sflag:s24] =	ssyncadd.s32 $0xFFFFFFB0  }
0x88: {  	[tilespmem:s1], [sflag:$0x2] =	stream.indirect.gather [hbm4b:s0+s28], $0x80, s30, s28, $0xb8;
	[tilespmem:$0x1E300] =	vst v63  }
0x89: {  	_ = 	snop  }
0x8a: {  	[tilespmem:s5], [sflag:$0x2] =	stream.indirect.gather [hbm4b:s18+s28], $0x80, s31, s28, $0xb8;
	[tilespmem:$0x1E300] =	vst v63  }
0x8b: {  	_ =	swait.ge [sflag:s6], $0x2800  }
0x8c: {  	[sflag:s6] =	ssyncset.done $0x0  }
0x8d: {  	[sflag:s6] =	ssyncadd.s32 $0xFFFFD800  }
0x8e: {  	_ =	swait.ge [sflag:s6], $0x2800  }
0x8f: {  	[sflag:s6] =	ssyncset.done $0x0  }
0x90: {  	s16 =	simm.s32 $0x0;
	[sflag:s6] =	ssyncadd.s32 $0xFFFFD800  }
0x91: {  	v7 =	vld [tilespmem:s16+$0x5300]  }
0x92: {  	v11 =	vld [tilespmem:s16+$0x5310]  }
0x93: {  	v5 =	vld [tilespmem:s16+$0x5320]  }
0x94: {  	v4 =	vld [tilespmem:s16+$0x5330]  }
0x95: {  	v3 =	vld [tilespmem:s16+$0x5340]  }
0x96: {  	v2 =	vld [tilespmem:s16+$0x5350]  }
0x97: {  	v1 =	vld [tilespmem:s16+$0x5360]  }
0x98: {  	v0 =	vld [tilespmem:s16+$0x5370]  }
0x99: {  	v12 =	vld [tilespmem:s16+$0x300]  }
0x9a: {  	v13 =	vld [tilespmem:s16+$0x310]  }
0x9b: {  	v10 =	vld [tilespmem:s16+$0x320]  }
0x9c: {  	v9 =	vld [tilespmem:s16+$0x330]  }
0x9d: {  	v8 =	vld [tilespmem:s16+$0x340]  }
0x9e: {  	v6 =	vld [tilespmem:s16+$0x350];
	v12 =	vmul.f32 v7, v12  }
0x9f: {  	s17 =	simm.s32 $0x200;
	v11 =	vmul.f32 v11, v13;
	v7 =	vld [tilespmem:s16+$0x360]  }
.LBB2_3:
0xa0: {  	s20 =	sshra.s32 s17, $0x2;
	p0 =	sne.s32 s17, $0x9E00;
	[tilespmem:s16+$0x300] =	vst v12;
	v5 =	vmul.f32 v5, v10;
	v10 =	vld [tilespmem:s16+$0x370]  }
0xa1: {  	v12 =	vld [tilespmem:s20+$0x5300];
	[tilespmem:s16+$0x310] =	vst v11;
	v4 =	vmul.f32 v4, v9  }
0xa2: {  	v11 =	vld [tilespmem:s20+$0x5310];
	[tilespmem:s16+$0x320] =	vst v5;
	v3 =	vmul.f32 v3, v8  }
0xa3: {  	v5 =	vld [tilespmem:s20+$0x5320];
	[tilespmem:s16+$0x330] =	vst v4;
	v2 =	vmul.f32 v2, v6  }
0xa4: {  	v4 =	vld [tilespmem:s20+$0x5330];
	[tilespmem:s16+$0x340] =	vst v3;
	v1 =	vmul.f32 v1, v7  }
0xa5: {  	v3 =	vld [tilespmem:s20+$0x5340];
	[tilespmem:s16+$0x350] =	vst v2;
	v0 =	vmul.f32 v0, v10  }
0xa6: {  	v2 =	vld [tilespmem:s20+$0x5350];
	[tilespmem:s16+$0x360] =	vst v1  }
0xa7: {  	v1 =	vld [tilespmem:s20+$0x5360];
	[tilespmem:s16+$0x370] =	vst v0;
	s16 =	smov.u32 s20  }
0xa8: {  	v0 =	vld [tilespmem:s16+$0x5370]  }
0xa9: {  	v6 =	vld [tilespmem:s16+$0x300]  }
0xaa: {  	v7 =	vld [tilespmem:s16+$0x310]  }
.Ltmp0:
0xab: {  	v10 =	vld [tilespmem:s16+$0x320];
	(pc) =	sbr.rel @p0 .LBB2_3-.Ltmp0, $4  }
0xac: {  	v9 =	vld [tilespmem:s16+$0x330]  }
0xad: {  	v8 =	vld [tilespmem:s16+$0x340]  }
0xae: {  	v12 =	vmul.f32 v12, v6;
	v6 =	vld [tilespmem:s16+$0x350]  }
0xaf: {  	s17 =	sadd.s32 $0x200, s17;
	v11 =	vmul.f32 v11, v7;
	v7 =	vld [tilespmem:s16+$0x360]  }
0xb0: {  	[tilespmem:s16+$0x300] =	vst v12;
	v5 =	vmul.f32 v5, v10;
	v10 =	vld [tilespmem:s16+$0x370]  }
0xb1: {  	[tilespmem:s16+$0x310] =	vst v11;
	v4 =	vmul.f32 v4, v9  }
0xb2: {  	[tilespmem:s16+$0x320] =	vst v5;
	v3 =	vmul.f32 v3, v8  }
0xb3: {  	[tilespmem:s16+$0x330] =	vst v4;
	v2 =	vmul.f32 v2, v6  }
0xb4: {  	[tilespmem:s16+$0x340] =	vst v3;
	v1 =	vmul.f32 v1, v7  }
0xb5: {  	[tilespmem:s16+$0x350] =	vst v2;
	v0 =	vmul.f32 v0, v10  }
0xb6: {  	[tilespmem:s16+$0x360] =	vst v1  }
0xb7: {  	[tilespmem:s16+$0x370] =	vst v0  }
0xb8: {  	[spmem:s15] =	stream.indirect.scatter.add.f32 [tilespmem:s23], [sflag:$0x3], $0x80, s26, s28, $0xb8;
	[tilespmem:$0x1E300] =	vst v63  }
0xb9: {  	_ =	swait.ge [sflag:s8], $0x2800  }
0xba: {  	[sflag:s8] =	ssyncset.done $0x0  }
0xbb: {  	[sflag:s8] =	ssyncadd.s32 $0xFFFFD800  }
0xbc: {  	_ =	swait.ge [sflag:s8], $0x2800  }
0xbd: {  	[sflag:s8] =	ssyncset.done $0x0  }
0xbe: {  	s16 =	simm.s32 $0x0;
	[sflag:s8] =	ssyncadd.s32 $0xFFFFD800  }
0xbf: {  	v7 =	vld [tilespmem:s16+$0x7B00]  }
0xc0: {  	v11 =	vld [tilespmem:s16+$0x7B10]  }
0xc1: {  	v5 =	vld [tilespmem:s16+$0x7B20]  }
0xc2: {  	v4 =	vld [tilespmem:s16+$0x7B30]  }
0xc3: {  	v3 =	vld [tilespmem:s16+$0x7B40]  }
0xc4: {  	v2 =	vld [tilespmem:s16+$0x7B50]  }
0xc5: {  	v1 =	vld [tilespmem:s16+$0x7B60]  }
0xc6: {  	v0 =	vld [tilespmem:s16+$0x7B70]  }
0xc7: {  	v12 =	vld [tilespmem:s16+$0x2B00]  }
0xc8: {  	v13 =	vld [tilespmem:s16+$0x2B10]  }
0xc9: {  	v10 =	vld [tilespmem:s16+$0x2B20]  }
0xca: {  	v9 =	vld [tilespmem:s16+$0x2B30]  }
0xcb: {  	v8 =	vld [tilespmem:s16+$0x2B40]  }
0xcc: {  	v6 =	vld [tilespmem:s16+$0x2B50];
	v12 =	vmul.f32 v7, v12  }
0xcd: {  	s17 =	simm.s32 $0x200;
	v11 =	vmul.f32 v11, v13;
	v7 =	vld [tilespmem:s16+$0x2B60]  }
.LBB2_5:
0xce: {  	s20 =	sshra.s32 s17, $0x2;
	p0 =	sne.s32 s17, $0x9E00;
	[tilespmem:s16+$0x2B00] =	vst v12;
	v5 =	vmul.f32 v5, v10;
	v10 =	vld [tilespmem:s16+$0x2B70]  }
0xcf: {  	v12 =	vld [tilespmem:s20+$0x7B00];
	[tilespmem:s16+$0x2B10] =	vst v11;
	v4 =	vmul.f32 v4, v9  }
0xd0: {  	v11 =	vld [tilespmem:s20+$0x7B10];
	[tilespmem:s16+$0x2B20] =	vst v5;
	v3 =	vmul.f32 v3, v8  }
0xd1: {  	v5 =	vld [tilespmem:s20+$0x7B20];
	[tilespmem:s16+$0x2B30] =	vst v4;
	v2 =	vmul.f32 v2, v6  }
0xd2: {  	v4 =	vld [tilespmem:s20+$0x7B30];
	[tilespmem:s16+$0x2B40] =	vst v3;
	v1 =	vmul.f32 v1, v7  }
0xd3: {  	v3 =	vld [tilespmem:s20+$0x7B40];
	[tilespmem:s16+$0x2B50] =	vst v2;
	v0 =	vmul.f32 v0, v10  }
0xd4: {  	v2 =	vld [tilespmem:s20+$0x7B50];
	[tilespmem:s16+$0x2B60] =	vst v1  }
0xd5: {  	v1 =	vld [tilespmem:s20+$0x7B60];
	[tilespmem:s16+$0x2B70] =	vst v0;
	s16 =	smov.u32 s20  }
0xd6: {  	v0 =	vld [tilespmem:s16+$0x7B70]  }
0xd7: {  	v6 =	vld [tilespmem:s16+$0x2B00]  }
0xd8: {  	v7 =	vld [tilespmem:s16+$0x2B10]  }
.Ltmp1:
0xd9: {  	v10 =	vld [tilespmem:s16+$0x2B20];
	(pc) =	sbr.rel @p0 .LBB2_5-.Ltmp1, $4  }
0xda: {  	v9 =	vld [tilespmem:s16+$0x2B30]  }
0xdb: {  	v8 =	vld [tilespmem:s16+$0x2B40]  }
0xdc: {  	v12 =	vmul.f32 v12, v6;
	v6 =	vld [tilespmem:s16+$0x2B50]  }
0xdd: {  	s17 =	sadd.s32 $0x200, s17;
	v11 =	vmul.f32 v11, v7;
	v7 =	vld [tilespmem:s16+$0x2B60]  }
0xde: {  	[tilespmem:s16+$0x2B00] =	vst v12;
	v5 =	vmul.f32 v5, v10;
	v63 =	vld [tilespmem:s16+$0x2B70]  }
0xdf: {  	[tilespmem:s16+$0x2B10] =	vst v11;
	v4 =	vmul.f32 v4, v9  }
0xe0: {  	[tilespmem:s16+$0x2B20] =	vst v5;
	v3 =	vmul.f32 v3, v8  }
0xe1: {  	[tilespmem:s16+$0x2B30] =	vst v4;
	v2 =	vmul.f32 v2, v6  }
0xe2: {  	[tilespmem:s16+$0x2B40] =	vst v3;
	v1 =	vmul.f32 v1, v7  }
0xe3: {  	[tilespmem:s16+$0x2B50] =	vst v2;
	v0 =	vmul.f32 v0, v63  }
0xe4: {  	[tilespmem:s16+$0x2B60] =	vst v1  }
0xe5: {  	s12 =	sadd.s32 $0x1, s12;
	[tilespmem:s16+$0x2B70] =	vst v0  }
0xe6: {  	[spmem:s15] =	stream.indirect.scatter.add.f32 [tilespmem:s1], [sflag:$0x4], $0x80, s13, s28, $0xb8;
	[tilespmem:$0x1E300] =	vst v63  }
0xe7: {  	p0 =	sne.s32 s12, $0x3E;
	_ =	swait.ge [sflag:s9], $0x2800  }
.Ltmp2:
0xe8: {  	[sflag:s9] =	ssyncset.done $0x0;
	(pc) =	sbr.rel @p0 .LBB2_2-.Ltmp2, $4  }
0xe9: {  	[sflag:s9] =	ssyncadd.s32 $0xFFFFD800  }
0xea: {  	_ =	swait.ge [sflag:s10], $0x2800  }
0xeb: {  	[sflag:s10] =	ssyncset.done $0x0  }
0xec: {  	[sflag:s10] =	ssyncadd.s32 $0xFFFFD800  }
0xed: {  	s12 =	simm.s32 $0x0;
	s16 =	rddreg [dreg:$0x11]  }
0xee: {  	[tilespmem:s12], [sflag:$0x5] =	stream.linear.gather [hbm4b:s16+s12], $0x50, $0x38;
	[tilespmem:$0x1E300] =	vst v63  }
0xef: {  	_ =	swait.ge [sflag:s24], $0x50  }
0xf0: {  	[sflag:s24] =	ssyncset.done $0x0  }
0xf1: {  	s17 =	rddreg [dreg:$0x12];
	[sflag:s24] =	ssyncadd.s32 $0xFFFFFFB0  }
0xf2: {  	[tilespmem:s25], [sflag:$0x5] =	stream.linear.gather [hbm4b:s17+s12], $0x50, $0x38;
	[tilespmem:$0x1E300] =	vst v63  }
0xf3: {  	_ =	swait.ge [sflag:s24], $0x50  }
0xf4: {  	[sflag:s24] =	ssyncset.done $0x0  }
0xf5: {  	s20 =	rddreg [dreg:$0x13];
	[sflag:s24] =	ssyncadd.s32 $0xFFFFFFB0  }
0xf6: {  	[tilespmem:s26], [sflag:$0x5] =	stream.linear.gather [hbm4b:s20+s12], $0x50, $0x38;
	[tilespmem:$0x1E300] =	vst v63  }
0xf7: {  	_ =	swait.ge [sflag:s24], $0x50  }
0xf8: {  	[sflag:s24] =	ssyncset.done $0x0  }
0xf9: {  	[sflag:s24] =	ssyncadd.s32 $0xFFFFFFB0  }
0xfa: {  	[tilespmem:s23], [sflag:$0x1] =	stream.indirect.gather [hbm4b:s0+s28], $0x80, s12, s28, $0xb8;
	[tilespmem:$0x1E300] =	vst v63  }
0xfb: {  	_ = 	snop  }
0xfc: {  	[tilespmem:s29], [sflag:$0x1] =	stream.indirect.gather [hbm4b:s18+s28], $0x80, s25, s28, $0xb8;
	[tilespmem:$0x1E300] =	vst v63  }
0xfd: {  	_ =	swait.ge [sflag:s6], $0x2800  }
0xfe: {  	[sflag:s6] =	ssyncset.done $0x0  }
0xff: {  	[sflag:s6] =	ssyncadd.s32 $0xFFFFD800  }
0x100: {  	_ =	swait.ge [sflag:s6], $0x2800  }
0x101: {  	[sflag:s6] =	ssyncset.done $0x0  }
0x102: {  	s12 =	simm.s32 $0x0;
	[sflag:s6] =	ssyncadd.s32 $0xFFFFD800  }
0x103: {  	v7 =	vld [tilespmem:s12+$0x5300]  }
0x104: {  	v11 =	vld [tilespmem:s12+$0x5310]  }
0x105: {  	v5 =	vld [tilespmem:s12+$0x5320]  }
0x106: {  	v4 =	vld [tilespmem:s12+$0x5330]  }
0x107: {  	v3 =	vld [tilespmem:s12+$0x5340]  }
0x108: {  	v2 =	vld [tilespmem:s12+$0x5350]  }
0x109: {  	v1 =	vld [tilespmem:s12+$0x5360]  }
0x10a: {  	v0 =	vld [tilespmem:s12+$0x5370]  }
0x10b: {  	v12 =	vld [tilespmem:s12+$0x300]  }
0x10c: {  	v13 =	vld [tilespmem:s12+$0x310]  }
0x10d: {  	v10 =	vld [tilespmem:s12+$0x320]  }
0x10e: {  	v9 =	vld [tilespmem:s12+$0x330]  }
0x10f: {  	v8 =	vld [tilespmem:s12+$0x340]  }
0x110: {  	v6 =	vld [tilespmem:s12+$0x350];
	v12 =	vmul.f32 v7, v12  }
0x111: {  	s16 =	simm.s32 $0x200;
	v11 =	vmul.f32 v11, v13;
	v7 =	vld [tilespmem:s12+$0x360]  }
.LBB2_8:
0x112: {  	s17 =	sshra.s32 s16, $0x2;
	p0 =	sne.s32 s16, $0x9E00;
	[tilespmem:s12+$0x300] =	vst v12;
	v5 =	vmul.f32 v5, v10;
	v10 =	vld [tilespmem:s12+$0x370]  }
0x113: {  	v12 =	vld [tilespmem:s17+$0x5300];
	[tilespmem:s12+$0x310] =	vst v11;
	v4 =	vmul.f32 v4, v9  }
0x114: {  	v11 =	vld [tilespmem:s17+$0x5310];
	[tilespmem:s12+$0x320] =	vst v5;
	v3 =	vmul.f32 v3, v8  }
0x115: {  	v5 =	vld [tilespmem:s17+$0x5320];
	[tilespmem:s12+$0x330] =	vst v4;
	v2 =	vmul.f32 v2, v6  }
0x116: {  	v4 =	vld [tilespmem:s17+$0x5330];
	[tilespmem:s12+$0x340] =	vst v3;
	v1 =	vmul.f32 v1, v7  }
0x117: {  	v3 =	vld [tilespmem:s17+$0x5340];
	[tilespmem:s12+$0x350] =	vst v2;
	v0 =	vmul.f32 v0, v10  }
0x118: {  	v2 =	vld [tilespmem:s17+$0x5350];
	[tilespmem:s12+$0x360] =	vst v1  }
0x119: {  	v1 =	vld [tilespmem:s17+$0x5360];
	[tilespmem:s12+$0x370] =	vst v0;
	s12 =	smov.u32 s17  }
0x11a: {  	v0 =	vld [tilespmem:s12+$0x5370]  }
0x11b: {  	v6 =	vld [tilespmem:s12+$0x300]  }
0x11c: {  	v7 =	vld [tilespmem:s12+$0x310]  }
.Ltmp3:
0x11d: {  	v10 =	vld [tilespmem:s12+$0x320];
	(pc) =	sbr.rel @p0 .LBB2_8-.Ltmp3, $4  }
0x11e: {  	v9 =	vld [tilespmem:s12+$0x330]  }
0x11f: {  	v8 =	vld [tilespmem:s12+$0x340]  }
0x120: {  	v12 =	vmul.f32 v12, v6;
	v6 =	vld [tilespmem:s12+$0x350]  }
0x121: {  	s16 =	sadd.s32 $0x200, s16;
	v11 =	vmul.f32 v11, v7;
	v7 =	vld [tilespmem:s12+$0x360]  }
0x122: {  	[tilespmem:s12+$0x300] =	vst v12;
	v5 =	vmul.f32 v5, v10;
	v63 =	vld [tilespmem:s12+$0x370]  }
0x123: {  	[tilespmem:s12+$0x310] =	vst v11;
	v4 =	vmul.f32 v4, v9  }
0x124: {  	[tilespmem:s12+$0x320] =	vst v5;
	v3 =	vmul.f32 v3, v8  }
0x125: {  	[tilespmem:s12+$0x330] =	vst v4;
	v2 =	vmul.f32 v2, v6  }
0x126: {  	[tilespmem:s12+$0x340] =	vst v3;
	v1 =	vmul.f32 v1, v7  }
0x127: {  	[tilespmem:s12+$0x350] =	vst v2;
	v0 =	vmul.f32 v0, v63  }
0x128: {  	[tilespmem:s12+$0x360] =	vst v1  }
0x129: {  	[tilespmem:s12+$0x370] =	vst v0  }
0x12a: {  	[spmem:s15] =	stream.indirect.scatter.add.f32 [tilespmem:s23], [sflag:$0x3], $0x80, s26, s28, $0xb8;
	[tilespmem:$0x1E300] =	vst v63  }
0x12b: {  	_ =	swait.ge [sflag:s9], $0x2800  }
0x12c: {  	[sflag:s9] =	ssyncset.done $0x0  }
0x12d: {  	[sflag:s9] =	ssyncadd.s32 $0xFFFFD800  }
0x12e: {  	[bflag:$0x0] =	sbarrier.arrive $0xFFFF  }
0x12f: {  	[tilespmem:s23], [sflag:$0x5] =	stream.linear.gather [spmem:s21], $0x2000, $0x38;
	[tilespmem:$0x1E300] =	vst v63  }
0x130: {  	_ =	swait.ge [sflag:s24], $0x2000  }
0x131: {  	[sflag:s24] =	ssyncset.done $0x0  }
0x132: {  	s17 =	rddreg [dreg:$0x6];
	[sflag:s24] =	ssyncadd.s32 $0xFFFFE000  }
0x133: {  	[hbm4b:s17+s3] =	stream.linear.scatter [tilespmem:s23], [sflag:$0x5], $0x2000, $0x38;
	[tilespmem:$0x1E300] =	vst v63  }
0x134: {  	_ =	swait.ge [sflag:s24], $0x2000  }
0x135: {  	[sflag:s24] =	ssyncset.done $0x0  }
0x136: {  	s20 =	rddreg [dreg:$0x15];
	[sflag:s24] =	ssyncadd.s32 $0xFFFFE000  }
0x137: {  	[tilespmem:s23], [sflag:$0x5] =	stream.linear.gather [spmem:s20], $0x2000, $0x38;
	[tilespmem:$0x1E300] =	vst v63  }
0x138: {  	_ =	swait.ge [sflag:s24], $0x2000  }
0x139: {  	[sflag:s24] =	ssyncset.done $0x0  }
0x13a: {  	s16 =	rddreg [dreg:$0x7];
	[sflag:s24] =	ssyncadd.s32 $0xFFFFE000  }
0x13b: {  	[hbm4b:s16+s3] =	stream.linear.scatter [tilespmem:s23], [sflag:$0x5], $0x2000, $0x38;
	[tilespmem:$0x1E300] =	vst v63  }
0x13c: {  	_ =	swait.ge [sflag:s24], $0x2000  }
0x13d: {  	[sflag:s24] =	ssyncset.done $0x0  }
0x13e: {  	s17 =	rddreg [dreg:$0x16];
	[sflag:s24] =	ssyncadd.s32 $0xFFFFE000  }
0x13f: {  	[tilespmem:s23], [sflag:$0x5] =	stream.linear.gather [spmem:s17], $0x2000, $0x38;
	[tilespmem:$0x1E300] =	vst v63  }
0x140: {  	_ =	swait.ge [sflag:s24], $0x2000  }
0x141: {  	[sflag:s24] =	ssyncset.done $0x0  }
0x142: {  	s20 =	rddreg [dreg:$0x8];
	[sflag:s24] =	ssyncadd.s32 $0xFFFFE000  }
0x143: {  	[hbm4b:s20+s3] =	stream.linear.scatter [tilespmem:s23], [sflag:$0x5], $0x2000, $0x38;
	[tilespmem:$0x1E300] =	vst v63  }
0x144: {  	_ =	swait.ge [sflag:s24], $0x2000  }
0x145: {  	[sflag:s24] =	ssyncset.done $0x0  }
0x146: {  	s16 =	rddreg [dreg:$0x17];
	[sflag:s24] =	ssyncadd.s32 $0xFFFFE000  }
0x147: {  	[tilespmem:s23], [sflag:$0x5] =	stream.linear.gather [spmem:s16], $0x2000, $0x38;
	[tilespmem:$0x1E300] =	vst v63  }
0x148: {  	_ =	swait.ge [sflag:s24], $0x2000  }
0x149: {  	[sflag:s24] =	ssyncset.done $0x0  }
0x14a: {  	s17 =	rddreg [dreg:$0x9];
	[sflag:s24] =	ssyncadd.s32 $0xFFFFE000  }
0x14b: {  	[hbm4b:s17+s3] =	stream.linear.scatter [tilespmem:s23], [sflag:$0x5], $0x2000, $0x38;
	[tilespmem:$0x1E300] =	vst v63  }
0x14c: {  	_ =	swait.ge [sflag:s24], $0x2000  }
0x14d: {  	[sflag:s24] =	ssyncset.done $0x0  }
0x14e: {  	s20 =	rddreg [dreg:$0x18];
	[sflag:s24] =	ssyncadd.s32 $0xFFFFE000  }
0x14f: {  	[tilespmem:s23], [sflag:$0x5] =	stream.linear.gather [spmem:s20], $0x2000, $0x38;
	[tilespmem:$0x1E300] =	vst v63  }
0x150: {  	_ =	swait.ge [sflag:s24], $0x2000  }
0x151: {  	[sflag:s24] =	ssyncset.done $0x0  }
0x152: {  	s16 =	rddreg [dreg:$0xa];
	[sflag:s24] =	ssyncadd.s32 $0xFFFFE000  }
0x153: {  	[hbm4b:s16+s3] =	stream.linear.scatter [tilespmem:s23], [sflag:$0x5], $0x2000, $0x38;
	[tilespmem:$0x1E300] =	vst v63  }
0x154: {  	_ =	swait.ge [sflag:s24], $0x2000  }
0x155: {  	[sflag:s24] =	ssyncset.done $0x0  }
0x156: {  	s17 =	rddreg [dreg:$0x19];
	[sflag:s24] =	ssyncadd.s32 $0xFFFFE000  }
0x157: {  	[tilespmem:s23], [sflag:$0x5] =	stream.linear.gather [spmem:s17], $0x2000, $0x38;
	[tilespmem:$0x1E300] =	vst v63  }
0x158: {  	_ =	swait.ge [sflag:s24], $0x2000  }
0x159: {  	[sflag:s24] =	ssyncset.done $0x0  }
0x15a: {  	s20 =	rddreg [dreg:$0xb];
	[sflag:s24] =	ssyncadd.s32 $0xFFFFE000  }
0x15b: {  	[hbm4b:s20+s3] =	stream.linear.scatter [tilespmem:s23], [sflag:$0x5], $0x2000, $0x38;
	[tilespmem:$0x1E300] =	vst v63  }
0x15c: {  	_ =	swait.ge [sflag:s24], $0x2000  }
0x15d: {  	[sflag:s24] =	ssyncset.done $0x0  }
0x15e: {  	s16 =	rddreg [dreg:$0x1a];
	[sflag:s24] =	ssyncadd.s32 $0xFFFFE000  }
0x15f: {  	[tilespmem:s23], [sflag:$0x5] =	stream.linear.gather [spmem:s16], $0x2000, $0x38;
	[tilespmem:$0x1E300] =	vst v63  }
0x160: {  	_ =	swait.ge [sflag:s24], $0x2000  }
0x161: {  	[sflag:s24] =	ssyncset.done $0x0  }
0x162: {  	s17 =	rddreg [dreg:$0xc];
	[sflag:s24] =	ssyncadd.s32 $0xFFFFE000  }
0x163: {  	[hbm4b:s17+s3] =	stream.linear.scatter [tilespmem:s23], [sflag:$0x5], $0x2000, $0x38;
	[tilespmem:$0x1E300] =	vst v63  }
0x164: {  	_ =	swait.ge [sflag:s24], $0x2000  }
0x165: {  	[sflag:s24] =	ssyncset.done $0x0  }
0x166: {  	s20 =	rddreg [dreg:$0x1b];
	[sflag:s24] =	ssyncadd.s32 $0xFFFFE000  }
0x167: {  	[tilespmem:s23], [sflag:$0x5] =	stream.linear.gather [spmem:s20], $0x2000, $0x38;
	[tilespmem:$0x1E300] =	vst v63  }
0x168: {  	_ =	swait.ge [sflag:s24], $0x2000  }
0x169: {  	[sflag:s24] =	ssyncset.done $0x0  }
0x16a: {  	s16 =	rddreg [dreg:$0xd];
	[sflag:s24] =	ssyncadd.s32 $0xFFFFE000  }
0x16b: {  	[hbm4b:s16+s3] =	stream.linear.scatter [tilespmem:s23], [sflag:$0x5], $0x2000, $0x38;
	[tilespmem:$0x1E300] =	vst v63  }
0x16c: {  	_ =	swait.ge [sflag:s24], $0x2000  }
0x16d: {  	[sflag:s24] =	ssyncset.done $0x0  }
0x16e: {  	s17 =	rddreg [dreg:$0x1c];
	[sflag:s24] =	ssyncadd.s32 $0xFFFFE000  }
0x16f: {  	[tilespmem:s23], [sflag:$0x5] =	stream.linear.gather [spmem:s17], $0x2000, $0x38;
	[tilespmem:$0x1E300] =	vst v63  }
0x170: {  	_ =	swait.ge [sflag:s24], $0x2000  }
0x171: {  	[sflag:s24] =	ssyncset.done $0x0  }
0x172: {  	s20 =	rddreg [dreg:$0xe];
	[sflag:s24] =	ssyncadd.s32 $0xFFFFE000  }
0x173: {  	[hbm4b:s20+s3] =	stream.linear.scatter [tilespmem:s23], [sflag:$0x5], $0x2000, $0x38;
	[tilespmem:$0x1E300] =	vst v63  }
0x174: {  	_ =	swait.ge [sflag:s24], $0x2000  }
0x175: {  	[sflag:s24] =	ssyncset.done $0x0  }
0x176: {  	s16 =	rddreg [dreg:$0x1d];
	[sflag:s24] =	ssyncadd.s32 $0xFFFFE000  }
0x177: {  	[tilespmem:s23], [sflag:$0x5] =	stream.linear.gather [spmem:s16], $0x2000, $0x38;
	[tilespmem:$0x1E300] =	vst v63  }
0x178: {  	_ =	swait.ge [sflag:s24], $0x2000  }
0x179: {  	[sflag:s24] =	ssyncset.done $0x0  }
0x17a: {  	s17 =	rddreg [dreg:$0xf];
	[sflag:s24] =	ssyncadd.s32 $0xFFFFE000  }
0x17b: {  	[hbm4b:s17+s3] =	stream.linear.scatter [tilespmem:s23], [sflag:$0x5], $0x2000, $0x38;
	[tilespmem:$0x1E300] =	vst v63  }
0x17c: {  	_ =	swait.ge [sflag:s24], $0x2000  }
0x17d: {  	s11 =	sadd.s32 $0x1, s11;
	s20 =	rddreg [dreg:$0x14]  }
0x17e: {  	p0 =	sne.s32 s11, s20  }
.Ltmp4:
0x17f: {  	_ = 	snop;
	(pc) =	sbr.rel @p0 .LBB2_1-.Ltmp4, $3  }
0x180: {  	_ =	sdelay $0x1  }
0x181: {  	[sflag:s24] =	ssyncset.done $0x0  }
0x182: {  	[sflag:s24] =	ssyncadd.s32 $0xFFFFE000  }
0x183: {  	_ =	sfence.sel $0x180000  }
0x184: {  	[bflag:$0x0] =	sbarrier.arrive $0xFFFF  }
0x185: {  	_ =	strace $0x9000004D  }
0x186: {  	s0 =	stileid.u32;
	[bflag:$0x2] =	sbarrier.arrive $0xFFFF  }
0x187: {  	p0 =	sne.s32 s0, $0x0;
	s0 =	rddreg [dreg:$0x5]  }
0x188: {  	s0 =	sadd.s32 @!p0 $0x100000, s0  }
0x189: {  	[sflag:s0] =	ssyncadd.tile.s32 @!p0 $0x1;
	_ =	shalt  }
.Lfunc_end2:
_tile_overlayer_lowered:
.L_overlay_start_2:
0x18a: {  	(tag) =	ssettag $0x2  }
0x18b: {  	s0 =	rddreg [dreg:$0x0];
	s2 =	stileid.u32  }
0x18c: {  	s1 =	rddreg [dreg:$0x1];
	p0 =	sne.s32 s2, $0x0  }
0x18d: {  	s3 =	rddreg [dreg:$0x2];
	[bflag:$0x3] =	sbarrier.arrive $0xFFFF;
	s2 =	simm.s32 @!p0 $0x1C05  }
0x18e: {  	[timem:s3], [sflag:s2] =	dma.local @!p0 [hbm:s0], s1  }
0x18f: {  	s0 =	simm.s32 @!p0 $0x5  }
0x190: {  	_ =	swait.ge @!p0 [sflag:s0], s1  }
0x191: {  	s1 =	ssub.s32 @!p0 $0x0, s1;
	[sflag:s0] =	ssyncset.done @!p0 $0x0  }
0x192: {  	[sflag:s0] =	ssyncadd.s32 @!p0 s1  }
0x193: {  	[bflag:$0x3] =	sbarrier.arrive $0xFFFF  }
0x194: {  	_ =	shalt  }

// kernel: kernel.20.cloned.1.call-start
scs
__scs_entry_jumppad:
0x0: {  	(pc) =	sbr.rel $0x88, $3  }
0x1: {  	(tag) =	ssettag $0x0;
	lr =	simm.s32 $0x1  }
0x2: {  	[smem:$0x3F93] =	sst lr;
	_ =	strace $0xD0000000  }
0x3: {  	_ = 	snop  }
0x4: {  	_ = 	snop  }
0x5: {  	_ = 	snop  }
0x6: {  	_ = 	snop  }
0x7: {  	_ = 	snop  }
__scs_overlays_trampoline_lowered:
0x8: {  	[smem:$0x3FA2] =	sst s0  }
0x9: {  	[smem:$0x3FA3] =	sst s1  }
0xa: {  	[smem:$0x3FA4] =	sst s2  }
0xb: {  	[smem:$0x3FA5] =	sst s3  }
0xc: {  	[smem:$0x3FA6] =	sst s4  }
0xd: {  	[smem:$0x3FA7] =	sst s5  }
0xe: {  	[smem:$0x3FA8] =	sst s6  }
0xf: {  	[smem:$0x3FA9] =	sst s7  }
0x10: {  	[smem:$0x3FAA] =	sst s8  }
0x11: {  	[smem:$0x3FAB] =	sst s9;
	s0 =	simm.s32 @!p0 $0x0  }
0x12: {  	s1 =	sld [smem:$0x3F91];
	s0 =	simm.s32 @p0 $0x1  }
0x13: {  	[smem:$0x3FAC] =	sst s0;
	s0 =	simm.s32 @!p1 $0x0  }
0x14: {  	s2 =	sld [smem:$0x3F90];
	s0 =	simm.s32 @p1 $0x1  }
0x15: {  	[smem:$0x3FAD] =	sst s0;
	s0 =	simm.s32 @!p2 $0x0  }
0x16: {  	s3 =	sld [smem:$0x3FDB];
	s0 =	simm.s32 @p2 $0x1  }
0x17: {  	s4 =	simm.s32 $0x1BF5;
	[smem:$0x3FAF] =	sst s0  }
0x18: {  	s0 =	sld [smem:$0x3F92];
	_ =	swait.ge [sflag:s4], $0x0  }
0x19: {  	s7 =	sld [smem:$0x3F93]  }
0x1a: {  	s8 =	sadd.s32 $0xFFFFE003, lr  }
0x1b: {  	s9 =	sadd.s32 $0xFFFFFEF7, lr;
	s5 =	simm.s32 $0xFFFFFFFF;
	p2 =	slt.u32 s8, $0xFFFFF086  }
0x1c: {  	p1 =	slt.u32 s9, $0xF7A;
	s5 =	simm.s32 @!p2 $0x0  }
0x1d: {  	s5 =	simm.s32 @p1 $0x1;
	p0 =	seq.s32 s7, s2  }
0x1e: {  	s7 =	smul.u32 @!p0 $0xF7A, s2;
	p2 =	seq.s32 @!p0 s5, $0x0  }
0x1f: {  	s9 =	smul.u32 $0xF7A, s1;
	s8 =	simm.s32 @!p0 $0x1BF5;
	p2 =	por !p2, p0  }
0x20: {  	[sflag:s8] =	ssyncset.s32 @!p0 $0xFFFFF086;
	s6 =	sadd.s32 @!p0 s3, s7;
	s7 =	simm.s32 @!p0 $0x108  }
0x21: {  	s3 =	sadd.s32 s3, s9;
	s6 =	sadd.s32 @!p0 $0x88, s6;
	s7 =	simm.s32 @p2 $0x1082  }
0x22: {  	[simem:s7], [sflag:s8] =	dma.local @!p0 [hbm:s6], $0xF7A  }
0x23: {  	s9 =	sor.u32 $0xD0000000, s2;
	s6 =	simm.s32 $0x108;
	_ =	swait.ge @!p0 [sflag:s8], $0x0  }
0x24: {  	s3 =	sadd.s32 $0x88, s3;
	s6 =	simm.s32 @!p1 $0x1082;
	[sflag:s4] =	ssyncset.s32 $0xFFFFF086  }
0x25: {  	[simem:s6], [sflag:s4] =	dma.local [hbm:s3], $0xF7A  }
0x26: {  	[smem:$0x3F93] =	sst s1;
	(tag) =	ssettag s2;
	_ =	strace s9  }
0x27: {  	s1 =	sld [smem:$0x3FA3]  }
0x28: {  	s2 =	sld [smem:$0x3FA4]  }
0x29: {  	s4 =	sld [smem:$0x3FA6]  }
0x2a: {  	p0 =	seq.s32 s5, $0x0;
	s5 =	sld [smem:$0x3FA7]  }
0x2b: {  	s6 =	sld [smem:$0x3FA8]  }
0x2c: {  	s7 =	sld [smem:$0x3FA9]  }
0x2d: {  	s3 =	simm.s32 $0x108;
	s8 =	sld [smem:$0x3FAA]  }
0x2e: {  	s3 =	simm.s32 @!p0 $0x1082;
	s9 =	sld [smem:$0x3FAB]  }
0x2f: {  	lr =	sadd.s32 s0, s3;
	s0 =	sld [smem:$0x3FA2]  }
0x30: {  	s3 =	sld [smem:$0x3FA5]  }
0x31: {  	[smem:$0x3FAE] =	sst s10  }
0x32: {  	s10 =	sld [smem:$0x3FAC];
	_ =	sdelay $0x3  }
0x33: {  	p0 =	seq.s32 s10, $0x1;
	s10 =	sld [smem:$0x3FAE];
	_ =	sdelay $0x3  }
0x34: {  	[smem:$0x3FAE] =	sst s10  }
0x35: {  	s10 =	sld [smem:$0x3FAD];
	_ =	sdelay $0x3  }
0x36: {  	p1 =	seq.s32 s10, $0x1;
	s10 =	sld [smem:$0x3FAE];
	_ =	sdelay $0x3  }
0x37: {  	[smem:$0x3FAE] =	sst s10  }
0x38: {  	s10 =	sld [smem:$0x3FAF]  }
0x39: {  	_ = 	snop;
	(pc) =	sbr.ind lr, $3  }
0x3a: {  	_ = 	snop  }
0x3b: {  	_ = 	snop  }
0x3c: {  	p2 =	seq.s32 s10, $0x1;
	s10 =	sld [smem:$0x3FAE]  }
0x3d: {  	_ =	shalt  }
0x3e: {  	_ =	shalt  }
0x3f: {  	_ =	shalt  }
0x40: {  	_ =	shalt  }
0x41: {  	_ =	shalt  }
0x42: {  	_ =	shalt  }
0x43: {  	_ =	shalt  }
0x44: {  	_ =	shalt  }
0x45: {  	_ =	shalt  }
0x46: {  	_ =	shalt  }
0x47: {  	_ =	shalt  }
0x48: {  	_ =	shalt  }
0x49: {  	_ =	shalt  }
0x4a: {  	_ =	shalt  }
0x4b: {  	_ =	shalt  }
0x4c: {  	_ =	shalt  }
0x4d: {  	_ =	shalt  }
0x4e: {  	_ =	shalt  }
0x4f: {  	_ =	shalt  }
0x50: {  	_ =	shalt  }
0x51: {  	_ =	shalt  }
0x52: {  	_ =	shalt  }
0x53: {  	_ =	shalt  }
0x54: {  	_ =	shalt  }
0x55: {  	_ =	shalt  }
0x56: {  	_ =	shalt  }
0x57: {  	_ =	shalt  }
0x58: {  	_ =	shalt  }
0x59: {  	_ =	shalt  }
0x5a: {  	_ =	shalt  }
0x5b: {  	_ =	shalt  }
0x5c: {  	_ =	shalt  }
0x5d: {  	_ =	shalt  }
0x5e: {  	_ =	shalt  }
0x5f: {  	_ =	shalt  }
0x60: {  	_ =	shalt  }
0x61: {  	_ =	shalt  }
0x62: {  	_ =	shalt  }
0x63: {  	_ =	shalt  }
0x64: {  	_ =	shalt  }
0x65: {  	_ =	shalt  }
0x66: {  	_ =	shalt  }
0x67: {  	_ =	shalt  }
0x68: {  	_ =	shalt  }
0x69: {  	_ =	shalt  }
0x6a: {  	_ =	shalt  }
0x6b: {  	_ =	shalt  }
0x6c: {  	_ =	shalt  }
0x6d: {  	_ =	shalt  }
0x6e: {  	_ =	shalt  }
0x6f: {  	_ =	shalt  }
0x70: {  	_ =	shalt  }
0x71: {  	_ =	shalt  }
0x72: {  	_ =	shalt  }
0x73: {  	_ =	shalt  }
0x74: {  	_ =	shalt  }
0x75: {  	_ =	shalt  }
0x76: {  	_ =	shalt  }
0x77: {  	_ =	shalt  }
0x78: {  	_ =	shalt  }
0x79: {  	_ =	shalt  }
0x7a: {  	_ =	shalt  }
0x7b: {  	_ =	shalt  }
0x7c: {  	_ =	shalt  }
0x7d: {  	_ =	shalt  }
0x7e: {  	_ =	shalt  }
0x7f: {  	_ =	shalt  }
0x80: {  	_ =	shalt  }
0x81: {  	_ =	shalt  }
0x82: {  	_ =	shalt  }
0x83: {  	_ =	shalt  }
0x84: {  	_ =	shalt  }
0x85: {  	_ =	shalt  }
0x86: {  	_ =	shalt  }
0x87: {  	_ =	shalt  }
.Lfunc_end0:
.L_simem_size_0:
called_computation.3_lowered:
.L_overlay_start_0:
0x88: {  	s2 =	sld [smem:$0x3FD9]  }
0x89: {  	s3 =	sld [smem:$0x3FFE];
	_ =	sdelay $0x1  }
0x8a: {  	s1 =	srdreg.scid  }
0x8b: {  	s0 =	sand.u32 $0x1, s1  }
0x8c: {  	s17 =	sshll.u32 s0, $0xA;
	s2 =	sadd.s32 s3, s2  }
0x8d: {  	s2 =	sadd.s32 s2, s17  }
0x8e: {  	[smem:$0x3FBA] =	sst s2  }
0x8f: {  	_ = 	snop  }
0x90: {  	s2 =	sld [smem:$0x3FC7]  }
0x91: {  	s18 =	sld [smem:$0x3FC6]  }
0x92: {  	s4 =	sld [smem:$0x3FD0];
	(tm) =	ssettm $0x1  }
0x93: {  	s5 =	sld [smem:$0x3FFB];
	_ =	sdelay $0x3  }
0x94: {  	_ =	strace s5  }
0x95: {  	s5 =	sld [smem:$0x3FFC];
	_ =	sdelay $0x3  }
0x96: {  	_ =	strace s5  }
0x97: {  	s5 =	sld [smem:$0x3FFD];
	_ =	sdelay $0x3  }
0x98: {  	_ =	strace s5  }
0x99: {  	_ =	strace $0x8FFFFFFF  }
0x9a: {  	s19 =	sld [smem:$0x3FDB];
	_ =	sdelay $0x1  }
0x9b: {  	s6 =	simm.s32 $_scs_section_size  }
0x9c: {  	s7 =	simm.s32 $_size__tile_overlayer_lowered;
	s8 =	simm.s32 $_tile_overlayer_lowered  }
0x9d: {  	s22 =	simm.s32 $0x1BFF;
	s21 =	sshll.u32 s8, $0x1;
	s5 =	sadd.s32 s6, s19  }
0x9e: {  	s9 =	simm.s32 $0x0;
	s20 =	sshll.u32 s7, $0x1;
	s7 =	sadd.s32 s21, s5  }
0x9f: {  	[timem:s9], [sflag:s22] =	dma.local [hbm:s7], s20  }
0xa0: {  	_ =	swait.ge [sflag:s22], s20  }
0xa1: {  	s6 =	ssub.s32 $0x0, s20;
	[sflag:s22] =	ssyncset.done $0x0  }
0xa2: {  	[sflag:s22] =	ssyncadd.s32 s6;
	_ =	sdelay $0x1  }
0xa3: {  	s23 =	simm.s32 $0x1B8B  }
0xa4: {  	_ =	swait.ge [sflag:s23], $0x1  }
0xa5: {  	[sflag:s23] =	ssyncset.done $0x0  }
0xa6: {  	s25 =	simm.s32 $0x1B8E;
	s24 =	sld [smem:$0x3FFE];
	[sflag:s23] =	ssyncadd.s32 $0xFFFFFFFF  }
0xa7: {  	s26 =	simm.s32 $execute0_lowered;
	[smem:$0x3FD2] =	sst s25  }
0xa8: {  	s7 =	sshll.u32 s26, $0x1;
	_ =	strace $0x8000004F;
	[dreg:$0x1] =	wrdreg $0xFFFFFFFF  }
0xa9: {  	s28 =	simm.s32 $_size_execute0_lowered;
	s5 =	sadd.s32 s5, s7;
	[dreg:$0x0] =	wrdreg $0x0  }
0xaa: {  	s7 =	sshll.u32 s28, $0x1;
	[dreg:$0x2] =	wrdreg s5  }
0xab: {  	[dreg:$0x3] =	wrdreg s7  }
0xac: {  	[dreg:$0x4] =	wrdreg $0xC0  }
0xad: {  	_ =	task [dreg:s9], $0x5FFFF  }
0xae: {  	[dreg:$0x1] =	wrdreg $0xFFFFFFFF  }
0xaf: {  	[dreg:$0x0] =	wrdreg $0x60  }
0xb0: {  	[dreg:$0x2] =	wrdreg s4  }
0xb1: {  	[dreg:$0x3] =	wrdreg s24  }
0xb2: {  	[dreg:$0x4] =	wrdreg s2  }
0xb3: {  	[dreg:$0x5] =	wrdreg s18  }
0xb4: {  	[dreg:$0x6] =	wrdreg $0xA3000  }
0xb5: {  	[dreg:$0x7] =	wrdreg $0x9  }
0xb6: {  	_ =	task.clear_ibuf [dreg:s9], $0x8FFFF;
	_ =	strace $0x9000004F  }
0xb7: {  	s29 =	simm.s32 $0x9;
	_ =	strace $0x80000051  }
0xb8: {  	_ =	swait.ge [sflag:s29], $0x1  }
0xb9: {  	[sflag:s29] =	ssyncadd.s32 $0xFFFFFFFF  }
0xba: {  	_ =	strace $0x90000051  }
0xbb: {  	_ =	sfence  }
0xbc: {  	s30 =	sld [smem:$0x0];
	_ =	sdelay $0x2  }
0xbd: {  	s31 =	sshll.u32 s1, $0xD;
	s1 =	sshrl.u32 s1, $0x2  }
0xbe: {  	s3 =	sand.u32 $0x4000, s31;
	s1 =	sadd.s32 s1, s30  }
0xbf: {  	s0 =	sor.u32 s3, s0;
	s1 =	sshll.u32 s1, $0x11  }
0xc0: {  	s0 =	sor.u32 s1, s0  }
0xc1: {  	s0 =	sadd.s32 $0x8F2B, s0  }
0xc2: {  	[sflag:s0] =	ssyncadd.remote.s32 $0x1  }
0xc3: {  	_ =	sfence.sel $0xFFFF  }
0xc4: {  	[dreg:$0x0] =	wrdreg $0xFFFFFFFF;
	(pc) =	sbr.abs _section_cstart, $3  }
0xc5: {  	[dreg:$0x1] =	wrdreg $0xFFFFFFFF  }
0xc6: {  	_ =	task.clear_ibuf [dreg:s9], $0x2FFFF;
	_ =	strace $0x9FFFFFFF  }
0xc7: {  	(tm) =	ssettm $0x7FFFFFFF  }
tec
execute0_lowered:
.L_overlay_start_1:
0x0: {  	(tag) =	ssettag $0x1  }
0x1: {  	s0 =	rddreg [dreg:$0x0]  }
0x2: {  	s1 =	rddreg [dreg:$0x1]  }
0x3: {  	s2 =	rddreg [dreg:$0x2]  }
0x4: {  	s3 =	simm.s32 $0x0;
	s4 =	srdreg.scid;
	s18 =	stileid.u32  }
0x5: {  	[smem:$0x7FF] =	sst s3;
	s7 =	smul.u32 $0x14000, s18  }
0x6: {  	s4 =	sand.u32 $0x1, s4;
	s9 =	sshll.u32 s18, $0x1;
	s18 =	smul.u32 $0x50000, s18  }
0x7: {  	s6 =	ssub.s32 $0x2, s4;
	s10 =	smul.u32 $0x140000, s4;
	s4 =	sor.u32 s4, s9  }
0x8: {  	s5 =	sadd.s32 $0xDE00, s1;
	s8 =	sshrl.u32 s6, $0x1;
	s4 =	smul.u32 $0x2710, s4  }
0x9: {  	s12 =	sadd.s32 $0x4000, s7;
	s13 =	sadd.s32 $0x8000, s7;
	s16 =	sadd.s32 $0xA000, s7  }
0xa: {  	s17 =	sadd.s32 $0xC000, s7;
	s20 =	sadd.s32 $0xE000, s7;
	s6 =	ssub.s32 s6, s8  }
0xb: {  	s8 =	sor.u32 $0x2000, s7;
	s22 =	sadd.s32 s10, s7;
	s24 =	sadd.s32 s10, s12  }
0xc: {  	s14 =	sadd.s32 s10, s13;
	s15 =	sadd.s32 s10, s17;
	s19 =	sadd.s32 s10, s20  }
0xd: {  	s11 =	sadd.s32 s10, s8;
	s9 =	sshrl.u32 s22, $0x3;
	s14 =	sshrl.u32 s14, $0x3  }
0xe: {  	s22 =	sadd.s32 $0x10000, s7;
	s11 =	sshrl.u32 s11, $0x3;
	s9 =	sadd.s32 s5, s9  }
0xf: {  	s26 =	sadd.s32 s5, s14;
	s14 =	sadd.s32 s10, s16;
	[dreg:$0x6] =	wrdreg s9  }
0x10: {  	s23 =	sadd.s32 s5, s11;
	s9 =	sshrl.u32 s24, $0x3;
	s11 =	sadd.s32 $0x6000, s7  }
0x11: {  	[dreg:$0xa] =	wrdreg s26;
	s9 =	sadd.s32 s5, s9;
	s25 =	sadd.s32 s10, s11  }
0x12: {  	s7 =	sadd.s32 $0x12000, s7;
	[dreg:$0x8] =	wrdreg s9;
	s9 =	sshrl.u32 s25, $0x3  }
0x13: {  	s26 =	sshrl.u32 s4, $0x3;
	[dreg:$0x7] =	wrdreg s23;
	s9 =	sadd.s32 s5, s9  }
0x14: {  	[dreg:$0x9] =	wrdreg s9;
	s9 =	sshrl.u32 s14, $0x3;
	s14 =	sshrl.u32 s19, $0x3  }
0x15: {  	s9 =	sadd.s32 s5, s9;
	s21 =	sadd.s32 s5, s14;
	s14 =	rddreg [dreg:$0x3]  }
0x16: {  	s23 =	sadd.s32 s10, s22;
	[dreg:$0xb] =	wrdreg s9;
	s9 =	sshrl.u32 s15, $0x3  }
0x17: {  	s10 =	sadd.s32 s10, s7;
	[dreg:$0xd] =	wrdreg s21;
	s9 =	sadd.s32 s5, s9  }
0x18: {  	s24 =	sshrl.u32 s10, $0x3;
	[dreg:$0xc] =	wrdreg s9;
	s9 =	sshrl.u32 s23, $0x3  }
0x19: {  	s25 =	sshrl.u32 s18, $0x2;
	s15 =	rddreg [dreg:$0x4];
	s9 =	sadd.s32 s5, s9  }
0x1a: {  	s18 =	sadd.s32 $0x14DE00, s1;
	s5 =	sadd.s32 s5, s24;
	[dreg:$0xe] =	wrdreg s9  }
0x1b: {  	s19 =	sadd.s32 $0x4000, s1;
	s1 =	sadd.s32 $0x2E00, s1;
	[dreg:$0xf] =	wrdreg s5  }
0x1c: {  	s24 =	smax.u32 s6, $0x1;
	_ =	strace $0x80000050;
	[dreg:$0x10] =	wrdreg s1  }
0x1d: {  	s21 =	sadd.s32 s25, s15;
	s25 =	sadd.s32 s8, s15;
	[dreg:$0x14] =	wrdreg s24  }
0x1e: {  	s9 =	sadd.s32 $0x4D8, s26;
	s26 =	sadd.s32 s12, s15;
	[dreg:$0x15] =	wrdreg s25  }
0x1f: {  	s5 =	sadd.s32 s11, s15;
	[dreg:$0x16] =	wrdreg s26  }
0x20: {  	s6 =	sadd.s32 s13, s15;
	[dreg:$0x17] =	wrdreg s5  }
0x21: {  	s8 =	sadd.s32 s16, s15;
	[dreg:$0x18] =	wrdreg s6  }
0x22: {  	s28 =	simm.s32 $0x50;
	s11 =	sadd.s32 s22, s15;
	[dreg:$0x19] =	wrdreg s8  }
0x23: {  	s29 =	simm.s32 $0x5300;
	s12 =	sadd.s32 s7, s15;
	[dreg:$0x1c] =	wrdreg s11  }
0x24: {  	s30 =	simm.s32 $0x80;
	s13 =	sadd.s32 $0x2000, s21;
	[dreg:$0x1d] =	wrdreg s12  }
0x25: {  	s31 =	simm.s32 $0x180;
	s16 =	sadd.s32 $0x4000, s21;
	[dreg:$0x1e] =	wrdreg s13  }
0x26: {  	s7 =	sadd.s32 $0x50, s4;
	s22 =	sadd.s32 $0xA000, s21;
	[dreg:$0x1f] =	wrdreg s16  }
0x27: {  	s10 =	sadd.s32 s14, s9;
	s23 =	sadd.s32 s19, s9;
	[smem:$0x7F9] =	sst s22  }
0x28: {  	s1 =	sadd.s32 s2, s9;
	s9 =	sadd.s32 s17, s15;
	[dreg:$0x11] =	wrdreg s10  }
0x29: {  	s17 =	sadd.s32 $0x6000, s21;
	s24 =	sadd.s32 $0xE000, s21;
	[dreg:$0x12] =	wrdreg s23  }
0x2a: {  	s25 =	sadd.s32 $0x10000, s21;
	s26 =	sadd.s32 $0x12000, s21;
	[dreg:$0x13] =	wrdreg s1  }
0x2b: {  	s13 =	simm.s32 $0x280;
	s5 =	simm.s32 $0x7B00;
	[dreg:$0x1a] =	wrdreg s9  }
0x2c: {  	s6 =	simm.s32 $0x1;
	s8 =	simm.s32 $0x2;
	[smem:$0x7F7] =	sst s17  }
0x2d: {  	s11 =	simm.s32 $0x0;
	s22 =	simm.s32 $0x0;
	[smem:$0x7FB] =	sst s24  }
0x2e: {  	s10 =	sadd.s32 s20, s15;
	s20 =	sadd.s32 $0x8000, s21;
	[smem:$0x7FC] =	sst s25  }
0x2f: {  	s23 =	sadd.s32 $0xC000, s21;
	[smem:$0x7FD] =	sst s26;
	s24 =	simm.s32 $0x5  }
0x30: {  	s25 =	simm.s32 $0x100;
	s26 =	simm.s32 $0x200;
	[dreg:$0x1b] =	wrdreg s10  }
0x31: {  	s1 =	simm.s32 $0x2B00;
	s9 =	simm.s32 $0x3;
	[smem:$0x7F8] =	sst s20  }
0x32: {  	[smem:$0x7FA] =	sst s23;
	s23 =	simm.s32 $0x300;
	s10 =	simm.s32 $0x4  }
.LBB2_1:
0x33: {  	s12 =	rddreg [dreg:$0x10]  }
0x34: {  	[tilespmem:s23], [sflag:$0x5] =	stream.linear.gather [hbm4b:s12+s3], $0x2000, $0x38;
	[tilespmem:$0x1E300] =	vst v63  }
0x35: {  	_ =	swait.ge [sflag:s24], $0x2000  }
0x36: {  	[sflag:s24] =	ssyncset.done $0x0  }
0x37: {  	[sflag:s24] =	ssyncadd.s32 $0xFFFFE000  }
0x38: {  	[spmem:s21] =	stream.linear.scatter [tilespmem:s23], [sflag:$0x5], $0x2000, $0x38;
	[tilespmem:$0x1E300] =	vst v63  }
0x39: {  	_ =	swait.ge [sflag:s24], $0x2000  }
0x3a: {  	[sflag:s24] =	ssyncset.done $0x0  }
0x3b: {  	s16 =	rddreg [dreg:$0x1e];
	[sflag:s24] =	ssyncadd.s32 $0xFFFFE000  }
0x3c: {  	[spmem:s16] =	stream.linear.scatter [tilespmem:s23], [sflag:$0x5], $0x2000, $0x38;
	[tilespmem:$0x1E300] =	vst v63  }
0x3d: {  	_ =	swait.ge [sflag:s24], $0x2000  }
0x3e: {  	[sflag:s24] =	ssyncset.done $0x0  }
0x3f: {  	s17 =	rddreg [dreg:$0x1f];
	[sflag:s24] =	ssyncadd.s32 $0xFFFFE000  }
0x40: {  	[spmem:s17] =	stream.linear.scatter [tilespmem:s23], [sflag:$0x5], $0x2000, $0x38;
	[tilespmem:$0x1E300] =	vst v63  }
0x41: {  	_ =	swait.ge [sflag:s24], $0x2000  }
0x42: {  	s20 =	sld [smem:$0x7F7]  }
0x43: {  	[sflag:s24] =	ssyncset.done $0x0  }
0x44: {  	[sflag:s24] =	ssyncadd.s32 $0xFFFFE000  }
0x45: {  	[spmem:s20] =	stream.linear.scatter [tilespmem:s23], [sflag:$0x5], $0x2000, $0x38;
	[tilespmem:$0x1E300] =	vst v63  }
0x46: {  	_ =	swait.ge [sflag:s24], $0x2000  }
0x47: {  	s16 =	sld [smem:$0x7F8]  }
0x48: {  	[sflag:s24] =	ssyncset.done $0x0  }
0x49: {  	[sflag:s24] =	ssyncadd.s32 $0xFFFFE000  }
0x4a: {  	[spmem:s16] =	stream.linear.scatter [tilespmem:s23], [sflag:$0x5], $0x2000, $0x38;
	[tilespmem:$0x1E300] =	vst v63  }
0x4b: {  	_ =	swait.ge [sflag:s24], $0x2000  }
0x4c: {  	s17 =	sld [smem:$0x7F9]  }
0x4d: {  	[sflag:s24] =	ssyncset.done $0x0  }
0x4e: {  	[sflag:s24] =	ssyncadd.s32 $0xFFFFE000  }
0x4f: {  	[spmem:s17] =	stream.linear.scatter [tilespmem:s23], [sflag:$0x5], $0x2000, $0x38;
	[tilespmem:$0x1E300] =	vst v63  }
0x50: {  	_ =	swait.ge [sflag:s24], $0x2000  }
0x51: {  	s20 =	sld [smem:$0x7FA]  }
0x52: {  	[sflag:s24] =	ssyncset.done $0x0  }
0x53: {  	[sflag:s24] =	ssyncadd.s32 $0xFFFFE000  }
0x54: {  	[spmem:s20] =	stream.linear.scatter [tilespmem:s23], [sflag:$0x5], $0x2000, $0x38;
	[tilespmem:$0x1E300] =	vst v63  }
0x55: {  	_ =	swait.ge [sflag:s24], $0x2000  }
0x56: {  	s16 =	sld [smem:$0x7FB]  }
0x57: {  	[sflag:s24] =	ssyncset.done $0x0  }
0x58: {  	[sflag:s24] =	ssyncadd.s32 $0xFFFFE000  }
0x59: {  	[spmem:s16] =	stream.linear.scatter [tilespmem:s23], [sflag:$0x5], $0x2000, $0x38;
	[tilespmem:$0x1E300] =	vst v63  }
0x5a: {  	_ =	swait.ge [sflag:s24], $0x2000  }
0x5b: {  	s17 =	sld [smem:$0x7FC]  }
0x5c: {  	[sflag:s24] =	ssyncset.done $0x0  }
0x5d: {  	[sflag:s24] =	ssyncadd.s32 $0xFFFFE000  }
0x5e: {  	[spmem:s17] =	stream.linear.scatter [tilespmem:s23], [sflag:$0x5], $0x2000, $0x38;
	[tilespmem:$0x1E300] =	vst v63  }
0x5f: {  	_ =	swait.ge [sflag:s24], $0x2000  }
0x60: {  	s20 =	sld [smem:$0x7FD]  }
0x61: {  	[sflag:s24] =	ssyncset.done $0x0  }
0x62: {  	[sflag:s24] =	ssyncadd.s32 $0xFFFFE000  }
0x63: {  	[spmem:s20] =	stream.linear.scatter [tilespmem:s23], [sflag:$0x5], $0x2000, $0x38;
	[tilespmem:$0x1E300] =	vst v63  }
0x64: {  	_ =	swait.ge [sflag:s24], $0x2000  }
0x65: {  	[sflag:s24] =	ssyncset.done $0x0  }
0x66: {  	[sflag:s24] =	ssyncadd.s32 $0xFFFFE000  }
0x67: {  	s12 =	simm.s32 $0x0;
	[bflag:$0x0] =	sbarrier.arrive $0xFFFF  }
.LBB2_2:
0x68: {  	s16 =	smul.u32 $0xA0, s12;
	_ =	sdelay $0x1  }
0x69: {  	s17 =	sadd.s32 s4, s16  }
0x6a: {  	s17 =	sshrl.u32 s17, $0x3  }
0x6b: {  	s20 =	sadd.s32 s14, s17  }
0x6c: {  	[tilespmem:s22], [sflag:$0x5] =	stream.linear.gather [hbm4b:s20+s22], $0x50, $0x38;
	[tilespmem:$0x1E300] =	vst v63  }
0x6d: {  	_ =	swait.ge [sflag:s24], $0x50  }
0x6e: {  	[sflag:s24] =	ssyncset.done $0x0  }
0x6f: {  	s20 =	sadd.s32 s19, s17;
	[sflag:s24] =	ssyncadd.s32 $0xFFFFFFB0  }
0x70: {  	[tilespmem:s25], [sflag:$0x5] =	stream.linear.gather [hbm4b:s20+s22], $0x50, $0x38;
	[tilespmem:$0x1E300] =	vst v63  }
0x71: {  	_ =	swait.ge [sflag:s24], $0x50  }
0x72: {  	[sflag:s24] =	ssyncset.done $0x0  }
0x73: {  	s17 =	sadd.s32 s2, s17;
	[sflag:s24] =	ssyncadd.s32 $0xFFFFFFB0  }
0x74: {  	[tilespmem:s26], [sflag:$0x5] =	stream.linear.gather [hbm4b:s17+s22], $0x50, $0x38;
	[tilespmem:$0x1E300] =	vst v63  }
0x75: {  	_ =	swait.ge [sflag:s24], $0x50  }
0x76: {  	[sflag:s24] =	ssyncset.done $0x0  }
0x77: {  	s16 =	sadd.s32 s16, s7;
	[sflag:s24] =	ssyncadd.s32 $0xFFFFFFB0  }
0x78: {  	[tilespmem:s23], [sflag:$0x1] =	stream.indirect.gather [hbm4b:s0+s28], $0x80, s22, s28, $0xb8;
	[tilespmem:$0x1E300] =	vst v63  }
0x79: {  	s16 =	sshrl.u32 s16, $0x3  }
0x7a: {  	[tilespmem:s29], [sflag:$0x1] =	stream.indirect.gather [hbm4b:s18+s28], $0x80, s25, s28, $0xb8;
	[tilespmem:$0x1E300] =	vst v63  }
0x7b: {  	s20 =	sadd.s32 s14, s16  }
0x7c: {  	[tilespmem:s30], [sflag:$0x5] =	stream.linear.gather [hbm4b:s20+s22], $0x50, $0x38;
	[tilespmem:$0x1E300] =	vst v63  }
0x7d: {  	_ =	swait.ge [sflag:s24], $0x50  }
0x7e: {  	[sflag:s24] =	ssyncset.done $0x0  }
0x7f: {  	s20 =	sadd.s32 s19, s16;
	[sflag:s24] =	ssyncadd.s32 $0xFFFFFFB0  }
0x80: {  	[tilespmem:s31], [sflag:$0x5] =	stream.linear.gather [hbm4b:s20+s22], $0x50, $0x38;
	[tilespmem:$0x1E300] =	vst v63  }
0x81: {  	_ =	swait.ge [sflag:s24], $0x50  }
0x82: {  	[sflag:s24] =	ssyncset.done $0x0  }
0x83: {  	s16 =	sadd.s32 s2, s16;
	[sflag:s24] =	ssyncadd.s32 $0xFFFFFFB0  }
0x84: {  	[tilespmem:s13], [sflag:$0x5] =	stream.linear.gather [hbm4b:s16+s22], $0x50, $0x38;
	[tilespmem:$0x1E300] =	vst v63  }
0x85: {  	_ =	swait.ge [sflag:s24], $0x50  }
0x86: {  	[sflag:s24] =	ssyncset.done $0x0  }
0x87: {  	[sflag:s24] =	ssyncadd.s32 $0xFFFFFFB0  }
0x88: {  	[tilespmem:s1], [sflag:$0x2] =	stream.indirect.gather [hbm4b:s0+s28], $0x80, s30, s28, $0xb8;
	[tilespmem:$0x1E300] =	vst v63  }
0x89: {  	_ = 	snop  }
0x8a: {  	[tilespmem:s5], [sflag:$0x2] =	stream.indirect.gather [hbm4b:s18+s28], $0x80, s31, s28, $0xb8;
	[tilespmem:$0x1E300] =	vst v63  }
0x8b: {  	_ =	swait.ge [sflag:s6], $0x2800  }
0x8c: {  	[sflag:s6] =	ssyncset.done $0x0  }
0x8d: {  	[sflag:s6] =	ssyncadd.s32 $0xFFFFD800  }
0x8e: {  	_ =	swait.ge [sflag:s6], $0x2800  }
0x8f: {  	[sflag:s6] =	ssyncset.done $0x0  }
0x90: {  	s16 =	simm.s32 $0x0;
	[sflag:s6] =	ssyncadd.s32 $0xFFFFD800  }
0x91: {  	v7 =	vld [tilespmem:s16+$0x5300]  }
0x92: {  	v11 =	vld [tilespmem:s16+$0x5310]  }
0x93: {  	v5 =	vld [tilespmem:s16+$0x5320]  }
0x94: {  	v4 =	vld [tilespmem:s16+$0x5330]  }
0x95: {  	v3 =	vld [tilespmem:s16+$0x5340]  }
0x96: {  	v2 =	vld [tilespmem:s16+$0x5350]  }
0x97: {  	v1 =	vld [tilespmem:s16+$0x5360]  }
0x98: {  	v0 =	vld [tilespmem:s16+$0x5370]  }
0x99: {  	v12 =	vld [tilespmem:s16+$0x300]  }
0x9a: {  	v13 =	vld [tilespmem:s16+$0x310]  }
0x9b: {  	v10 =	vld [tilespmem:s16+$0x320]  }
0x9c: {  	v9 =	vld [tilespmem:s16+$0x330]  }
0x9d: {  	v8 =	vld [tilespmem:s16+$0x340]  }
0x9e: {  	v6 =	vld [tilespmem:s16+$0x350];
	v12 =	vmul.f32 v7, v12  }
0x9f: {  	s17 =	simm.s32 $0x200;
	v11 =	vmul.f32 v11, v13;
	v7 =	vld [tilespmem:s16+$0x360]  }
.LBB2_3:
0xa0: {  	s20 =	sshra.s32 s17, $0x2;
	p0 =	sne.s32 s17, $0x9E00;
	[tilespmem:s16+$0x300] =	vst v12;
	v5 =	vmul.f32 v5, v10;
	v10 =	vld [tilespmem:s16+$0x370]  }
0xa1: {  	v12 =	vld [tilespmem:s20+$0x5300];
	[tilespmem:s16+$0x310] =	vst v11;
	v4 =	vmul.f32 v4, v9  }
0xa2: {  	v11 =	vld [tilespmem:s20+$0x5310];
	[tilespmem:s16+$0x320] =	vst v5;
	v3 =	vmul.f32 v3, v8  }
0xa3: {  	v5 =	vld [tilespmem:s20+$0x5320];
	[tilespmem:s16+$0x330] =	vst v4;
	v2 =	vmul.f32 v2, v6  }
0xa4: {  	v4 =	vld [tilespmem:s20+$0x5330];
	[tilespmem:s16+$0x340] =	vst v3;
	v1 =	vmul.f32 v1, v7  }
0xa5: {  	v3 =	vld [tilespmem:s20+$0x5340];
	[tilespmem:s16+$0x350] =	vst v2;
	v0 =	vmul.f32 v0, v10  }
0xa6: {  	v2 =	vld [tilespmem:s20+$0x5350];
	[tilespmem:s16+$0x360] =	vst v1  }
0xa7: {  	v1 =	vld [tilespmem:s20+$0x5360];
	[tilespmem:s16+$0x370] =	vst v0;
	s16 =	smov.u32 s20  }
0xa8: {  	v0 =	vld [tilespmem:s16+$0x5370]  }
0xa9: {  	v6 =	vld [tilespmem:s16+$0x300]  }
0xaa: {  	v7 =	vld [tilespmem:s16+$0x310]  }
.Ltmp0:
0xab: {  	v10 =	vld [tilespmem:s16+$0x320];
	(pc) =	sbr.rel @p0 .LBB2_3-.Ltmp0, $4  }
0xac: {  	v9 =	vld [tilespmem:s16+$0x330]  }
0xad: {  	v8 =	vld [tilespmem:s16+$0x340]  }
0xae: {  	v12 =	vmul.f32 v12, v6;
	v6 =	vld [tilespmem:s16+$0x350]  }
0xaf: {  	s17 =	sadd.s32 $0x200, s17;
	v11 =	vmul.f32 v11, v7;
	v7 =	vld [tilespmem:s16+$0x360]  }
0xb0: {  	[tilespmem:s16+$0x300] =	vst v12;
	v5 =	vmul.f32 v5, v10;
	v10 =	vld [tilespmem:s16+$0x370]  }
0xb1: {  	[tilespmem:s16+$0x310] =	vst v11;
	v4 =	vmul.f32 v4, v9  }
0xb2: {  	[tilespmem:s16+$0x320] =	vst v5;
	v3 =	vmul.f32 v3, v8  }
0xb3: {  	[tilespmem:s16+$0x330] =	vst v4;
	v2 =	vmul.f32 v2, v6  }
0xb4: {  	[tilespmem:s16+$0x340] =	vst v3;
	v1 =	vmul.f32 v1, v7  }
0xb5: {  	[tilespmem:s16+$0x350] =	vst v2;
	v0 =	vmul.f32 v0, v10  }
0xb6: {  	[tilespmem:s16+$0x360] =	vst v1  }
0xb7: {  	[tilespmem:s16+$0x370] =	vst v0  }
0xb8: {  	[spmem:s15] =	stream.indirect.scatter.add.f32 [tilespmem:s23], [sflag:$0x3], $0x80, s26, s28, $0xb8;
	[tilespmem:$0x1E300] =	vst v63  }
0xb9: {  	_ =	swait.ge [sflag:s8], $0x2800  }
0xba: {  	[sflag:s8] =	ssyncset.done $0x0  }
0xbb: {  	[sflag:s8] =	ssyncadd.s32 $0xFFFFD800  }
0xbc: {  	_ =	swait.ge [sflag:s8], $0x2800  }
0xbd: {  	[sflag:s8] =	ssyncset.done $0x0  }
0xbe: {  	s16 =	simm.s32 $0x0;
	[sflag:s8] =	ssyncadd.s32 $0xFFFFD800  }
0xbf: {  	v7 =	vld [tilespmem:s16+$0x7B00]  }
0xc0: {  	v11 =	vld [tilespmem:s16+$0x7B10]  }
0xc1: {  	v5 =	vld [tilespmem:s16+$0x7B20]  }
0xc2: {  	v4 =	vld [tilespmem:s16+$0x7B30]  }
0xc3: {  	v3 =	vld [tilespmem:s16+$0x7B40]  }
0xc4: {  	v2 =	vld [tilespmem:s16+$0x7B50]  }
0xc5: {  	v1 =	vld [tilespmem:s16+$0x7B60]  }
0xc6: {  	v0 =	vld [tilespmem:s16+$0x7B70]  }
0xc7: {  	v12 =	vld [tilespmem:s16+$0x2B00]  }
0xc8: {  	v13 =	vld [tilespmem:s16+$0x2B10]  }
0xc9: {  	v10 =	vld [tilespmem:s16+$0x2B20]  }
0xca: {  	v9 =	vld [tilespmem:s16+$0x2B30]  }
0xcb: {  	v8 =	vld [tilespmem:s16+$0x2B40]  }
0xcc: {  	v6 =	vld [tilespmem:s16+$0x2B50];
	v12 =	vmul.f32 v7, v12  }
0xcd: {  	s17 =	simm.s32 $0x200;
	v11 =	vmul.f32 v11, v13;
	v7 =	vld [tilespmem:s16+$0x2B60]  }
.LBB2_5:
0xce: {  	s20 =	sshra.s32 s17, $0x2;
	p0 =	sne.s32 s17, $0x9E00;
	[tilespmem:s16+$0x2B00] =	vst v12;
	v5 =	vmul.f32 v5, v10;
	v10 =	vld [tilespmem:s16+$0x2B70]  }
0xcf: {  	v12 =	vld [tilespmem:s20+$0x7B00];
	[tilespmem:s16+$0x2B10] =	vst v11;
	v4 =	vmul.f32 v4, v9  }
0xd0: {  	v11 =	vld [tilespmem:s20+$0x7B10];
	[tilespmem:s16+$0x2B20] =	vst v5;
	v3 =	vmul.f32 v3, v8  }
0xd1: {  	v5 =	vld [tilespmem:s20+$0x7B20];
	[tilespmem:s16+$0x2B30] =	vst v4;
	v2 =	vmul.f32 v2, v6  }
0xd2: {  	v4 =	vld [tilespmem:s20+$0x7B30];
	[tilespmem:s16+$0x2B40] =	vst v3;
	v1 =	vmul.f32 v1, v7  }
0xd3: {  	v3 =	vld [tilespmem:s20+$0x7B40];
	[tilespmem:s16+$0x2B50] =	vst v2;
	v0 =	vmul.f32 v0, v10  }
0xd4: {  	v2 =	vld [tilespmem:s20+$0x7B50];
	[tilespmem:s16+$0x2B60] =	vst v1  }
0xd5: {  	v1 =	vld [tilespmem:s20+$0x7B60];
	[tilespmem:s16+$0x2B70] =	vst v0;
	s16 =	smov.u32 s20  }
0xd6: {  	v0 =	vld [tilespmem:s16+$0x7B70]  }
0xd7: {  	v6 =	vld [tilespmem:s16+$0x2B00]  }
0xd8: {  	v7 =	vld [tilespmem:s16+$0x2B10]  }
.Ltmp1:
0xd9: {  	v10 =	vld [tilespmem:s16+$0x2B20];
	(pc) =	sbr.rel @p0 .LBB2_5-.Ltmp1, $4  }
0xda: {  	v9 =	vld [tilespmem:s16+$0x2B30]  }
0xdb: {  	v8 =	vld [tilespmem:s16+$0x2B40]  }
0xdc: {  	v12 =	vmul.f32 v12, v6;
	v6 =	vld [tilespmem:s16+$0x2B50]  }
0xdd: {  	s17 =	sadd.s32 $0x200, s17;
	v11 =	vmul.f32 v11, v7;
	v7 =	vld [tilespmem:s16+$0x2B60]  }
0xde: {  	[tilespmem:s16+$0x2B00] =	vst v12;
	v5 =	vmul.f32 v5, v10;
	v63 =	vld [tilespmem:s16+$0x2B70]  }
0xdf: {  	[tilespmem:s16+$0x2B10] =	vst v11;
	v4 =	vmul.f32 v4, v9  }
0xe0: {  	[tilespmem:s16+$0x2B20] =	vst v5;
	v3 =	vmul.f32 v3, v8  }
0xe1: {  	[tilespmem:s16+$0x2B30] =	vst v4;
	v2 =	vmul.f32 v2, v6  }
0xe2: {  	[tilespmem:s16+$0x2B40] =	vst v3;
	v1 =	vmul.f32 v1, v7  }
0xe3: {  	[tilespmem:s16+$0x2B50] =	vst v2;
	v0 =	vmul.f32 v0, v63  }
0xe4: {  	[tilespmem:s16+$0x2B60] =	vst v1  }
0xe5: {  	s12 =	sadd.s32 $0x1, s12;
	[tilespmem:s16+$0x2B70] =	vst v0  }
0xe6: {  	[spmem:s15] =	stream.indirect.scatter.add.f32 [tilespmem:s1], [sflag:$0x4], $0x80, s13, s28, $0xb8;
	[tilespmem:$0x1E300] =	vst v63  }
0xe7: {  	p0 =	sne.s32 s12, $0x3E;
	_ =	swait.ge [sflag:s9], $0x2800  }
.Ltmp2:
0xe8: {  	[sflag:s9] =	ssyncset.done $0x0;
	(pc) =	sbr.rel @p0 .LBB2_2-.Ltmp2, $4  }
0xe9: {  	[sflag:s9] =	ssyncadd.s32 $0xFFFFD800  }
0xea: {  	_ =	swait.ge [sflag:s10], $0x2800  }
0xeb: {  	[sflag:s10] =	ssyncset.done $0x0  }
0xec: {  	[sflag:s10] =	ssyncadd.s32 $0xFFFFD800  }
0xed: {  	s12 =	simm.s32 $0x0;
	s16 =	rddreg [dreg:$0x11]  }
0xee: {  	[tilespmem:s12], [sflag:$0x5] =	stream.linear.gather [hbm4b:s16+s12], $0x50, $0x38;
	[tilespmem:$0x1E300] =	vst v63  }
0xef: {  	_ =	swait.ge [sflag:s24], $0x50  }
0xf0: {  	[sflag:s24] =	ssyncset.done $0x0  }
0xf1: {  	s17 =	rddreg [dreg:$0x12];
	[sflag:s24] =	ssyncadd.s32 $0xFFFFFFB0  }
0xf2: {  	[tilespmem:s25], [sflag:$0x5] =	stream.linear.gather [hbm4b:s17+s12], $0x50, $0x38;
	[tilespmem:$0x1E300] =	vst v63  }
0xf3: {  	_ =	swait.ge [sflag:s24], $0x50  }
0xf4: {  	[sflag:s24] =	ssyncset.done $0x0  }
0xf5: {  	s20 =	rddreg [dreg:$0x13];
	[sflag:s24] =	ssyncadd.s32 $0xFFFFFFB0  }
0xf6: {  	[tilespmem:s26], [sflag:$0x5] =	stream.linear.gather [hbm4b:s20+s12], $0x50, $0x38;
	[tilespmem:$0x1E300] =	vst v63  }
0xf7: {  	_ =	swait.ge [sflag:s24], $0x50  }
0xf8: {  	[sflag:s24] =	ssyncset.done $0x0  }
0xf9: {  	[sflag:s24] =	ssyncadd.s32 $0xFFFFFFB0  }
0xfa: {  	[tilespmem:s23], [sflag:$0x1] =	stream.indirect.gather [hbm4b:s0+s28], $0x80, s12, s28, $0xb8;
	[tilespmem:$0x1E300] =	vst v63  }
0xfb: {  	_ = 	snop  }
0xfc: {  	[tilespmem:s29], [sflag:$0x1] =	stream.indirect.gather [hbm4b:s18+s28], $0x80, s25, s28, $0xb8;
	[tilespmem:$0x1E300] =	vst v63  }
0xfd: {  	_ =	swait.ge [sflag:s6], $0x2800  }
0xfe: {  	[sflag:s6] =	ssyncset.done $0x0  }
0xff: {  	[sflag:s6] =	ssyncadd.s32 $0xFFFFD800  }
0x100: {  	_ =	swait.ge [sflag:s6], $0x2800  }
0x101: {  	[sflag:s6] =	ssyncset.done $0x0  }
0x102: {  	s12 =	simm.s32 $0x0;
	[sflag:s6] =	ssyncadd.s32 $0xFFFFD800  }
0x103: {  	v7 =	vld [tilespmem:s12+$0x5300]  }
0x104: {  	v11 =	vld [tilespmem:s12+$0x5310]  }
0x105: {  	v5 =	vld [tilespmem:s12+$0x5320]  }
0x106: {  	v4 =	vld [tilespmem:s12+$0x5330]  }
0x107: {  	v3 =	vld [tilespmem:s12+$0x5340]  }
0x108: {  	v2 =	vld [tilespmem:s12+$0x5350]  }
0x109: {  	v1 =	vld [tilespmem:s12+$0x5360]  }
0x10a: {  	v0 =	vld [tilespmem:s12+$0x5370]  }
0x10b: {  	v12 =	vld [tilespmem:s12+$0x300]  }
0x10c: {  	v13 =	vld [tilespmem:s12+$0x310]  }
0x10d: {  	v10 =	vld [tilespmem:s12+$0x320]  }
0x10e: {  	v9 =	vld [tilespmem:s12+$0x330]  }
0x10f: {  	v8 =	vld [tilespmem:s12+$0x340]  }
0x110: {  	v6 =	vld [tilespmem:s12+$0x350];
	v12 =	vmul.f32 v7, v12  }
0x111: {  	s16 =	simm.s32 $0x200;
	v11 =	vmul.f32 v11, v13;
	v7 =	vld [tilespmem:s12+$0x360]  }
.LBB2_8:
0x112: {  	s17 =	sshra.s32 s16, $0x2;
	p0 =	sne.s32 s16, $0x9E00;
	[tilespmem:s12+$0x300] =	vst v12;
	v5 =	vmul.f32 v5, v10;
	v10 =	vld [tilespmem:s12+$0x370]  }
0x113: {  	v12 =	vld [tilespmem:s17+$0x5300];
	[tilespmem:s12+$0x310] =	vst v11;
	v4 =	vmul.f32 v4, v9  }
0x114: {  	v11 =	vld [tilespmem:s17+$0x5310];
	[tilespmem:s12+$0x320] =	vst v5;
	v3 =	vmul.f32 v3, v8  }
0x115: {  	v5 =	vld [tilespmem:s17+$0x5320];
	[tilespmem:s12+$0x330] =	vst v4;
	v2 =	vmul.f32 v2, v6  }
0x116: {  	v4 =	vld [tilespmem:s17+$0x5330];
	[tilespmem:s12+$0x340] =	vst v3;
	v1 =	vmul.f32 v1, v7  }
0x117: {  	v3 =	vld [tilespmem:s17+$0x5340];
	[tilespmem:s12+$0x350] =	vst v2;
	v0 =	vmul.f32 v0, v10  }
0x118: {  	v2 =	vld [tilespmem:s17+$0x5350];
	[tilespmem:s12+$0x360] =	vst v1  }
0x119: {  	v1 =	vld [tilespmem:s17+$0x5360];
	[tilespmem:s12+$0x370] =	vst v0;
	s12 =	smov.u32 s17  }
0x11a: {  	v0 =	vld [tilespmem:s12+$0x5370]  }
0x11b: {  	v6 =	vld [tilespmem:s12+$0x300]  }
0x11c: {  	v7 =	vld [tilespmem:s12+$0x310]  }
.Ltmp3:
0x11d: {  	v10 =	vld [tilespmem:s12+$0x320];
	(pc) =	sbr.rel @p0 .LBB2_8-.Ltmp3, $4  }
0x11e: {  	v9 =	vld [tilespmem:s12+$0x330]  }
0x11f: {  	v8 =	vld [tilespmem:s12+$0x340]  }
0x120: {  	v12 =	vmul.f32 v12, v6;
	v6 =	vld [tilespmem:s12+$0x350]  }
0x121: {  	s16 =	sadd.s32 $0x200, s16;
	v11 =	vmul.f32 v11, v7;
	v7 =	vld [tilespmem:s12+$0x360]  }
0x122: {  	[tilespmem:s12+$0x300] =	vst v12;
	v5 =	vmul.f32 v5, v10;
	v63 =	vld [tilespmem:s12+$0x370]  }
0x123: {  	[tilespmem:s12+$0x310] =	vst v11;
	v4 =	vmul.f32 v4, v9  }
0x124: {  	[tilespmem:s12+$0x320] =	vst v5;
	v3 =	vmul.f32 v3, v8  }
0x125: {  	[tilespmem:s12+$0x330] =	vst v4;
	v2 =	vmul.f32 v2, v6  }
0x126: {  	[tilespmem:s12+$0x340] =	vst v3;
	v1 =	vmul.f32 v1, v7  }
0x127: {  	[tilespmem:s12+$0x350] =	vst v2;
	v0 =	vmul.f32 v0, v63  }
0x128: {  	[tilespmem:s12+$0x360] =	vst v1  }
0x129: {  	[tilespmem:s12+$0x370] =	vst v0  }
0x12a: {  	[spmem:s15] =	stream.indirect.scatter.add.f32 [tilespmem:s23], [sflag:$0x3], $0x80, s26, s28, $0xb8;
	[tilespmem:$0x1E300] =	vst v63  }
0x12b: {  	_ =	swait.ge [sflag:s9], $0x2800  }
0x12c: {  	[sflag:s9] =	ssyncset.done $0x0  }
0x12d: {  	[sflag:s9] =	ssyncadd.s32 $0xFFFFD800  }
0x12e: {  	[bflag:$0x0] =	sbarrier.arrive $0xFFFF  }
0x12f: {  	[tilespmem:s23], [sflag:$0x5] =	stream.linear.gather [spmem:s21], $0x2000, $0x38;
	[tilespmem:$0x1E300] =	vst v63  }
0x130: {  	_ =	swait.ge [sflag:s24], $0x2000  }
0x131: {  	[sflag:s24] =	ssyncset.done $0x0  }
0x132: {  	s17 =	rddreg [dreg:$0x6];
	[sflag:s24] =	ssyncadd.s32 $0xFFFFE000  }
0x133: {  	[hbm4b:s17+s3] =	stream.linear.scatter [tilespmem:s23], [sflag:$0x5], $0x2000, $0x38;
	[tilespmem:$0x1E300] =	vst v63  }
0x134: {  	_ =	swait.ge [sflag:s24], $0x2000  }
0x135: {  	[sflag:s24] =	ssyncset.done $0x0  }
0x136: {  	s20 =	rddreg [dreg:$0x15];
	[sflag:s24] =	ssyncadd.s32 $0xFFFFE000  }
0x137: {  	[tilespmem:s23], [sflag:$0x5] =	stream.linear.gather [spmem:s20], $0x2000, $0x38;
	[tilespmem:$0x1E300] =	vst v63  }
0x138: {  	_ =	swait.ge [sflag:s24], $0x2000  }
0x139: {  	[sflag:s24] =	ssyncset.done $0x0  }
0x13a: {  	s16 =	rddreg [dreg:$0x7];
	[sflag:s24] =	ssyncadd.s32 $0xFFFFE000  }
0x13b: {  	[hbm4b:s16+s3] =	stream.linear.scatter [tilespmem:s23], [sflag:$0x5], $0x2000, $0x38;
	[tilespmem:$0x1E300] =	vst v63  }
0x13c: {  	_ =	swait.ge [sflag:s24], $0x2000  }
0x13d: {  	[sflag:s24] =	ssyncset.done $0x0  }
0x13e: {  	s17 =	rddreg [dreg:$0x16];
	[sflag:s24] =	ssyncadd.s32 $0xFFFFE000  }
0x13f: {  	[tilespmem:s23], [sflag:$0x5] =	stream.linear.gather [spmem:s17], $0x2000, $0x38;
	[tilespmem:$0x1E300] =	vst v63  }
0x140: {  	_ =	swait.ge [sflag:s24], $0x2000  }
0x141: {  	[sflag:s24] =	ssyncset.done $0x0  }
0x142: {  	s20 =	rddreg [dreg:$0x8];
	[sflag:s24] =	ssyncadd.s32 $0xFFFFE000  }
0x143: {  	[hbm4b:s20+s3] =	stream.linear.scatter [tilespmem:s23], [sflag:$0x5], $0x2000, $0x38;
	[tilespmem:$0x1E300] =	vst v63  }
0x144: {  	_ =	swait.ge [sflag:s24], $0x2000  }
0x145: {  	[sflag:s24] =	ssyncset.done $0x0  }
0x146: {  	s16 =	rddreg [dreg:$0x17];
	[sflag:s24] =	ssyncadd.s32 $0xFFFFE000  }
0x147: {  	[tilespmem:s23], [sflag:$0x5] =	stream.linear.gather [spmem:s16], $0x2000, $0x38;
	[tilespmem:$0x1E300] =	vst v63  }
0x148: {  	_ =	swait.ge [sflag:s24], $0x2000  }
0x149: {  	[sflag:s24] =	ssyncset.done $0x0  }
0x14a: {  	s17 =	rddreg [dreg:$0x9];
	[sflag:s24] =	ssyncadd.s32 $0xFFFFE000  }
0x14b: {  	[hbm4b:s17+s3] =	stream.linear.scatter [tilespmem:s23], [sflag:$0x5], $0x2000, $0x38;
	[tilespmem:$0x1E300] =	vst v63  }
0x14c: {  	_ =	swait.ge [sflag:s24], $0x2000  }
0x14d: {  	[sflag:s24] =	ssyncset.done $0x0  }
0x14e: {  	s20 =	rddreg [dreg:$0x18];
	[sflag:s24] =	ssyncadd.s32 $0xFFFFE000  }
0x14f: {  	[tilespmem:s23], [sflag:$0x5] =	stream.linear.gather [spmem:s20], $0x2000, $0x38;
	[tilespmem:$0x1E300] =	vst v63  }
0x150: {  	_ =	swait.ge [sflag:s24], $0x2000  }
0x151: {  	[sflag:s24] =	ssyncset.done $0x0  }
0x152: {  	s16 =	rddreg [dreg:$0xa];
	[sflag:s24] =	ssyncadd.s32 $0xFFFFE000  }
0x153: {  	[hbm4b:s16+s3] =	stream.linear.scatter [tilespmem:s23], [sflag:$0x5], $0x2000, $0x38;
	[tilespmem:$0x1E300] =	vst v63  }
0x154: {  	_ =	swait.ge [sflag:s24], $0x2000  }
0x155: {  	[sflag:s24] =	ssyncset.done $0x0  }
0x156: {  	s17 =	rddreg [dreg:$0x19];
	[sflag:s24] =	ssyncadd.s32 $0xFFFFE000  }
0x157: {  	[tilespmem:s23], [sflag:$0x5] =	stream.linear.gather [spmem:s17], $0x2000, $0x38;
	[tilespmem:$0x1E300] =	vst v63  }
0x158: {  	_ =	swait.ge [sflag:s24], $0x2000  }
0x159: {  	[sflag:s24] =	ssyncset.done $0x0  }
0x15a: {  	s20 =	rddreg [dreg:$0xb];
	[sflag:s24] =	ssyncadd.s32 $0xFFFFE000  }
0x15b: {  	[hbm4b:s20+s3] =	stream.linear.scatter [tilespmem:s23], [sflag:$0x5], $0x2000, $0x38;
	[tilespmem:$0x1E300] =	vst v63  }
0x15c: {  	_ =	swait.ge [sflag:s24], $0x2000  }
0x15d: {  	[sflag:s24] =	ssyncset.done $0x0  }
0x15e: {  	s16 =	rddreg [dreg:$0x1a];
	[sflag:s24] =	ssyncadd.s32 $0xFFFFE000  }
0x15f: {  	[tilespmem:s23], [sflag:$0x5] =	stream.linear.gather [spmem:s16], $0x2000, $0x38;
	[tilespmem:$0x1E300] =	vst v63  }
0x160: {  	_ =	swait.ge [sflag:s24], $0x2000  }
0x161: {  	[sflag:s24] =	ssyncset.done $0x0  }
0x162: {  	s17 =	rddreg [dreg:$0xc];
	[sflag:s24] =	ssyncadd.s32 $0xFFFFE000  }
0x163: {  	[hbm4b:s17+s3] =	stream.linear.scatter [tilespmem:s23], [sflag:$0x5], $0x2000, $0x38;
	[tilespmem:$0x1E300] =	vst v63  }
0x164: {  	_ =	swait.ge [sflag:s24], $0x2000  }
0x165: {  	[sflag:s24] =	ssyncset.done $0x0  }
0x166: {  	s20 =	rddreg [dreg:$0x1b];
	[sflag:s24] =	ssyncadd.s32 $0xFFFFE000  }
0x167: {  	[tilespmem:s23], [sflag:$0x5] =	stream.linear.gather [spmem:s20], $0x2000, $0x38;
	[tilespmem:$0x1E300] =	vst v63  }
0x168: {  	_ =	swait.ge [sflag:s24], $0x2000  }
0x169: {  	[sflag:s24] =	ssyncset.done $0x0  }
0x16a: {  	s16 =	rddreg [dreg:$0xd];
	[sflag:s24] =	ssyncadd.s32 $0xFFFFE000  }
0x16b: {  	[hbm4b:s16+s3] =	stream.linear.scatter [tilespmem:s23], [sflag:$0x5], $0x2000, $0x38;
	[tilespmem:$0x1E300] =	vst v63  }
0x16c: {  	_ =	swait.ge [sflag:s24], $0x2000  }
0x16d: {  	[sflag:s24] =	ssyncset.done $0x0  }
0x16e: {  	s17 =	rddreg [dreg:$0x1c];
	[sflag:s24] =	ssyncadd.s32 $0xFFFFE000  }
0x16f: {  	[tilespmem:s23], [sflag:$0x5] =	stream.linear.gather [spmem:s17], $0x2000, $0x38;
	[tilespmem:$0x1E300] =	vst v63  }
0x170: {  	_ =	swait.ge [sflag:s24], $0x2000  }
0x171: {  	[sflag:s24] =	ssyncset.done $0x0  }
0x172: {  	s20 =	rddreg [dreg:$0xe];
	[sflag:s24] =	ssyncadd.s32 $0xFFFFE000  }
0x173: {  	[hbm4b:s20+s3] =	stream.linear.scatter [tilespmem:s23], [sflag:$0x5], $0x2000, $0x38;
	[tilespmem:$0x1E300] =	vst v63  }
0x174: {  	_ =	swait.ge [sflag:s24], $0x2000  }
0x175: {  	[sflag:s24] =	ssyncset.done $0x0  }
0x176: {  	s16 =	rddreg [dreg:$0x1d];
	[sflag:s24] =	ssyncadd.s32 $0xFFFFE000  }
0x177: {  	[tilespmem:s23], [sflag:$0x5] =	stream.linear.gather [spmem:s16], $0x2000, $0x38;
	[tilespmem:$0x1E300] =	vst v63  }
0x178: {  	_ =	swait.ge [sflag:s24], $0x2000  }
0x179: {  	[sflag:s24] =	ssyncset.done $0x0  }
0x17a: {  	s17 =	rddreg [dreg:$0xf];
	[sflag:s24] =	ssyncadd.s32 $0xFFFFE000  }
0x17b: {  	[hbm4b:s17+s3] =	stream.linear.scatter [tilespmem:s23], [sflag:$0x5], $0x2000, $0x38;
	[tilespmem:$0x1E300] =	vst v63  }
0x17c: {  	_ =	swait.ge [sflag:s24], $0x2000  }
0x17d: {  	s11 =	sadd.s32 $0x1, s11;
	s20 =	rddreg [dreg:$0x14]  }
0x17e: {  	p0 =	sne.s32 s11, s20  }
.Ltmp4:
0x17f: {  	_ = 	snop;
	(pc) =	sbr.rel @p0 .LBB2_1-.Ltmp4, $3  }
0x180: {  	_ =	sdelay $0x1  }
0x181: {  	[sflag:s24] =	ssyncset.done $0x0  }
0x182: {  	[sflag:s24] =	ssyncadd.s32 $0xFFFFE000  }
0x183: {  	_ =	sfence.sel $0x180000  }
0x184: {  	[bflag:$0x0] =	sbarrier.arrive $0xFFFF  }
0x185: {  	_ =	strace $0x90000050  }
0x186: {  	s0 =	stileid.u32;
	[bflag:$0x2] =	sbarrier.arrive $0xFFFF  }
0x187: {  	p0 =	sne.s32 s0, $0x0;
	s0 =	rddreg [dreg:$0x5]  }
0x188: {  	s0 =	sadd.s32 @!p0 $0x100000, s0  }
0x189: {  	[sflag:s0] =	ssyncadd.tile.s32 @!p0 $0x1;
	_ =	shalt  }
.Lfunc_end2:
_tile_overlayer_lowered:
.L_overlay_start_2:
0x18a: {  	(tag) =	ssettag $0x2  }
0x18b: {  	s0 =	rddreg [dreg:$0x0];
	s2 =	stileid.u32  }
0x18c: {  	s1 =	rddreg [dreg:$0x1];
	p0 =	sne.s32 s2, $0x0  }
0x18d: {  	s3 =	rddreg [dreg:$0x2];
	[bflag:$0x3] =	sbarrier.arrive $0xFFFF;
	s2 =	simm.s32 @!p0 $0x1C05  }
0x18e: {  	[timem:s3], [sflag:s2] =	dma.local @!p0 [hbm:s0], s1  }
0x18f: {  	s0 =	simm.s32 @!p0 $0x5  }
0x190: {  	_ =	swait.ge @!p0 [sflag:s0], s1  }
0x191: {  	s1 =	ssub.s32 @!p0 $0x0, s1;
	[sflag:s0] =	ssyncset.done @!p0 $0x0  }
0x192: {  	[sflag:s0] =	ssyncadd.s32 @!p0 s1  }
0x193: {  	[bflag:$0x3] =	sbarrier.arrive $0xFFFF  }
0x194: {  	_ =	shalt  }

</sc_bundles>
